<compile_context>
chip_gen: v7x
topology: tpu7x:2x2x1
jax: 0.10.2.dev20260603
libtpu: 0.0.44.dev20260713+nightly
codegen_flags: <defaults>
</compile_context>

<pallas_src>
import functools

import jax
import jax.numpy as jnp
from jax import lax
from jax.experimental import pallas as pl
from jax.experimental.pallas import tpu as pltpu
from jax.experimental.pallas import tpu_sc as plsc

MEM = 100000
NQ = 512
C = 64
K = 5
BM = 4096
NFULL = MEM // BM
NB = NFULL + 1
LASTOFF = 95872
T32 = 32
G = 16
CAR = 8


SCALE = 4096.0
QBIAS = 4200
IMAX = (1 << 17) - 1
MAGIC = 12582912.0


def _topk_body(xT_ref, mem_ref, t32_ref, w_ref, idx_ref, lin_ref,
               qn_ref, cs_ref, buf_ref, sem):
    step = pl.program_id(0)

    def _win_copy(slot, win):
        off = jnp.where(win < NFULL, win * BM, LASTOFF)
        return pltpu.make_async_copy(
            mem_ref.at[:, pl.ds(off, BM)], buf_ref.at[slot], sem.at[slot])

    @pl.when(step == 0)
    def _init():
        _win_copy(0, 0).start()
        _win_copy(1, 1).start()
        x = xT_ref[...]
        inv = lax.rsqrt(jnp.maximum(jnp.sum(x * x, axis=0, keepdims=True), 1e-24))
        qn_ref[...] = (x * (inv * SCALE)).astype(jnp.bfloat16)
        cs_ref[...] = jnp.zeros((CAR, NQ), jnp.float32)

    slot = lax.rem(step, 2)
    _win_copy(slot, step).wait()

    def _select(m, base, w):
        minv = lax.rsqrt(jnp.maximum(jnp.sum(m * m, axis=0, keepdims=True), 1e-24))
        mb = (m * minv).astype(jnp.bfloat16)
        simq = lax.dot_general(mb, qn_ref[...], (((0,), (0,)), ((), ())),
                               preferred_element_type=jnp.float32)
        rowneg = lax.broadcasted_iota(jnp.int32, (w, NQ), 0)
        cbase = (QBIAS << 17) + IMAX - base
        q = lax.bitcast_convert_type(simq + MAGIC, jnp.int32)
        packed = lax.shift_left(q, 17) + (cbase - rowneg)
        pf = lax.bitcast_convert_type(packed, jnp.float32)

        cmax = jnp.max(pf.reshape(w // G, G, NQ), axis=1)
        vals = jnp.concatenate([cs_ref[...], cmax], axis=0)
        top = []
        for _ in range(K):
            mx = jnp.max(vals, axis=0)
            top.append(mx)
            vals = jnp.where(vals == mx[None, :], 0.0, vals)
        for i in range(K):
            cs_ref[pl.ds(i, 1), :] = top[i][None, :]
        return top

    @pl.when(step < NFULL)
    def _main():
        m = buf_ref[slot]
        _select(m, step * BM, BM)
        mt = lax.transpose(m, (1, 0))
        lin_ref[...] = jnp.concatenate(
            [mt, jnp.zeros((BM, C), jnp.float32)], axis=1)

    @pl.when(step == NB - 1)
    def _final():
        m = buf_ref[slot]
        _select(m, LASTOFF, BM)
        t32 = t32_ref[...]
        top = _select(t32, MEM - T32, T32)
        mt = lax.transpose(m, (1, 0))
        pad = NFULL * BM - LASTOFF
        lin_ref[: BM - pad, :] = jnp.concatenate(
            [mt[pad:], jnp.zeros((BM - pad, C), jnp.float32)], axis=1)
        t32t = lax.transpose(t32, (1, 0))
        lin_ref[BM - pad: BM - pad + T32, :] = jnp.concatenate(
            [t32t, jnp.zeros((T32, C), jnp.float32)], axis=1)
        pis = [lax.bitcast_convert_type(top[i], jnp.int32) for i in range(K)]
        sq = [lax.shift_right_arithmetic(pi, 17).astype(jnp.float32) for pi in pis]
        es = [jnp.exp((sq[i] - sq[0]) * (1.0 / SCALE)) for i in range(K)]
        tot = es[0]
        for i in range(1, K):
            tot = tot + es[i]
        inv_tot = 0.5 / tot
        zf = jnp.zeros((1, NQ), jnp.float32)
        zi = jnp.zeros((1, NQ), jnp.int32)
        for i in range(CAR):
            if i < K:
                w_ref[pl.ds(i, 1), :] = (es[i] * inv_tot)[None, :]
                idx_ref[pl.ds(i, 1), :] = (IMAX - (pis[i] & IMAX))[None, :]
            else:
                w_ref[pl.ds(i, 1), :] = zf
                idx_ref[pl.ds(i, 1), :] = zi

    @pl.when(step < NB - 2)
    def _prefetch():
        _win_copy(slot, step + 2).start()


def _topk_call(xT, mem_t, tail32):
    return pl.pallas_call(
        _topk_body,
        grid=(NB,),
        in_specs=[
            pl.BlockSpec((C, NQ), lambda i: (0, 0)),
            pl.BlockSpec(memory_space=pl.ANY),
            pl.BlockSpec((C, T32), lambda i: (0, 0)),
        ],
        out_specs=[
            pl.BlockSpec((CAR, NQ), lambda i: (0, 0)),
            pl.BlockSpec((CAR, NQ), lambda i: (0, 0)),
            pl.BlockSpec((BM, 2 * C), lambda i: (i, 0)),
        ],
        out_shape=[
            jax.ShapeDtypeStruct((CAR, NQ), jnp.float32),
            jax.ShapeDtypeStruct((CAR, NQ), jnp.int32),
            jax.ShapeDtypeStruct((NB * BM, 2 * C), jnp.float32),
        ],
        scratch_shapes=[
            pltpu.VMEM((C, NQ), jnp.bfloat16),
            pltpu.VMEM((CAR, NQ), jnp.float32),
            pltpu.VMEM((2, C, BM), jnp.float32),
            pltpu.SemaphoreType.DMA((2,)),
        ],
    )(xT, mem_t, tail32)


@functools.cache
def _make_sc_combine():
    nc, ns = 2, 16
    nw = nc * ns
    bw = (NQ * K) // nw
    qw = NQ // nw
    mesh = plsc.VectorSubcoreMesh(core_axis_name="c", subcore_axis_name="s")

    @functools.partial(
        pl.kernel, mesh=mesh,
        compiler_params=pltpu.CompilerParams(use_tc_tiling_on_sc=False),
        out_type=jax.ShapeDtypeStruct((NQ, C), jnp.float32),
        scratch_types=[
            pltpu.VMEM((bw,), jnp.int32),
            pltpu.VMEM((bw, 16), jnp.float32),
            pltpu.VMEM((bw, 2 * C), jnp.float32),
            pltpu.VMEM((qw, C), jnp.float32),
            pltpu.SemaphoreType.DMA,
        ],
    )
    def _sc_combine(x_hbm, mem_hbm, idx_hbm, w_hbm, out_hbm,
                    idx_v, w_v, rows_v, x_v, sem):
        wid = lax.axis_index("s") * nc + lax.axis_index("c")
        pltpu.sync_copy(idx_hbm.at[pl.ds(wid * bw, bw)], idx_v)
        pltpu.sync_copy(w_hbm.at[pl.ds(wid * bw, bw)], w_v)
        pltpu.sync_copy(x_hbm.at[pl.ds(wid * qw, qw)], x_v)
        pltpu.async_copy(mem_hbm.at[idx_v], rows_v, sem).wait()
        for q in range(qw):
            ws = [w_v[q * K + k, :] for k in range(K)]
            for c in range(C // 16):
                sl = pl.ds(c * 16, 16)
                acc = x_v[q, sl]
                for k in range(K):
                    acc = acc + ws[k] * rows_v[q * K + k, sl]
                x_v[q, sl] = acc
        pltpu.sync_copy(x_v, out_hbm.at[pl.ds(wid * qw, qw)])

    return _sc_combine


def kernel(x, memory_mean):
    b, s, c = x.shape
    xf = x.reshape(b * s, c)
    mem_t = memory_mean.T
    w8, i8, lin = _topk_call(xf.T, mem_t, mem_t[:, MEM - T32:])
    wf = w8[:K].T.reshape(-1)
    kf = i8[:K].T.reshape(-1)
    wx = jnp.broadcast_to(wf[:, None], (NQ * K, 16))
    out = _make_sc_combine()(xf, lin, kf, wx)
    return out.reshape(b, s, c)

# --- scband reference (transcript-rebuilt; emitter-appended) ---
"""Pipeline reference for scband-gpm-38053410242894 (READ-ONLY COPY).

The authoritative reference and input builder live on the scoring server;
editing this copy changes nothing except your own understanding.
"""

import jax, jax.numpy as jnp
import numpy as np

CODE_SIZE = 64
MEMORY_SIZE = 100000
BATCH = 8
SEQ_LEN = 64
TOP_K = 5


def _normalize(t, eps=1e-12):
    n = jnp.linalg.norm(t, axis=-1, keepdims=True)
    return t / jnp.maximum(n, eps)


def setup_inputs(seed: int = 0) -> dict:
    key = jax.random.key(seed)
    k1, k2 = jax.random.split(key)
    x = jax.random.normal(k1, (BATCH, SEQ_LEN, CODE_SIZE), dtype=jnp.float32)
    bound = float(np.sqrt(6.0 / (MEMORY_SIZE + CODE_SIZE)))
    memory_mean = jax.random.uniform(k2, (MEMORY_SIZE, CODE_SIZE), minval=-bound, maxval=bound, dtype=jnp.float32)
    return {"x": x, "memory_mean": memory_mean}


def reference(x, memory_mean):
    # deterministic=True -> _sample_M returns memory_mean directly
    B, S, C = x.shape
    M = memory_mean
    query_flat = x.reshape(-1, C)
    query_norm = _normalize(query_flat)
    memory_norm = _normalize(M)
    similarity = query_norm @ memory_norm.T  # [B*S, MEMORY_SIZE]
    k = min(TOP_K, MEMORY_SIZE)
    top_k_scores, top_k_indices = jax.lax.top_k(similarity, k)
    weights = jax.nn.softmax(top_k_scores, axis=-1)
    top_k_memories = M[top_k_indices]  # gather: [B*S, k, C]
    retrieved = jnp.sum(weights[..., None] * top_k_memories, axis=1)
    retrieved = retrieved.reshape(B, S, C)
    output = x + 0.5 * retrieved
    return output

if __name__ == "__main__":
    import jax
    _d = setup_inputs()
    print(jax.jit(kernel)(*tuple(_d.values())))

</pallas_src>

<mosaic_0001>
#map = affine_map<(d0, d1) -> (0, 0)>
#map1 = affine_map<(d0, d1) -> (0)>
module attributes {stable_mosaic.version = 14 : i64} {
  func.func @_sc_combine(%arg0: i32, %arg1: i32, %arg2: memref<512x64xf32, #tpu.memory_space<hbm>>, %arg3: memref<102400x128xf32, #tpu.memory_space<hbm>>, %arg4: memref<2560xi32, #tpu.memory_space<hbm>>, %arg5: memref<2560x16xf32, #tpu.memory_space<hbm>>, %arg6: memref<512x64xf32, #tpu.memory_space<hbm>>, %arg7: memref<80xi32, #tpu.memory_space<vmem>>, %arg8: memref<80x16xf32, #tpu.memory_space<vmem>>, %arg9: memref<80x128xf32, #tpu.memory_space<vmem>>, %arg10: memref<16x64xf32, #tpu.memory_space<vmem>>, %arg11: memref<!tpu.dma_semaphore, #tpu.memory_space<semaphore_mem>>) attributes {dimension_semantics = [#tpu.dimension_semantics<core_parallel>, #tpu.dimension_semantics<subcore_parallel>], iteration_bounds = array<i64: 2, 16>, scalar_prefetch = 0 : i64, scratch_operands = 5 : i64, tpu.core_type = #tpu.core_type<sc_vector_subcore>, window_params = [{transform_indices = #map}, {transform_indices = #map}, {transform_indices = #map1}, {transform_indices = #map}, {transform_indices = #map}]} {
    %mul3A = arith.constant 2 : i32
    %mul3A_0 = arith.muli %arg1, %mul3A : i32
    %add3A = arith.addi %mul3A_0, %arg0 : i32
    %mul3A_1 = arith.constant 80 : i32
    %mul3A_2 = arith.muli %add3A, %mul3A_1 : i32
    "tpu.region"() ({
      %run_scoped3A = tpu.sem_alloc : memref<!tpu.dma_semaphore, #tpu.memory_space<semaphore_mem>>
      %dma_start3A_3355 = tpu.memref_slice %arg4[%mul3A_2] : memref<2560xi32, #tpu.memory_space<hbm>> -> memref<80xi32, #tpu.memory_space<hbm>>
      %dma_start3A_3356 = tpu.memref_slice %arg4[%mul3A_2] : memref<2560xi32, #tpu.memory_space<hbm>> -> memref<80xi32, #tpu.memory_space<hbm>>
      tpu.enqueue_dma source(%dma_start3A_3356 : memref<80xi32, #tpu.memory_space<hbm>>) target(%arg7 : memref<80xi32, #tpu.memory_space<vmem>>) target_semaphore(%run_scoped3A : memref<!tpu.dma_semaphore, #tpu.memory_space<semaphore_mem>>)
      %dma_wait3A_3357 = tpu.memref_slice %arg4[%mul3A_2] : memref<2560xi32, #tpu.memory_space<hbm>> -> memref<80xi32, #tpu.memory_space<hbm>>
      %dma_wait3A_3358 = tpu.memref_slice %arg4[%mul3A_2] : memref<2560xi32, #tpu.memory_space<hbm>> -> memref<80xi32, #tpu.memory_space<hbm>>
      tpu.wait_dma2 semaphore(%run_scoped3A : memref<!tpu.dma_semaphore, #tpu.memory_space<semaphore_mem>>) src(%dma_wait3A_3358 : memref<80xi32, #tpu.memory_space<hbm>>) dst(%arg7 : memref<80xi32, #tpu.memory_space<vmem>>)
      tpu.yield
    }) : () -> ()
    %mul3A_3 = arith.constant 80 : i32
    %mul3A_4 = arith.muli %add3A, %mul3A_3 : i32
    "tpu.region"() ({
      %run_scoped3A = tpu.sem_alloc : memref<!tpu.dma_semaphore, #tpu.memory_space<semaphore_mem>>
      %dma_start3A_3355 = arith.constant 0 : i32
      %dma_start3A_3356 = tpu.memref_slice %arg5[%mul3A_4, %dma_start3A_3355] : memref<2560x16xf32, #tpu.memory_space<hbm>> -> memref<80x16xf32, #tpu.memory_space<hbm>>
      %dma_start3A_3357 = arith.constant 0 : i32
      %dma_start3A_3358 = tpu.memref_slice %arg5[%mul3A_4, %dma_start3A_3357] : memref<2560x16xf32, #tpu.memory_space<hbm>> -> memref<80x16xf32, #tpu.memory_space<hbm>>
      tpu.enqueue_dma source(%dma_start3A_3358 : memref<80x16xf32, #tpu.memory_space<hbm>>) target(%arg8 : memref<80x16xf32, #tpu.memory_space<vmem>>) target_semaphore(%run_scoped3A : memref<!tpu.dma_semaphore, #tpu.memory_space<semaphore_mem>>)
      %dma_wait3A_3359 = arith.constant 0 : i32
      %dma_wait3A_3360 = tpu.memref_slice %arg5[%mul3A_4, %dma_wait3A_3359] : memref<2560x16xf32, #tpu.memory_space<hbm>> -> memref<80x16xf32, #tpu.memory_space<hbm>>
      %dma_wait3A_3361 = arith.constant 0 : i32
      %dma_wait3A_3362 = tpu.memref_slice %arg5[%mul3A_4, %dma_wait3A_3361] : memref<2560x16xf32, #tpu.memory_space<hbm>> -> memref<80x16xf32, #tpu.memory_space<hbm>>
      tpu.wait_dma2 semaphore(%run_scoped3A : memref<!tpu.dma_semaphore, #tpu.memory_space<semaphore_mem>>) src(%dma_wait3A_3362 : memref<80x16xf32, #tpu.memory_space<hbm>>) dst(%arg8 : memref<80x16xf32, #tpu.memory_space<vmem>>)
      tpu.yield
    }) : () -> ()
    %mul3A_5 = arith.constant 16 : i32
    %mul3A_6 = arith.muli %add3A, %mul3A_5 : i32
    "tpu.region"() ({
      %run_scoped3A = tpu.sem_alloc : memref<!tpu.dma_semaphore, #tpu.memory_space<semaphore_mem>>
      %dma_start3A_3355 = arith.constant 0 : i32
      %dma_start3A_3356 = tpu.memref_slice %arg2[%mul3A_6, %dma_start3A_3355] : memref<512x64xf32, #tpu.memory_space<hbm>> -> memref<16x64xf32, #tpu.memory_space<hbm>>
      %dma_start3A_3357 = arith.constant 0 : i32
      %dma_start3A_3358 = tpu.memref_slice %arg2[%mul3A_6, %dma_start3A_3357] : memref<512x64xf32, #tpu.memory_space<hbm>> -> memref<16x64xf32, #tpu.memory_space<hbm>>
      tpu.enqueue_dma source(%dma_start3A_3358 : memref<16x64xf32, #tpu.memory_space<hbm>>) target(%arg10 : memref<16x64xf32, #tpu.memory_space<vmem>>) target_semaphore(%run_scoped3A : memref<!tpu.dma_semaphore, #tpu.memory_space<semaphore_mem>>)
      %dma_wait3A_3359 = arith.constant 0 : i32
      %dma_wait3A_3360 = tpu.memref_slice %arg2[%mul3A_6, %dma_wait3A_3359] : memref<512x64xf32, #tpu.memory_space<hbm>> -> memref<16x64xf32, #tpu.memory_space<hbm>>
      %dma_wait3A_3361 = arith.constant 0 : i32
      %dma_wait3A_3362 = tpu.memref_slice %arg2[%mul3A_6, %dma_wait3A_3361] : memref<512x64xf32, #tpu.memory_space<hbm>> -> memref<16x64xf32, #tpu.memory_space<hbm>>
      tpu.wait_dma2 semaphore(%run_scoped3A : memref<!tpu.dma_semaphore, #tpu.memory_space<semaphore_mem>>) src(%dma_wait3A_3362 : memref<16x64xf32, #tpu.memory_space<hbm>>) dst(%arg10 : memref<16x64xf32, #tpu.memory_space<vmem>>)
      tpu.yield
    }) : () -> ()
    %dma_start3A = arith.constant 0 : i32
    %dma_start3A_7 = arith.constant 0 : i32
    %dma_start3A_8 = tpu.memref_slice %arg3[%dma_start3A, %dma_start3A_7] : memref<102400x128xf32, #tpu.memory_space<hbm>> -> memref<102400x128xf32, #tpu.memory_space<hbm>>
    tpu.enqueue_indirect_dma source(%dma_start3A_8 : memref<102400x128xf32, #tpu.memory_space<hbm>>) target(%arg9 : memref<80x128xf32, #tpu.memory_space<vmem>>) offsets(%arg7 : memref<80xi32, #tpu.memory_space<vmem>>) semaphore(%arg11 : memref<!tpu.dma_semaphore, #tpu.memory_space<semaphore_mem>>)
    %dma_wait3A = arith.constant 0 : i32
    %dma_wait3A_9 = arith.constant 0 : i32
    %dma_wait3A_10 = tpu.memref_slice %arg3[%dma_wait3A, %dma_wait3A_9] : memref<102400x128xf32, #tpu.memory_space<hbm>> -> memref<102400x128xf32, #tpu.memory_space<hbm>>
    tpu.wait_indirect_dma semaphore(%arg11 : memref<!tpu.dma_semaphore, #tpu.memory_space<semaphore_mem>>) src(%dma_wait3A_10 : memref<102400x128xf32, #tpu.memory_space<hbm>>) dst(%arg9 : memref<80x128xf32, #tpu.memory_space<vmem>>)
    %get3A = arith.constant 0 : i32
    %get3A_11 = arith.index_cast %get3A : i32 to index
    %get3A_12 = arith.constant 0 : index
    %get3A_13 = tpu.vector_load %arg8[%get3A_11, %get3A_12] {strides = array<i32>} : memref<80x16xf32, #tpu.memory_space<vmem>>, vector<1x16xf32>,
    %get3A_14 = vector.shape_cast %get3A_13 : vector<1x16xf32> to vector<16xf32>
    %get3A_15 = arith.constant 1 : i32
    %get3A_16 = arith.index_cast %get3A_15 : i32 to index
    %get3A_17 = arith.constant 0 : index
    %get3A_18 = tpu.vector_load %arg8[%get3A_16, %get3A_17] {strides = array<i32>} : memref<80x16xf32, #tpu.memory_space<vmem>>, vector<1x16xf32>,
    %get3A_19 = vector.shape_cast %get3A_18 : vector<1x16xf32> to vector<16xf32>
    %get3A_20 = arith.constant 2 : i32
    %get3A_21 = arith.index_cast %get3A_20 : i32 to index
    %get3A_22 = arith.constant 0 : index
    %get3A_23 = tpu.vector_load %arg8[%get3A_21, %get3A_22] {strides = array<i32>} : memref<80x16xf32, #tpu.memory_space<vmem>>, vector<1x16xf32>,
    %get3A_24 = vector.shape_cast %get3A_23 : vector<1x16xf32> to vector<16xf32>
    %get3A_25 = arith.constant 3 : i32
    %get3A_26 = arith.index_cast %get3A_25 : i32 to index
    %get3A_27 = arith.constant 0 : index
    %get3A_28 = tpu.vector_load %arg8[%get3A_26, %get3A_27] {strides = array<i32>} : memref<80x16xf32, #tpu.memory_space<vmem>>, vector<1x16xf32>,
    %get3A_29 = vector.shape_cast %get3A_28 : vector<1x16xf32> to vector<16xf32>
    %get3A_30 = arith.constant 4 : i32
    %get3A_31 = arith.index_cast %get3A_30 : i32 to index
    %get3A_32 = arith.constant 0 : index
    %get3A_33 = tpu.vector_load %arg8[%get3A_31, %get3A_32] {strides = array<i32>} : memref<80x16xf32, #tpu.memory_space<vmem>>, vector<1x16xf32>,
    %get3A_34 = vector.shape_cast %get3A_33 : vector<1x16xf32> to vector<16xf32>
    %get3A_35 = arith.constant 0 : i32
    %get3A_36 = arith.index_cast %get3A_35 : i32 to index
    %get3A_37 = arith.constant 0 : index
    %get3A_38 = tpu.vector_load %arg10[%get3A_36, %get3A_37] {strides = array<i32>} : memref<16x64xf32, #tpu.memory_space<vmem>>, vector<1x16xf32>,
    %get3A_39 = vector.shape_cast %get3A_38 : vector<1x16xf32> to vector<16xf32>
    %get3A_40 = arith.constant 0 : i32
    %get3A_41 = arith.index_cast %get3A_40 : i32 to index
    %get3A_42 = arith.constant 0 : index
    %get3A_43 = tpu.vector_load %arg9[%get3A_41, %get3A_42] {strides = array<i32>} : memref<80x128xf32, #tpu.memory_space<vmem>>, vector<1x16xf32>,
    %get3A_44 = vector.shape_cast %get3A_43 : vector<1x16xf32> to vector<16xf32>
    %mul3A_45 = arith.mulf %get3A_14, %get3A_44 : vector<16xf32>
    %add3A_46 = arith.addf %get3A_39, %mul3A_45 : vector<16xf32>
    %get3A_47 = arith.constant 1 : i32
    %get3A_48 = arith.index_cast %get3A_47 : i32 to index
    %get3A_49 = arith.constant 0 : index
    %get3A_50 = tpu.vector_load %arg9[%get3A_48, %get3A_49] {strides = array<i32>} : memref<80x128xf32, #tpu.memory_space<vmem>>, vector<1x16xf32>,
    %get3A_51 = vector.shape_cast %get3A_50 : vector<1x16xf32> to vector<16xf32>
    %mul3A_52 = arith.mulf %get3A_19, %get3A_51 : vector<16xf32>
    %add3A_53 = arith.addf %add3A_46, %mul3A_52 : vector<16xf32>
    %get3A_54 = arith.constant 2 : i32
    %get3A_55 = arith.index_cast %get3A_54 : i32 to index
    %get3A_56 = arith.constant 0 : index
    %get3A_57 = tpu.vector_load %arg9[%get3A_55, %get3A_56] {strides = array<i32>} : memref<80x128xf32, #tpu.memory_space<vmem>>, vector<1x16xf32>,
    %get3A_58 = vector.shape_cast %get3A_57 : vector<1x16xf32> to vector<16xf32>
    %mul3A_59 = arith.mulf %get3A_24, %get3A_58 : vector<16xf32>
    %add3A_60 = arith.addf %add3A_53, %mul3A_59 : vector<16xf32>
    %get3A_61 = arith.constant 3 : i32
    %get3A_62 = arith.index_cast %get3A_61 : i32 to index
    %get3A_63 = arith.constant 0 : index
    %get3A_64 = tpu.vector_load %arg9[%get3A_62, %get3A_63] {strides = array<i32>} : memref<80x128xf32, #tpu.memory_space<vmem>>, vector<1x16xf32>,
    %get3A_65 = vector.shape_cast %get3A_64 : vector<1x16xf32> to vector<16xf32>
    %mul3A_66 = arith.mulf %get3A_29, %get3A_65 : vector<16xf32>
    %add3A_67 = arith.addf %add3A_60, %mul3A_66 : vector<16xf32>
    %get3A_68 = arith.constant 4 : i32
    %get3A_69 = arith.index_cast %get3A_68 : i32 to index
    %get3A_70 = arith.constant 0 : index
    %get3A_71 = tpu.vector_load %arg9[%get3A_69, %get3A_70] {strides = array<i32>} : memref<80x128xf32, #tpu.memory_space<vmem>>, vector<1x16xf32>,
    %get3A_72 = vector.shape_cast %get3A_71 : vector<1x16xf32> to vector<16xf32>
    %mul3A_73 = arith.mulf %get3A_34, %get3A_72 : vector<16xf32>
    %add3A_74 = arith.addf %add3A_67, %mul3A_73 : vector<16xf32>
    %swap3A = arith.constant 0 : i32
    %swap3A_75 = arith.index_cast %swap3A : i32 to index
    %swap3A_76 = arith.constant 0 : index
    %swap3A_77 = tpu.vector_load %arg10[%swap3A_75, %swap3A_76] {strides = array<i32>} : memref<16x64xf32, #tpu.memory_space<vmem>>, vector<1x16xf32>,
    %swap3A_78 = vector.shape_cast %swap3A_77 : vector<1x16xf32> to vector<16xf32>
    %swap3A_79 = vector.shape_cast %add3A_74 : vector<16xf32> to vector<1x16xf32>
    tpu.vector_store %arg10[%swap3A_75, %swap3A_76], %swap3A_79 {strides = array<i32>} : memref<16x64xf32, #tpu.memory_space<vmem>>, vector<1x16xf32>,
    %get3A_80 = arith.constant 0 : i32
    %get3A_81 = arith.index_cast %get3A_80 : i32 to index
    %get3A_82 = arith.constant 16 : index
    %get3A_83 = tpu.vector_load %arg10[%get3A_81, %get3A_82] {strides = array<i32>} : memref<16x64xf32, #tpu.memory_space<vmem>>, vector<1x16xf32>,
    %get3A_84 = vector.shape_cast %get3A_83 : vector<1x16xf32> to vector<16xf32>
    %get3A_85 = arith.constant 0 : i32
    %get3A_86 = arith.index_cast %get3A_85 : i32 to index
    %get3A_87 = arith.constant 16 : index
    %get3A_88 = tpu.vector_load %arg9[%get3A_86, %get3A_87] {strides = array<i32>} : memref<80x128xf32, #tpu.memory_space<vmem>>, vector<1x16xf32>,
    %get3A_89 = vector.shape_cast %get3A_88 : vector<1x16xf32> to vector<16xf32>
    %mul3A_90 = arith.mulf %get3A_14, %get3A_89 : vector<16xf32>
    %add3A_91 = arith.addf %get3A_84, %mul3A_90 : vector<16xf32>
    %get3A_92 = arith.constant 1 : i32
    %get3A_93 = arith.index_cast %get3A_92 : i32 to index
    %get3A_94 = arith.constant 16 : index
    %get3A_95 = tpu.vector_load %arg9[%get3A_93, %get3A_94] {strides = array<i32>} : memref<80x128xf32, #tpu.memory_space<vmem>>, vector<1x16xf32>,
    %get3A_96 = vector.shape_cast %get3A_95 : vector<1x16xf32> to vector<16xf32>
    %mul3A_97 = arith.mulf %get3A_19, %get3A_96 : vector<16xf32>
    %add3A_98 = arith.addf %add3A_91, %mul3A_97 : vector<16xf32>
    %get3A_99 = arith.constant 2 : i32
    %get3A_100 = arith.index_cast %get3A_99 : i32 to index
    %get3A_101 = arith.constant 16 : index
    %get3A_102 = tpu.vector_load %arg9[%get3A_100, %get3A_101] {strides = array<i32>} : memref<80x128xf32, #tpu.memory_space<vmem>>, vector<1x16xf32>,
    %get3A_103 = vector.shape_cast %get3A_102 : vector<1x16xf32> to vector<16xf32>
    %mul3A_104 = arith.mulf %get3A_24, %get3A_103 : vector<16xf32>
    %add3A_105 = arith.addf %add3A_98, %mul3A_104 : vector<16xf32>
    %get3A_106 = arith.constant 3 : i32
    %get3A_107 = arith.index_cast %get3A_106 : i32 to index
    %get3A_108 = arith.constant 16 : index
    %get3A_109 = tpu.vector_load %arg9[%get3A_107, %get3A_108] {strides = array<i32>} : memref<80x128xf32, #tpu.memory_space<vmem>>, vector<1x16xf32>,
    %get3A_110 = vector.shape_cast %get3A_109 : vector<1x16xf32> to vector<16xf32>
    %mul3A_111 = arith.mulf %get3A_29, %get3A_110 : vector<16xf32>
    %add3A_112 = arith.addf %add3A_105, %mul3A_111 : vector<16xf32>
    %get3A_113 = arith.constant 4 : i32
    %get3A_114 = arith.index_cast %get3A_113 : i32 to index
    %get3A_115 = arith.constant 16 : index
    %get3A_116 = tpu.vector_load %arg9[%get3A_114, %get3A_115] {strides = array<i32>} : memref<80x128xf32, #tpu.memory_space<vmem>>, vector<1x16xf32>,
    %get3A_117 = vector.shape_cast %get3A_116 : vector<1x16xf32> to vector<16xf32>
    %mul3A_118 = arith.mulf %get3A_34, %get3A_117 : vector<16xf32>
    %add3A_119 = arith.addf %add3A_112, %mul3A_118 : vector<16xf32>
    %swap3A_120 = arith.constant 0 : i32
    %swap3A_121 = arith.index_cast %swap3A_120 : i32 to index
    %swap3A_122 = arith.constant 16 : index
    %swap3A_123 = tpu.vector_load %arg10[%swap3A_121, %swap3A_122] {strides = array<i32>} : memref<16x64xf32, #tpu.memory_space<vmem>>, vector<1x16xf32>,
    %swap3A_124 = vector.shape_cast %swap3A_123 : vector<1x16xf32> to vector<16xf32>
    %swap3A_125 = vector.shape_cast %add3A_119 : vector<16xf32> to vector<1x16xf32>
    tpu.vector_store %arg10[%swap3A_121, %swap3A_122], %swap3A_125 {strides = array<i32>} : memref<16x64xf32, #tpu.memory_space<vmem>>, vector<1x16xf32>,
    %get3A_126 = arith.constant 0 : i32
    %get3A_127 = arith.index_cast %get3A_126 : i32 to index
    %get3A_128 = arith.constant 32 : index
    %get3A_129 = tpu.vector_load %arg10[%get3A_127, %get3A_128] {strides = array<i32>} : memref<16x64xf32, #tpu.memory_space<vmem>>, vector<1x16xf32>,
    %get3A_130 = vector.shape_cast %get3A_129 : vector<1x16xf32> to vector<16xf32>
    %get3A_131 = arith.constant 0 : i32
    %get3A_132 = arith.index_cast %get3A_131 : i32 to index
    %get3A_133 = arith.constant 32 : index
    %get3A_134 = tpu.vector_load %arg9[%get3A_132, %get3A_133] {strides = array<i32>} : memref<80x128xf32, #tpu.memory_space<vmem>>, vector<1x16xf32>,
    %get3A_135 = vector.shape_cast %get3A_134 : vector<1x16xf32> to vector<16xf32>
    %mul3A_136 = arith.mulf %get3A_14, %get3A_135 : vector<16xf32>
    %add3A_137 = arith.addf %get3A_130, %mul3A_136 : vector<16xf32>
    %get3A_138 = arith.constant 1 : i32
    %get3A_139 = arith.index_cast %get3A_138 : i32 to index
    %get3A_140 = arith.constant 32 : index
    %get3A_141 = tpu.vector_load %arg9[%get3A_139, %get3A_140] {strides = array<i32>} : memref<80x128xf32, #tpu.memory_space<vmem>>, vector<1x16xf32>,
    %get3A_142 = vector.shape_cast %get3A_141 : vector<1x16xf32> to vector<16xf32>
    %mul3A_143 = arith.mulf %get3A_19, %get3A_142 : vector<16xf32>
    %add3A_144 = arith.addf %add3A_137, %mul3A_143 : vector<16xf32>
    %get3A_145 = arith.constant 2 : i32
    %get3A_146 = arith.index_cast %get3A_145 : i32 to index
    %get3A_147 = arith.constant 32 : index
    %get3A_148 = tpu.vector_load %arg9[%get3A_146, %get3A_147] {strides = array<i32>} : memref<80x128xf32, #tpu.memory_space<vmem>>, vector<1x16xf32>,
    %get3A_149 = vector.shape_cast %get3A_148 : vector<1x16xf32> to vector<16xf32>
    %mul3A_150 = arith.mulf %get3A_24, %get3A_149 : vector<16xf32>
    %add3A_151 = arith.addf %add3A_144, %mul3A_150 : vector<16xf32>
    %get3A_152 = arith.constant 3 : i32
    %get3A_153 = arith.index_cast %get3A_152 : i32 to index
    %get3A_154 = arith.constant 32 : index
    %get3A_155 = tpu.vector_load %arg9[%get3A_153, %get3A_154] {strides = array<i32>} : memref<80x128xf32, #tpu.memory_space<vmem>>, vector<1x16xf32>,
    %get3A_156 = vector.shape_cast %get3A_155 : vector<1x16xf32> to vector<16xf32>
    %mul3A_157 = arith.mulf %get3A_29, %get3A_156 : vector<16xf32>
    %add3A_158 = arith.addf %add3A_151, %mul3A_157 : vector<16xf32>
    %get3A_159 = arith.constant 4 : i32
    %get3A_160 = arith.index_cast %get3A_159 : i32 to index
    %get3A_161 = arith.constant 32 : index
    %get3A_162 = tpu.vector_load %arg9[%get3A_160, %get3A_161] {strides = array<i32>} : memref<80x128xf32, #tpu.memory_space<vmem>>, vector<1x16xf32>,
    %get3A_163 = vector.shape_cast %get3A_162 : vector<1x16xf32> to vector<16xf32>
    %mul3A_164 = arith.mulf %get3A_34, %get3A_163 : vector<16xf32>
    %add3A_165 = arith.addf %add3A_158, %mul3A_164 : vector<16xf32>
    %swap3A_166 = arith.constant 0 : i32
    %swap3A_167 = arith.index_cast %swap3A_166 : i32 to index
    %swap3A_168 = arith.constant 32 : index
    %swap3A_169 = tpu.vector_load %arg10[%swap3A_167, %swap3A_168] {strides = array<i32>} : memref<16x64xf32, #tpu.memory_space<vmem>>, vector<1x16xf32>,
    %swap3A_170 = vector.shape_cast %swap3A_169 : vector<1x16xf32> to vector<16xf32>
    %swap3A_171 = vector.shape_cast %add3A_165 : vector<16xf32> to vector<1x16xf32>
    tpu.vector_store %arg10[%swap3A_167, %swap3A_168], %swap3A_171 {strides = array<i32>} : memref<16x64xf32, #tpu.memory_space<vmem>>, vector<1x16xf32>,
    %get3A_172 = arith.constant 0 : i32
    %get3A_173 = arith.index_cast %get3A_172 : i32 to index
    %get3A_174 = arith.constant 48 : index
    %get3A_175 = tpu.vector_load %arg10[%get3A_173, %get3A_174] {strides = array<i32>} : memref<16x64xf32, #tpu.memory_space<vmem>>, vector<1x16xf32>,
    %get3A_176 = vector.shape_cast %get3A_175 : vector<1x16xf32> to vector<16xf32>
    %get3A_177 = arith.constant 0 : i32
    %get3A_178 = arith.index_cast %get3A_177 : i32 to index
    %get3A_179 = arith.constant 48 : index
    %get3A_180 = tpu.vector_load %arg9[%get3A_178, %get3A_179] {strides = array<i32>} : memref<80x128xf32, #tpu.memory_space<vmem>>, vector<1x16xf32>,
    %get3A_181 = vector.shape_cast %get3A_180 : vector<1x16xf32> to vector<16xf32>
    %mul3A_182 = arith.mulf %get3A_14, %get3A_181 : vector<16xf32>
    %add3A_183 = arith.addf %get3A_176, %mul3A_182 : vector<16xf32>
    %get3A_184 = arith.constant 1 : i32
    %get3A_185 = arith.index_cast %get3A_184 : i32 to index
    %get3A_186 = arith.constant 48 : index
    %get3A_187 = tpu.vector_load %arg9[%get3A_185, %get3A_186] {strides = array<i32>} : memref<80x128xf32, #tpu.memory_space<vmem>>, vector<1x16xf32>,
    %get3A_188 = vector.shape_cast %get3A_187 : vector<1x16xf32> to vector<16xf32>
    %mul3A_189 = arith.mulf %get3A_19, %get3A_188 : vector<16xf32>
    %add3A_190 = arith.addf %add3A_183, %mul3A_189 : vector<16xf32>
    %get3A_191 = arith.constant 2 : i32
    %get3A_192 = arith.index_cast %get3A_191 : i32 to index
    %get3A_193 = arith.constant 48 : index
    %get3A_194 = tpu.vector_load %arg9[%get3A_192, %get3A_193] {strides = array<i32>} : memref<80x128xf32, #tpu.memory_space<vmem>>, vector<1x16xf32>,
    %get3A_195 = vector.shape_cast %get3A_194 : vector<1x16xf32> to vector<16xf32>
    %mul3A_196 = arith.mulf %get3A_24, %get3A_195 : vector<16xf32>
    %add3A_197 = arith.addf %add3A_190, %mul3A_196 : vector<16xf32>
    %get3A_198 = arith.constant 3 : i32
    %get3A_199 = arith.index_cast %get3A_198 : i32 to index
    %get3A_200 = arith.constant 48 : index
    %get3A_201 = tpu.vector_load %arg9[%get3A_199, %get3A_200] {strides = array<i32>} : memref<80x128xf32, #tpu.memory_space<vmem>>, vector<1x16xf32>,
    %get3A_202 = vector.shape_cast %get3A_201 : vector<1x16xf32> to vector<16xf32>
    %mul3A_203 = arith.mulf %get3A_29, %get3A_202 : vector<16xf32>
    %add3A_204 = arith.addf %add3A_197, %mul3A_203 : vector<16xf32>
    %get3A_205 = arith.constant 4 : i32
    %get3A_206 = arith.index_cast %get3A_205 : i32 to index
    %get3A_207 = arith.constant 48 : index
    %get3A_208 = tpu.vector_load %arg9[%get3A_206, %get3A_207] {strides = array<i32>} : memref<80x128xf32, #tpu.memory_space<vmem>>, vector<1x16xf32>,
    %get3A_209 = vector.shape_cast %get3A_208 : vector<1x16xf32> to vector<16xf32>
    %mul3A_210 = arith.mulf %get3A_34, %get3A_209 : vector<16xf32>
    %add3A_211 = arith.addf %add3A_204, %mul3A_210 : vector<16xf32>
    %swap3A_212 = arith.constant 0 : i32
    %swap3A_213 = arith.index_cast %swap3A_212 : i32 to index
    %swap3A_214 = arith.constant 48 : index
    %swap3A_215 = tpu.vector_load %arg10[%swap3A_213, %swap3A_214] {strides = array<i32>} : memref<16x64xf32, #tpu.memory_space<vmem>>, vector<1x16xf32>,
    %swap3A_216 = vector.shape_cast %swap3A_215 : vector<1x16xf32> to vector<16xf32>
    %swap3A_217 = vector.shape_cast %add3A_211 : vector<16xf32> to vector<1x16xf32>
    tpu.vector_store %arg10[%swap3A_213, %swap3A_214], %swap3A_217 {strides = array<i32>} : memref<16x64xf32, #tpu.memory_space<vmem>>, vector<1x16xf32>,
    %get3A_218 = arith.constant 5 : i32
    %get3A_219 = arith.index_cast %get3A_218 : i32 to index
    %get3A_220 = arith.constant 0 : index
    %get3A_221 = tpu.vector_load %arg8[%get3A_219, %get3A_220] {strides = array<i32>} : memref<80x16xf32, #tpu.memory_space<vmem>>, vector<1x16xf32>,
    %get3A_222 = vector.shape_cast %get3A_221 : vector<1x16xf32> to vector<16xf32>
    %get3A_223 = arith.constant 6 : i32
    %get3A_224 = arith.index_cast %get3A_223 : i32 to index
    %get3A_225 = arith.constant 0 : index
    %get3A_226 = tpu.vector_load %arg8[%get3A_224, %get3A_225] {strides = array<i32>} : memref<80x16xf32, #tpu.memory_space<vmem>>, vector<1x16xf32>,
    %get3A_227 = vector.shape_cast %get3A_226 : vector<1x16xf32> to vector<16xf32>
    %get3A_228 = arith.constant 7 : i32
    %get3A_229 = arith.index_cast %get3A_228 : i32 to index
    %get3A_230 = arith.constant 0 : index
    %get3A_231 = tpu.vector_load %arg8[%get3A_229, %get3A_230] {strides = array<i32>} : memref<80x16xf32, #tpu.memory_space<vmem>>, vector<1x16xf32>,
    %get3A_232 = vector.shape_cast %get3A_231 : vector<1x16xf32> to vector<16xf32>
    %get3A_233 = arith.constant 8 : i32
    %get3A_234 = arith.index_cast %get3A_233 : i32 to index
    %get3A_235 = arith.constant 0 : index
    %get3A_236 = tpu.vector_load %arg8[%get3A_234, %get3A_235] {strides = array<i32>} : memref<80x16xf32, #tpu.memory_space<vmem>>, vector<1x16xf32>,
    %get3A_237 = vector.shape_cast %get3A_236 : vector<1x16xf32> to vector<16xf32>
    %get3A_238 = arith.constant 9 : i32
    %get3A_239 = arith.index_cast %get3A_238 : i32 to index
    %get3A_240 = arith.constant 0 : index
    %get3A_241 = tpu.vector_load %arg8[%get3A_239, %get3A_240] {strides = array<i32>} : memref<80x16xf32, #tpu.memory_space<vmem>>, vector<1x16xf32>,
    %get3A_242 = vector.shape_cast %get3A_241 : vector<1x16xf32> to vector<16xf32>
    %get3A_243 = arith.constant 1 : i32
    %get3A_244 = arith.index_cast %get3A_243 : i32 to index
    %get3A_245 = arith.constant 0 : index
    %get3A_246 = tpu.vector_load %arg10[%get3A_244, %get3A_245] {strides = array<i32>} : memref<16x64xf32, #tpu.memory_space<vmem>>, vector<1x16xf32>,
    %get3A_247 = vector.shape_cast %get3A_246 : vector<1x16xf32> to vector<16xf32>
    %get3A_248 = arith.constant 5 : i32
    %get3A_249 = arith.index_cast %get3A_248 : i32 to index
    %get3A_250 = arith.constant 0 : index
    %get3A_251 = tpu.vector_load %arg9[%get3A_249, %get3A_250] {strides = array<i32>} : memref<80x128xf32, #tpu.memory_space<vmem>>, vector<1x16xf32>,
    %get3A_252 = vector.shape_cast %get3A_251 : vector<1x16xf32> to vector<16xf32>
    %mul3A_253 = arith.mulf %get3A_222, %get3A_252 : vector<16xf32>
    %add3A_254 = arith.addf %get3A_247, %mul3A_253 : vector<16xf32>
    %get3A_255 = arith.constant 6 : i32
    %get3A_256 = arith.index_cast %get3A_255 : i32 to index
    %get3A_257 = arith.constant 0 : index
    %get3A_258 = tpu.vector_load %arg9[%get3A_256, %get3A_257] {strides = array<i32>} : memref<80x128xf32, #tpu.memory_space<vmem>>, vector<1x16xf32>,
    %get3A_259 = vector.shape_cast %get3A_258 : vector<1x16xf32> to vector<16xf32>
    %mul3A_260 = arith.mulf %get3A_227, %get3A_259 : vector<16xf32>
    %add3A_261 = arith.addf %add3A_254, %mul3A_260 : vector<16xf32>
    %get3A_262 = arith.constant 7 : i32
    %get3A_263 = arith.index_cast %get3A_262 : i32 to index
    %get3A_264 = arith.constant 0 : index
    %get3A_265 = tpu.vector_load %arg9[%get3A_263, %get3A_264] {strides = array<i32>} : memref<80x128xf32, #tpu.memory_space<vmem>>, vector<1x16xf32>,
    %get3A_266 = vector.shape_cast %get3A_265 : vector<1x16xf32> to vector<16xf32>
    %mul3A_267 = arith.mulf %get3A_232, %get3A_266 : vector<16xf32>
    %add3A_268 = arith.addf %add3A_261, %mul3A_267 : vector<16xf32>
    %get3A_269 = arith.constant 8 : i32
    %get3A_270 = arith.index_cast %get3A_269 : i32 to index
    %get3A_271 = arith.constant 0 : index
    %get3A_272 = tpu.vector_load %arg9[%get3A_270, %get3A_271] {strides = array<i32>} : memref<80x128xf32, #tpu.memory_space<vmem>>, vector<1x16xf32>,
    %get3A_273 = vector.shape_cast %get3A_272 : vector<1x16xf32> to vector<16xf32>
    %mul3A_274 = arith.mulf %get3A_237, %get3A_273 : vector<16xf32>
    %add3A_275 = arith.addf %add3A_268, %mul3A_274 : vector<16xf32>
    %get3A_276 = arith.constant 9 : i32
    %get3A_277 = arith.index_cast %get3A_276 : i32 to index
    %get3A_278 = arith.constant 0 : index
    %get3A_279 = tpu.vector_load %arg9[%get3A_277, %get3A_278] {strides = array<i32>} : memref<80x128xf32, #tpu.memory_space<vmem>>, vector<1x16xf32>,
    %get3A_280 = vector.shape_cast %get3A_279 : vector<1x16xf32> to vector<16xf32>
    %mul3A_281 = arith.mulf %get3A_242, %get3A_280 : vector<16xf32>
    %add3A_282 = arith.addf %add3A_275, %mul3A_281 : vector<16xf32>
    %swap3A_283 = arith.constant 1 : i32
    %swap3A_284 = arith.index_cast %swap3A_283 : i32 to index
    %swap3A_285 = arith.constant 0 : index
    %swap3A_286 = tpu.vector_load %arg10[%swap3A_284, %swap3A_285] {strides = array<i32>} : memref<16x64xf32, #tpu.memory_space<vmem>>, vector<1x16xf32>,
    %swap3A_287 = vector.shape_cast %swap3A_286 : vector<1x16xf32> to vector<16xf32>
    %swap3A_288 = vector.shape_cast %add3A_282 : vector<16xf32> to vector<1x16xf32>
    tpu.vector_store %arg10[%swap3A_284, %swap3A_285], %swap3A_288 {strides = array<i32>} : memref<16x64xf32, #tpu.memory_space<vmem>>, vector<1x16xf32>,
    %get3A_289 = arith.constant 1 : i32
    %get3A_290 = arith.index_cast %get3A_289 : i32 to index
    %get3A_291 = arith.constant 16 : index
    %get3A_292 = tpu.vector_load %arg10[%get3A_290, %get3A_291] {strides = array<i32>} : memref<16x64xf32, #tpu.memory_space<vmem>>, vector<1x16xf32>,
    %get3A_293 = vector.shape_cast %get3A_292 : vector<1x16xf32> to vector<16xf32>
    %get3A_294 = arith.constant 5 : i32
    %get3A_295 = arith.index_cast %get3A_294 : i32 to index
    %get3A_296 = arith.constant 16 : index
    %get3A_297 = tpu.vector_load %arg9[%get3A_295, %get3A_296] {strides = array<i32>} : memref<80x128xf32, #tpu.memory_space<vmem>>, vector<1x16xf32>,
    %get3A_298 = vector.shape_cast %get3A_297 : vector<1x16xf32> to vector<16xf32>
    %mul3A_299 = arith.mulf %get3A_222, %get3A_298 : vector<16xf32>
    %add3A_300 = arith.addf %get3A_293, %mul3A_299 : vector<16xf32>
    %get3A_301 = arith.constant 6 : i32
    %get3A_302 = arith.index_cast %get3A_301 : i32 to index
    %get3A_303 = arith.constant 16 : index
    %get3A_304 = tpu.vector_load %arg9[%get3A_302, %get3A_303] {strides = array<i32>} : memref<80x128xf32, #tpu.memory_space<vmem>>, vector<1x16xf32>,
    %get3A_305 = vector.shape_cast %get3A_304 : vector<1x16xf32> to vector<16xf32>
    %mul3A_306 = arith.mulf %get3A_227, %get3A_305 : vector<16xf32>
    %add3A_307 = arith.addf %add3A_300, %mul3A_306 : vector<16xf32>
    %get3A_308 = arith.constant 7 : i32
    %get3A_309 = arith.index_cast %get3A_308 : i32 to index
    %get3A_310 = arith.constant 16 : index
    %get3A_311 = tpu.vector_load %arg9[%get3A_309, %get3A_310] {strides = array<i32>} : memref<80x128xf32, #tpu.memory_space<vmem>>, vector<1x16xf32>,
    %get3A_312 = vector.shape_cast %get3A_311 : vector<1x16xf32> to vector<16xf32>
    %mul3A_313 = arith.mulf %get3A_232, %get3A_312 : vector<16xf32>
    %add3A_314 = arith.addf %add3A_307, %mul3A_313 : vector<16xf32>
    %get3A_315 = arith.constant 8 : i32
    %get3A_316 = arith.index_cast %get3A_315 : i32 to index
    %get3A_317 = arith.constant 16 : index
    %get3A_318 = tpu.vector_load %arg9[%get3A_316, %get3A_317] {strides = array<i32>} : memref<80x128xf32, #tpu.memory_space<vmem>>, vector<1x16xf32>,
    %get3A_319 = vector.shape_cast %get3A_318 : vector<1x16xf32> to vector<16xf32>
    %mul3A_320 = arith.mulf %get3A_237, %get3A_319 : vector<16xf32>
    %add3A_321 = arith.addf %add3A_314, %mul3A_320 : vector<16xf32>
    %get3A_322 = arith.constant 9 : i32
    %get3A_323 = arith.index_cast %get3A_322 : i32 to index
    %get3A_324 = arith.constant 16 : index
    %get3A_325 = tpu.vector_load %arg9[%get3A_323, %get3A_324] {strides = array<i32>} : memref<80x128xf32, #tpu.memory_space<vmem>>, vector<1x16xf32>,
    %get3A_326 = vector.shape_cast %get3A_325 : vector<1x16xf32> to vector<16xf32>
    %mul3A_327 = arith.mulf %get3A_242, %get3A_326 : vector<16xf32>
    %add3A_328 = arith.addf %add3A_321, %mul3A_327 : vector<16xf32>
    %swap3A_329 = arith.constant 1 : i32
    %swap3A_330 = arith.index_cast %swap3A_329 : i32 to index
    %swap3A_331 = arith.constant 16 : index
    %swap3A_332 = tpu.vector_load %arg10[%swap3A_330, %swap3A_331] {strides = array<i32>} : memref<16x64xf32, #tpu.memory_space<vmem>>, vector<1x16xf32>,
    %swap3A_333 = vector.shape_cast %swap3A_332 : vector<1x16xf32> to vector<16xf32>
    %swap3A_334 = vector.shape_cast %add3A_328 : vector<16xf32> to vector<1x16xf32>
    tpu.vector_store %arg10[%swap3A_330, %swap3A_331], %swap3A_334 {strides = array<i32>} : memref<16x64xf32, #tpu.memory_space<vmem>>, vector<1x16xf32>,
    %get3A_335 = arith.constant 1 : i32
    %get3A_336 = arith.index_cast %get3A_335 : i32 to index
    %get3A_337 = arith.constant 32 : index
    %get3A_338 = tpu.vector_load %arg10[%get3A_336, %get3A_337] {strides = array<i32>} : memref<16x64xf32, #tpu.memory_space<vmem>>, vector<1x16xf32>,
    %get3A_339 = vector.shape_cast %get3A_338 : vector<1x16xf32> to vector<16xf32>
    %get3A_340 = arith.constant 5 : i32
    %get3A_341 = arith.index_cast %get3A_340 : i32 to index
    %get3A_342 = arith.constant 32 : index
    %get3A_343 = tpu.vector_load %arg9[%get3A_341, %get3A_342] {strides = array<i32>} : memref<80x128xf32, #tpu.memory_space<vmem>>, vector<1x16xf32>,
    %get3A_344 = vector.shape_cast %get3A_343 : vector<1x16xf32> to vector<16xf32>
    %mul3A_345 = arith.mulf %get3A_222, %get3A_344 : vector<16xf32>
    %add3A_346 = arith.addf %get3A_339, %mul3A_345 : vector<16xf32>
    %get3A_347 = arith.constant 6 : i32
    %get3A_348 = arith.index_cast %get3A_347 : i32 to index
    %get3A_349 = arith.constant 32 : index
    %get3A_350 = tpu.vector_load %arg9[%get3A_348, %get3A_349] {strides = array<i32>} : memref<80x128xf32, #tpu.memory_space<vmem>>, vector<1x16xf32>,
    %get3A_351 = vector.shape_cast %get3A_350 : vector<1x16xf32> to vector<16xf32>
    %mul3A_352 = arith.mulf %get3A_227, %get3A_351 : vector<16xf32>
    %add3A_353 = arith.addf %add3A_346, %mul3A_352 : vector<16xf32>
    %get3A_354 = arith.constant 7 : i32
    %get3A_355 = arith.index_cast %get3A_354 : i32 to index
    %get3A_356 = arith.constant 32 : index
    %get3A_357 = tpu.vector_load %arg9[%get3A_355, %get3A_356] {strides = array<i32>} : memref<80x128xf32, #tpu.memory_space<vmem>>, vector<1x16xf32>,
    %get3A_358 = vector.shape_cast %get3A_357 : vector<1x16xf32> to vector<16xf32>
    %mul3A_359 = arith.mulf %get3A_232, %get3A_358 : vector<16xf32>
    %add3A_360 = arith.addf %add3A_353, %mul3A_359 : vector<16xf32>
    %get3A_361 = arith.constant 8 : i32
    %get3A_362 = arith.index_cast %get3A_361 : i32 to index
    %get3A_363 = arith.constant 32 : index
    %get3A_364 = tpu.vector_load %arg9[%get3A_362, %get3A_363] {strides = array<i32>} : memref<80x128xf32, #tpu.memory_space<vmem>>, vector<1x16xf32>,
    %get3A_365 = vector.shape_cast %get3A_364 : vector<1x16xf32> to vector<16xf32>
    %mul3A_366 = arith.mulf %get3A_237, %get3A_365 : vector<16xf32>
    %add3A_367 = arith.addf %add3A_360, %mul3A_366 : vector<16xf32>
    %get3A_368 = arith.constant 9 : i32
    %get3A_369 = arith.index_cast %get3A_368 : i32 to index
    %get3A_370 = arith.constant 32 : index
    %get3A_371 = tpu.vector_load %arg9[%get3A_369, %get3A_370] {strides = array<i32>} : memref<80x128xf32, #tpu.memory_space<vmem>>, vector<1x16xf32>,
    %get3A_372 = vector.shape_cast %get3A_371 : vector<1x16xf32> to vector<16xf32>
    %mul3A_373 = arith.mulf %get3A_242, %get3A_372 : vector<16xf32>
    %add3A_374 = arith.addf %add3A_367, %mul3A_373 : vector<16xf32>
    %swap3A_375 = arith.constant 1 : i32
    %swap3A_376 = arith.index_cast %swap3A_375 : i32 to index
    %swap3A_377 = arith.constant 32 : index
    %swap3A_378 = tpu.vector_load %arg10[%swap3A_376, %swap3A_377] {strides = array<i32>} : memref<16x64xf32, #tpu.memory_space<vmem>>, vector<1x16xf32>,
    %swap3A_379 = vector.shape_cast %swap3A_378 : vector<1x16xf32> to vector<16xf32>
    %swap3A_380 = vector.shape_cast %add3A_374 : vector<16xf32> to vector<1x16xf32>
    tpu.vector_store %arg10[%swap3A_376, %swap3A_377], %swap3A_380 {strides = array<i32>} : memref<16x64xf32, #tpu.memory_space<vmem>>, vector<1x16xf32>,
    %get3A_381 = arith.constant 1 : i32
    %get3A_382 = arith.index_cast %get3A_381 : i32 to index
    %get3A_383 = arith.constant 48 : index
    %get3A_384 = tpu.vector_load %arg10[%get3A_382, %get3A_383] {strides = array<i32>} : memref<16x64xf32, #tpu.memory_space<vmem>>, vector<1x16xf32>,
    %get3A_385 = vector.shape_cast %get3A_384 : vector<1x16xf32> to vector<16xf32>
    %get3A_386 = arith.constant 5 : i32
    %get3A_387 = arith.index_cast %get3A_386 : i32 to index
    %get3A_388 = arith.constant 48 : index
    %get3A_389 = tpu.vector_load %arg9[%get3A_387, %get3A_388] {strides = array<i32>} : memref<80x128xf32, #tpu.memory_space<vmem>>, vector<1x16xf32>,
    %get3A_390 = vector.shape_cast %get3A_389 : vector<1x16xf32> to vector<16xf32>
    %mul3A_391 = arith.mulf %get3A_222, %get3A_390 : vector<16xf32>
    %add3A_392 = arith.addf %get3A_385, %mul3A_391 : vector<16xf32>
    %get3A_393 = arith.constant 6 : i32
    %get3A_394 = arith.index_cast %get3A_393 : i32 to index
    %get3A_395 = arith.constant 48 : index
    %get3A_396 = tpu.vector_load %arg9[%get3A_394, %get3A_395] {strides = array<i32>} : memref<80x128xf32, #tpu.memory_space<vmem>>, vector<1x16xf32>,
    %get3A_397 = vector.shape_cast %get3A_396 : vector<1x16xf32> to vector<16xf32>
    %mul3A_398 = arith.mulf %get3A_227, %get3A_397 : vector<16xf32>
    %add3A_399 = arith.addf %add3A_392, %mul3A_398 : vector<16xf32>
    %get3A_400 = arith.constant 7 : i32
    %get3A_401 = arith.index_cast %get3A_400 : i32 to index
    %get3A_402 = arith.constant 48 : index
    %get3A_403 = tpu.vector_load %arg9[%get3A_401, %get3A_402] {strides = array<i32>} : memref<80x128xf32, #tpu.memory_space<vmem>>, vector<1x16xf32>,
    %get3A_404 = vector.shape_cast %get3A_403 : vector<1x16xf32> to vector<16xf32>
    %mul3A_405 = arith.mulf %get3A_232, %get3A_404 : vector<16xf32>
    %add3A_406 = arith.addf %add3A_399, %mul3A_405 : vector<16xf32>
    %get3A_407 = arith.constant 8 : i32
    %get3A_408 = arith.index_cast %get3A_407 : i32 to index
    %get3A_409 = arith.constant 48 : index
    %get3A_410 = tpu.vector_load %arg9[%get3A_408, %get3A_409] {strides = array<i32>} : memref<80x128xf32, #tpu.memory_space<vmem>>, vector<1x16xf32>,
    %get3A_411 = vector.shape_cast %get3A_410 : vector<1x16xf32> to vector<16xf32>
    %mul3A_412 = arith.mulf %get3A_237, %get3A_411 : vector<16xf32>
    %add3A_413 = arith.addf %add3A_406, %mul3A_412 : vector<16xf32>
    %get3A_414 = arith.constant 9 : i32
    %get3A_415 = arith.index_cast %get3A_414 : i32 to index
    %get3A_416 = arith.constant 48 : index
    %get3A_417 = tpu.vector_load %arg9[%get3A_415, %get3A_416] {strides = array<i32>} : memref<80x128xf32, #tpu.memory_space<vmem>>, vector<1x16xf32>,
    %get3A_418 = vector.shape_cast %get3A_417 : vector<1x16xf32> to vector<16xf32>
    %mul3A_419 = arith.mulf %get3A_242, %get3A_418 : vector<16xf32>
    %add3A_420 = arith.addf %add3A_413, %mul3A_419 : vector<16xf32>
    %swap3A_421 = arith.constant 1 : i32
    %swap3A_422 = arith.index_cast %swap3A_421 : i32 to index
    %swap3A_423 = arith.constant 48 : index
    %swap3A_424 = tpu.vector_load %arg10[%swap3A_422, %swap3A_423] {strides = array<i32>} : memref<16x64xf32, #tpu.memory_space<vmem>>, vector<1x16xf32>,
    %swap3A_425 = vector.shape_cast %swap3A_424 : vector<1x16xf32> to vector<16xf32>
    %swap3A_426 = vector.shape_cast %add3A_420 : vector<16xf32> to vector<1x16xf32>
    tpu.vector_store %arg10[%swap3A_422, %swap3A_423], %swap3A_426 {strides = array<i32>} : memref<16x64xf32, #tpu.memory_space<vmem>>, vector<1x16xf32>,
    %get3A_427 = arith.constant 10 : i32
    %get3A_428 = arith.index_cast %get3A_427 : i32 to index
    %get3A_429 = arith.constant 0 : index
    %get3A_430 = tpu.vector_load %arg8[%get3A_428, %get3A_429] {strides = array<i32>} : memref<80x16xf32, #tpu.memory_space<vmem>>, vector<1x16xf32>,
    %get3A_431 = vector.shape_cast %get3A_430 : vector<1x16xf32> to vector<16xf32>
    %get3A_432 = arith.constant 11 : i32
    %get3A_433 = arith.index_cast %get3A_432 : i32 to index
    %get3A_434 = arith.constant 0 : index
    %get3A_435 = tpu.vector_load %arg8[%get3A_433, %get3A_434] {strides = array<i32>} : memref<80x16xf32, #tpu.memory_space<vmem>>, vector<1x16xf32>,
    %get3A_436 = vector.shape_cast %get3A_435 : vector<1x16xf32> to vector<16xf32>
    %get3A_437 = arith.constant 12 : i32
    %get3A_438 = arith.index_cast %get3A_437 : i32 to index
    %get3A_439 = arith.constant 0 : index
    %get3A_440 = tpu.vector_load %arg8[%get3A_438, %get3A_439] {strides = array<i32>} : memref<80x16xf32, #tpu.memory_space<vmem>>, vector<1x16xf32>,
    %get3A_441 = vector.shape_cast %get3A_440 : vector<1x16xf32> to vector<16xf32>
    %get3A_442 = arith.constant 13 : i32
    %get3A_443 = arith.index_cast %get3A_442 : i32 to index
    %get3A_444 = arith.constant 0 : index
    %get3A_445 = tpu.vector_load %arg8[%get3A_443, %get3A_444] {strides = array<i32>} : memref<80x16xf32, #tpu.memory_space<vmem>>, vector<1x16xf32>,
    %get3A_446 = vector.shape_cast %get3A_445 : vector<1x16xf32> to vector<16xf32>
    %get3A_447 = arith.constant 14 : i32
    %get3A_448 = arith.index_cast %get3A_447 : i32 to index
    %get3A_449 = arith.constant 0 : index
    %get3A_450 = tpu.vector_load %arg8[%get3A_448, %get3A_449] {strides = array<i32>} : memref<80x16xf32, #tpu.memory_space<vmem>>, vector<1x16xf32>,
    %get3A_451 = vector.shape_cast %get3A_450 : vector<1x16xf32> to vector<16xf32>
    %get3A_452 = arith.constant 2 : i32
    %get3A_453 = arith.index_cast %get3A_452 : i32 to index
    %get3A_454 = arith.constant 0 : index
    %get3A_455 = tpu.vector_load %arg10[%get3A_453, %get3A_454] {strides = array<i32>} : memref<16x64xf32, #tpu.memory_space<vmem>>, vector<1x16xf32>,
    %get3A_456 = vector.shape_cast %get3A_455 : vector<1x16xf32> to vector<16xf32>
    %get3A_457 = arith.constant 10 : i32
    %get3A_458 = arith.index_cast %get3A_457 : i32 to index
    %get3A_459 = arith.constant 0 : index
    %get3A_460 = tpu.vector_load %arg9[%get3A_458, %get3A_459] {strides = array<i32>} : memref<80x128xf32, #tpu.memory_space<vmem>>, vector<1x16xf32>,
    %get3A_461 = vector.shape_cast %get3A_460 : vector<1x16xf32> to vector<16xf32>
    %mul3A_462 = arith.mulf %get3A_431, %get3A_461 : vector<16xf32>
    %add3A_463 = arith.addf %get3A_456, %mul3A_462 : vector<16xf32>
    %get3A_464 = arith.constant 11 : i32
    %get3A_465 = arith.index_cast %get3A_464 : i32 to index
    %get3A_466 = arith.constant 0 : index
    %get3A_467 = tpu.vector_load %arg9[%get3A_465, %get3A_466] {strides = array<i32>} : memref<80x128xf32, #tpu.memory_space<vmem>>, vector<1x16xf32>,
    %get3A_468 = vector.shape_cast %get3A_467 : vector<1x16xf32> to vector<16xf32>
    %mul3A_469 = arith.mulf %get3A_436, %get3A_468 : vector<16xf32>
    %add3A_470 = arith.addf %add3A_463, %mul3A_469 : vector<16xf32>
    %get3A_471 = arith.constant 12 : i32
    %get3A_472 = arith.index_cast %get3A_471 : i32 to index
    %get3A_473 = arith.constant 0 : index
    %get3A_474 = tpu.vector_load %arg9[%get3A_472, %get3A_473] {strides = array<i32>} : memref<80x128xf32, #tpu.memory_space<vmem>>, vector<1x16xf32>,
    %get3A_475 = vector.shape_cast %get3A_474 : vector<1x16xf32> to vector<16xf32>
    %mul3A_476 = arith.mulf %get3A_441, %get3A_475 : vector<16xf32>
    %add3A_477 = arith.addf %add3A_470, %mul3A_476 : vector<16xf32>
    %get3A_478 = arith.constant 13 : i32
    %get3A_479 = arith.index_cast %get3A_478 : i32 to index
    %get3A_480 = arith.constant 0 : index
    %get3A_481 = tpu.vector_load %arg9[%get3A_479, %get3A_480] {strides = array<i32>} : memref<80x128xf32, #tpu.memory_space<vmem>>, vector<1x16xf32>,
    %get3A_482 = vector.shape_cast %get3A_481 : vector<1x16xf32> to vector<16xf32>
    %mul3A_483 = arith.mulf %get3A_446, %get3A_482 : vector<16xf32>
    %add3A_484 = arith.addf %add3A_477, %mul3A_483 : vector<16xf32>
    %get3A_485 = arith.constant 14 : i32
    %get3A_486 = arith.index_cast %get3A_485 : i32 to index
    %get3A_487 = arith.constant 0 : index
    %get3A_488 = tpu.vector_load %arg9[%get3A_486, %get3A_487] {strides = array<i32>} : memref<80x128xf32, #tpu.memory_space<vmem>>, vector<1x16xf32>,
    %get3A_489 = vector.shape_cast %get3A_488 : vector<1x16xf32> to vector<16xf32>
    %mul3A_490 = arith.mulf %get3A_451, %get3A_489 : vector<16xf32>
    %add3A_491 = arith.addf %add3A_484, %mul3A_490 : vector<16xf32>
    %swap3A_492 = arith.constant 2 : i32
    %swap3A_493 = arith.index_cast %swap3A_492 : i32 to index
    %swap3A_494 = arith.constant 0 : index
    %swap3A_495 = tpu.vector_load %arg10[%swap3A_493, %swap3A_494] {strides = array<i32>} : memref<16x64xf32, #tpu.memory_space<vmem>>, vector<1x16xf32>,
    %swap3A_496 = vector.shape_cast %swap3A_495 : vector<1x16xf32> to vector<16xf32>
    %swap3A_497 = vector.shape_cast %add3A_491 : vector<16xf32> to vector<1x16xf32>
    tpu.vector_store %arg10[%swap3A_493, %swap3A_494], %swap3A_497 {strides = array<i32>} : memref<16x64xf32, #tpu.memory_space<vmem>>, vector<1x16xf32>,
    %get3A_498 = arith.constant 2 : i32
    %get3A_499 = arith.index_cast %get3A_498 : i32 to index
    %get3A_500 = arith.constant 16 : index
    %get3A_501 = tpu.vector_load %arg10[%get3A_499, %get3A_500] {strides = array<i32>} : memref<16x64xf32, #tpu.memory_space<vmem>>, vector<1x16xf32>,
    %get3A_502 = vector.shape_cast %get3A_501 : vector<1x16xf32> to vector<16xf32>
    %get3A_503 = arith.constant 10 : i32
    %get3A_504 = arith.index_cast %get3A_503 : i32 to index
    %get3A_505 = arith.constant 16 : index
    %get3A_506 = tpu.vector_load %arg9[%get3A_504, %get3A_505] {strides = array<i32>} : memref<80x128xf32, #tpu.memory_space<vmem>>, vector<1x16xf32>,
    %get3A_507 = vector.shape_cast %get3A_506 : vector<1x16xf32> to vector<16xf32>
    %mul3A_508 = arith.mulf %get3A_431, %get3A_507 : vector<16xf32>
    %add3A_509 = arith.addf %get3A_502, %mul3A_508 : vector<16xf32>
    %get3A_510 = arith.constant 11 : i32
    %get3A_511 = arith.index_cast %get3A_510 : i32 to index
    %get3A_512 = arith.constant 16 : index
    %get3A_513 = tpu.vector_load %arg9[%get3A_511, %get3A_512] {strides = array<i32>} : memref<80x128xf32, #tpu.memory_space<vmem>>, vector<1x16xf32>,
    %get3A_514 = vector.shape_cast %get3A_513 : vector<1x16xf32> to vector<16xf32>
    %mul3A_515 = arith.mulf %get3A_436, %get3A_514 : vector<16xf32>
    %add3A_516 = arith.addf %add3A_509, %mul3A_515 : vector<16xf32>
    %get3A_517 = arith.constant 12 : i32
    %get3A_518 = arith.index_cast %get3A_517 : i32 to index
    %get3A_519 = arith.constant 16 : index
    %get3A_520 = tpu.vector_load %arg9[%get3A_518, %get3A_519] {strides = array<i32>} : memref<80x128xf32, #tpu.memory_space<vmem>>, vector<1x16xf32>,
    %get3A_521 = vector.shape_cast %get3A_520 : vector<1x16xf32> to vector<16xf32>
    %mul3A_522 = arith.mulf %get3A_441, %get3A_521 : vector<16xf32>
    %add3A_523 = arith.addf %add3A_516, %mul3A_522 : vector<16xf32>
    %get3A_524 = arith.constant 13 : i32
    %get3A_525 = arith.index_cast %get3A_524 : i32 to index
    %get3A_526 = arith.constant 16 : index
    %get3A_527 = tpu.vector_load %arg9[%get3A_525, %get3A_526] {strides = array<i32>} : memref<80x128xf32, #tpu.memory_space<vmem>>, vector<1x16xf32>,
    %get3A_528 = vector.shape_cast %get3A_527 : vector<1x16xf32> to vector<16xf32>
    %mul3A_529 = arith.mulf %get3A_446, %get3A_528 : vector<16xf32>
    %add3A_530 = arith.addf %add3A_523, %mul3A_529 : vector<16xf32>
    %get3A_531 = arith.constant 14 : i32
    %get3A_532 = arith.index_cast %get3A_531 : i32 to index
    %get3A_533 = arith.constant 16 : index
    %get3A_534 = tpu.vector_load %arg9[%get3A_532, %get3A_533] {strides = array<i32>} : memref<80x128xf32, #tpu.memory_space<vmem>>, vector<1x16xf32>,
    %get3A_535 = vector.shape_cast %get3A_534 : vector<1x16xf32> to vector<16xf32>
    %mul3A_536 = arith.mulf %get3A_451, %get3A_535 : vector<16xf32>
    %add3A_537 = arith.addf %add3A_530, %mul3A_536 : vector<16xf32>
    %swap3A_538 = arith.constant 2 : i32
    %swap3A_539 = arith.index_cast %swap3A_538 : i32 to index
    %swap3A_540 = arith.constant 16 : index
    %swap3A_541 = tpu.vector_load %arg10[%swap3A_539, %swap3A_540] {strides = array<i32>} : memref<16x64xf32, #tpu.memory_space<vmem>>, vector<1x16xf32>,
    %swap3A_542 = vector.shape_cast %swap3A_541 : vector<1x16xf32> to vector<16xf32>
    %swap3A_543 = vector.shape_cast %add3A_537 : vector<16xf32> to vector<1x16xf32>
    tpu.vector_store %arg10[%swap3A_539, %swap3A_540], %swap3A_543 {strides = array<i32>} : memref<16x64xf32, #tpu.memory_space<vmem>>, vector<1x16xf32>,
    %get3A_544 = arith.constant 2 : i32
    %get3A_545 = arith.index_cast %get3A_544 : i32 to index
    %get3A_546 = arith.constant 32 : index
    %get3A_547 = tpu.vector_load %arg10[%get3A_545, %get3A_546] {strides = array<i32>} : memref<16x64xf32, #tpu.memory_space<vmem>>, vector<1x16xf32>,
    %get3A_548 = vector.shape_cast %get3A_547 : vector<1x16xf32> to vector<16xf32>
    %get3A_549 = arith.constant 10 : i32
    %get3A_550 = arith.index_cast %get3A_549 : i32 to index
    %get3A_551 = arith.constant 32 : index
    %get3A_552 = tpu.vector_load %arg9[%get3A_550, %get3A_551] {strides = array<i32>} : memref<80x128xf32, #tpu.memory_space<vmem>>, vector<1x16xf32>,
    %get3A_553 = vector.shape_cast %get3A_552 : vector<1x16xf32> to vector<16xf32>
    %mul3A_554 = arith.mulf %get3A_431, %get3A_553 : vector<16xf32>
    %add3A_555 = arith.addf %get3A_548, %mul3A_554 : vector<16xf32>
    %get3A_556 = arith.constant 11 : i32
    %get3A_557 = arith.index_cast %get3A_556 : i32 to index
    %get3A_558 = arith.constant 32 : index
    %get3A_559 = tpu.vector_load %arg9[%get3A_557, %get3A_558] {strides = array<i32>} : memref<80x128xf32, #tpu.memory_space<vmem>>, vector<1x16xf32>,
    %get3A_560 = vector.shape_cast %get3A_559 : vector<1x16xf32> to vector<16xf32>
    %mul3A_561 = arith.mulf %get3A_436, %get3A_560 : vector<16xf32>
    %add3A_562 = arith.addf %add3A_555, %mul3A_561 : vector<16xf32>
    %get3A_563 = arith.constant 12 : i32
    %get3A_564 = arith.index_cast %get3A_563 : i32 to index
    %get3A_565 = arith.constant 32 : index
    %get3A_566 = tpu.vector_load %arg9[%get3A_564, %get3A_565] {strides = array<i32>} : memref<80x128xf32, #tpu.memory_space<vmem>>, vector<1x16xf32>,
    %get3A_567 = vector.shape_cast %get3A_566 : vector<1x16xf32> to vector<16xf32>
    %mul3A_568 = arith.mulf %get3A_441, %get3A_567 : vector<16xf32>
    %add3A_569 = arith.addf %add3A_562, %mul3A_568 : vector<16xf32>
    %get3A_570 = arith.constant 13 : i32
    %get3A_571 = arith.index_cast %get3A_570 : i32 to index
    %get3A_572 = arith.constant 32 : index
    %get3A_573 = tpu.vector_load %arg9[%get3A_571, %get3A_572] {strides = array<i32>} : memref<80x128xf32, #tpu.memory_space<vmem>>, vector<1x16xf32>,
    %get3A_574 = vector.shape_cast %get3A_573 : vector<1x16xf32> to vector<16xf32>
    %mul3A_575 = arith.mulf %get3A_446, %get3A_574 : vector<16xf32>
    %add3A_576 = arith.addf %add3A_569, %mul3A_575 : vector<16xf32>
    %get3A_577 = arith.constant 14 : i32
    %get3A_578 = arith.index_cast %get3A_577 : i32 to index
    %get3A_579 = arith.constant 32 : index
    %get3A_580 = tpu.vector_load %arg9[%get3A_578, %get3A_579] {strides = array<i32>} : memref<80x128xf32, #tpu.memory_space<vmem>>, vector<1x16xf32>,
    %get3A_581 = vector.shape_cast %get3A_580 : vector<1x16xf32> to vector<16xf32>
    %mul3A_582 = arith.mulf %get3A_451, %get3A_581 : vector<16xf32>
    %add3A_583 = arith.addf %add3A_576, %mul3A_582 : vector<16xf32>
    %swap3A_584 = arith.constant 2 : i32
    %swap3A_585 = arith.index_cast %swap3A_584 : i32 to index
    %swap3A_586 = arith.constant 32 : index
    %swap3A_587 = tpu.vector_load %arg10[%swap3A_585, %swap3A_586] {strides = array<i32>} : memref<16x64xf32, #tpu.memory_space<vmem>>, vector<1x16xf32>,
    %swap3A_588 = vector.shape_cast %swap3A_587 : vector<1x16xf32> to vector<16xf32>
    %swap3A_589 = vector.shape_cast %add3A_583 : vector<16xf32> to vector<1x16xf32>
    tpu.vector_store %arg10[%swap3A_585, %swap3A_586], %swap3A_589 {strides = array<i32>} : memref<16x64xf32, #tpu.memory_space<vmem>>, vector<1x16xf32>,
    %get3A_590 = arith.constant 2 : i32
    %get3A_591 = arith.index_cast %get3A_590 : i32 to index
    %get3A_592 = arith.constant 48 : index
    %get3A_593 = tpu.vector_load %arg10[%get3A_591, %get3A_592] {strides = array<i32>} : memref<16x64xf32, #tpu.memory_space<vmem>>, vector<1x16xf32>,
    %get3A_594 = vector.shape_cast %get3A_593 : vector<1x16xf32> to vector<16xf32>
    %get3A_595 = arith.constant 10 : i32
    %get3A_596 = arith.index_cast %get3A_595 : i32 to index
    %get3A_597 = arith.constant 48 : index
    %get3A_598 = tpu.vector_load %arg9[%get3A_596, %get3A_597] {strides = array<i32>} : memref<80x128xf32, #tpu.memory_space<vmem>>, vector<1x16xf32>,
    %get3A_599 = vector.shape_cast %get3A_598 : vector<1x16xf32> to vector<16xf32>
    %mul3A_600 = arith.mulf %get3A_431, %get3A_599 : vector<16xf32>
    %add3A_601 = arith.addf %get3A_594, %mul3A_600 : vector<16xf32>
    %get3A_602 = arith.constant 11 : i32
    %get3A_603 = arith.index_cast %get3A_602 : i32 to index
    %get3A_604 = arith.constant 48 : index
    %get3A_605 = tpu.vector_load %arg9[%get3A_603, %get3A_604] {strides = array<i32>} : memref<80x128xf32, #tpu.memory_space<vmem>>, vector<1x16xf32>,
    %get3A_606 = vector.shape_cast %get3A_605 : vector<1x16xf32> to vector<16xf32>
    %mul3A_607 = arith.mulf %get3A_436, %get3A_606 : vector<16xf32>
    %add3A_608 = arith.addf %add3A_601, %mul3A_607 : vector<16xf32>
    %get3A_609 = arith.constant 12 : i32
    %get3A_610 = arith.index_cast %get3A_609 : i32 to index
    %get3A_611 = arith.constant 48 : index
    %get3A_612 = tpu.vector_load %arg9[%get3A_610, %get3A_611] {strides = array<i32>} : memref<80x128xf32, #tpu.memory_space<vmem>>, vector<1x16xf32>,
    %get3A_613 = vector.shape_cast %get3A_612 : vector<1x16xf32> to vector<16xf32>
    %mul3A_614 = arith.mulf %get3A_441, %get3A_613 : vector<16xf32>
    %add3A_615 = arith.addf %add3A_608, %mul3A_614 : vector<16xf32>
    %get3A_616 = arith.constant 13 : i32
    %get3A_617 = arith.index_cast %get3A_616 : i32 to index
    %get3A_618 = arith.constant 48 : index
    %get3A_619 = tpu.vector_load %arg9[%get3A_617, %get3A_618] {strides = array<i32>} : memref<80x128xf32, #tpu.memory_space<vmem>>, vector<1x16xf32>,
    %get3A_620 = vector.shape_cast %get3A_619 : vector<1x16xf32> to vector<16xf32>
    %mul3A_621 = arith.mulf %get3A_446, %get3A_620 : vector<16xf32>
    %add3A_622 = arith.addf %add3A_615, %mul3A_621 : vector<16xf32>
    %get3A_623 = arith.constant 14 : i32
    %get3A_624 = arith.index_cast %get3A_623 : i32 to index
    %get3A_625 = arith.constant 48 : index
    %get3A_626 = tpu.vector_load %arg9[%get3A_624, %get3A_625] {strides = array<i32>} : memref<80x128xf32, #tpu.memory_space<vmem>>, vector<1x16xf32>,
    %get3A_627 = vector.shape_cast %get3A_626 : vector<1x16xf32> to vector<16xf32>
    %mul3A_628 = arith.mulf %get3A_451, %get3A_627 : vector<16xf32>
    %add3A_629 = arith.addf %add3A_622, %mul3A_628 : vector<16xf32>
    %swap3A_630 = arith.constant 2 : i32
    %swap3A_631 = arith.index_cast %swap3A_630 : i32 to index
    %swap3A_632 = arith.constant 48 : index
    %swap3A_633 = tpu.vector_load %arg10[%swap3A_631, %swap3A_632] {strides = array<i32>} : memref<16x64xf32, #tpu.memory_space<vmem>>, vector<1x16xf32>,
    %swap3A_634 = vector.shape_cast %swap3A_633 : vector<1x16xf32> to vector<16xf32>
    %swap3A_635 = vector.shape_cast %add3A_629 : vector<16xf32> to vector<1x16xf32>
    tpu.vector_store %arg10[%swap3A_631, %swap3A_632], %swap3A_635 {strides = array<i32>} : memref<16x64xf32, #tpu.memory_space<vmem>>, vector<1x16xf32>,
    %get3A_636 = arith.constant 15 : i32
    %get3A_637 = arith.index_cast %get3A_636 : i32 to index
    %get3A_638 = arith.constant 0 : index
    %get3A_639 = tpu.vector_load %arg8[%get3A_637, %get3A_638] {strides = array<i32>} : memref<80x16xf32, #tpu.memory_space<vmem>>, vector<1x16xf32>,
    %get3A_640 = vector.shape_cast %get3A_639 : vector<1x16xf32> to vector<16xf32>
    %get3A_641 = arith.constant 16 : i32
    %get3A_642 = arith.index_cast %get3A_641 : i32 to index
    %get3A_643 = arith.constant 0 : index
    %get3A_644 = tpu.vector_load %arg8[%get3A_642, %get3A_643] {strides = array<i32>} : memref<80x16xf32, #tpu.memory_space<vmem>>, vector<1x16xf32>,
    %get3A_645 = vector.shape_cast %get3A_644 : vector<1x16xf32> to vector<16xf32>
    %get3A_646 = arith.constant 17 : i32
    %get3A_647 = arith.index_cast %get3A_646 : i32 to index
    %get3A_648 = arith.constant 0 : index
    %get3A_649 = tpu.vector_load %arg8[%get3A_647, %get3A_648] {strides = array<i32>} : memref<80x16xf32, #tpu.memory_space<vmem>>, vector<1x16xf32>,
    %get3A_650 = vector.shape_cast %get3A_649 : vector<1x16xf32> to vector<16xf32>
    %get3A_651 = arith.constant 18 : i32
    %get3A_652 = arith.index_cast %get3A_651 : i32 to index
    %get3A_653 = arith.constant 0 : index
    %get3A_654 = tpu.vector_load %arg8[%get3A_652, %get3A_653] {strides = array<i32>} : memref<80x16xf32, #tpu.memory_space<vmem>>, vector<1x16xf32>,
    %get3A_655 = vector.shape_cast %get3A_654 : vector<1x16xf32> to vector<16xf32>
    %get3A_656 = arith.constant 19 : i32
    %get3A_657 = arith.index_cast %get3A_656 : i32 to index
    %get3A_658 = arith.constant 0 : index
    %get3A_659 = tpu.vector_load %arg8[%get3A_657, %get3A_658] {strides = array<i32>} : memref<80x16xf32, #tpu.memory_space<vmem>>, vector<1x16xf32>,
    %get3A_660 = vector.shape_cast %get3A_659 : vector<1x16xf32> to vector<16xf32>
    %get3A_661 = arith.constant 3 : i32
    %get3A_662 = arith.index_cast %get3A_661 : i32 to index
    %get3A_663 = arith.constant 0 : index
    %get3A_664 = tpu.vector_load %arg10[%get3A_662, %get3A_663] {strides = array<i32>} : memref<16x64xf32, #tpu.memory_space<vmem>>, vector<1x16xf32>,
    %get3A_665 = vector.shape_cast %get3A_664 : vector<1x16xf32> to vector<16xf32>
    %get3A_666 = arith.constant 15 : i32
    %get3A_667 = arith.index_cast %get3A_666 : i32 to index
    %get3A_668 = arith.constant 0 : index
    %get3A_669 = tpu.vector_load %arg9[%get3A_667, %get3A_668] {strides = array<i32>} : memref<80x128xf32, #tpu.memory_space<vmem>>, vector<1x16xf32>,
    %get3A_670 = vector.shape_cast %get3A_669 : vector<1x16xf32> to vector<16xf32>
    %mul3A_671 = arith.mulf %get3A_640, %get3A_670 : vector<16xf32>
    %add3A_672 = arith.addf %get3A_665, %mul3A_671 : vector<16xf32>
    %get3A_673 = arith.constant 16 : i32
    %get3A_674 = arith.index_cast %get3A_673 : i32 to index
    %get3A_675 = arith.constant 0 : index
    %get3A_676 = tpu.vector_load %arg9[%get3A_674, %get3A_675] {strides = array<i32>} : memref<80x128xf32, #tpu.memory_space<vmem>>, vector<1x16xf32>,
    %get3A_677 = vector.shape_cast %get3A_676 : vector<1x16xf32> to vector<16xf32>
    %mul3A_678 = arith.mulf %get3A_645, %get3A_677 : vector<16xf32>
    %add3A_679 = arith.addf %add3A_672, %mul3A_678 : vector<16xf32>
    %get3A_680 = arith.constant 17 : i32
    %get3A_681 = arith.index_cast %get3A_680 : i32 to index
    %get3A_682 = arith.constant 0 : index
    %get3A_683 = tpu.vector_load %arg9[%get3A_681, %get3A_682] {strides = array<i32>} : memref<80x128xf32, #tpu.memory_space<vmem>>, vector<1x16xf32>,
    %get3A_684 = vector.shape_cast %get3A_683 : vector<1x16xf32> to vector<16xf32>
    %mul3A_685 = arith.mulf %get3A_650, %get3A_684 : vector<16xf32>
    %add3A_686 = arith.addf %add3A_679, %mul3A_685 : vector<16xf32>
    %get3A_687 = arith.constant 18 : i32
    %get3A_688 = arith.index_cast %get3A_687 : i32 to index
    %get3A_689 = arith.constant 0 : index
    %get3A_690 = tpu.vector_load %arg9[%get3A_688, %get3A_689] {strides = array<i32>} : memref<80x128xf32, #tpu.memory_space<vmem>>, vector<1x16xf32>,
    %get3A_691 = vector.shape_cast %get3A_690 : vector<1x16xf32> to vector<16xf32>
    %mul3A_692 = arith.mulf %get3A_655, %get3A_691 : vector<16xf32>
    %add3A_693 = arith.addf %add3A_686, %mul3A_692 : vector<16xf32>
    %get3A_694 = arith.constant 19 : i32
    %get3A_695 = arith.index_cast %get3A_694 : i32 to index
    %get3A_696 = arith.constant 0 : index
    %get3A_697 = tpu.vector_load %arg9[%get3A_695, %get3A_696] {strides = array<i32>} : memref<80x128xf32, #tpu.memory_space<vmem>>, vector<1x16xf32>,
    %get3A_698 = vector.shape_cast %get3A_697 : vector<1x16xf32> to vector<16xf32>
    %mul3A_699 = arith.mulf %get3A_660, %get3A_698 : vector<16xf32>
    %add3A_700 = arith.addf %add3A_693, %mul3A_699 : vector<16xf32>
    %swap3A_701 = arith.constant 3 : i32
    %swap3A_702 = arith.index_cast %swap3A_701 : i32 to index
    %swap3A_703 = arith.constant 0 : index
    %swap3A_704 = tpu.vector_load %arg10[%swap3A_702, %swap3A_703] {strides = array<i32>} : memref<16x64xf32, #tpu.memory_space<vmem>>, vector<1x16xf32>,
    %swap3A_705 = vector.shape_cast %swap3A_704 : vector<1x16xf32> to vector<16xf32>
    %swap3A_706 = vector.shape_cast %add3A_700 : vector<16xf32> to vector<1x16xf32>
    tpu.vector_store %arg10[%swap3A_702, %swap3A_703], %swap3A_706 {strides = array<i32>} : memref<16x64xf32, #tpu.memory_space<vmem>>, vector<1x16xf32>,
    %get3A_707 = arith.constant 3 : i32
    %get3A_708 = arith.index_cast %get3A_707 : i32 to index
    %get3A_709 = arith.constant 16 : index
    %get3A_710 = tpu.vector_load %arg10[%get3A_708, %get3A_709] {strides = array<i32>} : memref<16x64xf32, #tpu.memory_space<vmem>>, vector<1x16xf32>,
    %get3A_711 = vector.shape_cast %get3A_710 : vector<1x16xf32> to vector<16xf32>
    %get3A_712 = arith.constant 15 : i32
    %get3A_713 = arith.index_cast %get3A_712 : i32 to index
    %get3A_714 = arith.constant 16 : index
    %get3A_715 = tpu.vector_load %arg9[%get3A_713, %get3A_714] {strides = array<i32>} : memref<80x128xf32, #tpu.memory_space<vmem>>, vector<1x16xf32>,
    %get3A_716 = vector.shape_cast %get3A_715 : vector<1x16xf32> to vector<16xf32>
    %mul3A_717 = arith.mulf %get3A_640, %get3A_716 : vector<16xf32>
    %add3A_718 = arith.addf %get3A_711, %mul3A_717 : vector<16xf32>
    %get3A_719 = arith.constant 16 : i32
    %get3A_720 = arith.index_cast %get3A_719 : i32 to index
    %get3A_721 = arith.constant 16 : index
    %get3A_722 = tpu.vector_load %arg9[%get3A_720, %get3A_721] {strides = array<i32>} : memref<80x128xf32, #tpu.memory_space<vmem>>, vector<1x16xf32>,
    %get3A_723 = vector.shape_cast %get3A_722 : vector<1x16xf32> to vector<16xf32>
    %mul3A_724 = arith.mulf %get3A_645, %get3A_723 : vector<16xf32>
    %add3A_725 = arith.addf %add3A_718, %mul3A_724 : vector<16xf32>
    %get3A_726 = arith.constant 17 : i32
    %get3A_727 = arith.index_cast %get3A_726 : i32 to index
    %get3A_728 = arith.constant 16 : index
    %get3A_729 = tpu.vector_load %arg9[%get3A_727, %get3A_728] {strides = array<i32>} : memref<80x128xf32, #tpu.memory_space<vmem>>, vector<1x16xf32>,
    %get3A_730 = vector.shape_cast %get3A_729 : vector<1x16xf32> to vector<16xf32>
    %mul3A_731 = arith.mulf %get3A_650, %get3A_730 : vector<16xf32>
    %add3A_732 = arith.addf %add3A_725, %mul3A_731 : vector<16xf32>
    %get3A_733 = arith.constant 18 : i32
    %get3A_734 = arith.index_cast %get3A_733 : i32 to index
    %get3A_735 = arith.constant 16 : index
    %get3A_736 = tpu.vector_load %arg9[%get3A_734, %get3A_735] {strides = array<i32>} : memref<80x128xf32, #tpu.memory_space<vmem>>, vector<1x16xf32>,
    %get3A_737 = vector.shape_cast %get3A_736 : vector<1x16xf32> to vector<16xf32>
    %mul3A_738 = arith.mulf %get3A_655, %get3A_737 : vector<16xf32>
    %add3A_739 = arith.addf %add3A_732, %mul3A_738 : vector<16xf32>
    %get3A_740 = arith.constant 19 : i32
    %get3A_741 = arith.index_cast %get3A_740 : i32 to index
    %get3A_742 = arith.constant 16 : index
    %get3A_743 = tpu.vector_load %arg9[%get3A_741, %get3A_742] {strides = array<i32>} : memref<80x128xf32, #tpu.memory_space<vmem>>, vector<1x16xf32>,
    %get3A_744 = vector.shape_cast %get3A_743 : vector<1x16xf32> to vector<16xf32>
    %mul3A_745 = arith.mulf %get3A_660, %get3A_744 : vector<16xf32>
    %add3A_746 = arith.addf %add3A_739, %mul3A_745 : vector<16xf32>
    %swap3A_747 = arith.constant 3 : i32
    %swap3A_748 = arith.index_cast %swap3A_747 : i32 to index
    %swap3A_749 = arith.constant 16 : index
    %swap3A_750 = tpu.vector_load %arg10[%swap3A_748, %swap3A_749] {strides = array<i32>} : memref<16x64xf32, #tpu.memory_space<vmem>>, vector<1x16xf32>,
    %swap3A_751 = vector.shape_cast %swap3A_750 : vector<1x16xf32> to vector<16xf32>
    %swap3A_752 = vector.shape_cast %add3A_746 : vector<16xf32> to vector<1x16xf32>
    tpu.vector_store %arg10[%swap3A_748, %swap3A_749], %swap3A_752 {strides = array<i32>} : memref<16x64xf32, #tpu.memory_space<vmem>>, vector<1x16xf32>,
    %get3A_753 = arith.constant 3 : i32
    %get3A_754 = arith.index_cast %get3A_753 : i32 to index
    %get3A_755 = arith.constant 32 : index
    %get3A_756 = tpu.vector_load %arg10[%get3A_754, %get3A_755] {strides = array<i32>} : memref<16x64xf32, #tpu.memory_space<vmem>>, vector<1x16xf32>,
    %get3A_757 = vector.shape_cast %get3A_756 : vector<1x16xf32> to vector<16xf32>
    %get3A_758 = arith.constant 15 : i32
    %get3A_759 = arith.index_cast %get3A_758 : i32 to index
    %get3A_760 = arith.constant 32 : index
    %get3A_761 = tpu.vector_load %arg9[%get3A_759, %get3A_760] {strides = array<i32>} : memref<80x128xf32, #tpu.memory_space<vmem>>, vector<1x16xf32>,
    %get3A_762 = vector.shape_cast %get3A_761 : vector<1x16xf32> to vector<16xf32>
    %mul3A_763 = arith.mulf %get3A_640, %get3A_762 : vector<16xf32>
    %add3A_764 = arith.addf %get3A_757, %mul3A_763 : vector<16xf32>
    %get3A_765 = arith.constant 16 : i32
    %get3A_766 = arith.index_cast %get3A_765 : i32 to index
    %get3A_767 = arith.constant 32 : index
    %get3A_768 = tpu.vector_load %arg9[%get3A_766, %get3A_767] {strides = array<i32>} : memref<80x128xf32, #tpu.memory_space<vmem>>, vector<1x16xf32>,
    %get3A_769 = vector.shape_cast %get3A_768 : vector<1x16xf32> to vector<16xf32>
    %mul3A_770 = arith.mulf %get3A_645, %get3A_769 : vector<16xf32>
    %add3A_771 = arith.addf %add3A_764, %mul3A_770 : vector<16xf32>
    %get3A_772 = arith.constant 17 : i32
    %get3A_773 = arith.index_cast %get3A_772 : i32 to index
    %get3A_774 = arith.constant 32 : index
    %get3A_775 = tpu.vector_load %arg9[%get3A_773, %get3A_774] {strides = array<i32>} : memref<80x128xf32, #tpu.memory_space<vmem>>, vector<1x16xf32>,
    %get3A_776 = vector.shape_cast %get3A_775 : vector<1x16xf32> to vector<16xf32>
    %mul3A_777 = arith.mulf %get3A_650, %get3A_776 : vector<16xf32>
    %add3A_778 = arith.addf %add3A_771, %mul3A_777 : vector<16xf32>
    %get3A_779 = arith.constant 18 : i32
    %get3A_780 = arith.index_cast %get3A_779 : i32 to index
    %get3A_781 = arith.constant 32 : index
    %get3A_782 = tpu.vector_load %arg9[%get3A_780, %get3A_781] {strides = array<i32>} : memref<80x128xf32, #tpu.memory_space<vmem>>, vector<1x16xf32>,
    %get3A_783 = vector.shape_cast %get3A_782 : vector<1x16xf32> to vector<16xf32>
    %mul3A_784 = arith.mulf %get3A_655, %get3A_783 : vector<16xf32>
    %add3A_785 = arith.addf %add3A_778, %mul3A_784 : vector<16xf32>
    %get3A_786 = arith.constant 19 : i32
    %get3A_787 = arith.index_cast %get3A_786 : i32 to index
    %get3A_788 = arith.constant 32 : index
    %get3A_789 = tpu.vector_load %arg9[%get3A_787, %get3A_788] {strides = array<i32>} : memref<80x128xf32, #tpu.memory_space<vmem>>, vector<1x16xf32>,
    %get3A_790 = vector.shape_cast %get3A_789 : vector<1x16xf32> to vector<16xf32>
    %mul3A_791 = arith.mulf %get3A_660, %get3A_790 : vector<16xf32>
    %add3A_792 = arith.addf %add3A_785, %mul3A_791 : vector<16xf32>
    %swap3A_793 = arith.constant 3 : i32
    %swap3A_794 = arith.index_cast %swap3A_793 : i32 to index
    %swap3A_795 = arith.constant 32 : index
    %swap3A_796 = tpu.vector_load %arg10[%swap3A_794, %swap3A_795] {strides = array<i32>} : memref<16x64xf32, #tpu.memory_space<vmem>>, vector<1x16xf32>,
    %swap3A_797 = vector.shape_cast %swap3A_796 : vector<1x16xf32> to vector<16xf32>
    %swap3A_798 = vector.shape_cast %add3A_792 : vector<16xf32> to vector<1x16xf32>
    tpu.vector_store %arg10[%swap3A_794, %swap3A_795], %swap3A_798 {strides = array<i32>} : memref<16x64xf32, #tpu.memory_space<vmem>>, vector<1x16xf32>,
    %get3A_799 = arith.constant 3 : i32
    %get3A_800 = arith.index_cast %get3A_799 : i32 to index
    %get3A_801 = arith.constant 48 : index
    %get3A_802 = tpu.vector_load %arg10[%get3A_800, %get3A_801] {strides = array<i32>} : memref<16x64xf32, #tpu.memory_space<vmem>>, vector<1x16xf32>,
    %get3A_803 = vector.shape_cast %get3A_802 : vector<1x16xf32> to vector<16xf32>
    %get3A_804 = arith.constant 15 : i32
    %get3A_805 = arith.index_cast %get3A_804 : i32 to index
    %get3A_806 = arith.constant 48 : index
    %get3A_807 = tpu.vector_load %arg9[%get3A_805, %get3A_806] {strides = array<i32>} : memref<80x128xf32, #tpu.memory_space<vmem>>, vector<1x16xf32>,
    %get3A_808 = vector.shape_cast %get3A_807 : vector<1x16xf32> to vector<16xf32>
    %mul3A_809 = arith.mulf %get3A_640, %get3A_808 : vector<16xf32>
    %add3A_810 = arith.addf %get3A_803, %mul3A_809 : vector<16xf32>
    %get3A_811 = arith.constant 16 : i32
    %get3A_812 = arith.index_cast %get3A_811 : i32 to index
    %get3A_813 = arith.constant 48 : index
    %get3A_814 = tpu.vector_load %arg9[%get3A_812, %get3A_813] {strides = array<i32>} : memref<80x128xf32, #tpu.memory_space<vmem>>, vector<1x16xf32>,
    %get3A_815 = vector.shape_cast %get3A_814 : vector<1x16xf32> to vector<16xf32>
    %mul3A_816 = arith.mulf %get3A_645, %get3A_815 : vector<16xf32>
    %add3A_817 = arith.addf %add3A_810, %mul3A_816 : vector<16xf32>
    %get3A_818 = arith.constant 17 : i32
    %get3A_819 = arith.index_cast %get3A_818 : i32 to index
    %get3A_820 = arith.constant 48 : index
    %get3A_821 = tpu.vector_load %arg9[%get3A_819, %get3A_820] {strides = array<i32>} : memref<80x128xf32, #tpu.memory_space<vmem>>, vector<1x16xf32>,
    %get3A_822 = vector.shape_cast %get3A_821 : vector<1x16xf32> to vector<16xf32>
    %mul3A_823 = arith.mulf %get3A_650, %get3A_822 : vector<16xf32>
    %add3A_824 = arith.addf %add3A_817, %mul3A_823 : vector<16xf32>
    %get3A_825 = arith.constant 18 : i32
    %get3A_826 = arith.index_cast %get3A_825 : i32 to index
    %get3A_827 = arith.constant 48 : index
    %get3A_828 = tpu.vector_load %arg9[%get3A_826, %get3A_827] {strides = array<i32>} : memref<80x128xf32, #tpu.memory_space<vmem>>, vector<1x16xf32>,
    %get3A_829 = vector.shape_cast %get3A_828 : vector<1x16xf32> to vector<16xf32>
    %mul3A_830 = arith.mulf %get3A_655, %get3A_829 : vector<16xf32>
    %add3A_831 = arith.addf %add3A_824, %mul3A_830 : vector<16xf32>
    %get3A_832 = arith.constant 19 : i32
    %get3A_833 = arith.index_cast %get3A_832 : i32 to index
    %get3A_834 = arith.constant 48 : index
    %get3A_835 = tpu.vector_load %arg9[%get3A_833, %get3A_834] {strides = array<i32>} : memref<80x128xf32, #tpu.memory_space<vmem>>, vector<1x16xf32>,
    %get3A_836 = vector.shape_cast %get3A_835 : vector<1x16xf32> to vector<16xf32>
    %mul3A_837 = arith.mulf %get3A_660, %get3A_836 : vector<16xf32>
    %add3A_838 = arith.addf %add3A_831, %mul3A_837 : vector<16xf32>
    %swap3A_839 = arith.constant 3 : i32
    %swap3A_840 = arith.index_cast %swap3A_839 : i32 to index
    %swap3A_841 = arith.constant 48 : index
    %swap3A_842 = tpu.vector_load %arg10[%swap3A_840, %swap3A_841] {strides = array<i32>} : memref<16x64xf32, #tpu.memory_space<vmem>>, vector<1x16xf32>,
    %swap3A_843 = vector.shape_cast %swap3A_842 : vector<1x16xf32> to vector<16xf32>
    %swap3A_844 = vector.shape_cast %add3A_838 : vector<16xf32> to vector<1x16xf32>
    tpu.vector_store %arg10[%swap3A_840, %swap3A_841], %swap3A_844 {strides = array<i32>} : memref<16x64xf32, #tpu.memory_space<vmem>>, vector<1x16xf32>,
    %get3A_845 = arith.constant 20 : i32
    %get3A_846 = arith.index_cast %get3A_845 : i32 to index
    %get3A_847 = arith.constant 0 : index
    %get3A_848 = tpu.vector_load %arg8[%get3A_846, %get3A_847] {strides = array<i32>} : memref<80x16xf32, #tpu.memory_space<vmem>>, vector<1x16xf32>,
    %get3A_849 = vector.shape_cast %get3A_848 : vector<1x16xf32> to vector<16xf32>
    %get3A_850 = arith.constant 21 : i32
    %get3A_851 = arith.index_cast %get3A_850 : i32 to index
    %get3A_852 = arith.constant 0 : index
    %get3A_853 = tpu.vector_load %arg8[%get3A_851, %get3A_852] {strides = array<i32>} : memref<80x16xf32, #tpu.memory_space<vmem>>, vector<1x16xf32>,
    %get3A_854 = vector.shape_cast %get3A_853 : vector<1x16xf32> to vector<16xf32>
    %get3A_855 = arith.constant 22 : i32
    %get3A_856 = arith.index_cast %get3A_855 : i32 to index
    %get3A_857 = arith.constant 0 : index
    %get3A_858 = tpu.vector_load %arg8[%get3A_856, %get3A_857] {strides = array<i32>} : memref<80x16xf32, #tpu.memory_space<vmem>>, vector<1x16xf32>,
    %get3A_859 = vector.shape_cast %get3A_858 : vector<1x16xf32> to vector<16xf32>
    %get3A_860 = arith.constant 23 : i32
    %get3A_861 = arith.index_cast %get3A_860 : i32 to index
    %get3A_862 = arith.constant 0 : index
    %get3A_863 = tpu.vector_load %arg8[%get3A_861, %get3A_862] {strides = array<i32>} : memref<80x16xf32, #tpu.memory_space<vmem>>, vector<1x16xf32>,
    %get3A_864 = vector.shape_cast %get3A_863 : vector<1x16xf32> to vector<16xf32>
    %get3A_865 = arith.constant 24 : i32
    %get3A_866 = arith.index_cast %get3A_865 : i32 to index
    %get3A_867 = arith.constant 0 : index
    %get3A_868 = tpu.vector_load %arg8[%get3A_866, %get3A_867] {strides = array<i32>} : memref<80x16xf32, #tpu.memory_space<vmem>>, vector<1x16xf32>,
    %get3A_869 = vector.shape_cast %get3A_868 : vector<1x16xf32> to vector<16xf32>
    %get3A_870 = arith.constant 4 : i32
    %get3A_871 = arith.index_cast %get3A_870 : i32 to index
    %get3A_872 = arith.constant 0 : index
    %get3A_873 = tpu.vector_load %arg10[%get3A_871, %get3A_872] {strides = array<i32>} : memref<16x64xf32, #tpu.memory_space<vmem>>, vector<1x16xf32>,
    %get3A_874 = vector.shape_cast %get3A_873 : vector<1x16xf32> to vector<16xf32>
    %get3A_875 = arith.constant 20 : i32
    %get3A_876 = arith.index_cast %get3A_875 : i32 to index
    %get3A_877 = arith.constant 0 : index
    %get3A_878 = tpu.vector_load %arg9[%get3A_876, %get3A_877] {strides = array<i32>} : memref<80x128xf32, #tpu.memory_space<vmem>>, vector<1x16xf32>,
    %get3A_879 = vector.shape_cast %get3A_878 : vector<1x16xf32> to vector<16xf32>
    %mul3A_880 = arith.mulf %get3A_849, %get3A_879 : vector<16xf32>
    %add3A_881 = arith.addf %get3A_874, %mul3A_880 : vector<16xf32>
    %get3A_882 = arith.constant 21 : i32
    %get3A_883 = arith.index_cast %get3A_882 : i32 to index
    %get3A_884 = arith.constant 0 : index
    %get3A_885 = tpu.vector_load %arg9[%get3A_883, %get3A_884] {strides = array<i32>} : memref<80x128xf32, #tpu.memory_space<vmem>>, vector<1x16xf32>,
    %get3A_886 = vector.shape_cast %get3A_885 : vector<1x16xf32> to vector<16xf32>
    %mul3A_887 = arith.mulf %get3A_854, %get3A_886 : vector<16xf32>
    %add3A_888 = arith.addf %add3A_881, %mul3A_887 : vector<16xf32>
    %get3A_889 = arith.constant 22 : i32
    %get3A_890 = arith.index_cast %get3A_889 : i32 to index
    %get3A_891 = arith.constant 0 : index
    %get3A_892 = tpu.vector_load %arg9[%get3A_890, %get3A_891] {strides = array<i32>} : memref<80x128xf32, #tpu.memory_space<vmem>>, vector<1x16xf32>,
    %get3A_893 = vector.shape_cast %get3A_892 : vector<1x16xf32> to vector<16xf32>
    %mul3A_894 = arith.mulf %get3A_859, %get3A_893 : vector<16xf32>
    %add3A_895 = arith.addf %add3A_888, %mul3A_894 : vector<16xf32>
    %get3A_896 = arith.constant 23 : i32
    %get3A_897 = arith.index_cast %get3A_896 : i32 to index
    %get3A_898 = arith.constant 0 : index
    %get3A_899 = tpu.vector_load %arg9[%get3A_897, %get3A_898] {strides = array<i32>} : memref<80x128xf32, #tpu.memory_space<vmem>>, vector<1x16xf32>,
    %get3A_900 = vector.shape_cast %get3A_899 : vector<1x16xf32> to vector<16xf32>
    %mul3A_901 = arith.mulf %get3A_864, %get3A_900 : vector<16xf32>
    %add3A_902 = arith.addf %add3A_895, %mul3A_901 : vector<16xf32>
    %get3A_903 = arith.constant 24 : i32
    %get3A_904 = arith.index_cast %get3A_903 : i32 to index
    %get3A_905 = arith.constant 0 : index
    %get3A_906 = tpu.vector_load %arg9[%get3A_904, %get3A_905] {strides = array<i32>} : memref<80x128xf32, #tpu.memory_space<vmem>>, vector<1x16xf32>,
    %get3A_907 = vector.shape_cast %get3A_906 : vector<1x16xf32> to vector<16xf32>
    %mul3A_908 = arith.mulf %get3A_869, %get3A_907 : vector<16xf32>
    %add3A_909 = arith.addf %add3A_902, %mul3A_908 : vector<16xf32>
    %swap3A_910 = arith.constant 4 : i32
    %swap3A_911 = arith.index_cast %swap3A_910 : i32 to index
    %swap3A_912 = arith.constant 0 : index
    %swap3A_913 = tpu.vector_load %arg10[%swap3A_911, %swap3A_912] {strides = array<i32>} : memref<16x64xf32, #tpu.memory_space<vmem>>, vector<1x16xf32>,
    %swap3A_914 = vector.shape_cast %swap3A_913 : vector<1x16xf32> to vector<16xf32>
    %swap3A_915 = vector.shape_cast %add3A_909 : vector<16xf32> to vector<1x16xf32>
    tpu.vector_store %arg10[%swap3A_911, %swap3A_912], %swap3A_915 {strides = array<i32>} : memref<16x64xf32, #tpu.memory_space<vmem>>, vector<1x16xf32>,
    %get3A_916 = arith.constant 4 : i32
    %get3A_917 = arith.index_cast %get3A_916 : i32 to index
    %get3A_918 = arith.constant 16 : index
    %get3A_919 = tpu.vector_load %arg10[%get3A_917, %get3A_918] {strides = array<i32>} : memref<16x64xf32, #tpu.memory_space<vmem>>, vector<1x16xf32>,
    %get3A_920 = vector.shape_cast %get3A_919 : vector<1x16xf32> to vector<16xf32>
    %get3A_921 = arith.constant 20 : i32
    %get3A_922 = arith.index_cast %get3A_921 : i32 to index
    %get3A_923 = arith.constant 16 : index
    %get3A_924 = tpu.vector_load %arg9[%get3A_922, %get3A_923] {strides = array<i32>} : memref<80x128xf32, #tpu.memory_space<vmem>>, vector<1x16xf32>,
    %get3A_925 = vector.shape_cast %get3A_924 : vector<1x16xf32> to vector<16xf32>
    %mul3A_926 = arith.mulf %get3A_849, %get3A_925 : vector<16xf32>
    %add3A_927 = arith.addf %get3A_920, %mul3A_926 : vector<16xf32>
    %get3A_928 = arith.constant 21 : i32
    %get3A_929 = arith.index_cast %get3A_928 : i32 to index
    %get3A_930 = arith.constant 16 : index
    %get3A_931 = tpu.vector_load %arg9[%get3A_929, %get3A_930] {strides = array<i32>} : memref<80x128xf32, #tpu.memory_space<vmem>>, vector<1x16xf32>,
    %get3A_932 = vector.shape_cast %get3A_931 : vector<1x16xf32> to vector<16xf32>
    %mul3A_933 = arith.mulf %get3A_854, %get3A_932 : vector<16xf32>
    %add3A_934 = arith.addf %add3A_927, %mul3A_933 : vector<16xf32>
    %get3A_935 = arith.constant 22 : i32
    %get3A_936 = arith.index_cast %get3A_935 : i32 to index
    %get3A_937 = arith.constant 16 : index
    %get3A_938 = tpu.vector_load %arg9[%get3A_936, %get3A_937] {strides = array<i32>} : memref<80x128xf32, #tpu.memory_space<vmem>>, vector<1x16xf32>,
    %get3A_939 = vector.shape_cast %get3A_938 : vector<1x16xf32> to vector<16xf32>
    %mul3A_940 = arith.mulf %get3A_859, %get3A_939 : vector<16xf32>
    %add3A_941 = arith.addf %add3A_934, %mul3A_940 : vector<16xf32>
    %get3A_942 = arith.constant 23 : i32
    %get3A_943 = arith.index_cast %get3A_942 : i32 to index
    %get3A_944 = arith.constant 16 : index
    %get3A_945 = tpu.vector_load %arg9[%get3A_943, %get3A_944] {strides = array<i32>} : memref<80x128xf32, #tpu.memory_space<vmem>>, vector<1x16xf32>,
    %get3A_946 = vector.shape_cast %get3A_945 : vector<1x16xf32> to vector<16xf32>
    %mul3A_947 = arith.mulf %get3A_864, %get3A_946 : vector<16xf32>
    %add3A_948 = arith.addf %add3A_941, %mul3A_947 : vector<16xf32>
    %get3A_949 = arith.constant 24 : i32
    %get3A_950 = arith.index_cast %get3A_949 : i32 to index
    %get3A_951 = arith.constant 16 : index
    %get3A_952 = tpu.vector_load %arg9[%get3A_950, %get3A_951] {strides = array<i32>} : memref<80x128xf32, #tpu.memory_space<vmem>>, vector<1x16xf32>,
    %get3A_953 = vector.shape_cast %get3A_952 : vector<1x16xf32> to vector<16xf32>
    %mul3A_954 = arith.mulf %get3A_869, %get3A_953 : vector<16xf32>
    %add3A_955 = arith.addf %add3A_948, %mul3A_954 : vector<16xf32>
    %swap3A_956 = arith.constant 4 : i32
    %swap3A_957 = arith.index_cast %swap3A_956 : i32 to index
    %swap3A_958 = arith.constant 16 : index
    %swap3A_959 = tpu.vector_load %arg10[%swap3A_957, %swap3A_958] {strides = array<i32>} : memref<16x64xf32, #tpu.memory_space<vmem>>, vector<1x16xf32>,
    %swap3A_960 = vector.shape_cast %swap3A_959 : vector<1x16xf32> to vector<16xf32>
    %swap3A_961 = vector.shape_cast %add3A_955 : vector<16xf32> to vector<1x16xf32>
    tpu.vector_store %arg10[%swap3A_957, %swap3A_958], %swap3A_961 {strides = array<i32>} : memref<16x64xf32, #tpu.memory_space<vmem>>, vector<1x16xf32>,
    %get3A_962 = arith.constant 4 : i32
    %get3A_963 = arith.index_cast %get3A_962 : i32 to index
    %get3A_964 = arith.constant 32 : index
    %get3A_965 = tpu.vector_load %arg10[%get3A_963, %get3A_964] {strides = array<i32>} : memref<16x64xf32, #tpu.memory_space<vmem>>, vector<1x16xf32>,
    %get3A_966 = vector.shape_cast %get3A_965 : vector<1x16xf32> to vector<16xf32>
    %get3A_967 = arith.constant 20 : i32
    %get3A_968 = arith.index_cast %get3A_967 : i32 to index
    %get3A_969 = arith.constant 32 : index
    %get3A_970 = tpu.vector_load %arg9[%get3A_968, %get3A_969] {strides = array<i32>} : memref<80x128xf32, #tpu.memory_space<vmem>>, vector<1x16xf32>,
    %get3A_971 = vector.shape_cast %get3A_970 : vector<1x16xf32> to vector<16xf32>
    %mul3A_972 = arith.mulf %get3A_849, %get3A_971 : vector<16xf32>
    %add3A_973 = arith.addf %get3A_966, %mul3A_972 : vector<16xf32>
    %get3A_974 = arith.constant 21 : i32
    %get3A_975 = arith.index_cast %get3A_974 : i32 to index
    %get3A_976 = arith.constant 32 : index
    %get3A_977 = tpu.vector_load %arg9[%get3A_975, %get3A_976] {strides = array<i32>} : memref<80x128xf32, #tpu.memory_space<vmem>>, vector<1x16xf32>,
    %get3A_978 = vector.shape_cast %get3A_977 : vector<1x16xf32> to vector<16xf32>
    %mul3A_979 = arith.mulf %get3A_854, %get3A_978 : vector<16xf32>
    %add3A_980 = arith.addf %add3A_973, %mul3A_979 : vector<16xf32>
    %get3A_981 = arith.constant 22 : i32
    %get3A_982 = arith.index_cast %get3A_981 : i32 to index
    %get3A_983 = arith.constant 32 : index
    %get3A_984 = tpu.vector_load %arg9[%get3A_982, %get3A_983] {strides = array<i32>} : memref<80x128xf32, #tpu.memory_space<vmem>>, vector<1x16xf32>,
    %get3A_985 = vector.shape_cast %get3A_984 : vector<1x16xf32> to vector<16xf32>
    %mul3A_986 = arith.mulf %get3A_859, %get3A_985 : vector<16xf32>
    %add3A_987 = arith.addf %add3A_980, %mul3A_986 : vector<16xf32>
    %get3A_988 = arith.constant 23 : i32
    %get3A_989 = arith.index_cast %get3A_988 : i32 to index
    %get3A_990 = arith.constant 32 : index
    %get3A_991 = tpu.vector_load %arg9[%get3A_989, %get3A_990] {strides = array<i32>} : memref<80x128xf32, #tpu.memory_space<vmem>>, vector<1x16xf32>,
    %get3A_992 = vector.shape_cast %get3A_991 : vector<1x16xf32> to vector<16xf32>
    %mul3A_993 = arith.mulf %get3A_864, %get3A_992 : vector<16xf32>
    %add3A_994 = arith.addf %add3A_987, %mul3A_993 : vector<16xf32>
    %get3A_995 = arith.constant 24 : i32
    %get3A_996 = arith.index_cast %get3A_995 : i32 to index
    %get3A_997 = arith.constant 32 : index
    %get3A_998 = tpu.vector_load %arg9[%get3A_996, %get3A_997] {strides = array<i32>} : memref<80x128xf32, #tpu.memory_space<vmem>>, vector<1x16xf32>,
    %get3A_999 = vector.shape_cast %get3A_998 : vector<1x16xf32> to vector<16xf32>
    %mul3A_1000 = arith.mulf %get3A_869, %get3A_999 : vector<16xf32>
    %add3A_1001 = arith.addf %add3A_994, %mul3A_1000 : vector<16xf32>
    %swap3A_1002 = arith.constant 4 : i32
    %swap3A_1003 = arith.index_cast %swap3A_1002 : i32 to index
    %swap3A_1004 = arith.constant 32 : index
    %swap3A_1005 = tpu.vector_load %arg10[%swap3A_1003, %swap3A_1004] {strides = array<i32>} : memref<16x64xf32, #tpu.memory_space<vmem>>, vector<1x16xf32>,
    %swap3A_1006 = vector.shape_cast %swap3A_1005 : vector<1x16xf32> to vector<16xf32>
    %swap3A_1007 = vector.shape_cast %add3A_1001 : vector<16xf32> to vector<1x16xf32>
    tpu.vector_store %arg10[%swap3A_1003, %swap3A_1004], %swap3A_1007 {strides = array<i32>} : memref<16x64xf32, #tpu.memory_space<vmem>>, vector<1x16xf32>,
    %get3A_1008 = arith.constant 4 : i32
    %get3A_1009 = arith.index_cast %get3A_1008 : i32 to index
    %get3A_1010 = arith.constant 48 : index
    %get3A_1011 = tpu.vector_load %arg10[%get3A_1009, %get3A_1010] {strides = array<i32>} : memref<16x64xf32, #tpu.memory_space<vmem>>, vector<1x16xf32>,
    %get3A_1012 = vector.shape_cast %get3A_1011 : vector<1x16xf32> to vector<16xf32>
    %get3A_1013 = arith.constant 20 : i32
    %get3A_1014 = arith.index_cast %get3A_1013 : i32 to index
    %get3A_1015 = arith.constant 48 : index
    %get3A_1016 = tpu.vector_load %arg9[%get3A_1014, %get3A_1015] {strides = array<i32>} : memref<80x128xf32, #tpu.memory_space<vmem>>, vector<1x16xf32>,
    %get3A_1017 = vector.shape_cast %get3A_1016 : vector<1x16xf32> to vector<16xf32>
    %mul3A_1018 = arith.mulf %get3A_849, %get3A_1017 : vector<16xf32>
    %add3A_1019 = arith.addf %get3A_1012, %mul3A_1018 : vector<16xf32>
    %get3A_1020 = arith.constant 21 : i32
    %get3A_1021 = arith.index_cast %get3A_1020 : i32 to index
    %get3A_1022 = arith.constant 48 : index
    %get3A_1023 = tpu.vector_load %arg9[%get3A_1021, %get3A_1022] {strides = array<i32>} : memref<80x128xf32, #tpu.memory_space<vmem>>, vector<1x16xf32>,
    %get3A_1024 = vector.shape_cast %get3A_1023 : vector<1x16xf32> to vector<16xf32>
    %mul3A_1025 = arith.mulf %get3A_854, %get3A_1024 : vector<16xf32>
    %add3A_1026 = arith.addf %add3A_1019, %mul3A_1025 : vector<16xf32>
    %get3A_1027 = arith.constant 22 : i32
    %get3A_1028 = arith.index_cast %get3A_1027 : i32 to index
    %get3A_1029 = arith.constant 48 : index
    %get3A_1030 = tpu.vector_load %arg9[%get3A_1028, %get3A_1029] {strides = array<i32>} : memref<80x128xf32, #tpu.memory_space<vmem>>, vector<1x16xf32>,
    %get3A_1031 = vector.shape_cast %get3A_1030 : vector<1x16xf32> to vector<16xf32>
    %mul3A_1032 = arith.mulf %get3A_859, %get3A_1031 : vector<16xf32>
    %add3A_1033 = arith.addf %add3A_1026, %mul3A_1032 : vector<16xf32>
    %get3A_1034 = arith.constant 23 : i32
    %get3A_1035 = arith.index_cast %get3A_1034 : i32 to index
    %get3A_1036 = arith.constant 48 : index
    %get3A_1037 = tpu.vector_load %arg9[%get3A_1035, %get3A_1036] {strides = array<i32>} : memref<80x128xf32, #tpu.memory_space<vmem>>, vector<1x16xf32>,
    %get3A_1038 = vector.shape_cast %get3A_1037 : vector<1x16xf32> to vector<16xf32>
    %mul3A_1039 = arith.mulf %get3A_864, %get3A_1038 : vector<16xf32>
    %add3A_1040 = arith.addf %add3A_1033, %mul3A_1039 : vector<16xf32>
    %get3A_1041 = arith.constant 24 : i32
    %get3A_1042 = arith.index_cast %get3A_1041 : i32 to index
    %get3A_1043 = arith.constant 48 : index
    %get3A_1044 = tpu.vector_load %arg9[%get3A_1042, %get3A_1043] {strides = array<i32>} : memref<80x128xf32, #tpu.memory_space<vmem>>, vector<1x16xf32>,
    %get3A_1045 = vector.shape_cast %get3A_1044 : vector<1x16xf32> to vector<16xf32>
    %mul3A_1046 = arith.mulf %get3A_869, %get3A_1045 : vector<16xf32>
    %add3A_1047 = arith.addf %add3A_1040, %mul3A_1046 : vector<16xf32>
    %swap3A_1048 = arith.constant 4 : i32
    %swap3A_1049 = arith.index_cast %swap3A_1048 : i32 to index
    %swap3A_1050 = arith.constant 48 : index
    %swap3A_1051 = tpu.vector_load %arg10[%swap3A_1049, %swap3A_1050] {strides = array<i32>} : memref<16x64xf32, #tpu.memory_space<vmem>>, vector<1x16xf32>,
    %swap3A_1052 = vector.shape_cast %swap3A_1051 : vector<1x16xf32> to vector<16xf32>
    %swap3A_1053 = vector.shape_cast %add3A_1047 : vector<16xf32> to vector<1x16xf32>
    tpu.vector_store %arg10[%swap3A_1049, %swap3A_1050], %swap3A_1053 {strides = array<i32>} : memref<16x64xf32, #tpu.memory_space<vmem>>, vector<1x16xf32>,
    %get3A_1054 = arith.constant 25 : i32
    %get3A_1055 = arith.index_cast %get3A_1054 : i32 to index
    %get3A_1056 = arith.constant 0 : index
    %get3A_1057 = tpu.vector_load %arg8[%get3A_1055, %get3A_1056] {strides = array<i32>} : memref<80x16xf32, #tpu.memory_space<vmem>>, vector<1x16xf32>,
    %get3A_1058 = vector.shape_cast %get3A_1057 : vector<1x16xf32> to vector<16xf32>
    %get3A_1059 = arith.constant 26 : i32
    %get3A_1060 = arith.index_cast %get3A_1059 : i32 to index
    %get3A_1061 = arith.constant 0 : index
    %get3A_1062 = tpu.vector_load %arg8[%get3A_1060, %get3A_1061] {strides = array<i32>} : memref<80x16xf32, #tpu.memory_space<vmem>>, vector<1x16xf32>,
    %get3A_1063 = vector.shape_cast %get3A_1062 : vector<1x16xf32> to vector<16xf32>
    %get3A_1064 = arith.constant 27 : i32
    %get3A_1065 = arith.index_cast %get3A_1064 : i32 to index
    %get3A_1066 = arith.constant 0 : index
    %get3A_1067 = tpu.vector_load %arg8[%get3A_1065, %get3A_1066] {strides = array<i32>} : memref<80x16xf32, #tpu.memory_space<vmem>>, vector<1x16xf32>,
    %get3A_1068 = vector.shape_cast %get3A_1067 : vector<1x16xf32> to vector<16xf32>
    %get3A_1069 = arith.constant 28 : i32
    %get3A_1070 = arith.index_cast %get3A_1069 : i32 to index
    %get3A_1071 = arith.constant 0 : index
    %get3A_1072 = tpu.vector_load %arg8[%get3A_1070, %get3A_1071] {strides = array<i32>} : memref<80x16xf32, #tpu.memory_space<vmem>>, vector<1x16xf32>,
    %get3A_1073 = vector.shape_cast %get3A_1072 : vector<1x16xf32> to vector<16xf32>
    %get3A_1074 = arith.constant 29 : i32
    %get3A_1075 = arith.index_cast %get3A_1074 : i32 to index
    %get3A_1076 = arith.constant 0 : index
    %get3A_1077 = tpu.vector_load %arg8[%get3A_1075, %get3A_1076] {strides = array<i32>} : memref<80x16xf32, #tpu.memory_space<vmem>>, vector<1x16xf32>,
    %get3A_1078 = vector.shape_cast %get3A_1077 : vector<1x16xf32> to vector<16xf32>
    %get3A_1079 = arith.constant 5 : i32
    %get3A_1080 = arith.index_cast %get3A_1079 : i32 to index
    %get3A_1081 = arith.constant 0 : index
    %get3A_1082 = tpu.vector_load %arg10[%get3A_1080, %get3A_1081] {strides = array<i32>} : memref<16x64xf32, #tpu.memory_space<vmem>>, vector<1x16xf32>,
    %get3A_1083 = vector.shape_cast %get3A_1082 : vector<1x16xf32> to vector<16xf32>
    %get3A_1084 = arith.constant 25 : i32
    %get3A_1085 = arith.index_cast %get3A_1084 : i32 to index
    %get3A_1086 = arith.constant 0 : index
    %get3A_1087 = tpu.vector_load %arg9[%get3A_1085, %get3A_1086] {strides = array<i32>} : memref<80x128xf32, #tpu.memory_space<vmem>>, vector<1x16xf32>,
    %get3A_1088 = vector.shape_cast %get3A_1087 : vector<1x16xf32> to vector<16xf32>
    %mul3A_1089 = arith.mulf %get3A_1058, %get3A_1088 : vector<16xf32>
    %add3A_1090 = arith.addf %get3A_1083, %mul3A_1089 : vector<16xf32>
    %get3A_1091 = arith.constant 26 : i32
    %get3A_1092 = arith.index_cast %get3A_1091 : i32 to index
    %get3A_1093 = arith.constant 0 : index
    %get3A_1094 = tpu.vector_load %arg9[%get3A_1092, %get3A_1093] {strides = array<i32>} : memref<80x128xf32, #tpu.memory_space<vmem>>, vector<1x16xf32>,
    %get3A_1095 = vector.shape_cast %get3A_1094 : vector<1x16xf32> to vector<16xf32>
    %mul3A_1096 = arith.mulf %get3A_1063, %get3A_1095 : vector<16xf32>
    %add3A_1097 = arith.addf %add3A_1090, %mul3A_1096 : vector<16xf32>
    %get3A_1098 = arith.constant 27 : i32
    %get3A_1099 = arith.index_cast %get3A_1098 : i32 to index
    %get3A_1100 = arith.constant 0 : index
    %get3A_1101 = tpu.vector_load %arg9[%get3A_1099, %get3A_1100] {strides = array<i32>} : memref<80x128xf32, #tpu.memory_space<vmem>>, vector<1x16xf32>,
    %get3A_1102 = vector.shape_cast %get3A_1101 : vector<1x16xf32> to vector<16xf32>
    %mul3A_1103 = arith.mulf %get3A_1068, %get3A_1102 : vector<16xf32>
    %add3A_1104 = arith.addf %add3A_1097, %mul3A_1103 : vector<16xf32>
    %get3A_1105 = arith.constant 28 : i32
    %get3A_1106 = arith.index_cast %get3A_1105 : i32 to index
    %get3A_1107 = arith.constant 0 : index
    %get3A_1108 = tpu.vector_load %arg9[%get3A_1106, %get3A_1107] {strides = array<i32>} : memref<80x128xf32, #tpu.memory_space<vmem>>, vector<1x16xf32>,
    %get3A_1109 = vector.shape_cast %get3A_1108 : vector<1x16xf32> to vector<16xf32>
    %mul3A_1110 = arith.mulf %get3A_1073, %get3A_1109 : vector<16xf32>
    %add3A_1111 = arith.addf %add3A_1104, %mul3A_1110 : vector<16xf32>
    %get3A_1112 = arith.constant 29 : i32
    %get3A_1113 = arith.index_cast %get3A_1112 : i32 to index
    %get3A_1114 = arith.constant 0 : index
    %get3A_1115 = tpu.vector_load %arg9[%get3A_1113, %get3A_1114] {strides = array<i32>} : memref<80x128xf32, #tpu.memory_space<vmem>>, vector<1x16xf32>,
    %get3A_1116 = vector.shape_cast %get3A_1115 : vector<1x16xf32> to vector<16xf32>
    %mul3A_1117 = arith.mulf %get3A_1078, %get3A_1116 : vector<16xf32>
    %add3A_1118 = arith.addf %add3A_1111, %mul3A_1117 : vector<16xf32>
    %swap3A_1119 = arith.constant 5 : i32
    %swap3A_1120 = arith.index_cast %swap3A_1119 : i32 to index
    %swap3A_1121 = arith.constant 0 : index
    %swap3A_1122 = tpu.vector_load %arg10[%swap3A_1120, %swap3A_1121] {strides = array<i32>} : memref<16x64xf32, #tpu.memory_space<vmem>>, vector<1x16xf32>,
    %swap3A_1123 = vector.shape_cast %swap3A_1122 : vector<1x16xf32> to vector<16xf32>
    %swap3A_1124 = vector.shape_cast %add3A_1118 : vector<16xf32> to vector<1x16xf32>
    tpu.vector_store %arg10[%swap3A_1120, %swap3A_1121], %swap3A_1124 {strides = array<i32>} : memref<16x64xf32, #tpu.memory_space<vmem>>, vector<1x16xf32>,
    %get3A_1125 = arith.constant 5 : i32
    %get3A_1126 = arith.index_cast %get3A_1125 : i32 to index
    %get3A_1127 = arith.constant 16 : index
    %get3A_1128 = tpu.vector_load %arg10[%get3A_1126, %get3A_1127] {strides = array<i32>} : memref<16x64xf32, #tpu.memory_space<vmem>>, vector<1x16xf32>,
    %get3A_1129 = vector.shape_cast %get3A_1128 : vector<1x16xf32> to vector<16xf32>
    %get3A_1130 = arith.constant 25 : i32
    %get3A_1131 = arith.index_cast %get3A_1130 : i32 to index
    %get3A_1132 = arith.constant 16 : index
    %get3A_1133 = tpu.vector_load %arg9[%get3A_1131, %get3A_1132] {strides = array<i32>} : memref<80x128xf32, #tpu.memory_space<vmem>>, vector<1x16xf32>,
    %get3A_1134 = vector.shape_cast %get3A_1133 : vector<1x16xf32> to vector<16xf32>
    %mul3A_1135 = arith.mulf %get3A_1058, %get3A_1134 : vector<16xf32>
    %add3A_1136 = arith.addf %get3A_1129, %mul3A_1135 : vector<16xf32>
    %get3A_1137 = arith.constant 26 : i32
    %get3A_1138 = arith.index_cast %get3A_1137 : i32 to index
    %get3A_1139 = arith.constant 16 : index
    %get3A_1140 = tpu.vector_load %arg9[%get3A_1138, %get3A_1139] {strides = array<i32>} : memref<80x128xf32, #tpu.memory_space<vmem>>, vector<1x16xf32>,
    %get3A_1141 = vector.shape_cast %get3A_1140 : vector<1x16xf32> to vector<16xf32>
    %mul3A_1142 = arith.mulf %get3A_1063, %get3A_1141 : vector<16xf32>
    %add3A_1143 = arith.addf %add3A_1136, %mul3A_1142 : vector<16xf32>
    %get3A_1144 = arith.constant 27 : i32
    %get3A_1145 = arith.index_cast %get3A_1144 : i32 to index
    %get3A_1146 = arith.constant 16 : index
    %get3A_1147 = tpu.vector_load %arg9[%get3A_1145, %get3A_1146] {strides = array<i32>} : memref<80x128xf32, #tpu.memory_space<vmem>>, vector<1x16xf32>,
    %get3A_1148 = vector.shape_cast %get3A_1147 : vector<1x16xf32> to vector<16xf32>
    %mul3A_1149 = arith.mulf %get3A_1068, %get3A_1148 : vector<16xf32>
    %add3A_1150 = arith.addf %add3A_1143, %mul3A_1149 : vector<16xf32>
    %get3A_1151 = arith.constant 28 : i32
    %get3A_1152 = arith.index_cast %get3A_1151 : i32 to index
    %get3A_1153 = arith.constant 16 : index
    %get3A_1154 = tpu.vector_load %arg9[%get3A_1152, %get3A_1153] {strides = array<i32>} : memref<80x128xf32, #tpu.memory_space<vmem>>, vector<1x16xf32>,
    %get3A_1155 = vector.shape_cast %get3A_1154 : vector<1x16xf32> to vector<16xf32>
    %mul3A_1156 = arith.mulf %get3A_1073, %get3A_1155 : vector<16xf32>
    %add3A_1157 = arith.addf %add3A_1150, %mul3A_1156 : vector<16xf32>
    %get3A_1158 = arith.constant 29 : i32
    %get3A_1159 = arith.index_cast %get3A_1158 : i32 to index
    %get3A_1160 = arith.constant 16 : index
    %get3A_1161 = tpu.vector_load %arg9[%get3A_1159, %get3A_1160] {strides = array<i32>} : memref<80x128xf32, #tpu.memory_space<vmem>>, vector<1x16xf32>,
    %get3A_1162 = vector.shape_cast %get3A_1161 : vector<1x16xf32> to vector<16xf32>
    %mul3A_1163 = arith.mulf %get3A_1078, %get3A_1162 : vector<16xf32>
    %add3A_1164 = arith.addf %add3A_1157, %mul3A_1163 : vector<16xf32>
    %swap3A_1165 = arith.constant 5 : i32
    %swap3A_1166 = arith.index_cast %swap3A_1165 : i32 to index
    %swap3A_1167 = arith.constant 16 : index
    %swap3A_1168 = tpu.vector_load %arg10[%swap3A_1166, %swap3A_1167] {strides = array<i32>} : memref<16x64xf32, #tpu.memory_space<vmem>>, vector<1x16xf32>,
    %swap3A_1169 = vector.shape_cast %swap3A_1168 : vector<1x16xf32> to vector<16xf32>
    %swap3A_1170 = vector.shape_cast %add3A_1164 : vector<16xf32> to vector<1x16xf32>
    tpu.vector_store %arg10[%swap3A_1166, %swap3A_1167], %swap3A_1170 {strides = array<i32>} : memref<16x64xf32, #tpu.memory_space<vmem>>, vector<1x16xf32>,
    %get3A_1171 = arith.constant 5 : i32
    %get3A_1172 = arith.index_cast %get3A_1171 : i32 to index
    %get3A_1173 = arith.constant 32 : index
    %get3A_1174 = tpu.vector_load %arg10[%get3A_1172, %get3A_1173] {strides = array<i32>} : memref<16x64xf32, #tpu.memory_space<vmem>>, vector<1x16xf32>,
    %get3A_1175 = vector.shape_cast %get3A_1174 : vector<1x16xf32> to vector<16xf32>
    %get3A_1176 = arith.constant 25 : i32
    %get3A_1177 = arith.index_cast %get3A_1176 : i32 to index
    %get3A_1178 = arith.constant 32 : index
    %get3A_1179 = tpu.vector_load %arg9[%get3A_1177, %get3A_1178] {strides = array<i32>} : memref<80x128xf32, #tpu.memory_space<vmem>>, vector<1x16xf32>,
    %get3A_1180 = vector.shape_cast %get3A_1179 : vector<1x16xf32> to vector<16xf32>
    %mul3A_1181 = arith.mulf %get3A_1058, %get3A_1180 : vector<16xf32>
    %add3A_1182 = arith.addf %get3A_1175, %mul3A_1181 : vector<16xf32>
    %get3A_1183 = arith.constant 26 : i32
    %get3A_1184 = arith.index_cast %get3A_1183 : i32 to index
    %get3A_1185 = arith.constant 32 : index
    %get3A_1186 = tpu.vector_load %arg9[%get3A_1184, %get3A_1185] {strides = array<i32>} : memref<80x128xf32, #tpu.memory_space<vmem>>, vector<1x16xf32>,
    %get3A_1187 = vector.shape_cast %get3A_1186 : vector<1x16xf32> to vector<16xf32>
    %mul3A_1188 = arith.mulf %get3A_1063, %get3A_1187 : vector<16xf32>
    %add3A_1189 = arith.addf %add3A_1182, %mul3A_1188 : vector<16xf32>
    %get3A_1190 = arith.constant 27 : i32
    %get3A_1191 = arith.index_cast %get3A_1190 : i32 to index
    %get3A_1192 = arith.constant 32 : index
    %get3A_1193 = tpu.vector_load %arg9[%get3A_1191, %get3A_1192] {strides = array<i32>} : memref<80x128xf32, #tpu.memory_space<vmem>>, vector<1x16xf32>,
    %get3A_1194 = vector.shape_cast %get3A_1193 : vector<1x16xf32> to vector<16xf32>
    %mul3A_1195 = arith.mulf %get3A_1068, %get3A_1194 : vector<16xf32>
    %add3A_1196 = arith.addf %add3A_1189, %mul3A_1195 : vector<16xf32>
    %get3A_1197 = arith.constant 28 : i32
    %get3A_1198 = arith.index_cast %get3A_1197 : i32 to index
    %get3A_1199 = arith.constant 32 : index
    %get3A_1200 = tpu.vector_load %arg9[%get3A_1198, %get3A_1199] {strides = array<i32>} : memref<80x128xf32, #tpu.memory_space<vmem>>, vector<1x16xf32>,
    %get3A_1201 = vector.shape_cast %get3A_1200 : vector<1x16xf32> to vector<16xf32>
    %mul3A_1202 = arith.mulf %get3A_1073, %get3A_1201 : vector<16xf32>
    %add3A_1203 = arith.addf %add3A_1196, %mul3A_1202 : vector<16xf32>
    %get3A_1204 = arith.constant 29 : i32
    %get3A_1205 = arith.index_cast %get3A_1204 : i32 to index
    %get3A_1206 = arith.constant 32 : index
    %get3A_1207 = tpu.vector_load %arg9[%get3A_1205, %get3A_1206] {strides = array<i32>} : memref<80x128xf32, #tpu.memory_space<vmem>>, vector<1x16xf32>,
    %get3A_1208 = vector.shape_cast %get3A_1207 : vector<1x16xf32> to vector<16xf32>
    %mul3A_1209 = arith.mulf %get3A_1078, %get3A_1208 : vector<16xf32>
    %add3A_1210 = arith.addf %add3A_1203, %mul3A_1209 : vector<16xf32>
    %swap3A_1211 = arith.constant 5 : i32
    %swap3A_1212 = arith.index_cast %swap3A_1211 : i32 to index
    %swap3A_1213 = arith.constant 32 : index
    %swap3A_1214 = tpu.vector_load %arg10[%swap3A_1212, %swap3A_1213] {strides = array<i32>} : memref<16x64xf32, #tpu.memory_space<vmem>>, vector<1x16xf32>,
    %swap3A_1215 = vector.shape_cast %swap3A_1214 : vector<1x16xf32> to vector<16xf32>
    %swap3A_1216 = vector.shape_cast %add3A_1210 : vector<16xf32> to vector<1x16xf32>
    tpu.vector_store %arg10[%swap3A_1212, %swap3A_1213], %swap3A_1216 {strides = array<i32>} : memref<16x64xf32, #tpu.memory_space<vmem>>, vector<1x16xf32>,
    %get3A_1217 = arith.constant 5 : i32
    %get3A_1218 = arith.index_cast %get3A_1217 : i32 to index
    %get3A_1219 = arith.constant 48 : index
    %get3A_1220 = tpu.vector_load %arg10[%get3A_1218, %get3A_1219] {strides = array<i32>} : memref<16x64xf32, #tpu.memory_space<vmem>>, vector<1x16xf32>,
    %get3A_1221 = vector.shape_cast %get3A_1220 : vector<1x16xf32> to vector<16xf32>
    %get3A_1222 = arith.constant 25 : i32
    %get3A_1223 = arith.index_cast %get3A_1222 : i32 to index
    %get3A_1224 = arith.constant 48 : index
    %get3A_1225 = tpu.vector_load %arg9[%get3A_1223, %get3A_1224] {strides = array<i32>} : memref<80x128xf32, #tpu.memory_space<vmem>>, vector<1x16xf32>,
    %get3A_1226 = vector.shape_cast %get3A_1225 : vector<1x16xf32> to vector<16xf32>
    %mul3A_1227 = arith.mulf %get3A_1058, %get3A_1226 : vector<16xf32>
    %add3A_1228 = arith.addf %get3A_1221, %mul3A_1227 : vector<16xf32>
    %get3A_1229 = arith.constant 26 : i32
    %get3A_1230 = arith.index_cast %get3A_1229 : i32 to index
    %get3A_1231 = arith.constant 48 : index
    %get3A_1232 = tpu.vector_load %arg9[%get3A_1230, %get3A_1231] {strides = array<i32>} : memref<80x128xf32, #tpu.memory_space<vmem>>, vector<1x16xf32>,
    %get3A_1233 = vector.shape_cast %get3A_1232 : vector<1x16xf32> to vector<16xf32>
    %mul3A_1234 = arith.mulf %get3A_1063, %get3A_1233 : vector<16xf32>
    %add3A_1235 = arith.addf %add3A_1228, %mul3A_1234 : vector<16xf32>
    %get3A_1236 = arith.constant 27 : i32
    %get3A_1237 = arith.index_cast %get3A_1236 : i32 to index
    %get3A_1238 = arith.constant 48 : index
    %get3A_1239 = tpu.vector_load %arg9[%get3A_1237, %get3A_1238] {strides = array<i32>} : memref<80x128xf32, #tpu.memory_space<vmem>>, vector<1x16xf32>,
    %get3A_1240 = vector.shape_cast %get3A_1239 : vector<1x16xf32> to vector<16xf32>
    %mul3A_1241 = arith.mulf %get3A_1068, %get3A_1240 : vector<16xf32>
    %add3A_1242 = arith.addf %add3A_1235, %mul3A_1241 : vector<16xf32>
    %get3A_1243 = arith.constant 28 : i32
    %get3A_1244 = arith.index_cast %get3A_1243 : i32 to index
    %get3A_1245 = arith.constant 48 : index
    %get3A_1246 = tpu.vector_load %arg9[%get3A_1244, %get3A_1245] {strides = array<i32>} : memref<80x128xf32, #tpu.memory_space<vmem>>, vector<1x16xf32>,
    %get3A_1247 = vector.shape_cast %get3A_1246 : vector<1x16xf32> to vector<16xf32>
    %mul3A_1248 = arith.mulf %get3A_1073, %get3A_1247 : vector<16xf32>
    %add3A_1249 = arith.addf %add3A_1242, %mul3A_1248 : vector<16xf32>
    %get3A_1250 = arith.constant 29 : i32
    %get3A_1251 = arith.index_cast %get3A_1250 : i32 to index
    %get3A_1252 = arith.constant 48 : index
    %get3A_1253 = tpu.vector_load %arg9[%get3A_1251, %get3A_1252] {strides = array<i32>} : memref<80x128xf32, #tpu.memory_space<vmem>>, vector<1x16xf32>,
    %get3A_1254 = vector.shape_cast %get3A_1253 : vector<1x16xf32> to vector<16xf32>
    %mul3A_1255 = arith.mulf %get3A_1078, %get3A_1254 : vector<16xf32>
    %add3A_1256 = arith.addf %add3A_1249, %mul3A_1255 : vector<16xf32>
    %swap3A_1257 = arith.constant 5 : i32
    %swap3A_1258 = arith.index_cast %swap3A_1257 : i32 to index
    %swap3A_1259 = arith.constant 48 : index
    %swap3A_1260 = tpu.vector_load %arg10[%swap3A_1258, %swap3A_1259] {strides = array<i32>} : memref<16x64xf32, #tpu.memory_space<vmem>>, vector<1x16xf32>,
    %swap3A_1261 = vector.shape_cast %swap3A_1260 : vector<1x16xf32> to vector<16xf32>
    %swap3A_1262 = vector.shape_cast %add3A_1256 : vector<16xf32> to vector<1x16xf32>
    tpu.vector_store %arg10[%swap3A_1258, %swap3A_1259], %swap3A_1262 {strides = array<i32>} : memref<16x64xf32, #tpu.memory_space<vmem>>, vector<1x16xf32>,
    %get3A_1263 = arith.constant 30 : i32
    %get3A_1264 = arith.index_cast %get3A_1263 : i32 to index
    %get3A_1265 = arith.constant 0 : index
    %get3A_1266 = tpu.vector_load %arg8[%get3A_1264, %get3A_1265] {strides = array<i32>} : memref<80x16xf32, #tpu.memory_space<vmem>>, vector<1x16xf32>,
    %get3A_1267 = vector.shape_cast %get3A_1266 : vector<1x16xf32> to vector<16xf32>
    %get3A_1268 = arith.constant 31 : i32
    %get3A_1269 = arith.index_cast %get3A_1268 : i32 to index
    %get3A_1270 = arith.constant 0 : index
    %get3A_1271 = tpu.vector_load %arg8[%get3A_1269, %get3A_1270] {strides = array<i32>} : memref<80x16xf32, #tpu.memory_space<vmem>>, vector<1x16xf32>,
    %get3A_1272 = vector.shape_cast %get3A_1271 : vector<1x16xf32> to vector<16xf32>
    %get3A_1273 = arith.constant 32 : i32
    %get3A_1274 = arith.index_cast %get3A_1273 : i32 to index
    %get3A_1275 = arith.constant 0 : index
    %get3A_1276 = tpu.vector_load %arg8[%get3A_1274, %get3A_1275] {strides = array<i32>} : memref<80x16xf32, #tpu.memory_space<vmem>>, vector<1x16xf32>,
    %get3A_1277 = vector.shape_cast %get3A_1276 : vector<1x16xf32> to vector<16xf32>
    %get3A_1278 = arith.constant 33 : i32
    %get3A_1279 = arith.index_cast %get3A_1278 : i32 to index
    %get3A_1280 = arith.constant 0 : index
    %get3A_1281 = tpu.vector_load %arg8[%get3A_1279, %get3A_1280] {strides = array<i32>} : memref<80x16xf32, #tpu.memory_space<vmem>>, vector<1x16xf32>,
    %get3A_1282 = vector.shape_cast %get3A_1281 : vector<1x16xf32> to vector<16xf32>
    %get3A_1283 = arith.constant 34 : i32
    %get3A_1284 = arith.index_cast %get3A_1283 : i32 to index
    %get3A_1285 = arith.constant 0 : index
    %get3A_1286 = tpu.vector_load %arg8[%get3A_1284, %get3A_1285] {strides = array<i32>} : memref<80x16xf32, #tpu.memory_space<vmem>>, vector<1x16xf32>,
    %get3A_1287 = vector.shape_cast %get3A_1286 : vector<1x16xf32> to vector<16xf32>
    %get3A_1288 = arith.constant 6 : i32
    %get3A_1289 = arith.index_cast %get3A_1288 : i32 to index
    %get3A_1290 = arith.constant 0 : index
    %get3A_1291 = tpu.vector_load %arg10[%get3A_1289, %get3A_1290] {strides = array<i32>} : memref<16x64xf32, #tpu.memory_space<vmem>>, vector<1x16xf32>,
    %get3A_1292 = vector.shape_cast %get3A_1291 : vector<1x16xf32> to vector<16xf32>
    %get3A_1293 = arith.constant 30 : i32
    %get3A_1294 = arith.index_cast %get3A_1293 : i32 to index
    %get3A_1295 = arith.constant 0 : index
    %get3A_1296 = tpu.vector_load %arg9[%get3A_1294, %get3A_1295] {strides = array<i32>} : memref<80x128xf32, #tpu.memory_space<vmem>>, vector<1x16xf32>,
    %get3A_1297 = vector.shape_cast %get3A_1296 : vector<1x16xf32> to vector<16xf32>
    %mul3A_1298 = arith.mulf %get3A_1267, %get3A_1297 : vector<16xf32>
    %add3A_1299 = arith.addf %get3A_1292, %mul3A_1298 : vector<16xf32>
    %get3A_1300 = arith.constant 31 : i32
    %get3A_1301 = arith.index_cast %get3A_1300 : i32 to index
    %get3A_1302 = arith.constant 0 : index
    %get3A_1303 = tpu.vector_load %arg9[%get3A_1301, %get3A_1302] {strides = array<i32>} : memref<80x128xf32, #tpu.memory_space<vmem>>, vector<1x16xf32>,
    %get3A_1304 = vector.shape_cast %get3A_1303 : vector<1x16xf32> to vector<16xf32>
    %mul3A_1305 = arith.mulf %get3A_1272, %get3A_1304 : vector<16xf32>
    %add3A_1306 = arith.addf %add3A_1299, %mul3A_1305 : vector<16xf32>
    %get3A_1307 = arith.constant 32 : i32
    %get3A_1308 = arith.index_cast %get3A_1307 : i32 to index
    %get3A_1309 = arith.constant 0 : index
    %get3A_1310 = tpu.vector_load %arg9[%get3A_1308, %get3A_1309] {strides = array<i32>} : memref<80x128xf32, #tpu.memory_space<vmem>>, vector<1x16xf32>,
    %get3A_1311 = vector.shape_cast %get3A_1310 : vector<1x16xf32> to vector<16xf32>
    %mul3A_1312 = arith.mulf %get3A_1277, %get3A_1311 : vector<16xf32>
    %add3A_1313 = arith.addf %add3A_1306, %mul3A_1312 : vector<16xf32>
    %get3A_1314 = arith.constant 33 : i32
    %get3A_1315 = arith.index_cast %get3A_1314 : i32 to index
    %get3A_1316 = arith.constant 0 : index
    %get3A_1317 = tpu.vector_load %arg9[%get3A_1315, %get3A_1316] {strides = array<i32>} : memref<80x128xf32, #tpu.memory_space<vmem>>, vector<1x16xf32>,
    %get3A_1318 = vector.shape_cast %get3A_1317 : vector<1x16xf32> to vector<16xf32>
    %mul3A_1319 = arith.mulf %get3A_1282, %get3A_1318 : vector<16xf32>
    %add3A_1320 = arith.addf %add3A_1313, %mul3A_1319 : vector<16xf32>
    %get3A_1321 = arith.constant 34 : i32
    %get3A_1322 = arith.index_cast %get3A_1321 : i32 to index
    %get3A_1323 = arith.constant 0 : index
    %get3A_1324 = tpu.vector_load %arg9[%get3A_1322, %get3A_1323] {strides = array<i32>} : memref<80x128xf32, #tpu.memory_space<vmem>>, vector<1x16xf32>,
    %get3A_1325 = vector.shape_cast %get3A_1324 : vector<1x16xf32> to vector<16xf32>
    %mul3A_1326 = arith.mulf %get3A_1287, %get3A_1325 : vector<16xf32>
    %add3A_1327 = arith.addf %add3A_1320, %mul3A_1326 : vector<16xf32>
    %swap3A_1328 = arith.constant 6 : i32
    %swap3A_1329 = arith.index_cast %swap3A_1328 : i32 to index
    %swap3A_1330 = arith.constant 0 : index
    %swap3A_1331 = tpu.vector_load %arg10[%swap3A_1329, %swap3A_1330] {strides = array<i32>} : memref<16x64xf32, #tpu.memory_space<vmem>>, vector<1x16xf32>,
    %swap3A_1332 = vector.shape_cast %swap3A_1331 : vector<1x16xf32> to vector<16xf32>
    %swap3A_1333 = vector.shape_cast %add3A_1327 : vector<16xf32> to vector<1x16xf32>
    tpu.vector_store %arg10[%swap3A_1329, %swap3A_1330], %swap3A_1333 {strides = array<i32>} : memref<16x64xf32, #tpu.memory_space<vmem>>, vector<1x16xf32>,
    %get3A_1334 = arith.constant 6 : i32
    %get3A_1335 = arith.index_cast %get3A_1334 : i32 to index
    %get3A_1336 = arith.constant 16 : index
    %get3A_1337 = tpu.vector_load %arg10[%get3A_1335, %get3A_1336] {strides = array<i32>} : memref<16x64xf32, #tpu.memory_space<vmem>>, vector<1x16xf32>,
    %get3A_1338 = vector.shape_cast %get3A_1337 : vector<1x16xf32> to vector<16xf32>
    %get3A_1339 = arith.constant 30 : i32
    %get3A_1340 = arith.index_cast %get3A_1339 : i32 to index
    %get3A_1341 = arith.constant 16 : index
    %get3A_1342 = tpu.vector_load %arg9[%get3A_1340, %get3A_1341] {strides = array<i32>} : memref<80x128xf32, #tpu.memory_space<vmem>>, vector<1x16xf32>,
    %get3A_1343 = vector.shape_cast %get3A_1342 : vector<1x16xf32> to vector<16xf32>
    %mul3A_1344 = arith.mulf %get3A_1267, %get3A_1343 : vector<16xf32>
    %add3A_1345 = arith.addf %get3A_1338, %mul3A_1344 : vector<16xf32>
    %get3A_1346 = arith.constant 31 : i32
    %get3A_1347 = arith.index_cast %get3A_1346 : i32 to index
    %get3A_1348 = arith.constant 16 : index
    %get3A_1349 = tpu.vector_load %arg9[%get3A_1347, %get3A_1348] {strides = array<i32>} : memref<80x128xf32, #tpu.memory_space<vmem>>, vector<1x16xf32>,
    %get3A_1350 = vector.shape_cast %get3A_1349 : vector<1x16xf32> to vector<16xf32>
    %mul3A_1351 = arith.mulf %get3A_1272, %get3A_1350 : vector<16xf32>
    %add3A_1352 = arith.addf %add3A_1345, %mul3A_1351 : vector<16xf32>
    %get3A_1353 = arith.constant 32 : i32
    %get3A_1354 = arith.index_cast %get3A_1353 : i32 to index
    %get3A_1355 = arith.constant 16 : index
    %get3A_1356 = tpu.vector_load %arg9[%get3A_1354, %get3A_1355] {strides = array<i32>} : memref<80x128xf32, #tpu.memory_space<vmem>>, vector<1x16xf32>,
    %get3A_1357 = vector.shape_cast %get3A_1356 : vector<1x16xf32> to vector<16xf32>
    %mul3A_1358 = arith.mulf %get3A_1277, %get3A_1357 : vector<16xf32>
    %add3A_1359 = arith.addf %add3A_1352, %mul3A_1358 : vector<16xf32>
    %get3A_1360 = arith.constant 33 : i32
    %get3A_1361 = arith.index_cast %get3A_1360 : i32 to index
    %get3A_1362 = arith.constant 16 : index
    %get3A_1363 = tpu.vector_load %arg9[%get3A_1361, %get3A_1362] {strides = array<i32>} : memref<80x128xf32, #tpu.memory_space<vmem>>, vector<1x16xf32>,
    %get3A_1364 = vector.shape_cast %get3A_1363 : vector<1x16xf32> to vector<16xf32>
    %mul3A_1365 = arith.mulf %get3A_1282, %get3A_1364 : vector<16xf32>
    %add3A_1366 = arith.addf %add3A_1359, %mul3A_1365 : vector<16xf32>
    %get3A_1367 = arith.constant 34 : i32
    %get3A_1368 = arith.index_cast %get3A_1367 : i32 to index
    %get3A_1369 = arith.constant 16 : index
    %get3A_1370 = tpu.vector_load %arg9[%get3A_1368, %get3A_1369] {strides = array<i32>} : memref<80x128xf32, #tpu.memory_space<vmem>>, vector<1x16xf32>,
    %get3A_1371 = vector.shape_cast %get3A_1370 : vector<1x16xf32> to vector<16xf32>
    %mul3A_1372 = arith.mulf %get3A_1287, %get3A_1371 : vector<16xf32>
    %add3A_1373 = arith.addf %add3A_1366, %mul3A_1372 : vector<16xf32>
    %swap3A_1374 = arith.constant 6 : i32
    %swap3A_1375 = arith.index_cast %swap3A_1374 : i32 to index
    %swap3A_1376 = arith.constant 16 : index
    %swap3A_1377 = tpu.vector_load %arg10[%swap3A_1375, %swap3A_1376] {strides = array<i32>} : memref<16x64xf32, #tpu.memory_space<vmem>>, vector<1x16xf32>,
    %swap3A_1378 = vector.shape_cast %swap3A_1377 : vector<1x16xf32> to vector<16xf32>
    %swap3A_1379 = vector.shape_cast %add3A_1373 : vector<16xf32> to vector<1x16xf32>
    tpu.vector_store %arg10[%swap3A_1375, %swap3A_1376], %swap3A_1379 {strides = array<i32>} : memref<16x64xf32, #tpu.memory_space<vmem>>, vector<1x16xf32>,
    %get3A_1380 = arith.constant 6 : i32
    %get3A_1381 = arith.index_cast %get3A_1380 : i32 to index
    %get3A_1382 = arith.constant 32 : index
    %get3A_1383 = tpu.vector_load %arg10[%get3A_1381, %get3A_1382] {strides = array<i32>} : memref<16x64xf32, #tpu.memory_space<vmem>>, vector<1x16xf32>,
    %get3A_1384 = vector.shape_cast %get3A_1383 : vector<1x16xf32> to vector<16xf32>
    %get3A_1385 = arith.constant 30 : i32
    %get3A_1386 = arith.index_cast %get3A_1385 : i32 to index
    %get3A_1387 = arith.constant 32 : index
    %get3A_1388 = tpu.vector_load %arg9[%get3A_1386, %get3A_1387] {strides = array<i32>} : memref<80x128xf32, #tpu.memory_space<vmem>>, vector<1x16xf32>,
    %get3A_1389 = vector.shape_cast %get3A_1388 : vector<1x16xf32> to vector<16xf32>
    %mul3A_1390 = arith.mulf %get3A_1267, %get3A_1389 : vector<16xf32>
    %add3A_1391 = arith.addf %get3A_1384, %mul3A_1390 : vector<16xf32>
    %get3A_1392 = arith.constant 31 : i32
    %get3A_1393 = arith.index_cast %get3A_1392 : i32 to index
    %get3A_1394 = arith.constant 32 : index
    %get3A_1395 = tpu.vector_load %arg9[%get3A_1393, %get3A_1394] {strides = array<i32>} : memref<80x128xf32, #tpu.memory_space<vmem>>, vector<1x16xf32>,
    %get3A_1396 = vector.shape_cast %get3A_1395 : vector<1x16xf32> to vector<16xf32>
    %mul3A_1397 = arith.mulf %get3A_1272, %get3A_1396 : vector<16xf32>
    %add3A_1398 = arith.addf %add3A_1391, %mul3A_1397 : vector<16xf32>
    %get3A_1399 = arith.constant 32 : i32
    %get3A_1400 = arith.index_cast %get3A_1399 : i32 to index
    %get3A_1401 = arith.constant 32 : index
    %get3A_1402 = tpu.vector_load %arg9[%get3A_1400, %get3A_1401] {strides = array<i32>} : memref<80x128xf32, #tpu.memory_space<vmem>>, vector<1x16xf32>,
    %get3A_1403 = vector.shape_cast %get3A_1402 : vector<1x16xf32> to vector<16xf32>
    %mul3A_1404 = arith.mulf %get3A_1277, %get3A_1403 : vector<16xf32>
    %add3A_1405 = arith.addf %add3A_1398, %mul3A_1404 : vector<16xf32>
    %get3A_1406 = arith.constant 33 : i32
    %get3A_1407 = arith.index_cast %get3A_1406 : i32 to index
    %get3A_1408 = arith.constant 32 : index
    %get3A_1409 = tpu.vector_load %arg9[%get3A_1407, %get3A_1408] {strides = array<i32>} : memref<80x128xf32, #tpu.memory_space<vmem>>, vector<1x16xf32>,
    %get3A_1410 = vector.shape_cast %get3A_1409 : vector<1x16xf32> to vector<16xf32>
    %mul3A_1411 = arith.mulf %get3A_1282, %get3A_1410 : vector<16xf32>
    %add3A_1412 = arith.addf %add3A_1405, %mul3A_1411 : vector<16xf32>
    %get3A_1413 = arith.constant 34 : i32
    %get3A_1414 = arith.index_cast %get3A_1413 : i32 to index
    %get3A_1415 = arith.constant 32 : index
    %get3A_1416 = tpu.vector_load %arg9[%get3A_1414, %get3A_1415] {strides = array<i32>} : memref<80x128xf32, #tpu.memory_space<vmem>>, vector<1x16xf32>,
    %get3A_1417 = vector.shape_cast %get3A_1416 : vector<1x16xf32> to vector<16xf32>
    %mul3A_1418 = arith.mulf %get3A_1287, %get3A_1417 : vector<16xf32>
    %add3A_1419 = arith.addf %add3A_1412, %mul3A_1418 : vector<16xf32>
    %swap3A_1420 = arith.constant 6 : i32
    %swap3A_1421 = arith.index_cast %swap3A_1420 : i32 to index
    %swap3A_1422 = arith.constant 32 : index
    %swap3A_1423 = tpu.vector_load %arg10[%swap3A_1421, %swap3A_1422] {strides = array<i32>} : memref<16x64xf32, #tpu.memory_space<vmem>>, vector<1x16xf32>,
    %swap3A_1424 = vector.shape_cast %swap3A_1423 : vector<1x16xf32> to vector<16xf32>
    %swap3A_1425 = vector.shape_cast %add3A_1419 : vector<16xf32> to vector<1x16xf32>
    tpu.vector_store %arg10[%swap3A_1421, %swap3A_1422], %swap3A_1425 {strides = array<i32>} : memref<16x64xf32, #tpu.memory_space<vmem>>, vector<1x16xf32>,
    %get3A_1426 = arith.constant 6 : i32
    %get3A_1427 = arith.index_cast %get3A_1426 : i32 to index
    %get3A_1428 = arith.constant 48 : index
    %get3A_1429 = tpu.vector_load %arg10[%get3A_1427, %get3A_1428] {strides = array<i32>} : memref<16x64xf32, #tpu.memory_space<vmem>>, vector<1x16xf32>,
    %get3A_1430 = vector.shape_cast %get3A_1429 : vector<1x16xf32> to vector<16xf32>
    %get3A_1431 = arith.constant 30 : i32
    %get3A_1432 = arith.index_cast %get3A_1431 : i32 to index
    %get3A_1433 = arith.constant 48 : index
    %get3A_1434 = tpu.vector_load %arg9[%get3A_1432, %get3A_1433] {strides = array<i32>} : memref<80x128xf32, #tpu.memory_space<vmem>>, vector<1x16xf32>,
    %get3A_1435 = vector.shape_cast %get3A_1434 : vector<1x16xf32> to vector<16xf32>
    %mul3A_1436 = arith.mulf %get3A_1267, %get3A_1435 : vector<16xf32>
    %add3A_1437 = arith.addf %get3A_1430, %mul3A_1436 : vector<16xf32>
    %get3A_1438 = arith.constant 31 : i32
    %get3A_1439 = arith.index_cast %get3A_1438 : i32 to index
    %get3A_1440 = arith.constant 48 : index
    %get3A_1441 = tpu.vector_load %arg9[%get3A_1439, %get3A_1440] {strides = array<i32>} : memref<80x128xf32, #tpu.memory_space<vmem>>, vector<1x16xf32>,
    %get3A_1442 = vector.shape_cast %get3A_1441 : vector<1x16xf32> to vector<16xf32>
    %mul3A_1443 = arith.mulf %get3A_1272, %get3A_1442 : vector<16xf32>
    %add3A_1444 = arith.addf %add3A_1437, %mul3A_1443 : vector<16xf32>
    %get3A_1445 = arith.constant 32 : i32
    %get3A_1446 = arith.index_cast %get3A_1445 : i32 to index
    %get3A_1447 = arith.constant 48 : index
    %get3A_1448 = tpu.vector_load %arg9[%get3A_1446, %get3A_1447] {strides = array<i32>} : memref<80x128xf32, #tpu.memory_space<vmem>>, vector<1x16xf32>,
    %get3A_1449 = vector.shape_cast %get3A_1448 : vector<1x16xf32> to vector<16xf32>
    %mul3A_1450 = arith.mulf %get3A_1277, %get3A_1449 : vector<16xf32>
    %add3A_1451 = arith.addf %add3A_1444, %mul3A_1450 : vector<16xf32>
    %get3A_1452 = arith.constant 33 : i32
    %get3A_1453 = arith.index_cast %get3A_1452 : i32 to index
    %get3A_1454 = arith.constant 48 : index
    %get3A_1455 = tpu.vector_load %arg9[%get3A_1453, %get3A_1454] {strides = array<i32>} : memref<80x128xf32, #tpu.memory_space<vmem>>, vector<1x16xf32>,
    %get3A_1456 = vector.shape_cast %get3A_1455 : vector<1x16xf32> to vector<16xf32>
    %mul3A_1457 = arith.mulf %get3A_1282, %get3A_1456 : vector<16xf32>
    %add3A_1458 = arith.addf %add3A_1451, %mul3A_1457 : vector<16xf32>
    %get3A_1459 = arith.constant 34 : i32
    %get3A_1460 = arith.index_cast %get3A_1459 : i32 to index
    %get3A_1461 = arith.constant 48 : index
    %get3A_1462 = tpu.vector_load %arg9[%get3A_1460, %get3A_1461] {strides = array<i32>} : memref<80x128xf32, #tpu.memory_space<vmem>>, vector<1x16xf32>,
    %get3A_1463 = vector.shape_cast %get3A_1462 : vector<1x16xf32> to vector<16xf32>
    %mul3A_1464 = arith.mulf %get3A_1287, %get3A_1463 : vector<16xf32>
    %add3A_1465 = arith.addf %add3A_1458, %mul3A_1464 : vector<16xf32>
    %swap3A_1466 = arith.constant 6 : i32
    %swap3A_1467 = arith.index_cast %swap3A_1466 : i32 to index
    %swap3A_1468 = arith.constant 48 : index
    %swap3A_1469 = tpu.vector_load %arg10[%swap3A_1467, %swap3A_1468] {strides = array<i32>} : memref<16x64xf32, #tpu.memory_space<vmem>>, vector<1x16xf32>,
    %swap3A_1470 = vector.shape_cast %swap3A_1469 : vector<1x16xf32> to vector<16xf32>
    %swap3A_1471 = vector.shape_cast %add3A_1465 : vector<16xf32> to vector<1x16xf32>
    tpu.vector_store %arg10[%swap3A_1467, %swap3A_1468], %swap3A_1471 {strides = array<i32>} : memref<16x64xf32, #tpu.memory_space<vmem>>, vector<1x16xf32>,
    %get3A_1472 = arith.constant 35 : i32
    %get3A_1473 = arith.index_cast %get3A_1472 : i32 to index
    %get3A_1474 = arith.constant 0 : index
    %get3A_1475 = tpu.vector_load %arg8[%get3A_1473, %get3A_1474] {strides = array<i32>} : memref<80x16xf32, #tpu.memory_space<vmem>>, vector<1x16xf32>,
    %get3A_1476 = vector.shape_cast %get3A_1475 : vector<1x16xf32> to vector<16xf32>
    %get3A_1477 = arith.constant 36 : i32
    %get3A_1478 = arith.index_cast %get3A_1477 : i32 to index
    %get3A_1479 = arith.constant 0 : index
    %get3A_1480 = tpu.vector_load %arg8[%get3A_1478, %get3A_1479] {strides = array<i32>} : memref<80x16xf32, #tpu.memory_space<vmem>>, vector<1x16xf32>,
    %get3A_1481 = vector.shape_cast %get3A_1480 : vector<1x16xf32> to vector<16xf32>
    %get3A_1482 = arith.constant 37 : i32
    %get3A_1483 = arith.index_cast %get3A_1482 : i32 to index
    %get3A_1484 = arith.constant 0 : index
    %get3A_1485 = tpu.vector_load %arg8[%get3A_1483, %get3A_1484] {strides = array<i32>} : memref<80x16xf32, #tpu.memory_space<vmem>>, vector<1x16xf32>,
    %get3A_1486 = vector.shape_cast %get3A_1485 : vector<1x16xf32> to vector<16xf32>
    %get3A_1487 = arith.constant 38 : i32
    %get3A_1488 = arith.index_cast %get3A_1487 : i32 to index
    %get3A_1489 = arith.constant 0 : index
    %get3A_1490 = tpu.vector_load %arg8[%get3A_1488, %get3A_1489] {strides = array<i32>} : memref<80x16xf32, #tpu.memory_space<vmem>>, vector<1x16xf32>,
    %get3A_1491 = vector.shape_cast %get3A_1490 : vector<1x16xf32> to vector<16xf32>
    %get3A_1492 = arith.constant 39 : i32
    %get3A_1493 = arith.index_cast %get3A_1492 : i32 to index
    %get3A_1494 = arith.constant 0 : index
    %get3A_1495 = tpu.vector_load %arg8[%get3A_1493, %get3A_1494] {strides = array<i32>} : memref<80x16xf32, #tpu.memory_space<vmem>>, vector<1x16xf32>,
    %get3A_1496 = vector.shape_cast %get3A_1495 : vector<1x16xf32> to vector<16xf32>
    %get3A_1497 = arith.constant 7 : i32
    %get3A_1498 = arith.index_cast %get3A_1497 : i32 to index
    %get3A_1499 = arith.constant 0 : index
    %get3A_1500 = tpu.vector_load %arg10[%get3A_1498, %get3A_1499] {strides = array<i32>} : memref<16x64xf32, #tpu.memory_space<vmem>>, vector<1x16xf32>,
    %get3A_1501 = vector.shape_cast %get3A_1500 : vector<1x16xf32> to vector<16xf32>
    %get3A_1502 = arith.constant 35 : i32
    %get3A_1503 = arith.index_cast %get3A_1502 : i32 to index
    %get3A_1504 = arith.constant 0 : index
    %get3A_1505 = tpu.vector_load %arg9[%get3A_1503, %get3A_1504] {strides = array<i32>} : memref<80x128xf32, #tpu.memory_space<vmem>>, vector<1x16xf32>,
    %get3A_1506 = vector.shape_cast %get3A_1505 : vector<1x16xf32> to vector<16xf32>
    %mul3A_1507 = arith.mulf %get3A_1476, %get3A_1506 : vector<16xf32>
    %add3A_1508 = arith.addf %get3A_1501, %mul3A_1507 : vector<16xf32>
    %get3A_1509 = arith.constant 36 : i32
    %get3A_1510 = arith.index_cast %get3A_1509 : i32 to index
    %get3A_1511 = arith.constant 0 : index
    %get3A_1512 = tpu.vector_load %arg9[%get3A_1510, %get3A_1511] {strides = array<i32>} : memref<80x128xf32, #tpu.memory_space<vmem>>, vector<1x16xf32>,
    %get3A_1513 = vector.shape_cast %get3A_1512 : vector<1x16xf32> to vector<16xf32>
    %mul3A_1514 = arith.mulf %get3A_1481, %get3A_1513 : vector<16xf32>
    %add3A_1515 = arith.addf %add3A_1508, %mul3A_1514 : vector<16xf32>
    %get3A_1516 = arith.constant 37 : i32
    %get3A_1517 = arith.index_cast %get3A_1516 : i32 to index
    %get3A_1518 = arith.constant 0 : index
    %get3A_1519 = tpu.vector_load %arg9[%get3A_1517, %get3A_1518] {strides = array<i32>} : memref<80x128xf32, #tpu.memory_space<vmem>>, vector<1x16xf32>,
    %get3A_1520 = vector.shape_cast %get3A_1519 : vector<1x16xf32> to vector<16xf32>
    %mul3A_1521 = arith.mulf %get3A_1486, %get3A_1520 : vector<16xf32>
    %add3A_1522 = arith.addf %add3A_1515, %mul3A_1521 : vector<16xf32>
    %get3A_1523 = arith.constant 38 : i32
    %get3A_1524 = arith.index_cast %get3A_1523 : i32 to index
    %get3A_1525 = arith.constant 0 : index
    %get3A_1526 = tpu.vector_load %arg9[%get3A_1524, %get3A_1525] {strides = array<i32>} : memref<80x128xf32, #tpu.memory_space<vmem>>, vector<1x16xf32>,
    %get3A_1527 = vector.shape_cast %get3A_1526 : vector<1x16xf32> to vector<16xf32>
    %mul3A_1528 = arith.mulf %get3A_1491, %get3A_1527 : vector<16xf32>
    %add3A_1529 = arith.addf %add3A_1522, %mul3A_1528 : vector<16xf32>
    %get3A_1530 = arith.constant 39 : i32
    %get3A_1531 = arith.index_cast %get3A_1530 : i32 to index
    %get3A_1532 = arith.constant 0 : index
    %get3A_1533 = tpu.vector_load %arg9[%get3A_1531, %get3A_1532] {strides = array<i32>} : memref<80x128xf32, #tpu.memory_space<vmem>>, vector<1x16xf32>,
    %get3A_1534 = vector.shape_cast %get3A_1533 : vector<1x16xf32> to vector<16xf32>
    %mul3A_1535 = arith.mulf %get3A_1496, %get3A_1534 : vector<16xf32>
    %add3A_1536 = arith.addf %add3A_1529, %mul3A_1535 : vector<16xf32>
    %swap3A_1537 = arith.constant 7 : i32
    %swap3A_1538 = arith.index_cast %swap3A_1537 : i32 to index
    %swap3A_1539 = arith.constant 0 : index
    %swap3A_1540 = tpu.vector_load %arg10[%swap3A_1538, %swap3A_1539] {strides = array<i32>} : memref<16x64xf32, #tpu.memory_space<vmem>>, vector<1x16xf32>,
    %swap3A_1541 = vector.shape_cast %swap3A_1540 : vector<1x16xf32> to vector<16xf32>
    %swap3A_1542 = vector.shape_cast %add3A_1536 : vector<16xf32> to vector<1x16xf32>
    tpu.vector_store %arg10[%swap3A_1538, %swap3A_1539], %swap3A_1542 {strides = array<i32>} : memref<16x64xf32, #tpu.memory_space<vmem>>, vector<1x16xf32>,
    %get3A_1543 = arith.constant 7 : i32
    %get3A_1544 = arith.index_cast %get3A_1543 : i32 to index
    %get3A_1545 = arith.constant 16 : index
    %get3A_1546 = tpu.vector_load %arg10[%get3A_1544, %get3A_1545] {strides = array<i32>} : memref<16x64xf32, #tpu.memory_space<vmem>>, vector<1x16xf32>,
    %get3A_1547 = vector.shape_cast %get3A_1546 : vector<1x16xf32> to vector<16xf32>
    %get3A_1548 = arith.constant 35 : i32
    %get3A_1549 = arith.index_cast %get3A_1548 : i32 to index
    %get3A_1550 = arith.constant 16 : index
    %get3A_1551 = tpu.vector_load %arg9[%get3A_1549, %get3A_1550] {strides = array<i32>} : memref<80x128xf32, #tpu.memory_space<vmem>>, vector<1x16xf32>,
    %get3A_1552 = vector.shape_cast %get3A_1551 : vector<1x16xf32> to vector<16xf32>
    %mul3A_1553 = arith.mulf %get3A_1476, %get3A_1552 : vector<16xf32>
    %add3A_1554 = arith.addf %get3A_1547, %mul3A_1553 : vector<16xf32>
    %get3A_1555 = arith.constant 36 : i32
    %get3A_1556 = arith.index_cast %get3A_1555 : i32 to index
    %get3A_1557 = arith.constant 16 : index
    %get3A_1558 = tpu.vector_load %arg9[%get3A_1556, %get3A_1557] {strides = array<i32>} : memref<80x128xf32, #tpu.memory_space<vmem>>, vector<1x16xf32>,
    %get3A_1559 = vector.shape_cast %get3A_1558 : vector<1x16xf32> to vector<16xf32>
    %mul3A_1560 = arith.mulf %get3A_1481, %get3A_1559 : vector<16xf32>
    %add3A_1561 = arith.addf %add3A_1554, %mul3A_1560 : vector<16xf32>
    %get3A_1562 = arith.constant 37 : i32
    %get3A_1563 = arith.index_cast %get3A_1562 : i32 to index
    %get3A_1564 = arith.constant 16 : index
    %get3A_1565 = tpu.vector_load %arg9[%get3A_1563, %get3A_1564] {strides = array<i32>} : memref<80x128xf32, #tpu.memory_space<vmem>>, vector<1x16xf32>,
    %get3A_1566 = vector.shape_cast %get3A_1565 : vector<1x16xf32> to vector<16xf32>
    %mul3A_1567 = arith.mulf %get3A_1486, %get3A_1566 : vector<16xf32>
    %add3A_1568 = arith.addf %add3A_1561, %mul3A_1567 : vector<16xf32>
    %get3A_1569 = arith.constant 38 : i32
    %get3A_1570 = arith.index_cast %get3A_1569 : i32 to index
    %get3A_1571 = arith.constant 16 : index
    %get3A_1572 = tpu.vector_load %arg9[%get3A_1570, %get3A_1571] {strides = array<i32>} : memref<80x128xf32, #tpu.memory_space<vmem>>, vector<1x16xf32>,
    %get3A_1573 = vector.shape_cast %get3A_1572 : vector<1x16xf32> to vector<16xf32>
    %mul3A_1574 = arith.mulf %get3A_1491, %get3A_1573 : vector<16xf32>
    %add3A_1575 = arith.addf %add3A_1568, %mul3A_1574 : vector<16xf32>
    %get3A_1576 = arith.constant 39 : i32
    %get3A_1577 = arith.index_cast %get3A_1576 : i32 to index
    %get3A_1578 = arith.constant 16 : index
    %get3A_1579 = tpu.vector_load %arg9[%get3A_1577, %get3A_1578] {strides = array<i32>} : memref<80x128xf32, #tpu.memory_space<vmem>>, vector<1x16xf32>,
    %get3A_1580 = vector.shape_cast %get3A_1579 : vector<1x16xf32> to vector<16xf32>
    %mul3A_1581 = arith.mulf %get3A_1496, %get3A_1580 : vector<16xf32>
    %add3A_1582 = arith.addf %add3A_1575, %mul3A_1581 : vector<16xf32>
    %swap3A_1583 = arith.constant 7 : i32
    %swap3A_1584 = arith.index_cast %swap3A_1583 : i32 to index
    %swap3A_1585 = arith.constant 16 : index
    %swap3A_1586 = tpu.vector_load %arg10[%swap3A_1584, %swap3A_1585] {strides = array<i32>} : memref<16x64xf32, #tpu.memory_space<vmem>>, vector<1x16xf32>,
    %swap3A_1587 = vector.shape_cast %swap3A_1586 : vector<1x16xf32> to vector<16xf32>
    %swap3A_1588 = vector.shape_cast %add3A_1582 : vector<16xf32> to vector<1x16xf32>
    tpu.vector_store %arg10[%swap3A_1584, %swap3A_1585], %swap3A_1588 {strides = array<i32>} : memref<16x64xf32, #tpu.memory_space<vmem>>, vector<1x16xf32>,
    %get3A_1589 = arith.constant 7 : i32
    %get3A_1590 = arith.index_cast %get3A_1589 : i32 to index
    %get3A_1591 = arith.constant 32 : index
    %get3A_1592 = tpu.vector_load %arg10[%get3A_1590, %get3A_1591] {strides = array<i32>} : memref<16x64xf32, #tpu.memory_space<vmem>>, vector<1x16xf32>,
    %get3A_1593 = vector.shape_cast %get3A_1592 : vector<1x16xf32> to vector<16xf32>
    %get3A_1594 = arith.constant 35 : i32
    %get3A_1595 = arith.index_cast %get3A_1594 : i32 to index
    %get3A_1596 = arith.constant 32 : index
    %get3A_1597 = tpu.vector_load %arg9[%get3A_1595, %get3A_1596] {strides = array<i32>} : memref<80x128xf32, #tpu.memory_space<vmem>>, vector<1x16xf32>,
    %get3A_1598 = vector.shape_cast %get3A_1597 : vector<1x16xf32> to vector<16xf32>
    %mul3A_1599 = arith.mulf %get3A_1476, %get3A_1598 : vector<16xf32>
    %add3A_1600 = arith.addf %get3A_1593, %mul3A_1599 : vector<16xf32>
    %get3A_1601 = arith.constant 36 : i32
    %get3A_1602 = arith.index_cast %get3A_1601 : i32 to index
    %get3A_1603 = arith.constant 32 : index
    %get3A_1604 = tpu.vector_load %arg9[%get3A_1602, %get3A_1603] {strides = array<i32>} : memref<80x128xf32, #tpu.memory_space<vmem>>, vector<1x16xf32>,
    %get3A_1605 = vector.shape_cast %get3A_1604 : vector<1x16xf32> to vector<16xf32>
    %mul3A_1606 = arith.mulf %get3A_1481, %get3A_1605 : vector<16xf32>
    %add3A_1607 = arith.addf %add3A_1600, %mul3A_1606 : vector<16xf32>
    %get3A_1608 = arith.constant 37 : i32
    %get3A_1609 = arith.index_cast %get3A_1608 : i32 to index
    %get3A_1610 = arith.constant 32 : index
    %get3A_1611 = tpu.vector_load %arg9[%get3A_1609, %get3A_1610] {strides = array<i32>} : memref<80x128xf32, #tpu.memory_space<vmem>>, vector<1x16xf32>,
    %get3A_1612 = vector.shape_cast %get3A_1611 : vector<1x16xf32> to vector<16xf32>
    %mul3A_1613 = arith.mulf %get3A_1486, %get3A_1612 : vector<16xf32>
    %add3A_1614 = arith.addf %add3A_1607, %mul3A_1613 : vector<16xf32>
    %get3A_1615 = arith.constant 38 : i32
    %get3A_1616 = arith.index_cast %get3A_1615 : i32 to index
    %get3A_1617 = arith.constant 32 : index
    %get3A_1618 = tpu.vector_load %arg9[%get3A_1616, %get3A_1617] {strides = array<i32>} : memref<80x128xf32, #tpu.memory_space<vmem>>, vector<1x16xf32>,
    %get3A_1619 = vector.shape_cast %get3A_1618 : vector<1x16xf32> to vector<16xf32>
    %mul3A_1620 = arith.mulf %get3A_1491, %get3A_1619 : vector<16xf32>
    %add3A_1621 = arith.addf %add3A_1614, %mul3A_1620 : vector<16xf32>
    %get3A_1622 = arith.constant 39 : i32
    %get3A_1623 = arith.index_cast %get3A_1622 : i32 to index
    %get3A_1624 = arith.constant 32 : index
    %get3A_1625 = tpu.vector_load %arg9[%get3A_1623, %get3A_1624] {strides = array<i32>} : memref<80x128xf32, #tpu.memory_space<vmem>>, vector<1x16xf32>,
    %get3A_1626 = vector.shape_cast %get3A_1625 : vector<1x16xf32> to vector<16xf32>
    %mul3A_1627 = arith.mulf %get3A_1496, %get3A_1626 : vector<16xf32>
    %add3A_1628 = arith.addf %add3A_1621, %mul3A_1627 : vector<16xf32>
    %swap3A_1629 = arith.constant 7 : i32
    %swap3A_1630 = arith.index_cast %swap3A_1629 : i32 to index
    %swap3A_1631 = arith.constant 32 : index
    %swap3A_1632 = tpu.vector_load %arg10[%swap3A_1630, %swap3A_1631] {strides = array<i32>} : memref<16x64xf32, #tpu.memory_space<vmem>>, vector<1x16xf32>,
    %swap3A_1633 = vector.shape_cast %swap3A_1632 : vector<1x16xf32> to vector<16xf32>
    %swap3A_1634 = vector.shape_cast %add3A_1628 : vector<16xf32> to vector<1x16xf32>
    tpu.vector_store %arg10[%swap3A_1630, %swap3A_1631], %swap3A_1634 {strides = array<i32>} : memref<16x64xf32, #tpu.memory_space<vmem>>, vector<1x16xf32>,
    %get3A_1635 = arith.constant 7 : i32
    %get3A_1636 = arith.index_cast %get3A_1635 : i32 to index
    %get3A_1637 = arith.constant 48 : index
    %get3A_1638 = tpu.vector_load %arg10[%get3A_1636, %get3A_1637] {strides = array<i32>} : memref<16x64xf32, #tpu.memory_space<vmem>>, vector<1x16xf32>,
    %get3A_1639 = vector.shape_cast %get3A_1638 : vector<1x16xf32> to vector<16xf32>
    %get3A_1640 = arith.constant 35 : i32
    %get3A_1641 = arith.index_cast %get3A_1640 : i32 to index
    %get3A_1642 = arith.constant 48 : index
    %get3A_1643 = tpu.vector_load %arg9[%get3A_1641, %get3A_1642] {strides = array<i32>} : memref<80x128xf32, #tpu.memory_space<vmem>>, vector<1x16xf32>,
    %get3A_1644 = vector.shape_cast %get3A_1643 : vector<1x16xf32> to vector<16xf32>
    %mul3A_1645 = arith.mulf %get3A_1476, %get3A_1644 : vector<16xf32>
    %add3A_1646 = arith.addf %get3A_1639, %mul3A_1645 : vector<16xf32>
    %get3A_1647 = arith.constant 36 : i32
    %get3A_1648 = arith.index_cast %get3A_1647 : i32 to index
    %get3A_1649 = arith.constant 48 : index
    %get3A_1650 = tpu.vector_load %arg9[%get3A_1648, %get3A_1649] {strides = array<i32>} : memref<80x128xf32, #tpu.memory_space<vmem>>, vector<1x16xf32>,
    %get3A_1651 = vector.shape_cast %get3A_1650 : vector<1x16xf32> to vector<16xf32>
    %mul3A_1652 = arith.mulf %get3A_1481, %get3A_1651 : vector<16xf32>
    %add3A_1653 = arith.addf %add3A_1646, %mul3A_1652 : vector<16xf32>
    %get3A_1654 = arith.constant 37 : i32
    %get3A_1655 = arith.index_cast %get3A_1654 : i32 to index
    %get3A_1656 = arith.constant 48 : index
    %get3A_1657 = tpu.vector_load %arg9[%get3A_1655, %get3A_1656] {strides = array<i32>} : memref<80x128xf32, #tpu.memory_space<vmem>>, vector<1x16xf32>,
    %get3A_1658 = vector.shape_cast %get3A_1657 : vector<1x16xf32> to vector<16xf32>
    %mul3A_1659 = arith.mulf %get3A_1486, %get3A_1658 : vector<16xf32>
    %add3A_1660 = arith.addf %add3A_1653, %mul3A_1659 : vector<16xf32>
    %get3A_1661 = arith.constant 38 : i32
    %get3A_1662 = arith.index_cast %get3A_1661 : i32 to index
    %get3A_1663 = arith.constant 48 : index
    %get3A_1664 = tpu.vector_load %arg9[%get3A_1662, %get3A_1663] {strides = array<i32>} : memref<80x128xf32, #tpu.memory_space<vmem>>, vector<1x16xf32>,
    %get3A_1665 = vector.shape_cast %get3A_1664 : vector<1x16xf32> to vector<16xf32>
    %mul3A_1666 = arith.mulf %get3A_1491, %get3A_1665 : vector<16xf32>
    %add3A_1667 = arith.addf %add3A_1660, %mul3A_1666 : vector<16xf32>
    %get3A_1668 = arith.constant 39 : i32
    %get3A_1669 = arith.index_cast %get3A_1668 : i32 to index
    %get3A_1670 = arith.constant 48 : index
    %get3A_1671 = tpu.vector_load %arg9[%get3A_1669, %get3A_1670] {strides = array<i32>} : memref<80x128xf32, #tpu.memory_space<vmem>>, vector<1x16xf32>,
    %get3A_1672 = vector.shape_cast %get3A_1671 : vector<1x16xf32> to vector<16xf32>
    %mul3A_1673 = arith.mulf %get3A_1496, %get3A_1672 : vector<16xf32>
    %add3A_1674 = arith.addf %add3A_1667, %mul3A_1673 : vector<16xf32>
    %swap3A_1675 = arith.constant 7 : i32
    %swap3A_1676 = arith.index_cast %swap3A_1675 : i32 to index
    %swap3A_1677 = arith.constant 48 : index
    %swap3A_1678 = tpu.vector_load %arg10[%swap3A_1676, %swap3A_1677] {strides = array<i32>} : memref<16x64xf32, #tpu.memory_space<vmem>>, vector<1x16xf32>,
    %swap3A_1679 = vector.shape_cast %swap3A_1678 : vector<1x16xf32> to vector<16xf32>
    %swap3A_1680 = vector.shape_cast %add3A_1674 : vector<16xf32> to vector<1x16xf32>
    tpu.vector_store %arg10[%swap3A_1676, %swap3A_1677], %swap3A_1680 {strides = array<i32>} : memref<16x64xf32, #tpu.memory_space<vmem>>, vector<1x16xf32>,
    %get3A_1681 = arith.constant 40 : i32
    %get3A_1682 = arith.index_cast %get3A_1681 : i32 to index
    %get3A_1683 = arith.constant 0 : index
    %get3A_1684 = tpu.vector_load %arg8[%get3A_1682, %get3A_1683] {strides = array<i32>} : memref<80x16xf32, #tpu.memory_space<vmem>>, vector<1x16xf32>,
    %get3A_1685 = vector.shape_cast %get3A_1684 : vector<1x16xf32> to vector<16xf32>
    %get3A_1686 = arith.constant 41 : i32
    %get3A_1687 = arith.index_cast %get3A_1686 : i32 to index
    %get3A_1688 = arith.constant 0 : index
    %get3A_1689 = tpu.vector_load %arg8[%get3A_1687, %get3A_1688] {strides = array<i32>} : memref<80x16xf32, #tpu.memory_space<vmem>>, vector<1x16xf32>,
    %get3A_1690 = vector.shape_cast %get3A_1689 : vector<1x16xf32> to vector<16xf32>
    %get3A_1691 = arith.constant 42 : i32
    %get3A_1692 = arith.index_cast %get3A_1691 : i32 to index
    %get3A_1693 = arith.constant 0 : index
    %get3A_1694 = tpu.vector_load %arg8[%get3A_1692, %get3A_1693] {strides = array<i32>} : memref<80x16xf32, #tpu.memory_space<vmem>>, vector<1x16xf32>,
    %get3A_1695 = vector.shape_cast %get3A_1694 : vector<1x16xf32> to vector<16xf32>
    %get3A_1696 = arith.constant 43 : i32
    %get3A_1697 = arith.index_cast %get3A_1696 : i32 to index
    %get3A_1698 = arith.constant 0 : index
    %get3A_1699 = tpu.vector_load %arg8[%get3A_1697, %get3A_1698] {strides = array<i32>} : memref<80x16xf32, #tpu.memory_space<vmem>>, vector<1x16xf32>,
    %get3A_1700 = vector.shape_cast %get3A_1699 : vector<1x16xf32> to vector<16xf32>
    %get3A_1701 = arith.constant 44 : i32
    %get3A_1702 = arith.index_cast %get3A_1701 : i32 to index
    %get3A_1703 = arith.constant 0 : index
    %get3A_1704 = tpu.vector_load %arg8[%get3A_1702, %get3A_1703] {strides = array<i32>} : memref<80x16xf32, #tpu.memory_space<vmem>>, vector<1x16xf32>,
    %get3A_1705 = vector.shape_cast %get3A_1704 : vector<1x16xf32> to vector<16xf32>
    %get3A_1706 = arith.constant 8 : i32
    %get3A_1707 = arith.index_cast %get3A_1706 : i32 to index
    %get3A_1708 = arith.constant 0 : index
    %get3A_1709 = tpu.vector_load %arg10[%get3A_1707, %get3A_1708] {strides = array<i32>} : memref<16x64xf32, #tpu.memory_space<vmem>>, vector<1x16xf32>,
    %get3A_1710 = vector.shape_cast %get3A_1709 : vector<1x16xf32> to vector<16xf32>
    %get3A_1711 = arith.constant 40 : i32
    %get3A_1712 = arith.index_cast %get3A_1711 : i32 to index
    %get3A_1713 = arith.constant 0 : index
    %get3A_1714 = tpu.vector_load %arg9[%get3A_1712, %get3A_1713] {strides = array<i32>} : memref<80x128xf32, #tpu.memory_space<vmem>>, vector<1x16xf32>,
    %get3A_1715 = vector.shape_cast %get3A_1714 : vector<1x16xf32> to vector<16xf32>
    %mul3A_1716 = arith.mulf %get3A_1685, %get3A_1715 : vector<16xf32>
    %add3A_1717 = arith.addf %get3A_1710, %mul3A_1716 : vector<16xf32>
    %get3A_1718 = arith.constant 41 : i32
    %get3A_1719 = arith.index_cast %get3A_1718 : i32 to index
    %get3A_1720 = arith.constant 0 : index
    %get3A_1721 = tpu.vector_load %arg9[%get3A_1719, %get3A_1720] {strides = array<i32>} : memref<80x128xf32, #tpu.memory_space<vmem>>, vector<1x16xf32>,
    %get3A_1722 = vector.shape_cast %get3A_1721 : vector<1x16xf32> to vector<16xf32>
    %mul3A_1723 = arith.mulf %get3A_1690, %get3A_1722 : vector<16xf32>
    %add3A_1724 = arith.addf %add3A_1717, %mul3A_1723 : vector<16xf32>
    %get3A_1725 = arith.constant 42 : i32
    %get3A_1726 = arith.index_cast %get3A_1725 : i32 to index
    %get3A_1727 = arith.constant 0 : index
    %get3A_1728 = tpu.vector_load %arg9[%get3A_1726, %get3A_1727] {strides = array<i32>} : memref<80x128xf32, #tpu.memory_space<vmem>>, vector<1x16xf32>,
    %get3A_1729 = vector.shape_cast %get3A_1728 : vector<1x16xf32> to vector<16xf32>
    %mul3A_1730 = arith.mulf %get3A_1695, %get3A_1729 : vector<16xf32>
    %add3A_1731 = arith.addf %add3A_1724, %mul3A_1730 : vector<16xf32>
    %get3A_1732 = arith.constant 43 : i32
    %get3A_1733 = arith.index_cast %get3A_1732 : i32 to index
    %get3A_1734 = arith.constant 0 : index
    %get3A_1735 = tpu.vector_load %arg9[%get3A_1733, %get3A_1734] {strides = array<i32>} : memref<80x128xf32, #tpu.memory_space<vmem>>, vector<1x16xf32>,
    %get3A_1736 = vector.shape_cast %get3A_1735 : vector<1x16xf32> to vector<16xf32>
    %mul3A_1737 = arith.mulf %get3A_1700, %get3A_1736 : vector<16xf32>
    %add3A_1738 = arith.addf %add3A_1731, %mul3A_1737 : vector<16xf32>
    %get3A_1739 = arith.constant 44 : i32
    %get3A_1740 = arith.index_cast %get3A_1739 : i32 to index
    %get3A_1741 = arith.constant 0 : index
    %get3A_1742 = tpu.vector_load %arg9[%get3A_1740, %get3A_1741] {strides = array<i32>} : memref<80x128xf32, #tpu.memory_space<vmem>>, vector<1x16xf32>,
    %get3A_1743 = vector.shape_cast %get3A_1742 : vector<1x16xf32> to vector<16xf32>
    %mul3A_1744 = arith.mulf %get3A_1705, %get3A_1743 : vector<16xf32>
    %add3A_1745 = arith.addf %add3A_1738, %mul3A_1744 : vector<16xf32>
    %swap3A_1746 = arith.constant 8 : i32
    %swap3A_1747 = arith.index_cast %swap3A_1746 : i32 to index
    %swap3A_1748 = arith.constant 0 : index
    %swap3A_1749 = tpu.vector_load %arg10[%swap3A_1747, %swap3A_1748] {strides = array<i32>} : memref<16x64xf32, #tpu.memory_space<vmem>>, vector<1x16xf32>,
    %swap3A_1750 = vector.shape_cast %swap3A_1749 : vector<1x16xf32> to vector<16xf32>
    %swap3A_1751 = vector.shape_cast %add3A_1745 : vector<16xf32> to vector<1x16xf32>
    tpu.vector_store %arg10[%swap3A_1747, %swap3A_1748], %swap3A_1751 {strides = array<i32>} : memref<16x64xf32, #tpu.memory_space<vmem>>, vector<1x16xf32>,
    %get3A_1752 = arith.constant 8 : i32
    %get3A_1753 = arith.index_cast %get3A_1752 : i32 to index
    %get3A_1754 = arith.constant 16 : index
    %get3A_1755 = tpu.vector_load %arg10[%get3A_1753, %get3A_1754] {strides = array<i32>} : memref<16x64xf32, #tpu.memory_space<vmem>>, vector<1x16xf32>,
    %get3A_1756 = vector.shape_cast %get3A_1755 : vector<1x16xf32> to vector<16xf32>
    %get3A_1757 = arith.constant 40 : i32
    %get3A_1758 = arith.index_cast %get3A_1757 : i32 to index
    %get3A_1759 = arith.constant 16 : index
    %get3A_1760 = tpu.vector_load %arg9[%get3A_1758, %get3A_1759] {strides = array<i32>} : memref<80x128xf32, #tpu.memory_space<vmem>>, vector<1x16xf32>,
    %get3A_1761 = vector.shape_cast %get3A_1760 : vector<1x16xf32> to vector<16xf32>
    %mul3A_1762 = arith.mulf %get3A_1685, %get3A_1761 : vector<16xf32>
    %add3A_1763 = arith.addf %get3A_1756, %mul3A_1762 : vector<16xf32>
    %get3A_1764 = arith.constant 41 : i32
    %get3A_1765 = arith.index_cast %get3A_1764 : i32 to index
    %get3A_1766 = arith.constant 16 : index
    %get3A_1767 = tpu.vector_load %arg9[%get3A_1765, %get3A_1766] {strides = array<i32>} : memref<80x128xf32, #tpu.memory_space<vmem>>, vector<1x16xf32>,
    %get3A_1768 = vector.shape_cast %get3A_1767 : vector<1x16xf32> to vector<16xf32>
    %mul3A_1769 = arith.mulf %get3A_1690, %get3A_1768 : vector<16xf32>
    %add3A_1770 = arith.addf %add3A_1763, %mul3A_1769 : vector<16xf32>
    %get3A_1771 = arith.constant 42 : i32
    %get3A_1772 = arith.index_cast %get3A_1771 : i32 to index
    %get3A_1773 = arith.constant 16 : index
    %get3A_1774 = tpu.vector_load %arg9[%get3A_1772, %get3A_1773] {strides = array<i32>} : memref<80x128xf32, #tpu.memory_space<vmem>>, vector<1x16xf32>,
    %get3A_1775 = vector.shape_cast %get3A_1774 : vector<1x16xf32> to vector<16xf32>
    %mul3A_1776 = arith.mulf %get3A_1695, %get3A_1775 : vector<16xf32>
    %add3A_1777 = arith.addf %add3A_1770, %mul3A_1776 : vector<16xf32>
    %get3A_1778 = arith.constant 43 : i32
    %get3A_1779 = arith.index_cast %get3A_1778 : i32 to index
    %get3A_1780 = arith.constant 16 : index
    %get3A_1781 = tpu.vector_load %arg9[%get3A_1779, %get3A_1780] {strides = array<i32>} : memref<80x128xf32, #tpu.memory_space<vmem>>, vector<1x16xf32>,
    %get3A_1782 = vector.shape_cast %get3A_1781 : vector<1x16xf32> to vector<16xf32>
    %mul3A_1783 = arith.mulf %get3A_1700, %get3A_1782 : vector<16xf32>
    %add3A_1784 = arith.addf %add3A_1777, %mul3A_1783 : vector<16xf32>
    %get3A_1785 = arith.constant 44 : i32
    %get3A_1786 = arith.index_cast %get3A_1785 : i32 to index
    %get3A_1787 = arith.constant 16 : index
    %get3A_1788 = tpu.vector_load %arg9[%get3A_1786, %get3A_1787] {strides = array<i32>} : memref<80x128xf32, #tpu.memory_space<vmem>>, vector<1x16xf32>,
    %get3A_1789 = vector.shape_cast %get3A_1788 : vector<1x16xf32> to vector<16xf32>
    %mul3A_1790 = arith.mulf %get3A_1705, %get3A_1789 : vector<16xf32>
    %add3A_1791 = arith.addf %add3A_1784, %mul3A_1790 : vector<16xf32>
    %swap3A_1792 = arith.constant 8 : i32
    %swap3A_1793 = arith.index_cast %swap3A_1792 : i32 to index
    %swap3A_1794 = arith.constant 16 : index
    %swap3A_1795 = tpu.vector_load %arg10[%swap3A_1793, %swap3A_1794] {strides = array<i32>} : memref<16x64xf32, #tpu.memory_space<vmem>>, vector<1x16xf32>,
    %swap3A_1796 = vector.shape_cast %swap3A_1795 : vector<1x16xf32> to vector<16xf32>
    %swap3A_1797 = vector.shape_cast %add3A_1791 : vector<16xf32> to vector<1x16xf32>
    tpu.vector_store %arg10[%swap3A_1793, %swap3A_1794], %swap3A_1797 {strides = array<i32>} : memref<16x64xf32, #tpu.memory_space<vmem>>, vector<1x16xf32>,
    %get3A_1798 = arith.constant 8 : i32
    %get3A_1799 = arith.index_cast %get3A_1798 : i32 to index
    %get3A_1800 = arith.constant 32 : index
    %get3A_1801 = tpu.vector_load %arg10[%get3A_1799, %get3A_1800] {strides = array<i32>} : memref<16x64xf32, #tpu.memory_space<vmem>>, vector<1x16xf32>,
    %get3A_1802 = vector.shape_cast %get3A_1801 : vector<1x16xf32> to vector<16xf32>
    %get3A_1803 = arith.constant 40 : i32
    %get3A_1804 = arith.index_cast %get3A_1803 : i32 to index
    %get3A_1805 = arith.constant 32 : index
    %get3A_1806 = tpu.vector_load %arg9[%get3A_1804, %get3A_1805] {strides = array<i32>} : memref<80x128xf32, #tpu.memory_space<vmem>>, vector<1x16xf32>,
    %get3A_1807 = vector.shape_cast %get3A_1806 : vector<1x16xf32> to vector<16xf32>
    %mul3A_1808 = arith.mulf %get3A_1685, %get3A_1807 : vector<16xf32>
    %add3A_1809 = arith.addf %get3A_1802, %mul3A_1808 : vector<16xf32>
    %get3A_1810 = arith.constant 41 : i32
    %get3A_1811 = arith.index_cast %get3A_1810 : i32 to index
    %get3A_1812 = arith.constant 32 : index
    %get3A_1813 = tpu.vector_load %arg9[%get3A_1811, %get3A_1812] {strides = array<i32>} : memref<80x128xf32, #tpu.memory_space<vmem>>, vector<1x16xf32>,
    %get3A_1814 = vector.shape_cast %get3A_1813 : vector<1x16xf32> to vector<16xf32>
    %mul3A_1815 = arith.mulf %get3A_1690, %get3A_1814 : vector<16xf32>
    %add3A_1816 = arith.addf %add3A_1809, %mul3A_1815 : vector<16xf32>
    %get3A_1817 = arith.constant 42 : i32
    %get3A_1818 = arith.index_cast %get3A_1817 : i32 to index
    %get3A_1819 = arith.constant 32 : index
    %get3A_1820 = tpu.vector_load %arg9[%get3A_1818, %get3A_1819] {strides = array<i32>} : memref<80x128xf32, #tpu.memory_space<vmem>>, vector<1x16xf32>,
    %get3A_1821 = vector.shape_cast %get3A_1820 : vector<1x16xf32> to vector<16xf32>
    %mul3A_1822 = arith.mulf %get3A_1695, %get3A_1821 : vector<16xf32>
    %add3A_1823 = arith.addf %add3A_1816, %mul3A_1822 : vector<16xf32>
    %get3A_1824 = arith.constant 43 : i32
    %get3A_1825 = arith.index_cast %get3A_1824 : i32 to index
    %get3A_1826 = arith.constant 32 : index
    %get3A_1827 = tpu.vector_load %arg9[%get3A_1825, %get3A_1826] {strides = array<i32>} : memref<80x128xf32, #tpu.memory_space<vmem>>, vector<1x16xf32>,
    %get3A_1828 = vector.shape_cast %get3A_1827 : vector<1x16xf32> to vector<16xf32>
    %mul3A_1829 = arith.mulf %get3A_1700, %get3A_1828 : vector<16xf32>
    %add3A_1830 = arith.addf %add3A_1823, %mul3A_1829 : vector<16xf32>
    %get3A_1831 = arith.constant 44 : i32
    %get3A_1832 = arith.index_cast %get3A_1831 : i32 to index
    %get3A_1833 = arith.constant 32 : index
    %get3A_1834 = tpu.vector_load %arg9[%get3A_1832, %get3A_1833] {strides = array<i32>} : memref<80x128xf32, #tpu.memory_space<vmem>>, vector<1x16xf32>,
    %get3A_1835 = vector.shape_cast %get3A_1834 : vector<1x16xf32> to vector<16xf32>
    %mul3A_1836 = arith.mulf %get3A_1705, %get3A_1835 : vector<16xf32>
    %add3A_1837 = arith.addf %add3A_1830, %mul3A_1836 : vector<16xf32>
    %swap3A_1838 = arith.constant 8 : i32
    %swap3A_1839 = arith.index_cast %swap3A_1838 : i32 to index
    %swap3A_1840 = arith.constant 32 : index
    %swap3A_1841 = tpu.vector_load %arg10[%swap3A_1839, %swap3A_1840] {strides = array<i32>} : memref<16x64xf32, #tpu.memory_space<vmem>>, vector<1x16xf32>,
    %swap3A_1842 = vector.shape_cast %swap3A_1841 : vector<1x16xf32> to vector<16xf32>
    %swap3A_1843 = vector.shape_cast %add3A_1837 : vector<16xf32> to vector<1x16xf32>
    tpu.vector_store %arg10[%swap3A_1839, %swap3A_1840], %swap3A_1843 {strides = array<i32>} : memref<16x64xf32, #tpu.memory_space<vmem>>, vector<1x16xf32>,
    %get3A_1844 = arith.constant 8 : i32
    %get3A_1845 = arith.index_cast %get3A_1844 : i32 to index
    %get3A_1846 = arith.constant 48 : index
    %get3A_1847 = tpu.vector_load %arg10[%get3A_1845, %get3A_1846] {strides = array<i32>} : memref<16x64xf32, #tpu.memory_space<vmem>>, vector<1x16xf32>,
    %get3A_1848 = vector.shape_cast %get3A_1847 : vector<1x16xf32> to vector<16xf32>
    %get3A_1849 = arith.constant 40 : i32
    %get3A_1850 = arith.index_cast %get3A_1849 : i32 to index
    %get3A_1851 = arith.constant 48 : index
    %get3A_1852 = tpu.vector_load %arg9[%get3A_1850, %get3A_1851] {strides = array<i32>} : memref<80x128xf32, #tpu.memory_space<vmem>>, vector<1x16xf32>,
    %get3A_1853 = vector.shape_cast %get3A_1852 : vector<1x16xf32> to vector<16xf32>
    %mul3A_1854 = arith.mulf %get3A_1685, %get3A_1853 : vector<16xf32>
    %add3A_1855 = arith.addf %get3A_1848, %mul3A_1854 : vector<16xf32>
    %get3A_1856 = arith.constant 41 : i32
    %get3A_1857 = arith.index_cast %get3A_1856 : i32 to index
    %get3A_1858 = arith.constant 48 : index
    %get3A_1859 = tpu.vector_load %arg9[%get3A_1857, %get3A_1858] {strides = array<i32>} : memref<80x128xf32, #tpu.memory_space<vmem>>, vector<1x16xf32>,
    %get3A_1860 = vector.shape_cast %get3A_1859 : vector<1x16xf32> to vector<16xf32>
    %mul3A_1861 = arith.mulf %get3A_1690, %get3A_1860 : vector<16xf32>
    %add3A_1862 = arith.addf %add3A_1855, %mul3A_1861 : vector<16xf32>
    %get3A_1863 = arith.constant 42 : i32
    %get3A_1864 = arith.index_cast %get3A_1863 : i32 to index
    %get3A_1865 = arith.constant 48 : index
    %get3A_1866 = tpu.vector_load %arg9[%get3A_1864, %get3A_1865] {strides = array<i32>} : memref<80x128xf32, #tpu.memory_space<vmem>>, vector<1x16xf32>,
    %get3A_1867 = vector.shape_cast %get3A_1866 : vector<1x16xf32> to vector<16xf32>
    %mul3A_1868 = arith.mulf %get3A_1695, %get3A_1867 : vector<16xf32>
    %add3A_1869 = arith.addf %add3A_1862, %mul3A_1868 : vector<16xf32>
    %get3A_1870 = arith.constant 43 : i32
    %get3A_1871 = arith.index_cast %get3A_1870 : i32 to index
    %get3A_1872 = arith.constant 48 : index
    %get3A_1873 = tpu.vector_load %arg9[%get3A_1871, %get3A_1872] {strides = array<i32>} : memref<80x128xf32, #tpu.memory_space<vmem>>, vector<1x16xf32>,
    %get3A_1874 = vector.shape_cast %get3A_1873 : vector<1x16xf32> to vector<16xf32>
    %mul3A_1875 = arith.mulf %get3A_1700, %get3A_1874 : vector<16xf32>
    %add3A_1876 = arith.addf %add3A_1869, %mul3A_1875 : vector<16xf32>
    %get3A_1877 = arith.constant 44 : i32
    %get3A_1878 = arith.index_cast %get3A_1877 : i32 to index
    %get3A_1879 = arith.constant 48 : index
    %get3A_1880 = tpu.vector_load %arg9[%get3A_1878, %get3A_1879] {strides = array<i32>} : memref<80x128xf32, #tpu.memory_space<vmem>>, vector<1x16xf32>,
    %get3A_1881 = vector.shape_cast %get3A_1880 : vector<1x16xf32> to vector<16xf32>
    %mul3A_1882 = arith.mulf %get3A_1705, %get3A_1881 : vector<16xf32>
    %add3A_1883 = arith.addf %add3A_1876, %mul3A_1882 : vector<16xf32>
    %swap3A_1884 = arith.constant 8 : i32
    %swap3A_1885 = arith.index_cast %swap3A_1884 : i32 to index
    %swap3A_1886 = arith.constant 48 : index
    %swap3A_1887 = tpu.vector_load %arg10[%swap3A_1885, %swap3A_1886] {strides = array<i32>} : memref<16x64xf32, #tpu.memory_space<vmem>>, vector<1x16xf32>,
    %swap3A_1888 = vector.shape_cast %swap3A_1887 : vector<1x16xf32> to vector<16xf32>
    %swap3A_1889 = vector.shape_cast %add3A_1883 : vector<16xf32> to vector<1x16xf32>
    tpu.vector_store %arg10[%swap3A_1885, %swap3A_1886], %swap3A_1889 {strides = array<i32>} : memref<16x64xf32, #tpu.memory_space<vmem>>, vector<1x16xf32>,
    %get3A_1890 = arith.constant 45 : i32
    %get3A_1891 = arith.index_cast %get3A_1890 : i32 to index
    %get3A_1892 = arith.constant 0 : index
    %get3A_1893 = tpu.vector_load %arg8[%get3A_1891, %get3A_1892] {strides = array<i32>} : memref<80x16xf32, #tpu.memory_space<vmem>>, vector<1x16xf32>,
    %get3A_1894 = vector.shape_cast %get3A_1893 : vector<1x16xf32> to vector<16xf32>
    %get3A_1895 = arith.constant 46 : i32
    %get3A_1896 = arith.index_cast %get3A_1895 : i32 to index
    %get3A_1897 = arith.constant 0 : index
    %get3A_1898 = tpu.vector_load %arg8[%get3A_1896, %get3A_1897] {strides = array<i32>} : memref<80x16xf32, #tpu.memory_space<vmem>>, vector<1x16xf32>,
    %get3A_1899 = vector.shape_cast %get3A_1898 : vector<1x16xf32> to vector<16xf32>
    %get3A_1900 = arith.constant 47 : i32
    %get3A_1901 = arith.index_cast %get3A_1900 : i32 to index
    %get3A_1902 = arith.constant 0 : index
    %get3A_1903 = tpu.vector_load %arg8[%get3A_1901, %get3A_1902] {strides = array<i32>} : memref<80x16xf32, #tpu.memory_space<vmem>>, vector<1x16xf32>,
    %get3A_1904 = vector.shape_cast %get3A_1903 : vector<1x16xf32> to vector<16xf32>
    %get3A_1905 = arith.constant 48 : i32
    %get3A_1906 = arith.index_cast %get3A_1905 : i32 to index
    %get3A_1907 = arith.constant 0 : index
    %get3A_1908 = tpu.vector_load %arg8[%get3A_1906, %get3A_1907] {strides = array<i32>} : memref<80x16xf32, #tpu.memory_space<vmem>>, vector<1x16xf32>,
    %get3A_1909 = vector.shape_cast %get3A_1908 : vector<1x16xf32> to vector<16xf32>
    %get3A_1910 = arith.constant 49 : i32
    %get3A_1911 = arith.index_cast %get3A_1910 : i32 to index
    %get3A_1912 = arith.constant 0 : index
    %get3A_1913 = tpu.vector_load %arg8[%get3A_1911, %get3A_1912] {strides = array<i32>} : memref<80x16xf32, #tpu.memory_space<vmem>>, vector<1x16xf32>,
    %get3A_1914 = vector.shape_cast %get3A_1913 : vector<1x16xf32> to vector<16xf32>
    %get3A_1915 = arith.constant 9 : i32
    %get3A_1916 = arith.index_cast %get3A_1915 : i32 to index
    %get3A_1917 = arith.constant 0 : index
    %get3A_1918 = tpu.vector_load %arg10[%get3A_1916, %get3A_1917] {strides = array<i32>} : memref<16x64xf32, #tpu.memory_space<vmem>>, vector<1x16xf32>,
    %get3A_1919 = vector.shape_cast %get3A_1918 : vector<1x16xf32> to vector<16xf32>
    %get3A_1920 = arith.constant 45 : i32
    %get3A_1921 = arith.index_cast %get3A_1920 : i32 to index
    %get3A_1922 = arith.constant 0 : index
    %get3A_1923 = tpu.vector_load %arg9[%get3A_1921, %get3A_1922] {strides = array<i32>} : memref<80x128xf32, #tpu.memory_space<vmem>>, vector<1x16xf32>,
    %get3A_1924 = vector.shape_cast %get3A_1923 : vector<1x16xf32> to vector<16xf32>
    %mul3A_1925 = arith.mulf %get3A_1894, %get3A_1924 : vector<16xf32>
    %add3A_1926 = arith.addf %get3A_1919, %mul3A_1925 : vector<16xf32>
    %get3A_1927 = arith.constant 46 : i32
    %get3A_1928 = arith.index_cast %get3A_1927 : i32 to index
    %get3A_1929 = arith.constant 0 : index
    %get3A_1930 = tpu.vector_load %arg9[%get3A_1928, %get3A_1929] {strides = array<i32>} : memref<80x128xf32, #tpu.memory_space<vmem>>, vector<1x16xf32>,
    %get3A_1931 = vector.shape_cast %get3A_1930 : vector<1x16xf32> to vector<16xf32>
    %mul3A_1932 = arith.mulf %get3A_1899, %get3A_1931 : vector<16xf32>
    %add3A_1933 = arith.addf %add3A_1926, %mul3A_1932 : vector<16xf32>
    %get3A_1934 = arith.constant 47 : i32
    %get3A_1935 = arith.index_cast %get3A_1934 : i32 to index
    %get3A_1936 = arith.constant 0 : index
    %get3A_1937 = tpu.vector_load %arg9[%get3A_1935, %get3A_1936] {strides = array<i32>} : memref<80x128xf32, #tpu.memory_space<vmem>>, vector<1x16xf32>,
    %get3A_1938 = vector.shape_cast %get3A_1937 : vector<1x16xf32> to vector<16xf32>
    %mul3A_1939 = arith.mulf %get3A_1904, %get3A_1938 : vector<16xf32>
    %add3A_1940 = arith.addf %add3A_1933, %mul3A_1939 : vector<16xf32>
    %get3A_1941 = arith.constant 48 : i32
    %get3A_1942 = arith.index_cast %get3A_1941 : i32 to index
    %get3A_1943 = arith.constant 0 : index
    %get3A_1944 = tpu.vector_load %arg9[%get3A_1942, %get3A_1943] {strides = array<i32>} : memref<80x128xf32, #tpu.memory_space<vmem>>, vector<1x16xf32>,
    %get3A_1945 = vector.shape_cast %get3A_1944 : vector<1x16xf32> to vector<16xf32>
    %mul3A_1946 = arith.mulf %get3A_1909, %get3A_1945 : vector<16xf32>
    %add3A_1947 = arith.addf %add3A_1940, %mul3A_1946 : vector<16xf32>
    %get3A_1948 = arith.constant 49 : i32
    %get3A_1949 = arith.index_cast %get3A_1948 : i32 to index
    %get3A_1950 = arith.constant 0 : index
    %get3A_1951 = tpu.vector_load %arg9[%get3A_1949, %get3A_1950] {strides = array<i32>} : memref<80x128xf32, #tpu.memory_space<vmem>>, vector<1x16xf32>,
    %get3A_1952 = vector.shape_cast %get3A_1951 : vector<1x16xf32> to vector<16xf32>
    %mul3A_1953 = arith.mulf %get3A_1914, %get3A_1952 : vector<16xf32>
    %add3A_1954 = arith.addf %add3A_1947, %mul3A_1953 : vector<16xf32>
    %swap3A_1955 = arith.constant 9 : i32
    %swap3A_1956 = arith.index_cast %swap3A_1955 : i32 to index
    %swap3A_1957 = arith.constant 0 : index
    %swap3A_1958 = tpu.vector_load %arg10[%swap3A_1956, %swap3A_1957] {strides = array<i32>} : memref<16x64xf32, #tpu.memory_space<vmem>>, vector<1x16xf32>,
    %swap3A_1959 = vector.shape_cast %swap3A_1958 : vector<1x16xf32> to vector<16xf32>
    %swap3A_1960 = vector.shape_cast %add3A_1954 : vector<16xf32> to vector<1x16xf32>
    tpu.vector_store %arg10[%swap3A_1956, %swap3A_1957], %swap3A_1960 {strides = array<i32>} : memref<16x64xf32, #tpu.memory_space<vmem>>, vector<1x16xf32>,
    %get3A_1961 = arith.constant 9 : i32
    %get3A_1962 = arith.index_cast %get3A_1961 : i32 to index
    %get3A_1963 = arith.constant 16 : index
    %get3A_1964 = tpu.vector_load %arg10[%get3A_1962, %get3A_1963] {strides = array<i32>} : memref<16x64xf32, #tpu.memory_space<vmem>>, vector<1x16xf32>,
    %get3A_1965 = vector.shape_cast %get3A_1964 : vector<1x16xf32> to vector<16xf32>
    %get3A_1966 = arith.constant 45 : i32
    %get3A_1967 = arith.index_cast %get3A_1966 : i32 to index
    %get3A_1968 = arith.constant 16 : index
    %get3A_1969 = tpu.vector_load %arg9[%get3A_1967, %get3A_1968] {strides = array<i32>} : memref<80x128xf32, #tpu.memory_space<vmem>>, vector<1x16xf32>,
    %get3A_1970 = vector.shape_cast %get3A_1969 : vector<1x16xf32> to vector<16xf32>
    %mul3A_1971 = arith.mulf %get3A_1894, %get3A_1970 : vector<16xf32>
    %add3A_1972 = arith.addf %get3A_1965, %mul3A_1971 : vector<16xf32>
    %get3A_1973 = arith.constant 46 : i32
    %get3A_1974 = arith.index_cast %get3A_1973 : i32 to index
    %get3A_1975 = arith.constant 16 : index
    %get3A_1976 = tpu.vector_load %arg9[%get3A_1974, %get3A_1975] {strides = array<i32>} : memref<80x128xf32, #tpu.memory_space<vmem>>, vector<1x16xf32>,
    %get3A_1977 = vector.shape_cast %get3A_1976 : vector<1x16xf32> to vector<16xf32>
    %mul3A_1978 = arith.mulf %get3A_1899, %get3A_1977 : vector<16xf32>
    %add3A_1979 = arith.addf %add3A_1972, %mul3A_1978 : vector<16xf32>
    %get3A_1980 = arith.constant 47 : i32
    %get3A_1981 = arith.index_cast %get3A_1980 : i32 to index
    %get3A_1982 = arith.constant 16 : index
    %get3A_1983 = tpu.vector_load %arg9[%get3A_1981, %get3A_1982] {strides = array<i32>} : memref<80x128xf32, #tpu.memory_space<vmem>>, vector<1x16xf32>,
    %get3A_1984 = vector.shape_cast %get3A_1983 : vector<1x16xf32> to vector<16xf32>
    %mul3A_1985 = arith.mulf %get3A_1904, %get3A_1984 : vector<16xf32>
    %add3A_1986 = arith.addf %add3A_1979, %mul3A_1985 : vector<16xf32>
    %get3A_1987 = arith.constant 48 : i32
    %get3A_1988 = arith.index_cast %get3A_1987 : i32 to index
    %get3A_1989 = arith.constant 16 : index
    %get3A_1990 = tpu.vector_load %arg9[%get3A_1988, %get3A_1989] {strides = array<i32>} : memref<80x128xf32, #tpu.memory_space<vmem>>, vector<1x16xf32>,
    %get3A_1991 = vector.shape_cast %get3A_1990 : vector<1x16xf32> to vector<16xf32>
    %mul3A_1992 = arith.mulf %get3A_1909, %get3A_1991 : vector<16xf32>
    %add3A_1993 = arith.addf %add3A_1986, %mul3A_1992 : vector<16xf32>
    %get3A_1994 = arith.constant 49 : i32
    %get3A_1995 = arith.index_cast %get3A_1994 : i32 to index
    %get3A_1996 = arith.constant 16 : index
    %get3A_1997 = tpu.vector_load %arg9[%get3A_1995, %get3A_1996] {strides = array<i32>} : memref<80x128xf32, #tpu.memory_space<vmem>>, vector<1x16xf32>,
    %get3A_1998 = vector.shape_cast %get3A_1997 : vector<1x16xf32> to vector<16xf32>
    %mul3A_1999 = arith.mulf %get3A_1914, %get3A_1998 : vector<16xf32>
    %add3A_2000 = arith.addf %add3A_1993, %mul3A_1999 : vector<16xf32>
    %swap3A_2001 = arith.constant 9 : i32
    %swap3A_2002 = arith.index_cast %swap3A_2001 : i32 to index
    %swap3A_2003 = arith.constant 16 : index
    %swap3A_2004 = tpu.vector_load %arg10[%swap3A_2002, %swap3A_2003] {strides = array<i32>} : memref<16x64xf32, #tpu.memory_space<vmem>>, vector<1x16xf32>,
    %swap3A_2005 = vector.shape_cast %swap3A_2004 : vector<1x16xf32> to vector<16xf32>
    %swap3A_2006 = vector.shape_cast %add3A_2000 : vector<16xf32> to vector<1x16xf32>
    tpu.vector_store %arg10[%swap3A_2002, %swap3A_2003], %swap3A_2006 {strides = array<i32>} : memref<16x64xf32, #tpu.memory_space<vmem>>, vector<1x16xf32>,
    %get3A_2007 = arith.constant 9 : i32
    %get3A_2008 = arith.index_cast %get3A_2007 : i32 to index
    %get3A_2009 = arith.constant 32 : index
    %get3A_2010 = tpu.vector_load %arg10[%get3A_2008, %get3A_2009] {strides = array<i32>} : memref<16x64xf32, #tpu.memory_space<vmem>>, vector<1x16xf32>,
    %get3A_2011 = vector.shape_cast %get3A_2010 : vector<1x16xf32> to vector<16xf32>
    %get3A_2012 = arith.constant 45 : i32
    %get3A_2013 = arith.index_cast %get3A_2012 : i32 to index
    %get3A_2014 = arith.constant 32 : index
    %get3A_2015 = tpu.vector_load %arg9[%get3A_2013, %get3A_2014] {strides = array<i32>} : memref<80x128xf32, #tpu.memory_space<vmem>>, vector<1x16xf32>,
    %get3A_2016 = vector.shape_cast %get3A_2015 : vector<1x16xf32> to vector<16xf32>
    %mul3A_2017 = arith.mulf %get3A_1894, %get3A_2016 : vector<16xf32>
    %add3A_2018 = arith.addf %get3A_2011, %mul3A_2017 : vector<16xf32>
    %get3A_2019 = arith.constant 46 : i32
    %get3A_2020 = arith.index_cast %get3A_2019 : i32 to index
    %get3A_2021 = arith.constant 32 : index
    %get3A_2022 = tpu.vector_load %arg9[%get3A_2020, %get3A_2021] {strides = array<i32>} : memref<80x128xf32, #tpu.memory_space<vmem>>, vector<1x16xf32>,
    %get3A_2023 = vector.shape_cast %get3A_2022 : vector<1x16xf32> to vector<16xf32>
    %mul3A_2024 = arith.mulf %get3A_1899, %get3A_2023 : vector<16xf32>
    %add3A_2025 = arith.addf %add3A_2018, %mul3A_2024 : vector<16xf32>
    %get3A_2026 = arith.constant 47 : i32
    %get3A_2027 = arith.index_cast %get3A_2026 : i32 to index
    %get3A_2028 = arith.constant 32 : index
    %get3A_2029 = tpu.vector_load %arg9[%get3A_2027, %get3A_2028] {strides = array<i32>} : memref<80x128xf32, #tpu.memory_space<vmem>>, vector<1x16xf32>,
    %get3A_2030 = vector.shape_cast %get3A_2029 : vector<1x16xf32> to vector<16xf32>
    %mul3A_2031 = arith.mulf %get3A_1904, %get3A_2030 : vector<16xf32>
    %add3A_2032 = arith.addf %add3A_2025, %mul3A_2031 : vector<16xf32>
    %get3A_2033 = arith.constant 48 : i32
    %get3A_2034 = arith.index_cast %get3A_2033 : i32 to index
    %get3A_2035 = arith.constant 32 : index
    %get3A_2036 = tpu.vector_load %arg9[%get3A_2034, %get3A_2035] {strides = array<i32>} : memref<80x128xf32, #tpu.memory_space<vmem>>, vector<1x16xf32>,
    %get3A_2037 = vector.shape_cast %get3A_2036 : vector<1x16xf32> to vector<16xf32>
    %mul3A_2038 = arith.mulf %get3A_1909, %get3A_2037 : vector<16xf32>
    %add3A_2039 = arith.addf %add3A_2032, %mul3A_2038 : vector<16xf32>
    %get3A_2040 = arith.constant 49 : i32
    %get3A_2041 = arith.index_cast %get3A_2040 : i32 to index
    %get3A_2042 = arith.constant 32 : index
    %get3A_2043 = tpu.vector_load %arg9[%get3A_2041, %get3A_2042] {strides = array<i32>} : memref<80x128xf32, #tpu.memory_space<vmem>>, vector<1x16xf32>,
    %get3A_2044 = vector.shape_cast %get3A_2043 : vector<1x16xf32> to vector<16xf32>
    %mul3A_2045 = arith.mulf %get3A_1914, %get3A_2044 : vector<16xf32>
    %add3A_2046 = arith.addf %add3A_2039, %mul3A_2045 : vector<16xf32>
    %swap3A_2047 = arith.constant 9 : i32
    %swap3A_2048 = arith.index_cast %swap3A_2047 : i32 to index
    %swap3A_2049 = arith.constant 32 : index
    %swap3A_2050 = tpu.vector_load %arg10[%swap3A_2048, %swap3A_2049] {strides = array<i32>} : memref<16x64xf32, #tpu.memory_space<vmem>>, vector<1x16xf32>,
    %swap3A_2051 = vector.shape_cast %swap3A_2050 : vector<1x16xf32> to vector<16xf32>
    %swap3A_2052 = vector.shape_cast %add3A_2046 : vector<16xf32> to vector<1x16xf32>
    tpu.vector_store %arg10[%swap3A_2048, %swap3A_2049], %swap3A_2052 {strides = array<i32>} : memref<16x64xf32, #tpu.memory_space<vmem>>, vector<1x16xf32>,
    %get3A_2053 = arith.constant 9 : i32
    %get3A_2054 = arith.index_cast %get3A_2053 : i32 to index
    %get3A_2055 = arith.constant 48 : index
    %get3A_2056 = tpu.vector_load %arg10[%get3A_2054, %get3A_2055] {strides = array<i32>} : memref<16x64xf32, #tpu.memory_space<vmem>>, vector<1x16xf32>,
    %get3A_2057 = vector.shape_cast %get3A_2056 : vector<1x16xf32> to vector<16xf32>
    %get3A_2058 = arith.constant 45 : i32
    %get3A_2059 = arith.index_cast %get3A_2058 : i32 to index
    %get3A_2060 = arith.constant 48 : index
    %get3A_2061 = tpu.vector_load %arg9[%get3A_2059, %get3A_2060] {strides = array<i32>} : memref<80x128xf32, #tpu.memory_space<vmem>>, vector<1x16xf32>,
    %get3A_2062 = vector.shape_cast %get3A_2061 : vector<1x16xf32> to vector<16xf32>
    %mul3A_2063 = arith.mulf %get3A_1894, %get3A_2062 : vector<16xf32>
    %add3A_2064 = arith.addf %get3A_2057, %mul3A_2063 : vector<16xf32>
    %get3A_2065 = arith.constant 46 : i32
    %get3A_2066 = arith.index_cast %get3A_2065 : i32 to index
    %get3A_2067 = arith.constant 48 : index
    %get3A_2068 = tpu.vector_load %arg9[%get3A_2066, %get3A_2067] {strides = array<i32>} : memref<80x128xf32, #tpu.memory_space<vmem>>, vector<1x16xf32>,
    %get3A_2069 = vector.shape_cast %get3A_2068 : vector<1x16xf32> to vector<16xf32>
    %mul3A_2070 = arith.mulf %get3A_1899, %get3A_2069 : vector<16xf32>
    %add3A_2071 = arith.addf %add3A_2064, %mul3A_2070 : vector<16xf32>
    %get3A_2072 = arith.constant 47 : i32
    %get3A_2073 = arith.index_cast %get3A_2072 : i32 to index
    %get3A_2074 = arith.constant 48 : index
    %get3A_2075 = tpu.vector_load %arg9[%get3A_2073, %get3A_2074] {strides = array<i32>} : memref<80x128xf32, #tpu.memory_space<vmem>>, vector<1x16xf32>,
    %get3A_2076 = vector.shape_cast %get3A_2075 : vector<1x16xf32> to vector<16xf32>
    %mul3A_2077 = arith.mulf %get3A_1904, %get3A_2076 : vector<16xf32>
    %add3A_2078 = arith.addf %add3A_2071, %mul3A_2077 : vector<16xf32>
    %get3A_2079 = arith.constant 48 : i32
    %get3A_2080 = arith.index_cast %get3A_2079 : i32 to index
    %get3A_2081 = arith.constant 48 : index
    %get3A_2082 = tpu.vector_load %arg9[%get3A_2080, %get3A_2081] {strides = array<i32>} : memref<80x128xf32, #tpu.memory_space<vmem>>, vector<1x16xf32>,
    %get3A_2083 = vector.shape_cast %get3A_2082 : vector<1x16xf32> to vector<16xf32>
    %mul3A_2084 = arith.mulf %get3A_1909, %get3A_2083 : vector<16xf32>
    %add3A_2085 = arith.addf %add3A_2078, %mul3A_2084 : vector<16xf32>
    %get3A_2086 = arith.constant 49 : i32
    %get3A_2087 = arith.index_cast %get3A_2086 : i32 to index
    %get3A_2088 = arith.constant 48 : index
    %get3A_2089 = tpu.vector_load %arg9[%get3A_2087, %get3A_2088] {strides = array<i32>} : memref<80x128xf32, #tpu.memory_space<vmem>>, vector<1x16xf32>,
    %get3A_2090 = vector.shape_cast %get3A_2089 : vector<1x16xf32> to vector<16xf32>
    %mul3A_2091 = arith.mulf %get3A_1914, %get3A_2090 : vector<16xf32>
    %add3A_2092 = arith.addf %add3A_2085, %mul3A_2091 : vector<16xf32>
    %swap3A_2093 = arith.constant 9 : i32
    %swap3A_2094 = arith.index_cast %swap3A_2093 : i32 to index
    %swap3A_2095 = arith.constant 48 : index
    %swap3A_2096 = tpu.vector_load %arg10[%swap3A_2094, %swap3A_2095] {strides = array<i32>} : memref<16x64xf32, #tpu.memory_space<vmem>>, vector<1x16xf32>,
    %swap3A_2097 = vector.shape_cast %swap3A_2096 : vector<1x16xf32> to vector<16xf32>
    %swap3A_2098 = vector.shape_cast %add3A_2092 : vector<16xf32> to vector<1x16xf32>
    tpu.vector_store %arg10[%swap3A_2094, %swap3A_2095], %swap3A_2098 {strides = array<i32>} : memref<16x64xf32, #tpu.memory_space<vmem>>, vector<1x16xf32>,
    %get3A_2099 = arith.constant 50 : i32
    %get3A_2100 = arith.index_cast %get3A_2099 : i32 to index
    %get3A_2101 = arith.constant 0 : index
    %get3A_2102 = tpu.vector_load %arg8[%get3A_2100, %get3A_2101] {strides = array<i32>} : memref<80x16xf32, #tpu.memory_space<vmem>>, vector<1x16xf32>,
    %get3A_2103 = vector.shape_cast %get3A_2102 : vector<1x16xf32> to vector<16xf32>
    %get3A_2104 = arith.constant 51 : i32
    %get3A_2105 = arith.index_cast %get3A_2104 : i32 to index
    %get3A_2106 = arith.constant 0 : index
    %get3A_2107 = tpu.vector_load %arg8[%get3A_2105, %get3A_2106] {strides = array<i32>} : memref<80x16xf32, #tpu.memory_space<vmem>>, vector<1x16xf32>,
    %get3A_2108 = vector.shape_cast %get3A_2107 : vector<1x16xf32> to vector<16xf32>
    %get3A_2109 = arith.constant 52 : i32
    %get3A_2110 = arith.index_cast %get3A_2109 : i32 to index
    %get3A_2111 = arith.constant 0 : index
    %get3A_2112 = tpu.vector_load %arg8[%get3A_2110, %get3A_2111] {strides = array<i32>} : memref<80x16xf32, #tpu.memory_space<vmem>>, vector<1x16xf32>,
    %get3A_2113 = vector.shape_cast %get3A_2112 : vector<1x16xf32> to vector<16xf32>
    %get3A_2114 = arith.constant 53 : i32
    %get3A_2115 = arith.index_cast %get3A_2114 : i32 to index
    %get3A_2116 = arith.constant 0 : index
    %get3A_2117 = tpu.vector_load %arg8[%get3A_2115, %get3A_2116] {strides = array<i32>} : memref<80x16xf32, #tpu.memory_space<vmem>>, vector<1x16xf32>,
    %get3A_2118 = vector.shape_cast %get3A_2117 : vector<1x16xf32> to vector<16xf32>
    %get3A_2119 = arith.constant 54 : i32
    %get3A_2120 = arith.index_cast %get3A_2119 : i32 to index
    %get3A_2121 = arith.constant 0 : index
    %get3A_2122 = tpu.vector_load %arg8[%get3A_2120, %get3A_2121] {strides = array<i32>} : memref<80x16xf32, #tpu.memory_space<vmem>>, vector<1x16xf32>,
    %get3A_2123 = vector.shape_cast %get3A_2122 : vector<1x16xf32> to vector<16xf32>
    %get3A_2124 = arith.constant 10 : i32
    %get3A_2125 = arith.index_cast %get3A_2124 : i32 to index
    %get3A_2126 = arith.constant 0 : index
    %get3A_2127 = tpu.vector_load %arg10[%get3A_2125, %get3A_2126] {strides = array<i32>} : memref<16x64xf32, #tpu.memory_space<vmem>>, vector<1x16xf32>,
    %get3A_2128 = vector.shape_cast %get3A_2127 : vector<1x16xf32> to vector<16xf32>
    %get3A_2129 = arith.constant 50 : i32
    %get3A_2130 = arith.index_cast %get3A_2129 : i32 to index
    %get3A_2131 = arith.constant 0 : index
    %get3A_2132 = tpu.vector_load %arg9[%get3A_2130, %get3A_2131] {strides = array<i32>} : memref<80x128xf32, #tpu.memory_space<vmem>>, vector<1x16xf32>,
    %get3A_2133 = vector.shape_cast %get3A_2132 : vector<1x16xf32> to vector<16xf32>
    %mul3A_2134 = arith.mulf %get3A_2103, %get3A_2133 : vector<16xf32>
    %add3A_2135 = arith.addf %get3A_2128, %mul3A_2134 : vector<16xf32>
    %get3A_2136 = arith.constant 51 : i32
    %get3A_2137 = arith.index_cast %get3A_2136 : i32 to index
    %get3A_2138 = arith.constant 0 : index
    %get3A_2139 = tpu.vector_load %arg9[%get3A_2137, %get3A_2138] {strides = array<i32>} : memref<80x128xf32, #tpu.memory_space<vmem>>, vector<1x16xf32>,
    %get3A_2140 = vector.shape_cast %get3A_2139 : vector<1x16xf32> to vector<16xf32>
    %mul3A_2141 = arith.mulf %get3A_2108, %get3A_2140 : vector<16xf32>
    %add3A_2142 = arith.addf %add3A_2135, %mul3A_2141 : vector<16xf32>
    %get3A_2143 = arith.constant 52 : i32
    %get3A_2144 = arith.index_cast %get3A_2143 : i32 to index
    %get3A_2145 = arith.constant 0 : index
    %get3A_2146 = tpu.vector_load %arg9[%get3A_2144, %get3A_2145] {strides = array<i32>} : memref<80x128xf32, #tpu.memory_space<vmem>>, vector<1x16xf32>,
    %get3A_2147 = vector.shape_cast %get3A_2146 : vector<1x16xf32> to vector<16xf32>
    %mul3A_2148 = arith.mulf %get3A_2113, %get3A_2147 : vector<16xf32>
    %add3A_2149 = arith.addf %add3A_2142, %mul3A_2148 : vector<16xf32>
    %get3A_2150 = arith.constant 53 : i32
    %get3A_2151 = arith.index_cast %get3A_2150 : i32 to index
    %get3A_2152 = arith.constant 0 : index
    %get3A_2153 = tpu.vector_load %arg9[%get3A_2151, %get3A_2152] {strides = array<i32>} : memref<80x128xf32, #tpu.memory_space<vmem>>, vector<1x16xf32>,
    %get3A_2154 = vector.shape_cast %get3A_2153 : vector<1x16xf32> to vector<16xf32>
    %mul3A_2155 = arith.mulf %get3A_2118, %get3A_2154 : vector<16xf32>
    %add3A_2156 = arith.addf %add3A_2149, %mul3A_2155 : vector<16xf32>
    %get3A_2157 = arith.constant 54 : i32
    %get3A_2158 = arith.index_cast %get3A_2157 : i32 to index
    %get3A_2159 = arith.constant 0 : index
    %get3A_2160 = tpu.vector_load %arg9[%get3A_2158, %get3A_2159] {strides = array<i32>} : memref<80x128xf32, #tpu.memory_space<vmem>>, vector<1x16xf32>,
    %get3A_2161 = vector.shape_cast %get3A_2160 : vector<1x16xf32> to vector<16xf32>
    %mul3A_2162 = arith.mulf %get3A_2123, %get3A_2161 : vector<16xf32>
    %add3A_2163 = arith.addf %add3A_2156, %mul3A_2162 : vector<16xf32>
    %swap3A_2164 = arith.constant 10 : i32
    %swap3A_2165 = arith.index_cast %swap3A_2164 : i32 to index
    %swap3A_2166 = arith.constant 0 : index
    %swap3A_2167 = tpu.vector_load %arg10[%swap3A_2165, %swap3A_2166] {strides = array<i32>} : memref<16x64xf32, #tpu.memory_space<vmem>>, vector<1x16xf32>,
    %swap3A_2168 = vector.shape_cast %swap3A_2167 : vector<1x16xf32> to vector<16xf32>
    %swap3A_2169 = vector.shape_cast %add3A_2163 : vector<16xf32> to vector<1x16xf32>
    tpu.vector_store %arg10[%swap3A_2165, %swap3A_2166], %swap3A_2169 {strides = array<i32>} : memref<16x64xf32, #tpu.memory_space<vmem>>, vector<1x16xf32>,
    %get3A_2170 = arith.constant 10 : i32
    %get3A_2171 = arith.index_cast %get3A_2170 : i32 to index
    %get3A_2172 = arith.constant 16 : index
    %get3A_2173 = tpu.vector_load %arg10[%get3A_2171, %get3A_2172] {strides = array<i32>} : memref<16x64xf32, #tpu.memory_space<vmem>>, vector<1x16xf32>,
    %get3A_2174 = vector.shape_cast %get3A_2173 : vector<1x16xf32> to vector<16xf32>
    %get3A_2175 = arith.constant 50 : i32
    %get3A_2176 = arith.index_cast %get3A_2175 : i32 to index
    %get3A_2177 = arith.constant 16 : index
    %get3A_2178 = tpu.vector_load %arg9[%get3A_2176, %get3A_2177] {strides = array<i32>} : memref<80x128xf32, #tpu.memory_space<vmem>>, vector<1x16xf32>,
    %get3A_2179 = vector.shape_cast %get3A_2178 : vector<1x16xf32> to vector<16xf32>
    %mul3A_2180 = arith.mulf %get3A_2103, %get3A_2179 : vector<16xf32>
    %add3A_2181 = arith.addf %get3A_2174, %mul3A_2180 : vector<16xf32>
    %get3A_2182 = arith.constant 51 : i32
    %get3A_2183 = arith.index_cast %get3A_2182 : i32 to index
    %get3A_2184 = arith.constant 16 : index
    %get3A_2185 = tpu.vector_load %arg9[%get3A_2183, %get3A_2184] {strides = array<i32>} : memref<80x128xf32, #tpu.memory_space<vmem>>, vector<1x16xf32>,
    %get3A_2186 = vector.shape_cast %get3A_2185 : vector<1x16xf32> to vector<16xf32>
    %mul3A_2187 = arith.mulf %get3A_2108, %get3A_2186 : vector<16xf32>
    %add3A_2188 = arith.addf %add3A_2181, %mul3A_2187 : vector<16xf32>
    %get3A_2189 = arith.constant 52 : i32
    %get3A_2190 = arith.index_cast %get3A_2189 : i32 to index
    %get3A_2191 = arith.constant 16 : index
    %get3A_2192 = tpu.vector_load %arg9[%get3A_2190, %get3A_2191] {strides = array<i32>} : memref<80x128xf32, #tpu.memory_space<vmem>>, vector<1x16xf32>,
    %get3A_2193 = vector.shape_cast %get3A_2192 : vector<1x16xf32> to vector<16xf32>
    %mul3A_2194 = arith.mulf %get3A_2113, %get3A_2193 : vector<16xf32>
    %add3A_2195 = arith.addf %add3A_2188, %mul3A_2194 : vector<16xf32>
    %get3A_2196 = arith.constant 53 : i32
    %get3A_2197 = arith.index_cast %get3A_2196 : i32 to index
    %get3A_2198 = arith.constant 16 : index
    %get3A_2199 = tpu.vector_load %arg9[%get3A_2197, %get3A_2198] {strides = array<i32>} : memref<80x128xf32, #tpu.memory_space<vmem>>, vector<1x16xf32>,
    %get3A_2200 = vector.shape_cast %get3A_2199 : vector<1x16xf32> to vector<16xf32>
    %mul3A_2201 = arith.mulf %get3A_2118, %get3A_2200 : vector<16xf32>
    %add3A_2202 = arith.addf %add3A_2195, %mul3A_2201 : vector<16xf32>
    %get3A_2203 = arith.constant 54 : i32
    %get3A_2204 = arith.index_cast %get3A_2203 : i32 to index
    %get3A_2205 = arith.constant 16 : index
    %get3A_2206 = tpu.vector_load %arg9[%get3A_2204, %get3A_2205] {strides = array<i32>} : memref<80x128xf32, #tpu.memory_space<vmem>>, vector<1x16xf32>,
    %get3A_2207 = vector.shape_cast %get3A_2206 : vector<1x16xf32> to vector<16xf32>
    %mul3A_2208 = arith.mulf %get3A_2123, %get3A_2207 : vector<16xf32>
    %add3A_2209 = arith.addf %add3A_2202, %mul3A_2208 : vector<16xf32>
    %swap3A_2210 = arith.constant 10 : i32
    %swap3A_2211 = arith.index_cast %swap3A_2210 : i32 to index
    %swap3A_2212 = arith.constant 16 : index
    %swap3A_2213 = tpu.vector_load %arg10[%swap3A_2211, %swap3A_2212] {strides = array<i32>} : memref<16x64xf32, #tpu.memory_space<vmem>>, vector<1x16xf32>,
    %swap3A_2214 = vector.shape_cast %swap3A_2213 : vector<1x16xf32> to vector<16xf32>
    %swap3A_2215 = vector.shape_cast %add3A_2209 : vector<16xf32> to vector<1x16xf32>
    tpu.vector_store %arg10[%swap3A_2211, %swap3A_2212], %swap3A_2215 {strides = array<i32>} : memref<16x64xf32, #tpu.memory_space<vmem>>, vector<1x16xf32>,
    %get3A_2216 = arith.constant 10 : i32
    %get3A_2217 = arith.index_cast %get3A_2216 : i32 to index
    %get3A_2218 = arith.constant 32 : index
    %get3A_2219 = tpu.vector_load %arg10[%get3A_2217, %get3A_2218] {strides = array<i32>} : memref<16x64xf32, #tpu.memory_space<vmem>>, vector<1x16xf32>,
    %get3A_2220 = vector.shape_cast %get3A_2219 : vector<1x16xf32> to vector<16xf32>
    %get3A_2221 = arith.constant 50 : i32
    %get3A_2222 = arith.index_cast %get3A_2221 : i32 to index
    %get3A_2223 = arith.constant 32 : index
    %get3A_2224 = tpu.vector_load %arg9[%get3A_2222, %get3A_2223] {strides = array<i32>} : memref<80x128xf32, #tpu.memory_space<vmem>>, vector<1x16xf32>,
    %get3A_2225 = vector.shape_cast %get3A_2224 : vector<1x16xf32> to vector<16xf32>
    %mul3A_2226 = arith.mulf %get3A_2103, %get3A_2225 : vector<16xf32>
    %add3A_2227 = arith.addf %get3A_2220, %mul3A_2226 : vector<16xf32>
    %get3A_2228 = arith.constant 51 : i32
    %get3A_2229 = arith.index_cast %get3A_2228 : i32 to index
    %get3A_2230 = arith.constant 32 : index
    %get3A_2231 = tpu.vector_load %arg9[%get3A_2229, %get3A_2230] {strides = array<i32>} : memref<80x128xf32, #tpu.memory_space<vmem>>, vector<1x16xf32>,
    %get3A_2232 = vector.shape_cast %get3A_2231 : vector<1x16xf32> to vector<16xf32>
    %mul3A_2233 = arith.mulf %get3A_2108, %get3A_2232 : vector<16xf32>
    %add3A_2234 = arith.addf %add3A_2227, %mul3A_2233 : vector<16xf32>
    %get3A_2235 = arith.constant 52 : i32
    %get3A_2236 = arith.index_cast %get3A_2235 : i32 to index
    %get3A_2237 = arith.constant 32 : index
    %get3A_2238 = tpu.vector_load %arg9[%get3A_2236, %get3A_2237] {strides = array<i32>} : memref<80x128xf32, #tpu.memory_space<vmem>>, vector<1x16xf32>,
    %get3A_2239 = vector.shape_cast %get3A_2238 : vector<1x16xf32> to vector<16xf32>
    %mul3A_2240 = arith.mulf %get3A_2113, %get3A_2239 : vector<16xf32>
    %add3A_2241 = arith.addf %add3A_2234, %mul3A_2240 : vector<16xf32>
    %get3A_2242 = arith.constant 53 : i32
    %get3A_2243 = arith.index_cast %get3A_2242 : i32 to index
    %get3A_2244 = arith.constant 32 : index
    %get3A_2245 = tpu.vector_load %arg9[%get3A_2243, %get3A_2244] {strides = array<i32>} : memref<80x128xf32, #tpu.memory_space<vmem>>, vector<1x16xf32>,
    %get3A_2246 = vector.shape_cast %get3A_2245 : vector<1x16xf32> to vector<16xf32>
    %mul3A_2247 = arith.mulf %get3A_2118, %get3A_2246 : vector<16xf32>
    %add3A_2248 = arith.addf %add3A_2241, %mul3A_2247 : vector<16xf32>
    %get3A_2249 = arith.constant 54 : i32
    %get3A_2250 = arith.index_cast %get3A_2249 : i32 to index
    %get3A_2251 = arith.constant 32 : index
    %get3A_2252 = tpu.vector_load %arg9[%get3A_2250, %get3A_2251] {strides = array<i32>} : memref<80x128xf32, #tpu.memory_space<vmem>>, vector<1x16xf32>,
    %get3A_2253 = vector.shape_cast %get3A_2252 : vector<1x16xf32> to vector<16xf32>
    %mul3A_2254 = arith.mulf %get3A_2123, %get3A_2253 : vector<16xf32>
    %add3A_2255 = arith.addf %add3A_2248, %mul3A_2254 : vector<16xf32>
    %swap3A_2256 = arith.constant 10 : i32
    %swap3A_2257 = arith.index_cast %swap3A_2256 : i32 to index
    %swap3A_2258 = arith.constant 32 : index
    %swap3A_2259 = tpu.vector_load %arg10[%swap3A_2257, %swap3A_2258] {strides = array<i32>} : memref<16x64xf32, #tpu.memory_space<vmem>>, vector<1x16xf32>,
    %swap3A_2260 = vector.shape_cast %swap3A_2259 : vector<1x16xf32> to vector<16xf32>
    %swap3A_2261 = vector.shape_cast %add3A_2255 : vector<16xf32> to vector<1x16xf32>
    tpu.vector_store %arg10[%swap3A_2257, %swap3A_2258], %swap3A_2261 {strides = array<i32>} : memref<16x64xf32, #tpu.memory_space<vmem>>, vector<1x16xf32>,
    %get3A_2262 = arith.constant 10 : i32
    %get3A_2263 = arith.index_cast %get3A_2262 : i32 to index
    %get3A_2264 = arith.constant 48 : index
    %get3A_2265 = tpu.vector_load %arg10[%get3A_2263, %get3A_2264] {strides = array<i32>} : memref<16x64xf32, #tpu.memory_space<vmem>>, vector<1x16xf32>,
    %get3A_2266 = vector.shape_cast %get3A_2265 : vector<1x16xf32> to vector<16xf32>
    %get3A_2267 = arith.constant 50 : i32
    %get3A_2268 = arith.index_cast %get3A_2267 : i32 to index
    %get3A_2269 = arith.constant 48 : index
    %get3A_2270 = tpu.vector_load %arg9[%get3A_2268, %get3A_2269] {strides = array<i32>} : memref<80x128xf32, #tpu.memory_space<vmem>>, vector<1x16xf32>,
    %get3A_2271 = vector.shape_cast %get3A_2270 : vector<1x16xf32> to vector<16xf32>
    %mul3A_2272 = arith.mulf %get3A_2103, %get3A_2271 : vector<16xf32>
    %add3A_2273 = arith.addf %get3A_2266, %mul3A_2272 : vector<16xf32>
    %get3A_2274 = arith.constant 51 : i32
    %get3A_2275 = arith.index_cast %get3A_2274 : i32 to index
    %get3A_2276 = arith.constant 48 : index
    %get3A_2277 = tpu.vector_load %arg9[%get3A_2275, %get3A_2276] {strides = array<i32>} : memref<80x128xf32, #tpu.memory_space<vmem>>, vector<1x16xf32>,
    %get3A_2278 = vector.shape_cast %get3A_2277 : vector<1x16xf32> to vector<16xf32>
    %mul3A_2279 = arith.mulf %get3A_2108, %get3A_2278 : vector<16xf32>
    %add3A_2280 = arith.addf %add3A_2273, %mul3A_2279 : vector<16xf32>
    %get3A_2281 = arith.constant 52 : i32
    %get3A_2282 = arith.index_cast %get3A_2281 : i32 to index
    %get3A_2283 = arith.constant 48 : index
    %get3A_2284 = tpu.vector_load %arg9[%get3A_2282, %get3A_2283] {strides = array<i32>} : memref<80x128xf32, #tpu.memory_space<vmem>>, vector<1x16xf32>,
    %get3A_2285 = vector.shape_cast %get3A_2284 : vector<1x16xf32> to vector<16xf32>
    %mul3A_2286 = arith.mulf %get3A_2113, %get3A_2285 : vector<16xf32>
    %add3A_2287 = arith.addf %add3A_2280, %mul3A_2286 : vector<16xf32>
    %get3A_2288 = arith.constant 53 : i32
    %get3A_2289 = arith.index_cast %get3A_2288 : i32 to index
    %get3A_2290 = arith.constant 48 : index
    %get3A_2291 = tpu.vector_load %arg9[%get3A_2289, %get3A_2290] {strides = array<i32>} : memref<80x128xf32, #tpu.memory_space<vmem>>, vector<1x16xf32>,
    %get3A_2292 = vector.shape_cast %get3A_2291 : vector<1x16xf32> to vector<16xf32>
    %mul3A_2293 = arith.mulf %get3A_2118, %get3A_2292 : vector<16xf32>
    %add3A_2294 = arith.addf %add3A_2287, %mul3A_2293 : vector<16xf32>
    %get3A_2295 = arith.constant 54 : i32
    %get3A_2296 = arith.index_cast %get3A_2295 : i32 to index
    %get3A_2297 = arith.constant 48 : index
    %get3A_2298 = tpu.vector_load %arg9[%get3A_2296, %get3A_2297] {strides = array<i32>} : memref<80x128xf32, #tpu.memory_space<vmem>>, vector<1x16xf32>,
    %get3A_2299 = vector.shape_cast %get3A_2298 : vector<1x16xf32> to vector<16xf32>
    %mul3A_2300 = arith.mulf %get3A_2123, %get3A_2299 : vector<16xf32>
    %add3A_2301 = arith.addf %add3A_2294, %mul3A_2300 : vector<16xf32>
    %swap3A_2302 = arith.constant 10 : i32
    %swap3A_2303 = arith.index_cast %swap3A_2302 : i32 to index
    %swap3A_2304 = arith.constant 48 : index
    %swap3A_2305 = tpu.vector_load %arg10[%swap3A_2303, %swap3A_2304] {strides = array<i32>} : memref<16x64xf32, #tpu.memory_space<vmem>>, vector<1x16xf32>,
    %swap3A_2306 = vector.shape_cast %swap3A_2305 : vector<1x16xf32> to vector<16xf32>
    %swap3A_2307 = vector.shape_cast %add3A_2301 : vector<16xf32> to vector<1x16xf32>
    tpu.vector_store %arg10[%swap3A_2303, %swap3A_2304], %swap3A_2307 {strides = array<i32>} : memref<16x64xf32, #tpu.memory_space<vmem>>, vector<1x16xf32>,
    %get3A_2308 = arith.constant 55 : i32
    %get3A_2309 = arith.index_cast %get3A_2308 : i32 to index
    %get3A_2310 = arith.constant 0 : index
    %get3A_2311 = tpu.vector_load %arg8[%get3A_2309, %get3A_2310] {strides = array<i32>} : memref<80x16xf32, #tpu.memory_space<vmem>>, vector<1x16xf32>,
    %get3A_2312 = vector.shape_cast %get3A_2311 : vector<1x16xf32> to vector<16xf32>
    %get3A_2313 = arith.constant 56 : i32
    %get3A_2314 = arith.index_cast %get3A_2313 : i32 to index
    %get3A_2315 = arith.constant 0 : index
    %get3A_2316 = tpu.vector_load %arg8[%get3A_2314, %get3A_2315] {strides = array<i32>} : memref<80x16xf32, #tpu.memory_space<vmem>>, vector<1x16xf32>,
    %get3A_2317 = vector.shape_cast %get3A_2316 : vector<1x16xf32> to vector<16xf32>
    %get3A_2318 = arith.constant 57 : i32
    %get3A_2319 = arith.index_cast %get3A_2318 : i32 to index
    %get3A_2320 = arith.constant 0 : index
    %get3A_2321 = tpu.vector_load %arg8[%get3A_2319, %get3A_2320] {strides = array<i32>} : memref<80x16xf32, #tpu.memory_space<vmem>>, vector<1x16xf32>,
    %get3A_2322 = vector.shape_cast %get3A_2321 : vector<1x16xf32> to vector<16xf32>
    %get3A_2323 = arith.constant 58 : i32
    %get3A_2324 = arith.index_cast %get3A_2323 : i32 to index
    %get3A_2325 = arith.constant 0 : index
    %get3A_2326 = tpu.vector_load %arg8[%get3A_2324, %get3A_2325] {strides = array<i32>} : memref<80x16xf32, #tpu.memory_space<vmem>>, vector<1x16xf32>,
    %get3A_2327 = vector.shape_cast %get3A_2326 : vector<1x16xf32> to vector<16xf32>
    %get3A_2328 = arith.constant 59 : i32
    %get3A_2329 = arith.index_cast %get3A_2328 : i32 to index
    %get3A_2330 = arith.constant 0 : index
    %get3A_2331 = tpu.vector_load %arg8[%get3A_2329, %get3A_2330] {strides = array<i32>} : memref<80x16xf32, #tpu.memory_space<vmem>>, vector<1x16xf32>,
    %get3A_2332 = vector.shape_cast %get3A_2331 : vector<1x16xf32> to vector<16xf32>
    %get3A_2333 = arith.constant 11 : i32
    %get3A_2334 = arith.index_cast %get3A_2333 : i32 to index
    %get3A_2335 = arith.constant 0 : index
    %get3A_2336 = tpu.vector_load %arg10[%get3A_2334, %get3A_2335] {strides = array<i32>} : memref<16x64xf32, #tpu.memory_space<vmem>>, vector<1x16xf32>,
    %get3A_2337 = vector.shape_cast %get3A_2336 : vector<1x16xf32> to vector<16xf32>
    %get3A_2338 = arith.constant 55 : i32
    %get3A_2339 = arith.index_cast %get3A_2338 : i32 to index
    %get3A_2340 = arith.constant 0 : index
    %get3A_2341 = tpu.vector_load %arg9[%get3A_2339, %get3A_2340] {strides = array<i32>} : memref<80x128xf32, #tpu.memory_space<vmem>>, vector<1x16xf32>,
    %get3A_2342 = vector.shape_cast %get3A_2341 : vector<1x16xf32> to vector<16xf32>
    %mul3A_2343 = arith.mulf %get3A_2312, %get3A_2342 : vector<16xf32>
    %add3A_2344 = arith.addf %get3A_2337, %mul3A_2343 : vector<16xf32>
    %get3A_2345 = arith.constant 56 : i32
    %get3A_2346 = arith.index_cast %get3A_2345 : i32 to index
    %get3A_2347 = arith.constant 0 : index
    %get3A_2348 = tpu.vector_load %arg9[%get3A_2346, %get3A_2347] {strides = array<i32>} : memref<80x128xf32, #tpu.memory_space<vmem>>, vector<1x16xf32>,
    %get3A_2349 = vector.shape_cast %get3A_2348 : vector<1x16xf32> to vector<16xf32>
    %mul3A_2350 = arith.mulf %get3A_2317, %get3A_2349 : vector<16xf32>
    %add3A_2351 = arith.addf %add3A_2344, %mul3A_2350 : vector<16xf32>
    %get3A_2352 = arith.constant 57 : i32
    %get3A_2353 = arith.index_cast %get3A_2352 : i32 to index
    %get3A_2354 = arith.constant 0 : index
    %get3A_2355 = tpu.vector_load %arg9[%get3A_2353, %get3A_2354] {strides = array<i32>} : memref<80x128xf32, #tpu.memory_space<vmem>>, vector<1x16xf32>,
    %get3A_2356 = vector.shape_cast %get3A_2355 : vector<1x16xf32> to vector<16xf32>
    %mul3A_2357 = arith.mulf %get3A_2322, %get3A_2356 : vector<16xf32>
    %add3A_2358 = arith.addf %add3A_2351, %mul3A_2357 : vector<16xf32>
    %get3A_2359 = arith.constant 58 : i32
    %get3A_2360 = arith.index_cast %get3A_2359 : i32 to index
    %get3A_2361 = arith.constant 0 : index
    %get3A_2362 = tpu.vector_load %arg9[%get3A_2360, %get3A_2361] {strides = array<i32>} : memref<80x128xf32, #tpu.memory_space<vmem>>, vector<1x16xf32>,
    %get3A_2363 = vector.shape_cast %get3A_2362 : vector<1x16xf32> to vector<16xf32>
    %mul3A_2364 = arith.mulf %get3A_2327, %get3A_2363 : vector<16xf32>
    %add3A_2365 = arith.addf %add3A_2358, %mul3A_2364 : vector<16xf32>
    %get3A_2366 = arith.constant 59 : i32
    %get3A_2367 = arith.index_cast %get3A_2366 : i32 to index
    %get3A_2368 = arith.constant 0 : index
    %get3A_2369 = tpu.vector_load %arg9[%get3A_2367, %get3A_2368] {strides = array<i32>} : memref<80x128xf32, #tpu.memory_space<vmem>>, vector<1x16xf32>,
    %get3A_2370 = vector.shape_cast %get3A_2369 : vector<1x16xf32> to vector<16xf32>
    %mul3A_2371 = arith.mulf %get3A_2332, %get3A_2370 : vector<16xf32>
    %add3A_2372 = arith.addf %add3A_2365, %mul3A_2371 : vector<16xf32>
    %swap3A_2373 = arith.constant 11 : i32
    %swap3A_2374 = arith.index_cast %swap3A_2373 : i32 to index
    %swap3A_2375 = arith.constant 0 : index
    %swap3A_2376 = tpu.vector_load %arg10[%swap3A_2374, %swap3A_2375] {strides = array<i32>} : memref<16x64xf32, #tpu.memory_space<vmem>>, vector<1x16xf32>,
    %swap3A_2377 = vector.shape_cast %swap3A_2376 : vector<1x16xf32> to vector<16xf32>
    %swap3A_2378 = vector.shape_cast %add3A_2372 : vector<16xf32> to vector<1x16xf32>
    tpu.vector_store %arg10[%swap3A_2374, %swap3A_2375], %swap3A_2378 {strides = array<i32>} : memref<16x64xf32, #tpu.memory_space<vmem>>, vector<1x16xf32>,
    %get3A_2379 = arith.constant 11 : i32
    %get3A_2380 = arith.index_cast %get3A_2379 : i32 to index
    %get3A_2381 = arith.constant 16 : index
    %get3A_2382 = tpu.vector_load %arg10[%get3A_2380, %get3A_2381] {strides = array<i32>} : memref<16x64xf32, #tpu.memory_space<vmem>>, vector<1x16xf32>,
    %get3A_2383 = vector.shape_cast %get3A_2382 : vector<1x16xf32> to vector<16xf32>
    %get3A_2384 = arith.constant 55 : i32
    %get3A_2385 = arith.index_cast %get3A_2384 : i32 to index
    %get3A_2386 = arith.constant 16 : index
    %get3A_2387 = tpu.vector_load %arg9[%get3A_2385, %get3A_2386] {strides = array<i32>} : memref<80x128xf32, #tpu.memory_space<vmem>>, vector<1x16xf32>,
    %get3A_2388 = vector.shape_cast %get3A_2387 : vector<1x16xf32> to vector<16xf32>
    %mul3A_2389 = arith.mulf %get3A_2312, %get3A_2388 : vector<16xf32>
    %add3A_2390 = arith.addf %get3A_2383, %mul3A_2389 : vector<16xf32>
    %get3A_2391 = arith.constant 56 : i32
    %get3A_2392 = arith.index_cast %get3A_2391 : i32 to index
    %get3A_2393 = arith.constant 16 : index
    %get3A_2394 = tpu.vector_load %arg9[%get3A_2392, %get3A_2393] {strides = array<i32>} : memref<80x128xf32, #tpu.memory_space<vmem>>, vector<1x16xf32>,
    %get3A_2395 = vector.shape_cast %get3A_2394 : vector<1x16xf32> to vector<16xf32>
    %mul3A_2396 = arith.mulf %get3A_2317, %get3A_2395 : vector<16xf32>
    %add3A_2397 = arith.addf %add3A_2390, %mul3A_2396 : vector<16xf32>
    %get3A_2398 = arith.constant 57 : i32
    %get3A_2399 = arith.index_cast %get3A_2398 : i32 to index
    %get3A_2400 = arith.constant 16 : index
    %get3A_2401 = tpu.vector_load %arg9[%get3A_2399, %get3A_2400] {strides = array<i32>} : memref<80x128xf32, #tpu.memory_space<vmem>>, vector<1x16xf32>,
    %get3A_2402 = vector.shape_cast %get3A_2401 : vector<1x16xf32> to vector<16xf32>
    %mul3A_2403 = arith.mulf %get3A_2322, %get3A_2402 : vector<16xf32>
    %add3A_2404 = arith.addf %add3A_2397, %mul3A_2403 : vector<16xf32>
    %get3A_2405 = arith.constant 58 : i32
    %get3A_2406 = arith.index_cast %get3A_2405 : i32 to index
    %get3A_2407 = arith.constant 16 : index
    %get3A_2408 = tpu.vector_load %arg9[%get3A_2406, %get3A_2407] {strides = array<i32>} : memref<80x128xf32, #tpu.memory_space<vmem>>, vector<1x16xf32>,
    %get3A_2409 = vector.shape_cast %get3A_2408 : vector<1x16xf32> to vector<16xf32>
    %mul3A_2410 = arith.mulf %get3A_2327, %get3A_2409 : vector<16xf32>
    %add3A_2411 = arith.addf %add3A_2404, %mul3A_2410 : vector<16xf32>
    %get3A_2412 = arith.constant 59 : i32
    %get3A_2413 = arith.index_cast %get3A_2412 : i32 to index
    %get3A_2414 = arith.constant 16 : index
    %get3A_2415 = tpu.vector_load %arg9[%get3A_2413, %get3A_2414] {strides = array<i32>} : memref<80x128xf32, #tpu.memory_space<vmem>>, vector<1x16xf32>,
    %get3A_2416 = vector.shape_cast %get3A_2415 : vector<1x16xf32> to vector<16xf32>
    %mul3A_2417 = arith.mulf %get3A_2332, %get3A_2416 : vector<16xf32>
    %add3A_2418 = arith.addf %add3A_2411, %mul3A_2417 : vector<16xf32>
    %swap3A_2419 = arith.constant 11 : i32
    %swap3A_2420 = arith.index_cast %swap3A_2419 : i32 to index
    %swap3A_2421 = arith.constant 16 : index
    %swap3A_2422 = tpu.vector_load %arg10[%swap3A_2420, %swap3A_2421] {strides = array<i32>} : memref<16x64xf32, #tpu.memory_space<vmem>>, vector<1x16xf32>,
    %swap3A_2423 = vector.shape_cast %swap3A_2422 : vector<1x16xf32> to vector<16xf32>
    %swap3A_2424 = vector.shape_cast %add3A_2418 : vector<16xf32> to vector<1x16xf32>
    tpu.vector_store %arg10[%swap3A_2420, %swap3A_2421], %swap3A_2424 {strides = array<i32>} : memref<16x64xf32, #tpu.memory_space<vmem>>, vector<1x16xf32>,
    %get3A_2425 = arith.constant 11 : i32
    %get3A_2426 = arith.index_cast %get3A_2425 : i32 to index
    %get3A_2427 = arith.constant 32 : index
    %get3A_2428 = tpu.vector_load %arg10[%get3A_2426, %get3A_2427] {strides = array<i32>} : memref<16x64xf32, #tpu.memory_space<vmem>>, vector<1x16xf32>,
    %get3A_2429 = vector.shape_cast %get3A_2428 : vector<1x16xf32> to vector<16xf32>
    %get3A_2430 = arith.constant 55 : i32
    %get3A_2431 = arith.index_cast %get3A_2430 : i32 to index
    %get3A_2432 = arith.constant 32 : index
    %get3A_2433 = tpu.vector_load %arg9[%get3A_2431, %get3A_2432] {strides = array<i32>} : memref<80x128xf32, #tpu.memory_space<vmem>>, vector<1x16xf32>,
    %get3A_2434 = vector.shape_cast %get3A_2433 : vector<1x16xf32> to vector<16xf32>
    %mul3A_2435 = arith.mulf %get3A_2312, %get3A_2434 : vector<16xf32>
    %add3A_2436 = arith.addf %get3A_2429, %mul3A_2435 : vector<16xf32>
    %get3A_2437 = arith.constant 56 : i32
    %get3A_2438 = arith.index_cast %get3A_2437 : i32 to index
    %get3A_2439 = arith.constant 32 : index
    %get3A_2440 = tpu.vector_load %arg9[%get3A_2438, %get3A_2439] {strides = array<i32>} : memref<80x128xf32, #tpu.memory_space<vmem>>, vector<1x16xf32>,
    %get3A_2441 = vector.shape_cast %get3A_2440 : vector<1x16xf32> to vector<16xf32>
    %mul3A_2442 = arith.mulf %get3A_2317, %get3A_2441 : vector<16xf32>
    %add3A_2443 = arith.addf %add3A_2436, %mul3A_2442 : vector<16xf32>
    %get3A_2444 = arith.constant 57 : i32
    %get3A_2445 = arith.index_cast %get3A_2444 : i32 to index
    %get3A_2446 = arith.constant 32 : index
    %get3A_2447 = tpu.vector_load %arg9[%get3A_2445, %get3A_2446] {strides = array<i32>} : memref<80x128xf32, #tpu.memory_space<vmem>>, vector<1x16xf32>,
    %get3A_2448 = vector.shape_cast %get3A_2447 : vector<1x16xf32> to vector<16xf32>
    %mul3A_2449 = arith.mulf %get3A_2322, %get3A_2448 : vector<16xf32>
    %add3A_2450 = arith.addf %add3A_2443, %mul3A_2449 : vector<16xf32>
    %get3A_2451 = arith.constant 58 : i32
    %get3A_2452 = arith.index_cast %get3A_2451 : i32 to index
    %get3A_2453 = arith.constant 32 : index
    %get3A_2454 = tpu.vector_load %arg9[%get3A_2452, %get3A_2453] {strides = array<i32>} : memref<80x128xf32, #tpu.memory_space<vmem>>, vector<1x16xf32>,
    %get3A_2455 = vector.shape_cast %get3A_2454 : vector<1x16xf32> to vector<16xf32>
    %mul3A_2456 = arith.mulf %get3A_2327, %get3A_2455 : vector<16xf32>
    %add3A_2457 = arith.addf %add3A_2450, %mul3A_2456 : vector<16xf32>
    %get3A_2458 = arith.constant 59 : i32
    %get3A_2459 = arith.index_cast %get3A_2458 : i32 to index
    %get3A_2460 = arith.constant 32 : index
    %get3A_2461 = tpu.vector_load %arg9[%get3A_2459, %get3A_2460] {strides = array<i32>} : memref<80x128xf32, #tpu.memory_space<vmem>>, vector<1x16xf32>,
    %get3A_2462 = vector.shape_cast %get3A_2461 : vector<1x16xf32> to vector<16xf32>
    %mul3A_2463 = arith.mulf %get3A_2332, %get3A_2462 : vector<16xf32>
    %add3A_2464 = arith.addf %add3A_2457, %mul3A_2463 : vector<16xf32>
    %swap3A_2465 = arith.constant 11 : i32
    %swap3A_2466 = arith.index_cast %swap3A_2465 : i32 to index
    %swap3A_2467 = arith.constant 32 : index
    %swap3A_2468 = tpu.vector_load %arg10[%swap3A_2466, %swap3A_2467] {strides = array<i32>} : memref<16x64xf32, #tpu.memory_space<vmem>>, vector<1x16xf32>,
    %swap3A_2469 = vector.shape_cast %swap3A_2468 : vector<1x16xf32> to vector<16xf32>
    %swap3A_2470 = vector.shape_cast %add3A_2464 : vector<16xf32> to vector<1x16xf32>
    tpu.vector_store %arg10[%swap3A_2466, %swap3A_2467], %swap3A_2470 {strides = array<i32>} : memref<16x64xf32, #tpu.memory_space<vmem>>, vector<1x16xf32>,
    %get3A_2471 = arith.constant 11 : i32
    %get3A_2472 = arith.index_cast %get3A_2471 : i32 to index
    %get3A_2473 = arith.constant 48 : index
    %get3A_2474 = tpu.vector_load %arg10[%get3A_2472, %get3A_2473] {strides = array<i32>} : memref<16x64xf32, #tpu.memory_space<vmem>>, vector<1x16xf32>,
    %get3A_2475 = vector.shape_cast %get3A_2474 : vector<1x16xf32> to vector<16xf32>
    %get3A_2476 = arith.constant 55 : i32
    %get3A_2477 = arith.index_cast %get3A_2476 : i32 to index
    %get3A_2478 = arith.constant 48 : index
    %get3A_2479 = tpu.vector_load %arg9[%get3A_2477, %get3A_2478] {strides = array<i32>} : memref<80x128xf32, #tpu.memory_space<vmem>>, vector<1x16xf32>,
    %get3A_2480 = vector.shape_cast %get3A_2479 : vector<1x16xf32> to vector<16xf32>
    %mul3A_2481 = arith.mulf %get3A_2312, %get3A_2480 : vector<16xf32>
    %add3A_2482 = arith.addf %get3A_2475, %mul3A_2481 : vector<16xf32>
    %get3A_2483 = arith.constant 56 : i32
    %get3A_2484 = arith.index_cast %get3A_2483 : i32 to index
    %get3A_2485 = arith.constant 48 : index
    %get3A_2486 = tpu.vector_load %arg9[%get3A_2484, %get3A_2485] {strides = array<i32>} : memref<80x128xf32, #tpu.memory_space<vmem>>, vector<1x16xf32>,
    %get3A_2487 = vector.shape_cast %get3A_2486 : vector<1x16xf32> to vector<16xf32>
    %mul3A_2488 = arith.mulf %get3A_2317, %get3A_2487 : vector<16xf32>
    %add3A_2489 = arith.addf %add3A_2482, %mul3A_2488 : vector<16xf32>
    %get3A_2490 = arith.constant 57 : i32
    %get3A_2491 = arith.index_cast %get3A_2490 : i32 to index
    %get3A_2492 = arith.constant 48 : index
    %get3A_2493 = tpu.vector_load %arg9[%get3A_2491, %get3A_2492] {strides = array<i32>} : memref<80x128xf32, #tpu.memory_space<vmem>>, vector<1x16xf32>,
    %get3A_2494 = vector.shape_cast %get3A_2493 : vector<1x16xf32> to vector<16xf32>
    %mul3A_2495 = arith.mulf %get3A_2322, %get3A_2494 : vector<16xf32>
    %add3A_2496 = arith.addf %add3A_2489, %mul3A_2495 : vector<16xf32>
    %get3A_2497 = arith.constant 58 : i32
    %get3A_2498 = arith.index_cast %get3A_2497 : i32 to index
    %get3A_2499 = arith.constant 48 : index
    %get3A_2500 = tpu.vector_load %arg9[%get3A_2498, %get3A_2499] {strides = array<i32>} : memref<80x128xf32, #tpu.memory_space<vmem>>, vector<1x16xf32>,
    %get3A_2501 = vector.shape_cast %get3A_2500 : vector<1x16xf32> to vector<16xf32>
    %mul3A_2502 = arith.mulf %get3A_2327, %get3A_2501 : vector<16xf32>
    %add3A_2503 = arith.addf %add3A_2496, %mul3A_2502 : vector<16xf32>
    %get3A_2504 = arith.constant 59 : i32
    %get3A_2505 = arith.index_cast %get3A_2504 : i32 to index
    %get3A_2506 = arith.constant 48 : index
    %get3A_2507 = tpu.vector_load %arg9[%get3A_2505, %get3A_2506] {strides = array<i32>} : memref<80x128xf32, #tpu.memory_space<vmem>>, vector<1x16xf32>,
    %get3A_2508 = vector.shape_cast %get3A_2507 : vector<1x16xf32> to vector<16xf32>
    %mul3A_2509 = arith.mulf %get3A_2332, %get3A_2508 : vector<16xf32>
    %add3A_2510 = arith.addf %add3A_2503, %mul3A_2509 : vector<16xf32>
    %swap3A_2511 = arith.constant 11 : i32
    %swap3A_2512 = arith.index_cast %swap3A_2511 : i32 to index
    %swap3A_2513 = arith.constant 48 : index
    %swap3A_2514 = tpu.vector_load %arg10[%swap3A_2512, %swap3A_2513] {strides = array<i32>} : memref<16x64xf32, #tpu.memory_space<vmem>>, vector<1x16xf32>,
    %swap3A_2515 = vector.shape_cast %swap3A_2514 : vector<1x16xf32> to vector<16xf32>
    %swap3A_2516 = vector.shape_cast %add3A_2510 : vector<16xf32> to vector<1x16xf32>
    tpu.vector_store %arg10[%swap3A_2512, %swap3A_2513], %swap3A_2516 {strides = array<i32>} : memref<16x64xf32, #tpu.memory_space<vmem>>, vector<1x16xf32>,
    %get3A_2517 = arith.constant 60 : i32
    %get3A_2518 = arith.index_cast %get3A_2517 : i32 to index
    %get3A_2519 = arith.constant 0 : index
    %get3A_2520 = tpu.vector_load %arg8[%get3A_2518, %get3A_2519] {strides = array<i32>} : memref<80x16xf32, #tpu.memory_space<vmem>>, vector<1x16xf32>,
    %get3A_2521 = vector.shape_cast %get3A_2520 : vector<1x16xf32> to vector<16xf32>
    %get3A_2522 = arith.constant 61 : i32
    %get3A_2523 = arith.index_cast %get3A_2522 : i32 to index
    %get3A_2524 = arith.constant 0 : index
    %get3A_2525 = tpu.vector_load %arg8[%get3A_2523, %get3A_2524] {strides = array<i32>} : memref<80x16xf32, #tpu.memory_space<vmem>>, vector<1x16xf32>,
    %get3A_2526 = vector.shape_cast %get3A_2525 : vector<1x16xf32> to vector<16xf32>
    %get3A_2527 = arith.constant 62 : i32
    %get3A_2528 = arith.index_cast %get3A_2527 : i32 to index
    %get3A_2529 = arith.constant 0 : index
    %get3A_2530 = tpu.vector_load %arg8[%get3A_2528, %get3A_2529] {strides = array<i32>} : memref<80x16xf32, #tpu.memory_space<vmem>>, vector<1x16xf32>,
    %get3A_2531 = vector.shape_cast %get3A_2530 : vector<1x16xf32> to vector<16xf32>
    %get3A_2532 = arith.constant 63 : i32
    %get3A_2533 = arith.index_cast %get3A_2532 : i32 to index
    %get3A_2534 = arith.constant 0 : index
    %get3A_2535 = tpu.vector_load %arg8[%get3A_2533, %get3A_2534] {strides = array<i32>} : memref<80x16xf32, #tpu.memory_space<vmem>>, vector<1x16xf32>,
    %get3A_2536 = vector.shape_cast %get3A_2535 : vector<1x16xf32> to vector<16xf32>
    %get3A_2537 = arith.constant 64 : i32
    %get3A_2538 = arith.index_cast %get3A_2537 : i32 to index
    %get3A_2539 = arith.constant 0 : index
    %get3A_2540 = tpu.vector_load %arg8[%get3A_2538, %get3A_2539] {strides = array<i32>} : memref<80x16xf32, #tpu.memory_space<vmem>>, vector<1x16xf32>,
    %get3A_2541 = vector.shape_cast %get3A_2540 : vector<1x16xf32> to vector<16xf32>
    %get3A_2542 = arith.constant 12 : i32
    %get3A_2543 = arith.index_cast %get3A_2542 : i32 to index
    %get3A_2544 = arith.constant 0 : index
    %get3A_2545 = tpu.vector_load %arg10[%get3A_2543, %get3A_2544] {strides = array<i32>} : memref<16x64xf32, #tpu.memory_space<vmem>>, vector<1x16xf32>,
    %get3A_2546 = vector.shape_cast %get3A_2545 : vector<1x16xf32> to vector<16xf32>
    %get3A_2547 = arith.constant 60 : i32
    %get3A_2548 = arith.index_cast %get3A_2547 : i32 to index
    %get3A_2549 = arith.constant 0 : index
    %get3A_2550 = tpu.vector_load %arg9[%get3A_2548, %get3A_2549] {strides = array<i32>} : memref<80x128xf32, #tpu.memory_space<vmem>>, vector<1x16xf32>,
    %get3A_2551 = vector.shape_cast %get3A_2550 : vector<1x16xf32> to vector<16xf32>
    %mul3A_2552 = arith.mulf %get3A_2521, %get3A_2551 : vector<16xf32>
    %add3A_2553 = arith.addf %get3A_2546, %mul3A_2552 : vector<16xf32>
    %get3A_2554 = arith.constant 61 : i32
    %get3A_2555 = arith.index_cast %get3A_2554 : i32 to index
    %get3A_2556 = arith.constant 0 : index
    %get3A_2557 = tpu.vector_load %arg9[%get3A_2555, %get3A_2556] {strides = array<i32>} : memref<80x128xf32, #tpu.memory_space<vmem>>, vector<1x16xf32>,
    %get3A_2558 = vector.shape_cast %get3A_2557 : vector<1x16xf32> to vector<16xf32>
    %mul3A_2559 = arith.mulf %get3A_2526, %get3A_2558 : vector<16xf32>
    %add3A_2560 = arith.addf %add3A_2553, %mul3A_2559 : vector<16xf32>
    %get3A_2561 = arith.constant 62 : i32
    %get3A_2562 = arith.index_cast %get3A_2561 : i32 to index
    %get3A_2563 = arith.constant 0 : index
    %get3A_2564 = tpu.vector_load %arg9[%get3A_2562, %get3A_2563] {strides = array<i32>} : memref<80x128xf32, #tpu.memory_space<vmem>>, vector<1x16xf32>,
    %get3A_2565 = vector.shape_cast %get3A_2564 : vector<1x16xf32> to vector<16xf32>
    %mul3A_2566 = arith.mulf %get3A_2531, %get3A_2565 : vector<16xf32>
    %add3A_2567 = arith.addf %add3A_2560, %mul3A_2566 : vector<16xf32>
    %get3A_2568 = arith.constant 63 : i32
    %get3A_2569 = arith.index_cast %get3A_2568 : i32 to index
    %get3A_2570 = arith.constant 0 : index
    %get3A_2571 = tpu.vector_load %arg9[%get3A_2569, %get3A_2570] {strides = array<i32>} : memref<80x128xf32, #tpu.memory_space<vmem>>, vector<1x16xf32>,
    %get3A_2572 = vector.shape_cast %get3A_2571 : vector<1x16xf32> to vector<16xf32>
    %mul3A_2573 = arith.mulf %get3A_2536, %get3A_2572 : vector<16xf32>
    %add3A_2574 = arith.addf %add3A_2567, %mul3A_2573 : vector<16xf32>
    %get3A_2575 = arith.constant 64 : i32
    %get3A_2576 = arith.index_cast %get3A_2575 : i32 to index
    %get3A_2577 = arith.constant 0 : index
    %get3A_2578 = tpu.vector_load %arg9[%get3A_2576, %get3A_2577] {strides = array<i32>} : memref<80x128xf32, #tpu.memory_space<vmem>>, vector<1x16xf32>,
    %get3A_2579 = vector.shape_cast %get3A_2578 : vector<1x16xf32> to vector<16xf32>
    %mul3A_2580 = arith.mulf %get3A_2541, %get3A_2579 : vector<16xf32>
    %add3A_2581 = arith.addf %add3A_2574, %mul3A_2580 : vector<16xf32>
    %swap3A_2582 = arith.constant 12 : i32
    %swap3A_2583 = arith.index_cast %swap3A_2582 : i32 to index
    %swap3A_2584 = arith.constant 0 : index
    %swap3A_2585 = tpu.vector_load %arg10[%swap3A_2583, %swap3A_2584] {strides = array<i32>} : memref<16x64xf32, #tpu.memory_space<vmem>>, vector<1x16xf32>,
    %swap3A_2586 = vector.shape_cast %swap3A_2585 : vector<1x16xf32> to vector<16xf32>
    %swap3A_2587 = vector.shape_cast %add3A_2581 : vector<16xf32> to vector<1x16xf32>
    tpu.vector_store %arg10[%swap3A_2583, %swap3A_2584], %swap3A_2587 {strides = array<i32>} : memref<16x64xf32, #tpu.memory_space<vmem>>, vector<1x16xf32>,
    %get3A_2588 = arith.constant 12 : i32
    %get3A_2589 = arith.index_cast %get3A_2588 : i32 to index
    %get3A_2590 = arith.constant 16 : index
    %get3A_2591 = tpu.vector_load %arg10[%get3A_2589, %get3A_2590] {strides = array<i32>} : memref<16x64xf32, #tpu.memory_space<vmem>>, vector<1x16xf32>,
    %get3A_2592 = vector.shape_cast %get3A_2591 : vector<1x16xf32> to vector<16xf32>
    %get3A_2593 = arith.constant 60 : i32
    %get3A_2594 = arith.index_cast %get3A_2593 : i32 to index
    %get3A_2595 = arith.constant 16 : index
    %get3A_2596 = tpu.vector_load %arg9[%get3A_2594, %get3A_2595] {strides = array<i32>} : memref<80x128xf32, #tpu.memory_space<vmem>>, vector<1x16xf32>,
    %get3A_2597 = vector.shape_cast %get3A_2596 : vector<1x16xf32> to vector<16xf32>
    %mul3A_2598 = arith.mulf %get3A_2521, %get3A_2597 : vector<16xf32>
    %add3A_2599 = arith.addf %get3A_2592, %mul3A_2598 : vector<16xf32>
    %get3A_2600 = arith.constant 61 : i32
    %get3A_2601 = arith.index_cast %get3A_2600 : i32 to index
    %get3A_2602 = arith.constant 16 : index
    %get3A_2603 = tpu.vector_load %arg9[%get3A_2601, %get3A_2602] {strides = array<i32>} : memref<80x128xf32, #tpu.memory_space<vmem>>, vector<1x16xf32>,
    %get3A_2604 = vector.shape_cast %get3A_2603 : vector<1x16xf32> to vector<16xf32>
    %mul3A_2605 = arith.mulf %get3A_2526, %get3A_2604 : vector<16xf32>
    %add3A_2606 = arith.addf %add3A_2599, %mul3A_2605 : vector<16xf32>
    %get3A_2607 = arith.constant 62 : i32
    %get3A_2608 = arith.index_cast %get3A_2607 : i32 to index
    %get3A_2609 = arith.constant 16 : index
    %get3A_2610 = tpu.vector_load %arg9[%get3A_2608, %get3A_2609] {strides = array<i32>} : memref<80x128xf32, #tpu.memory_space<vmem>>, vector<1x16xf32>,
    %get3A_2611 = vector.shape_cast %get3A_2610 : vector<1x16xf32> to vector<16xf32>
    %mul3A_2612 = arith.mulf %get3A_2531, %get3A_2611 : vector<16xf32>
    %add3A_2613 = arith.addf %add3A_2606, %mul3A_2612 : vector<16xf32>
    %get3A_2614 = arith.constant 63 : i32
    %get3A_2615 = arith.index_cast %get3A_2614 : i32 to index
    %get3A_2616 = arith.constant 16 : index
    %get3A_2617 = tpu.vector_load %arg9[%get3A_2615, %get3A_2616] {strides = array<i32>} : memref<80x128xf32, #tpu.memory_space<vmem>>, vector<1x16xf32>,
    %get3A_2618 = vector.shape_cast %get3A_2617 : vector<1x16xf32> to vector<16xf32>
    %mul3A_2619 = arith.mulf %get3A_2536, %get3A_2618 : vector<16xf32>
    %add3A_2620 = arith.addf %add3A_2613, %mul3A_2619 : vector<16xf32>
    %get3A_2621 = arith.constant 64 : i32
    %get3A_2622 = arith.index_cast %get3A_2621 : i32 to index
    %get3A_2623 = arith.constant 16 : index
    %get3A_2624 = tpu.vector_load %arg9[%get3A_2622, %get3A_2623] {strides = array<i32>} : memref<80x128xf32, #tpu.memory_space<vmem>>, vector<1x16xf32>,
    %get3A_2625 = vector.shape_cast %get3A_2624 : vector<1x16xf32> to vector<16xf32>
    %mul3A_2626 = arith.mulf %get3A_2541, %get3A_2625 : vector<16xf32>
    %add3A_2627 = arith.addf %add3A_2620, %mul3A_2626 : vector<16xf32>
    %swap3A_2628 = arith.constant 12 : i32
    %swap3A_2629 = arith.index_cast %swap3A_2628 : i32 to index
    %swap3A_2630 = arith.constant 16 : index
    %swap3A_2631 = tpu.vector_load %arg10[%swap3A_2629, %swap3A_2630] {strides = array<i32>} : memref<16x64xf32, #tpu.memory_space<vmem>>, vector<1x16xf32>,
    %swap3A_2632 = vector.shape_cast %swap3A_2631 : vector<1x16xf32> to vector<16xf32>
    %swap3A_2633 = vector.shape_cast %add3A_2627 : vector<16xf32> to vector<1x16xf32>
    tpu.vector_store %arg10[%swap3A_2629, %swap3A_2630], %swap3A_2633 {strides = array<i32>} : memref<16x64xf32, #tpu.memory_space<vmem>>, vector<1x16xf32>,
    %get3A_2634 = arith.constant 12 : i32
    %get3A_2635 = arith.index_cast %get3A_2634 : i32 to index
    %get3A_2636 = arith.constant 32 : index
    %get3A_2637 = tpu.vector_load %arg10[%get3A_2635, %get3A_2636] {strides = array<i32>} : memref<16x64xf32, #tpu.memory_space<vmem>>, vector<1x16xf32>,
    %get3A_2638 = vector.shape_cast %get3A_2637 : vector<1x16xf32> to vector<16xf32>
    %get3A_2639 = arith.constant 60 : i32
    %get3A_2640 = arith.index_cast %get3A_2639 : i32 to index
    %get3A_2641 = arith.constant 32 : index
    %get3A_2642 = tpu.vector_load %arg9[%get3A_2640, %get3A_2641] {strides = array<i32>} : memref<80x128xf32, #tpu.memory_space<vmem>>, vector<1x16xf32>,
    %get3A_2643 = vector.shape_cast %get3A_2642 : vector<1x16xf32> to vector<16xf32>
    %mul3A_2644 = arith.mulf %get3A_2521, %get3A_2643 : vector<16xf32>
    %add3A_2645 = arith.addf %get3A_2638, %mul3A_2644 : vector<16xf32>
    %get3A_2646 = arith.constant 61 : i32
    %get3A_2647 = arith.index_cast %get3A_2646 : i32 to index
    %get3A_2648 = arith.constant 32 : index
    %get3A_2649 = tpu.vector_load %arg9[%get3A_2647, %get3A_2648] {strides = array<i32>} : memref<80x128xf32, #tpu.memory_space<vmem>>, vector<1x16xf32>,
    %get3A_2650 = vector.shape_cast %get3A_2649 : vector<1x16xf32> to vector<16xf32>
    %mul3A_2651 = arith.mulf %get3A_2526, %get3A_2650 : vector<16xf32>
    %add3A_2652 = arith.addf %add3A_2645, %mul3A_2651 : vector<16xf32>
    %get3A_2653 = arith.constant 62 : i32
    %get3A_2654 = arith.index_cast %get3A_2653 : i32 to index
    %get3A_2655 = arith.constant 32 : index
    %get3A_2656 = tpu.vector_load %arg9[%get3A_2654, %get3A_2655] {strides = array<i32>} : memref<80x128xf32, #tpu.memory_space<vmem>>, vector<1x16xf32>,
    %get3A_2657 = vector.shape_cast %get3A_2656 : vector<1x16xf32> to vector<16xf32>
    %mul3A_2658 = arith.mulf %get3A_2531, %get3A_2657 : vector<16xf32>
    %add3A_2659 = arith.addf %add3A_2652, %mul3A_2658 : vector<16xf32>
    %get3A_2660 = arith.constant 63 : i32
    %get3A_2661 = arith.index_cast %get3A_2660 : i32 to index
    %get3A_2662 = arith.constant 32 : index
    %get3A_2663 = tpu.vector_load %arg9[%get3A_2661, %get3A_2662] {strides = array<i32>} : memref<80x128xf32, #tpu.memory_space<vmem>>, vector<1x16xf32>,
    %get3A_2664 = vector.shape_cast %get3A_2663 : vector<1x16xf32> to vector<16xf32>
    %mul3A_2665 = arith.mulf %get3A_2536, %get3A_2664 : vector<16xf32>
    %add3A_2666 = arith.addf %add3A_2659, %mul3A_2665 : vector<16xf32>
    %get3A_2667 = arith.constant 64 : i32
    %get3A_2668 = arith.index_cast %get3A_2667 : i32 to index
    %get3A_2669 = arith.constant 32 : index
    %get3A_2670 = tpu.vector_load %arg9[%get3A_2668, %get3A_2669] {strides = array<i32>} : memref<80x128xf32, #tpu.memory_space<vmem>>, vector<1x16xf32>,
    %get3A_2671 = vector.shape_cast %get3A_2670 : vector<1x16xf32> to vector<16xf32>
    %mul3A_2672 = arith.mulf %get3A_2541, %get3A_2671 : vector<16xf32>
    %add3A_2673 = arith.addf %add3A_2666, %mul3A_2672 : vector<16xf32>
    %swap3A_2674 = arith.constant 12 : i32
    %swap3A_2675 = arith.index_cast %swap3A_2674 : i32 to index
    %swap3A_2676 = arith.constant 32 : index
    %swap3A_2677 = tpu.vector_load %arg10[%swap3A_2675, %swap3A_2676] {strides = array<i32>} : memref<16x64xf32, #tpu.memory_space<vmem>>, vector<1x16xf32>,
    %swap3A_2678 = vector.shape_cast %swap3A_2677 : vector<1x16xf32> to vector<16xf32>
    %swap3A_2679 = vector.shape_cast %add3A_2673 : vector<16xf32> to vector<1x16xf32>
    tpu.vector_store %arg10[%swap3A_2675, %swap3A_2676], %swap3A_2679 {strides = array<i32>} : memref<16x64xf32, #tpu.memory_space<vmem>>, vector<1x16xf32>,
    %get3A_2680 = arith.constant 12 : i32
    %get3A_2681 = arith.index_cast %get3A_2680 : i32 to index
    %get3A_2682 = arith.constant 48 : index
    %get3A_2683 = tpu.vector_load %arg10[%get3A_2681, %get3A_2682] {strides = array<i32>} : memref<16x64xf32, #tpu.memory_space<vmem>>, vector<1x16xf32>,
    %get3A_2684 = vector.shape_cast %get3A_2683 : vector<1x16xf32> to vector<16xf32>
    %get3A_2685 = arith.constant 60 : i32
    %get3A_2686 = arith.index_cast %get3A_2685 : i32 to index
    %get3A_2687 = arith.constant 48 : index
    %get3A_2688 = tpu.vector_load %arg9[%get3A_2686, %get3A_2687] {strides = array<i32>} : memref<80x128xf32, #tpu.memory_space<vmem>>, vector<1x16xf32>,
    %get3A_2689 = vector.shape_cast %get3A_2688 : vector<1x16xf32> to vector<16xf32>
    %mul3A_2690 = arith.mulf %get3A_2521, %get3A_2689 : vector<16xf32>
    %add3A_2691 = arith.addf %get3A_2684, %mul3A_2690 : vector<16xf32>
    %get3A_2692 = arith.constant 61 : i32
    %get3A_2693 = arith.index_cast %get3A_2692 : i32 to index
    %get3A_2694 = arith.constant 48 : index
    %get3A_2695 = tpu.vector_load %arg9[%get3A_2693, %get3A_2694] {strides = array<i32>} : memref<80x128xf32, #tpu.memory_space<vmem>>, vector<1x16xf32>,
    %get3A_2696 = vector.shape_cast %get3A_2695 : vector<1x16xf32> to vector<16xf32>
    %mul3A_2697 = arith.mulf %get3A_2526, %get3A_2696 : vector<16xf32>
    %add3A_2698 = arith.addf %add3A_2691, %mul3A_2697 : vector<16xf32>
    %get3A_2699 = arith.constant 62 : i32
    %get3A_2700 = arith.index_cast %get3A_2699 : i32 to index
    %get3A_2701 = arith.constant 48 : index
    %get3A_2702 = tpu.vector_load %arg9[%get3A_2700, %get3A_2701] {strides = array<i32>} : memref<80x128xf32, #tpu.memory_space<vmem>>, vector<1x16xf32>,
    %get3A_2703 = vector.shape_cast %get3A_2702 : vector<1x16xf32> to vector<16xf32>
    %mul3A_2704 = arith.mulf %get3A_2531, %get3A_2703 : vector<16xf32>
    %add3A_2705 = arith.addf %add3A_2698, %mul3A_2704 : vector<16xf32>
    %get3A_2706 = arith.constant 63 : i32
    %get3A_2707 = arith.index_cast %get3A_2706 : i32 to index
    %get3A_2708 = arith.constant 48 : index
    %get3A_2709 = tpu.vector_load %arg9[%get3A_2707, %get3A_2708] {strides = array<i32>} : memref<80x128xf32, #tpu.memory_space<vmem>>, vector<1x16xf32>,
    %get3A_2710 = vector.shape_cast %get3A_2709 : vector<1x16xf32> to vector<16xf32>
    %mul3A_2711 = arith.mulf %get3A_2536, %get3A_2710 : vector<16xf32>
    %add3A_2712 = arith.addf %add3A_2705, %mul3A_2711 : vector<16xf32>
    %get3A_2713 = arith.constant 64 : i32
    %get3A_2714 = arith.index_cast %get3A_2713 : i32 to index
    %get3A_2715 = arith.constant 48 : index
    %get3A_2716 = tpu.vector_load %arg9[%get3A_2714, %get3A_2715] {strides = array<i32>} : memref<80x128xf32, #tpu.memory_space<vmem>>, vector<1x16xf32>,
    %get3A_2717 = vector.shape_cast %get3A_2716 : vector<1x16xf32> to vector<16xf32>
    %mul3A_2718 = arith.mulf %get3A_2541, %get3A_2717 : vector<16xf32>
    %add3A_2719 = arith.addf %add3A_2712, %mul3A_2718 : vector<16xf32>
    %swap3A_2720 = arith.constant 12 : i32
    %swap3A_2721 = arith.index_cast %swap3A_2720 : i32 to index
    %swap3A_2722 = arith.constant 48 : index
    %swap3A_2723 = tpu.vector_load %arg10[%swap3A_2721, %swap3A_2722] {strides = array<i32>} : memref<16x64xf32, #tpu.memory_space<vmem>>, vector<1x16xf32>,
    %swap3A_2724 = vector.shape_cast %swap3A_2723 : vector<1x16xf32> to vector<16xf32>
    %swap3A_2725 = vector.shape_cast %add3A_2719 : vector<16xf32> to vector<1x16xf32>
    tpu.vector_store %arg10[%swap3A_2721, %swap3A_2722], %swap3A_2725 {strides = array<i32>} : memref<16x64xf32, #tpu.memory_space<vmem>>, vector<1x16xf32>,
    %get3A_2726 = arith.constant 65 : i32
    %get3A_2727 = arith.index_cast %get3A_2726 : i32 to index
    %get3A_2728 = arith.constant 0 : index
    %get3A_2729 = tpu.vector_load %arg8[%get3A_2727, %get3A_2728] {strides = array<i32>} : memref<80x16xf32, #tpu.memory_space<vmem>>, vector<1x16xf32>,
    %get3A_2730 = vector.shape_cast %get3A_2729 : vector<1x16xf32> to vector<16xf32>
    %get3A_2731 = arith.constant 66 : i32
    %get3A_2732 = arith.index_cast %get3A_2731 : i32 to index
    %get3A_2733 = arith.constant 0 : index
    %get3A_2734 = tpu.vector_load %arg8[%get3A_2732, %get3A_2733] {strides = array<i32>} : memref<80x16xf32, #tpu.memory_space<vmem>>, vector<1x16xf32>,
    %get3A_2735 = vector.shape_cast %get3A_2734 : vector<1x16xf32> to vector<16xf32>
    %get3A_2736 = arith.constant 67 : i32
    %get3A_2737 = arith.index_cast %get3A_2736 : i32 to index
    %get3A_2738 = arith.constant 0 : index
    %get3A_2739 = tpu.vector_load %arg8[%get3A_2737, %get3A_2738] {strides = array<i32>} : memref<80x16xf32, #tpu.memory_space<vmem>>, vector<1x16xf32>,
    %get3A_2740 = vector.shape_cast %get3A_2739 : vector<1x16xf32> to vector<16xf32>
    %get3A_2741 = arith.constant 68 : i32
    %get3A_2742 = arith.index_cast %get3A_2741 : i32 to index
    %get3A_2743 = arith.constant 0 : index
    %get3A_2744 = tpu.vector_load %arg8[%get3A_2742, %get3A_2743] {strides = array<i32>} : memref<80x16xf32, #tpu.memory_space<vmem>>, vector<1x16xf32>,
    %get3A_2745 = vector.shape_cast %get3A_2744 : vector<1x16xf32> to vector<16xf32>
    %get3A_2746 = arith.constant 69 : i32
    %get3A_2747 = arith.index_cast %get3A_2746 : i32 to index
    %get3A_2748 = arith.constant 0 : index
    %get3A_2749 = tpu.vector_load %arg8[%get3A_2747, %get3A_2748] {strides = array<i32>} : memref<80x16xf32, #tpu.memory_space<vmem>>, vector<1x16xf32>,
    %get3A_2750 = vector.shape_cast %get3A_2749 : vector<1x16xf32> to vector<16xf32>
    %get3A_2751 = arith.constant 13 : i32
    %get3A_2752 = arith.index_cast %get3A_2751 : i32 to index
    %get3A_2753 = arith.constant 0 : index
    %get3A_2754 = tpu.vector_load %arg10[%get3A_2752, %get3A_2753] {strides = array<i32>} : memref<16x64xf32, #tpu.memory_space<vmem>>, vector<1x16xf32>,
    %get3A_2755 = vector.shape_cast %get3A_2754 : vector<1x16xf32> to vector<16xf32>
    %get3A_2756 = arith.constant 65 : i32
    %get3A_2757 = arith.index_cast %get3A_2756 : i32 to index
    %get3A_2758 = arith.constant 0 : index
    %get3A_2759 = tpu.vector_load %arg9[%get3A_2757, %get3A_2758] {strides = array<i32>} : memref<80x128xf32, #tpu.memory_space<vmem>>, vector<1x16xf32>,
    %get3A_2760 = vector.shape_cast %get3A_2759 : vector<1x16xf32> to vector<16xf32>
    %mul3A_2761 = arith.mulf %get3A_2730, %get3A_2760 : vector<16xf32>
    %add3A_2762 = arith.addf %get3A_2755, %mul3A_2761 : vector<16xf32>
    %get3A_2763 = arith.constant 66 : i32
    %get3A_2764 = arith.index_cast %get3A_2763 : i32 to index
    %get3A_2765 = arith.constant 0 : index
    %get3A_2766 = tpu.vector_load %arg9[%get3A_2764, %get3A_2765] {strides = array<i32>} : memref<80x128xf32, #tpu.memory_space<vmem>>, vector<1x16xf32>,
    %get3A_2767 = vector.shape_cast %get3A_2766 : vector<1x16xf32> to vector<16xf32>
    %mul3A_2768 = arith.mulf %get3A_2735, %get3A_2767 : vector<16xf32>
    %add3A_2769 = arith.addf %add3A_2762, %mul3A_2768 : vector<16xf32>
    %get3A_2770 = arith.constant 67 : i32
    %get3A_2771 = arith.index_cast %get3A_2770 : i32 to index
    %get3A_2772 = arith.constant 0 : index
    %get3A_2773 = tpu.vector_load %arg9[%get3A_2771, %get3A_2772] {strides = array<i32>} : memref<80x128xf32, #tpu.memory_space<vmem>>, vector<1x16xf32>,
    %get3A_2774 = vector.shape_cast %get3A_2773 : vector<1x16xf32> to vector<16xf32>
    %mul3A_2775 = arith.mulf %get3A_2740, %get3A_2774 : vector<16xf32>
    %add3A_2776 = arith.addf %add3A_2769, %mul3A_2775 : vector<16xf32>
    %get3A_2777 = arith.constant 68 : i32
    %get3A_2778 = arith.index_cast %get3A_2777 : i32 to index
    %get3A_2779 = arith.constant 0 : index
    %get3A_2780 = tpu.vector_load %arg9[%get3A_2778, %get3A_2779] {strides = array<i32>} : memref<80x128xf32, #tpu.memory_space<vmem>>, vector<1x16xf32>,
    %get3A_2781 = vector.shape_cast %get3A_2780 : vector<1x16xf32> to vector<16xf32>
    %mul3A_2782 = arith.mulf %get3A_2745, %get3A_2781 : vector<16xf32>
    %add3A_2783 = arith.addf %add3A_2776, %mul3A_2782 : vector<16xf32>
    %get3A_2784 = arith.constant 69 : i32
    %get3A_2785 = arith.index_cast %get3A_2784 : i32 to index
    %get3A_2786 = arith.constant 0 : index
    %get3A_2787 = tpu.vector_load %arg9[%get3A_2785, %get3A_2786] {strides = array<i32>} : memref<80x128xf32, #tpu.memory_space<vmem>>, vector<1x16xf32>,
    %get3A_2788 = vector.shape_cast %get3A_2787 : vector<1x16xf32> to vector<16xf32>
    %mul3A_2789 = arith.mulf %get3A_2750, %get3A_2788 : vector<16xf32>
    %add3A_2790 = arith.addf %add3A_2783, %mul3A_2789 : vector<16xf32>
    %swap3A_2791 = arith.constant 13 : i32
    %swap3A_2792 = arith.index_cast %swap3A_2791 : i32 to index
    %swap3A_2793 = arith.constant 0 : index
    %swap3A_2794 = tpu.vector_load %arg10[%swap3A_2792, %swap3A_2793] {strides = array<i32>} : memref<16x64xf32, #tpu.memory_space<vmem>>, vector<1x16xf32>,
    %swap3A_2795 = vector.shape_cast %swap3A_2794 : vector<1x16xf32> to vector<16xf32>
    %swap3A_2796 = vector.shape_cast %add3A_2790 : vector<16xf32> to vector<1x16xf32>
    tpu.vector_store %arg10[%swap3A_2792, %swap3A_2793], %swap3A_2796 {strides = array<i32>} : memref<16x64xf32, #tpu.memory_space<vmem>>, vector<1x16xf32>,
    %get3A_2797 = arith.constant 13 : i32
    %get3A_2798 = arith.index_cast %get3A_2797 : i32 to index
    %get3A_2799 = arith.constant 16 : index
    %get3A_2800 = tpu.vector_load %arg10[%get3A_2798, %get3A_2799] {strides = array<i32>} : memref<16x64xf32, #tpu.memory_space<vmem>>, vector<1x16xf32>,
    %get3A_2801 = vector.shape_cast %get3A_2800 : vector<1x16xf32> to vector<16xf32>
    %get3A_2802 = arith.constant 65 : i32
    %get3A_2803 = arith.index_cast %get3A_2802 : i32 to index
    %get3A_2804 = arith.constant 16 : index
    %get3A_2805 = tpu.vector_load %arg9[%get3A_2803, %get3A_2804] {strides = array<i32>} : memref<80x128xf32, #tpu.memory_space<vmem>>, vector<1x16xf32>,
    %get3A_2806 = vector.shape_cast %get3A_2805 : vector<1x16xf32> to vector<16xf32>
    %mul3A_2807 = arith.mulf %get3A_2730, %get3A_2806 : vector<16xf32>
    %add3A_2808 = arith.addf %get3A_2801, %mul3A_2807 : vector<16xf32>
    %get3A_2809 = arith.constant 66 : i32
    %get3A_2810 = arith.index_cast %get3A_2809 : i32 to index
    %get3A_2811 = arith.constant 16 : index
    %get3A_2812 = tpu.vector_load %arg9[%get3A_2810, %get3A_2811] {strides = array<i32>} : memref<80x128xf32, #tpu.memory_space<vmem>>, vector<1x16xf32>,
    %get3A_2813 = vector.shape_cast %get3A_2812 : vector<1x16xf32> to vector<16xf32>
    %mul3A_2814 = arith.mulf %get3A_2735, %get3A_2813 : vector<16xf32>
    %add3A_2815 = arith.addf %add3A_2808, %mul3A_2814 : vector<16xf32>
    %get3A_2816 = arith.constant 67 : i32
    %get3A_2817 = arith.index_cast %get3A_2816 : i32 to index
    %get3A_2818 = arith.constant 16 : index
    %get3A_2819 = tpu.vector_load %arg9[%get3A_2817, %get3A_2818] {strides = array<i32>} : memref<80x128xf32, #tpu.memory_space<vmem>>, vector<1x16xf32>,
    %get3A_2820 = vector.shape_cast %get3A_2819 : vector<1x16xf32> to vector<16xf32>
    %mul3A_2821 = arith.mulf %get3A_2740, %get3A_2820 : vector<16xf32>
    %add3A_2822 = arith.addf %add3A_2815, %mul3A_2821 : vector<16xf32>
    %get3A_2823 = arith.constant 68 : i32
    %get3A_2824 = arith.index_cast %get3A_2823 : i32 to index
    %get3A_2825 = arith.constant 16 : index
    %get3A_2826 = tpu.vector_load %arg9[%get3A_2824, %get3A_2825] {strides = array<i32>} : memref<80x128xf32, #tpu.memory_space<vmem>>, vector<1x16xf32>,
    %get3A_2827 = vector.shape_cast %get3A_2826 : vector<1x16xf32> to vector<16xf32>
    %mul3A_2828 = arith.mulf %get3A_2745, %get3A_2827 : vector<16xf32>
    %add3A_2829 = arith.addf %add3A_2822, %mul3A_2828 : vector<16xf32>
    %get3A_2830 = arith.constant 69 : i32
    %get3A_2831 = arith.index_cast %get3A_2830 : i32 to index
    %get3A_2832 = arith.constant 16 : index
    %get3A_2833 = tpu.vector_load %arg9[%get3A_2831, %get3A_2832] {strides = array<i32>} : memref<80x128xf32, #tpu.memory_space<vmem>>, vector<1x16xf32>,
    %get3A_2834 = vector.shape_cast %get3A_2833 : vector<1x16xf32> to vector<16xf32>
    %mul3A_2835 = arith.mulf %get3A_2750, %get3A_2834 : vector<16xf32>
    %add3A_2836 = arith.addf %add3A_2829, %mul3A_2835 : vector<16xf32>
    %swap3A_2837 = arith.constant 13 : i32
    %swap3A_2838 = arith.index_cast %swap3A_2837 : i32 to index
    %swap3A_2839 = arith.constant 16 : index
    %swap3A_2840 = tpu.vector_load %arg10[%swap3A_2838, %swap3A_2839] {strides = array<i32>} : memref<16x64xf32, #tpu.memory_space<vmem>>, vector<1x16xf32>,
    %swap3A_2841 = vector.shape_cast %swap3A_2840 : vector<1x16xf32> to vector<16xf32>
    %swap3A_2842 = vector.shape_cast %add3A_2836 : vector<16xf32> to vector<1x16xf32>
    tpu.vector_store %arg10[%swap3A_2838, %swap3A_2839], %swap3A_2842 {strides = array<i32>} : memref<16x64xf32, #tpu.memory_space<vmem>>, vector<1x16xf32>,
    %get3A_2843 = arith.constant 13 : i32
    %get3A_2844 = arith.index_cast %get3A_2843 : i32 to index
    %get3A_2845 = arith.constant 32 : index
    %get3A_2846 = tpu.vector_load %arg10[%get3A_2844, %get3A_2845] {strides = array<i32>} : memref<16x64xf32, #tpu.memory_space<vmem>>, vector<1x16xf32>,
    %get3A_2847 = vector.shape_cast %get3A_2846 : vector<1x16xf32> to vector<16xf32>
    %get3A_2848 = arith.constant 65 : i32
    %get3A_2849 = arith.index_cast %get3A_2848 : i32 to index
    %get3A_2850 = arith.constant 32 : index
    %get3A_2851 = tpu.vector_load %arg9[%get3A_2849, %get3A_2850] {strides = array<i32>} : memref<80x128xf32, #tpu.memory_space<vmem>>, vector<1x16xf32>,
    %get3A_2852 = vector.shape_cast %get3A_2851 : vector<1x16xf32> to vector<16xf32>
    %mul3A_2853 = arith.mulf %get3A_2730, %get3A_2852 : vector<16xf32>
    %add3A_2854 = arith.addf %get3A_2847, %mul3A_2853 : vector<16xf32>
    %get3A_2855 = arith.constant 66 : i32
    %get3A_2856 = arith.index_cast %get3A_2855 : i32 to index
    %get3A_2857 = arith.constant 32 : index
    %get3A_2858 = tpu.vector_load %arg9[%get3A_2856, %get3A_2857] {strides = array<i32>} : memref<80x128xf32, #tpu.memory_space<vmem>>, vector<1x16xf32>,
    %get3A_2859 = vector.shape_cast %get3A_2858 : vector<1x16xf32> to vector<16xf32>
    %mul3A_2860 = arith.mulf %get3A_2735, %get3A_2859 : vector<16xf32>
    %add3A_2861 = arith.addf %add3A_2854, %mul3A_2860 : vector<16xf32>
    %get3A_2862 = arith.constant 67 : i32
    %get3A_2863 = arith.index_cast %get3A_2862 : i32 to index
    %get3A_2864 = arith.constant 32 : index
    %get3A_2865 = tpu.vector_load %arg9[%get3A_2863, %get3A_2864] {strides = array<i32>} : memref<80x128xf32, #tpu.memory_space<vmem>>, vector<1x16xf32>,
    %get3A_2866 = vector.shape_cast %get3A_2865 : vector<1x16xf32> to vector<16xf32>
    %mul3A_2867 = arith.mulf %get3A_2740, %get3A_2866 : vector<16xf32>
    %add3A_2868 = arith.addf %add3A_2861, %mul3A_2867 : vector<16xf32>
    %get3A_2869 = arith.constant 68 : i32
    %get3A_2870 = arith.index_cast %get3A_2869 : i32 to index
    %get3A_2871 = arith.constant 32 : index
    %get3A_2872 = tpu.vector_load %arg9[%get3A_2870, %get3A_2871] {strides = array<i32>} : memref<80x128xf32, #tpu.memory_space<vmem>>, vector<1x16xf32>,
    %get3A_2873 = vector.shape_cast %get3A_2872 : vector<1x16xf32> to vector<16xf32>
    %mul3A_2874 = arith.mulf %get3A_2745, %get3A_2873 : vector<16xf32>
    %add3A_2875 = arith.addf %add3A_2868, %mul3A_2874 : vector<16xf32>
    %get3A_2876 = arith.constant 69 : i32
    %get3A_2877 = arith.index_cast %get3A_2876 : i32 to index
    %get3A_2878 = arith.constant 32 : index
    %get3A_2879 = tpu.vector_load %arg9[%get3A_2877, %get3A_2878] {strides = array<i32>} : memref<80x128xf32, #tpu.memory_space<vmem>>, vector<1x16xf32>,
    %get3A_2880 = vector.shape_cast %get3A_2879 : vector<1x16xf32> to vector<16xf32>
    %mul3A_2881 = arith.mulf %get3A_2750, %get3A_2880 : vector<16xf32>
    %add3A_2882 = arith.addf %add3A_2875, %mul3A_2881 : vector<16xf32>
    %swap3A_2883 = arith.constant 13 : i32
    %swap3A_2884 = arith.index_cast %swap3A_2883 : i32 to index
    %swap3A_2885 = arith.constant 32 : index
    %swap3A_2886 = tpu.vector_load %arg10[%swap3A_2884, %swap3A_2885] {strides = array<i32>} : memref<16x64xf32, #tpu.memory_space<vmem>>, vector<1x16xf32>,
    %swap3A_2887 = vector.shape_cast %swap3A_2886 : vector<1x16xf32> to vector<16xf32>
    %swap3A_2888 = vector.shape_cast %add3A_2882 : vector<16xf32> to vector<1x16xf32>
    tpu.vector_store %arg10[%swap3A_2884, %swap3A_2885], %swap3A_2888 {strides = array<i32>} : memref<16x64xf32, #tpu.memory_space<vmem>>, vector<1x16xf32>,
    %get3A_2889 = arith.constant 13 : i32
    %get3A_2890 = arith.index_cast %get3A_2889 : i32 to index
    %get3A_2891 = arith.constant 48 : index
    %get3A_2892 = tpu.vector_load %arg10[%get3A_2890, %get3A_2891] {strides = array<i32>} : memref<16x64xf32, #tpu.memory_space<vmem>>, vector<1x16xf32>,
    %get3A_2893 = vector.shape_cast %get3A_2892 : vector<1x16xf32> to vector<16xf32>
    %get3A_2894 = arith.constant 65 : i32
    %get3A_2895 = arith.index_cast %get3A_2894 : i32 to index
    %get3A_2896 = arith.constant 48 : index
    %get3A_2897 = tpu.vector_load %arg9[%get3A_2895, %get3A_2896] {strides = array<i32>} : memref<80x128xf32, #tpu.memory_space<vmem>>, vector<1x16xf32>,
    %get3A_2898 = vector.shape_cast %get3A_2897 : vector<1x16xf32> to vector<16xf32>
    %mul3A_2899 = arith.mulf %get3A_2730, %get3A_2898 : vector<16xf32>
    %add3A_2900 = arith.addf %get3A_2893, %mul3A_2899 : vector<16xf32>
    %get3A_2901 = arith.constant 66 : i32
    %get3A_2902 = arith.index_cast %get3A_2901 : i32 to index
    %get3A_2903 = arith.constant 48 : index
    %get3A_2904 = tpu.vector_load %arg9[%get3A_2902, %get3A_2903] {strides = array<i32>} : memref<80x128xf32, #tpu.memory_space<vmem>>, vector<1x16xf32>,
    %get3A_2905 = vector.shape_cast %get3A_2904 : vector<1x16xf32> to vector<16xf32>
    %mul3A_2906 = arith.mulf %get3A_2735, %get3A_2905 : vector<16xf32>
    %add3A_2907 = arith.addf %add3A_2900, %mul3A_2906 : vector<16xf32>
    %get3A_2908 = arith.constant 67 : i32
    %get3A_2909 = arith.index_cast %get3A_2908 : i32 to index
    %get3A_2910 = arith.constant 48 : index
    %get3A_2911 = tpu.vector_load %arg9[%get3A_2909, %get3A_2910] {strides = array<i32>} : memref<80x128xf32, #tpu.memory_space<vmem>>, vector<1x16xf32>,
    %get3A_2912 = vector.shape_cast %get3A_2911 : vector<1x16xf32> to vector<16xf32>
    %mul3A_2913 = arith.mulf %get3A_2740, %get3A_2912 : vector<16xf32>
    %add3A_2914 = arith.addf %add3A_2907, %mul3A_2913 : vector<16xf32>
    %get3A_2915 = arith.constant 68 : i32
    %get3A_2916 = arith.index_cast %get3A_2915 : i32 to index
    %get3A_2917 = arith.constant 48 : index
    %get3A_2918 = tpu.vector_load %arg9[%get3A_2916, %get3A_2917] {strides = array<i32>} : memref<80x128xf32, #tpu.memory_space<vmem>>, vector<1x16xf32>,
    %get3A_2919 = vector.shape_cast %get3A_2918 : vector<1x16xf32> to vector<16xf32>
    %mul3A_2920 = arith.mulf %get3A_2745, %get3A_2919 : vector<16xf32>
    %add3A_2921 = arith.addf %add3A_2914, %mul3A_2920 : vector<16xf32>
    %get3A_2922 = arith.constant 69 : i32
    %get3A_2923 = arith.index_cast %get3A_2922 : i32 to index
    %get3A_2924 = arith.constant 48 : index
    %get3A_2925 = tpu.vector_load %arg9[%get3A_2923, %get3A_2924] {strides = array<i32>} : memref<80x128xf32, #tpu.memory_space<vmem>>, vector<1x16xf32>,
    %get3A_2926 = vector.shape_cast %get3A_2925 : vector<1x16xf32> to vector<16xf32>
    %mul3A_2927 = arith.mulf %get3A_2750, %get3A_2926 : vector<16xf32>
    %add3A_2928 = arith.addf %add3A_2921, %mul3A_2927 : vector<16xf32>
    %swap3A_2929 = arith.constant 13 : i32
    %swap3A_2930 = arith.index_cast %swap3A_2929 : i32 to index
    %swap3A_2931 = arith.constant 48 : index
    %swap3A_2932 = tpu.vector_load %arg10[%swap3A_2930, %swap3A_2931] {strides = array<i32>} : memref<16x64xf32, #tpu.memory_space<vmem>>, vector<1x16xf32>,
    %swap3A_2933 = vector.shape_cast %swap3A_2932 : vector<1x16xf32> to vector<16xf32>
    %swap3A_2934 = vector.shape_cast %add3A_2928 : vector<16xf32> to vector<1x16xf32>
    tpu.vector_store %arg10[%swap3A_2930, %swap3A_2931], %swap3A_2934 {strides = array<i32>} : memref<16x64xf32, #tpu.memory_space<vmem>>, vector<1x16xf32>,
    %get3A_2935 = arith.constant 70 : i32
    %get3A_2936 = arith.index_cast %get3A_2935 : i32 to index
    %get3A_2937 = arith.constant 0 : index
    %get3A_2938 = tpu.vector_load %arg8[%get3A_2936, %get3A_2937] {strides = array<i32>} : memref<80x16xf32, #tpu.memory_space<vmem>>, vector<1x16xf32>,
    %get3A_2939 = vector.shape_cast %get3A_2938 : vector<1x16xf32> to vector<16xf32>
    %get3A_2940 = arith.constant 71 : i32
    %get3A_2941 = arith.index_cast %get3A_2940 : i32 to index
    %get3A_2942 = arith.constant 0 : index
    %get3A_2943 = tpu.vector_load %arg8[%get3A_2941, %get3A_2942] {strides = array<i32>} : memref<80x16xf32, #tpu.memory_space<vmem>>, vector<1x16xf32>,
    %get3A_2944 = vector.shape_cast %get3A_2943 : vector<1x16xf32> to vector<16xf32>
    %get3A_2945 = arith.constant 72 : i32
    %get3A_2946 = arith.index_cast %get3A_2945 : i32 to index
    %get3A_2947 = arith.constant 0 : index
    %get3A_2948 = tpu.vector_load %arg8[%get3A_2946, %get3A_2947] {strides = array<i32>} : memref<80x16xf32, #tpu.memory_space<vmem>>, vector<1x16xf32>,
    %get3A_2949 = vector.shape_cast %get3A_2948 : vector<1x16xf32> to vector<16xf32>
    %get3A_2950 = arith.constant 73 : i32
    %get3A_2951 = arith.index_cast %get3A_2950 : i32 to index
    %get3A_2952 = arith.constant 0 : index
    %get3A_2953 = tpu.vector_load %arg8[%get3A_2951, %get3A_2952] {strides = array<i32>} : memref<80x16xf32, #tpu.memory_space<vmem>>, vector<1x16xf32>,
    %get3A_2954 = vector.shape_cast %get3A_2953 : vector<1x16xf32> to vector<16xf32>
    %get3A_2955 = arith.constant 74 : i32
    %get3A_2956 = arith.index_cast %get3A_2955 : i32 to index
    %get3A_2957 = arith.constant 0 : index
    %get3A_2958 = tpu.vector_load %arg8[%get3A_2956, %get3A_2957] {strides = array<i32>} : memref<80x16xf32, #tpu.memory_space<vmem>>, vector<1x16xf32>,
    %get3A_2959 = vector.shape_cast %get3A_2958 : vector<1x16xf32> to vector<16xf32>
    %get3A_2960 = arith.constant 14 : i32
    %get3A_2961 = arith.index_cast %get3A_2960 : i32 to index
    %get3A_2962 = arith.constant 0 : index
    %get3A_2963 = tpu.vector_load %arg10[%get3A_2961, %get3A_2962] {strides = array<i32>} : memref<16x64xf32, #tpu.memory_space<vmem>>, vector<1x16xf32>,
    %get3A_2964 = vector.shape_cast %get3A_2963 : vector<1x16xf32> to vector<16xf32>
    %get3A_2965 = arith.constant 70 : i32
    %get3A_2966 = arith.index_cast %get3A_2965 : i32 to index
    %get3A_2967 = arith.constant 0 : index
    %get3A_2968 = tpu.vector_load %arg9[%get3A_2966, %get3A_2967] {strides = array<i32>} : memref<80x128xf32, #tpu.memory_space<vmem>>, vector<1x16xf32>,
    %get3A_2969 = vector.shape_cast %get3A_2968 : vector<1x16xf32> to vector<16xf32>
    %mul3A_2970 = arith.mulf %get3A_2939, %get3A_2969 : vector<16xf32>
    %add3A_2971 = arith.addf %get3A_2964, %mul3A_2970 : vector<16xf32>
    %get3A_2972 = arith.constant 71 : i32
    %get3A_2973 = arith.index_cast %get3A_2972 : i32 to index
    %get3A_2974 = arith.constant 0 : index
    %get3A_2975 = tpu.vector_load %arg9[%get3A_2973, %get3A_2974] {strides = array<i32>} : memref<80x128xf32, #tpu.memory_space<vmem>>, vector<1x16xf32>,
    %get3A_2976 = vector.shape_cast %get3A_2975 : vector<1x16xf32> to vector<16xf32>
    %mul3A_2977 = arith.mulf %get3A_2944, %get3A_2976 : vector<16xf32>
    %add3A_2978 = arith.addf %add3A_2971, %mul3A_2977 : vector<16xf32>
    %get3A_2979 = arith.constant 72 : i32
    %get3A_2980 = arith.index_cast %get3A_2979 : i32 to index
    %get3A_2981 = arith.constant 0 : index
    %get3A_2982 = tpu.vector_load %arg9[%get3A_2980, %get3A_2981] {strides = array<i32>} : memref<80x128xf32, #tpu.memory_space<vmem>>, vector<1x16xf32>,
    %get3A_2983 = vector.shape_cast %get3A_2982 : vector<1x16xf32> to vector<16xf32>
    %mul3A_2984 = arith.mulf %get3A_2949, %get3A_2983 : vector<16xf32>
    %add3A_2985 = arith.addf %add3A_2978, %mul3A_2984 : vector<16xf32>
    %get3A_2986 = arith.constant 73 : i32
    %get3A_2987 = arith.index_cast %get3A_2986 : i32 to index
    %get3A_2988 = arith.constant 0 : index
    %get3A_2989 = tpu.vector_load %arg9[%get3A_2987, %get3A_2988] {strides = array<i32>} : memref<80x128xf32, #tpu.memory_space<vmem>>, vector<1x16xf32>,
    %get3A_2990 = vector.shape_cast %get3A_2989 : vector<1x16xf32> to vector<16xf32>
    %mul3A_2991 = arith.mulf %get3A_2954, %get3A_2990 : vector<16xf32>
    %add3A_2992 = arith.addf %add3A_2985, %mul3A_2991 : vector<16xf32>
    %get3A_2993 = arith.constant 74 : i32
    %get3A_2994 = arith.index_cast %get3A_2993 : i32 to index
    %get3A_2995 = arith.constant 0 : index
    %get3A_2996 = tpu.vector_load %arg9[%get3A_2994, %get3A_2995] {strides = array<i32>} : memref<80x128xf32, #tpu.memory_space<vmem>>, vector<1x16xf32>,
    %get3A_2997 = vector.shape_cast %get3A_2996 : vector<1x16xf32> to vector<16xf32>
    %mul3A_2998 = arith.mulf %get3A_2959, %get3A_2997 : vector<16xf32>
    %add3A_2999 = arith.addf %add3A_2992, %mul3A_2998 : vector<16xf32>
    %swap3A_3000 = arith.constant 14 : i32
    %swap3A_3001 = arith.index_cast %swap3A_3000 : i32 to index
    %swap3A_3002 = arith.constant 0 : index
    %swap3A_3003 = tpu.vector_load %arg10[%swap3A_3001, %swap3A_3002] {strides = array<i32>} : memref<16x64xf32, #tpu.memory_space<vmem>>, vector<1x16xf32>,
    %swap3A_3004 = vector.shape_cast %swap3A_3003 : vector<1x16xf32> to vector<16xf32>
    %swap3A_3005 = vector.shape_cast %add3A_2999 : vector<16xf32> to vector<1x16xf32>
    tpu.vector_store %arg10[%swap3A_3001, %swap3A_3002], %swap3A_3005 {strides = array<i32>} : memref<16x64xf32, #tpu.memory_space<vmem>>, vector<1x16xf32>,
    %get3A_3006 = arith.constant 14 : i32
    %get3A_3007 = arith.index_cast %get3A_3006 : i32 to index
    %get3A_3008 = arith.constant 16 : index
    %get3A_3009 = tpu.vector_load %arg10[%get3A_3007, %get3A_3008] {strides = array<i32>} : memref<16x64xf32, #tpu.memory_space<vmem>>, vector<1x16xf32>,
    %get3A_3010 = vector.shape_cast %get3A_3009 : vector<1x16xf32> to vector<16xf32>
    %get3A_3011 = arith.constant 70 : i32
    %get3A_3012 = arith.index_cast %get3A_3011 : i32 to index
    %get3A_3013 = arith.constant 16 : index
    %get3A_3014 = tpu.vector_load %arg9[%get3A_3012, %get3A_3013] {strides = array<i32>} : memref<80x128xf32, #tpu.memory_space<vmem>>, vector<1x16xf32>,
    %get3A_3015 = vector.shape_cast %get3A_3014 : vector<1x16xf32> to vector<16xf32>
    %mul3A_3016 = arith.mulf %get3A_2939, %get3A_3015 : vector<16xf32>
    %add3A_3017 = arith.addf %get3A_3010, %mul3A_3016 : vector<16xf32>
    %get3A_3018 = arith.constant 71 : i32
    %get3A_3019 = arith.index_cast %get3A_3018 : i32 to index
    %get3A_3020 = arith.constant 16 : index
    %get3A_3021 = tpu.vector_load %arg9[%get3A_3019, %get3A_3020] {strides = array<i32>} : memref<80x128xf32, #tpu.memory_space<vmem>>, vector<1x16xf32>,
    %get3A_3022 = vector.shape_cast %get3A_3021 : vector<1x16xf32> to vector<16xf32>
    %mul3A_3023 = arith.mulf %get3A_2944, %get3A_3022 : vector<16xf32>
    %add3A_3024 = arith.addf %add3A_3017, %mul3A_3023 : vector<16xf32>
    %get3A_3025 = arith.constant 72 : i32
    %get3A_3026 = arith.index_cast %get3A_3025 : i32 to index
    %get3A_3027 = arith.constant 16 : index
    %get3A_3028 = tpu.vector_load %arg9[%get3A_3026, %get3A_3027] {strides = array<i32>} : memref<80x128xf32, #tpu.memory_space<vmem>>, vector<1x16xf32>,
    %get3A_3029 = vector.shape_cast %get3A_3028 : vector<1x16xf32> to vector<16xf32>
    %mul3A_3030 = arith.mulf %get3A_2949, %get3A_3029 : vector<16xf32>
    %add3A_3031 = arith.addf %add3A_3024, %mul3A_3030 : vector<16xf32>
    %get3A_3032 = arith.constant 73 : i32
    %get3A_3033 = arith.index_cast %get3A_3032 : i32 to index
    %get3A_3034 = arith.constant 16 : index
    %get3A_3035 = tpu.vector_load %arg9[%get3A_3033, %get3A_3034] {strides = array<i32>} : memref<80x128xf32, #tpu.memory_space<vmem>>, vector<1x16xf32>,
    %get3A_3036 = vector.shape_cast %get3A_3035 : vector<1x16xf32> to vector<16xf32>
    %mul3A_3037 = arith.mulf %get3A_2954, %get3A_3036 : vector<16xf32>
    %add3A_3038 = arith.addf %add3A_3031, %mul3A_3037 : vector<16xf32>
    %get3A_3039 = arith.constant 74 : i32
    %get3A_3040 = arith.index_cast %get3A_3039 : i32 to index
    %get3A_3041 = arith.constant 16 : index
    %get3A_3042 = tpu.vector_load %arg9[%get3A_3040, %get3A_3041] {strides = array<i32>} : memref<80x128xf32, #tpu.memory_space<vmem>>, vector<1x16xf32>,
    %get3A_3043 = vector.shape_cast %get3A_3042 : vector<1x16xf32> to vector<16xf32>
    %mul3A_3044 = arith.mulf %get3A_2959, %get3A_3043 : vector<16xf32>
    %add3A_3045 = arith.addf %add3A_3038, %mul3A_3044 : vector<16xf32>
    %swap3A_3046 = arith.constant 14 : i32
    %swap3A_3047 = arith.index_cast %swap3A_3046 : i32 to index
    %swap3A_3048 = arith.constant 16 : index
    %swap3A_3049 = tpu.vector_load %arg10[%swap3A_3047, %swap3A_3048] {strides = array<i32>} : memref<16x64xf32, #tpu.memory_space<vmem>>, vector<1x16xf32>,
    %swap3A_3050 = vector.shape_cast %swap3A_3049 : vector<1x16xf32> to vector<16xf32>
    %swap3A_3051 = vector.shape_cast %add3A_3045 : vector<16xf32> to vector<1x16xf32>
    tpu.vector_store %arg10[%swap3A_3047, %swap3A_3048], %swap3A_3051 {strides = array<i32>} : memref<16x64xf32, #tpu.memory_space<vmem>>, vector<1x16xf32>,
    %get3A_3052 = arith.constant 14 : i32
    %get3A_3053 = arith.index_cast %get3A_3052 : i32 to index
    %get3A_3054 = arith.constant 32 : index
    %get3A_3055 = tpu.vector_load %arg10[%get3A_3053, %get3A_3054] {strides = array<i32>} : memref<16x64xf32, #tpu.memory_space<vmem>>, vector<1x16xf32>,
    %get3A_3056 = vector.shape_cast %get3A_3055 : vector<1x16xf32> to vector<16xf32>
    %get3A_3057 = arith.constant 70 : i32
    %get3A_3058 = arith.index_cast %get3A_3057 : i32 to index
    %get3A_3059 = arith.constant 32 : index
    %get3A_3060 = tpu.vector_load %arg9[%get3A_3058, %get3A_3059] {strides = array<i32>} : memref<80x128xf32, #tpu.memory_space<vmem>>, vector<1x16xf32>,
    %get3A_3061 = vector.shape_cast %get3A_3060 : vector<1x16xf32> to vector<16xf32>
    %mul3A_3062 = arith.mulf %get3A_2939, %get3A_3061 : vector<16xf32>
    %add3A_3063 = arith.addf %get3A_3056, %mul3A_3062 : vector<16xf32>
    %get3A_3064 = arith.constant 71 : i32
    %get3A_3065 = arith.index_cast %get3A_3064 : i32 to index
    %get3A_3066 = arith.constant 32 : index
    %get3A_3067 = tpu.vector_load %arg9[%get3A_3065, %get3A_3066] {strides = array<i32>} : memref<80x128xf32, #tpu.memory_space<vmem>>, vector<1x16xf32>,
    %get3A_3068 = vector.shape_cast %get3A_3067 : vector<1x16xf32> to vector<16xf32>
    %mul3A_3069 = arith.mulf %get3A_2944, %get3A_3068 : vector<16xf32>
    %add3A_3070 = arith.addf %add3A_3063, %mul3A_3069 : vector<16xf32>
    %get3A_3071 = arith.constant 72 : i32
    %get3A_3072 = arith.index_cast %get3A_3071 : i32 to index
    %get3A_3073 = arith.constant 32 : index
    %get3A_3074 = tpu.vector_load %arg9[%get3A_3072, %get3A_3073] {strides = array<i32>} : memref<80x128xf32, #tpu.memory_space<vmem>>, vector<1x16xf32>,
    %get3A_3075 = vector.shape_cast %get3A_3074 : vector<1x16xf32> to vector<16xf32>
    %mul3A_3076 = arith.mulf %get3A_2949, %get3A_3075 : vector<16xf32>
    %add3A_3077 = arith.addf %add3A_3070, %mul3A_3076 : vector<16xf32>
    %get3A_3078 = arith.constant 73 : i32
    %get3A_3079 = arith.index_cast %get3A_3078 : i32 to index
    %get3A_3080 = arith.constant 32 : index
    %get3A_3081 = tpu.vector_load %arg9[%get3A_3079, %get3A_3080] {strides = array<i32>} : memref<80x128xf32, #tpu.memory_space<vmem>>, vector<1x16xf32>,
    %get3A_3082 = vector.shape_cast %get3A_3081 : vector<1x16xf32> to vector<16xf32>
    %mul3A_3083 = arith.mulf %get3A_2954, %get3A_3082 : vector<16xf32>
    %add3A_3084 = arith.addf %add3A_3077, %mul3A_3083 : vector<16xf32>
    %get3A_3085 = arith.constant 74 : i32
    %get3A_3086 = arith.index_cast %get3A_3085 : i32 to index
    %get3A_3087 = arith.constant 32 : index
    %get3A_3088 = tpu.vector_load %arg9[%get3A_3086, %get3A_3087] {strides = array<i32>} : memref<80x128xf32, #tpu.memory_space<vmem>>, vector<1x16xf32>,
    %get3A_3089 = vector.shape_cast %get3A_3088 : vector<1x16xf32> to vector<16xf32>
    %mul3A_3090 = arith.mulf %get3A_2959, %get3A_3089 : vector<16xf32>
    %add3A_3091 = arith.addf %add3A_3084, %mul3A_3090 : vector<16xf32>
    %swap3A_3092 = arith.constant 14 : i32
    %swap3A_3093 = arith.index_cast %swap3A_3092 : i32 to index
    %swap3A_3094 = arith.constant 32 : index
    %swap3A_3095 = tpu.vector_load %arg10[%swap3A_3093, %swap3A_3094] {strides = array<i32>} : memref<16x64xf32, #tpu.memory_space<vmem>>, vector<1x16xf32>,
    %swap3A_3096 = vector.shape_cast %swap3A_3095 : vector<1x16xf32> to vector<16xf32>
    %swap3A_3097 = vector.shape_cast %add3A_3091 : vector<16xf32> to vector<1x16xf32>
    tpu.vector_store %arg10[%swap3A_3093, %swap3A_3094], %swap3A_3097 {strides = array<i32>} : memref<16x64xf32, #tpu.memory_space<vmem>>, vector<1x16xf32>,
    %get3A_3098 = arith.constant 14 : i32
    %get3A_3099 = arith.index_cast %get3A_3098 : i32 to index
    %get3A_3100 = arith.constant 48 : index
    %get3A_3101 = tpu.vector_load %arg10[%get3A_3099, %get3A_3100] {strides = array<i32>} : memref<16x64xf32, #tpu.memory_space<vmem>>, vector<1x16xf32>,
    %get3A_3102 = vector.shape_cast %get3A_3101 : vector<1x16xf32> to vector<16xf32>
    %get3A_3103 = arith.constant 70 : i32
    %get3A_3104 = arith.index_cast %get3A_3103 : i32 to index
    %get3A_3105 = arith.constant 48 : index
    %get3A_3106 = tpu.vector_load %arg9[%get3A_3104, %get3A_3105] {strides = array<i32>} : memref<80x128xf32, #tpu.memory_space<vmem>>, vector<1x16xf32>,
    %get3A_3107 = vector.shape_cast %get3A_3106 : vector<1x16xf32> to vector<16xf32>
    %mul3A_3108 = arith.mulf %get3A_2939, %get3A_3107 : vector<16xf32>
    %add3A_3109 = arith.addf %get3A_3102, %mul3A_3108 : vector<16xf32>
    %get3A_3110 = arith.constant 71 : i32
    %get3A_3111 = arith.index_cast %get3A_3110 : i32 to index
    %get3A_3112 = arith.constant 48 : index
    %get3A_3113 = tpu.vector_load %arg9[%get3A_3111, %get3A_3112] {strides = array<i32>} : memref<80x128xf32, #tpu.memory_space<vmem>>, vector<1x16xf32>,
    %get3A_3114 = vector.shape_cast %get3A_3113 : vector<1x16xf32> to vector<16xf32>
    %mul3A_3115 = arith.mulf %get3A_2944, %get3A_3114 : vector<16xf32>
    %add3A_3116 = arith.addf %add3A_3109, %mul3A_3115 : vector<16xf32>
    %get3A_3117 = arith.constant 72 : i32
    %get3A_3118 = arith.index_cast %get3A_3117 : i32 to index
    %get3A_3119 = arith.constant 48 : index
    %get3A_3120 = tpu.vector_load %arg9[%get3A_3118, %get3A_3119] {strides = array<i32>} : memref<80x128xf32, #tpu.memory_space<vmem>>, vector<1x16xf32>,
    %get3A_3121 = vector.shape_cast %get3A_3120 : vector<1x16xf32> to vector<16xf32>
    %mul3A_3122 = arith.mulf %get3A_2949, %get3A_3121 : vector<16xf32>
    %add3A_3123 = arith.addf %add3A_3116, %mul3A_3122 : vector<16xf32>
    %get3A_3124 = arith.constant 73 : i32
    %get3A_3125 = arith.index_cast %get3A_3124 : i32 to index
    %get3A_3126 = arith.constant 48 : index
    %get3A_3127 = tpu.vector_load %arg9[%get3A_3125, %get3A_3126] {strides = array<i32>} : memref<80x128xf32, #tpu.memory_space<vmem>>, vector<1x16xf32>,
    %get3A_3128 = vector.shape_cast %get3A_3127 : vector<1x16xf32> to vector<16xf32>
    %mul3A_3129 = arith.mulf %get3A_2954, %get3A_3128 : vector<16xf32>
    %add3A_3130 = arith.addf %add3A_3123, %mul3A_3129 : vector<16xf32>
    %get3A_3131 = arith.constant 74 : i32
    %get3A_3132 = arith.index_cast %get3A_3131 : i32 to index
    %get3A_3133 = arith.constant 48 : index
    %get3A_3134 = tpu.vector_load %arg9[%get3A_3132, %get3A_3133] {strides = array<i32>} : memref<80x128xf32, #tpu.memory_space<vmem>>, vector<1x16xf32>,
    %get3A_3135 = vector.shape_cast %get3A_3134 : vector<1x16xf32> to vector<16xf32>
    %mul3A_3136 = arith.mulf %get3A_2959, %get3A_3135 : vector<16xf32>
    %add3A_3137 = arith.addf %add3A_3130, %mul3A_3136 : vector<16xf32>
    %swap3A_3138 = arith.constant 14 : i32
    %swap3A_3139 = arith.index_cast %swap3A_3138 : i32 to index
    %swap3A_3140 = arith.constant 48 : index
    %swap3A_3141 = tpu.vector_load %arg10[%swap3A_3139, %swap3A_3140] {strides = array<i32>} : memref<16x64xf32, #tpu.memory_space<vmem>>, vector<1x16xf32>,
    %swap3A_3142 = vector.shape_cast %swap3A_3141 : vector<1x16xf32> to vector<16xf32>
    %swap3A_3143 = vector.shape_cast %add3A_3137 : vector<16xf32> to vector<1x16xf32>
    tpu.vector_store %arg10[%swap3A_3139, %swap3A_3140], %swap3A_3143 {strides = array<i32>} : memref<16x64xf32, #tpu.memory_space<vmem>>, vector<1x16xf32>,
    %get3A_3144 = arith.constant 75 : i32
    %get3A_3145 = arith.index_cast %get3A_3144 : i32 to index
    %get3A_3146 = arith.constant 0 : index
    %get3A_3147 = tpu.vector_load %arg8[%get3A_3145, %get3A_3146] {strides = array<i32>} : memref<80x16xf32, #tpu.memory_space<vmem>>, vector<1x16xf32>,
    %get3A_3148 = vector.shape_cast %get3A_3147 : vector<1x16xf32> to vector<16xf32>
    %get3A_3149 = arith.constant 76 : i32
    %get3A_3150 = arith.index_cast %get3A_3149 : i32 to index
    %get3A_3151 = arith.constant 0 : index
    %get3A_3152 = tpu.vector_load %arg8[%get3A_3150, %get3A_3151] {strides = array<i32>} : memref<80x16xf32, #tpu.memory_space<vmem>>, vector<1x16xf32>,
    %get3A_3153 = vector.shape_cast %get3A_3152 : vector<1x16xf32> to vector<16xf32>
    %get3A_3154 = arith.constant 77 : i32
    %get3A_3155 = arith.index_cast %get3A_3154 : i32 to index
    %get3A_3156 = arith.constant 0 : index
    %get3A_3157 = tpu.vector_load %arg8[%get3A_3155, %get3A_3156] {strides = array<i32>} : memref<80x16xf32, #tpu.memory_space<vmem>>, vector<1x16xf32>,
    %get3A_3158 = vector.shape_cast %get3A_3157 : vector<1x16xf32> to vector<16xf32>
    %get3A_3159 = arith.constant 78 : i32
    %get3A_3160 = arith.index_cast %get3A_3159 : i32 to index
    %get3A_3161 = arith.constant 0 : index
    %get3A_3162 = tpu.vector_load %arg8[%get3A_3160, %get3A_3161] {strides = array<i32>} : memref<80x16xf32, #tpu.memory_space<vmem>>, vector<1x16xf32>,
    %get3A_3163 = vector.shape_cast %get3A_3162 : vector<1x16xf32> to vector<16xf32>
    %get3A_3164 = arith.constant 79 : i32
    %get3A_3165 = arith.index_cast %get3A_3164 : i32 to index
    %get3A_3166 = arith.constant 0 : index
    %get3A_3167 = tpu.vector_load %arg8[%get3A_3165, %get3A_3166] {strides = array<i32>} : memref<80x16xf32, #tpu.memory_space<vmem>>, vector<1x16xf32>,
    %get3A_3168 = vector.shape_cast %get3A_3167 : vector<1x16xf32> to vector<16xf32>
    %get3A_3169 = arith.constant 15 : i32
    %get3A_3170 = arith.index_cast %get3A_3169 : i32 to index
    %get3A_3171 = arith.constant 0 : index
    %get3A_3172 = tpu.vector_load %arg10[%get3A_3170, %get3A_3171] {strides = array<i32>} : memref<16x64xf32, #tpu.memory_space<vmem>>, vector<1x16xf32>,
    %get3A_3173 = vector.shape_cast %get3A_3172 : vector<1x16xf32> to vector<16xf32>
    %get3A_3174 = arith.constant 75 : i32
    %get3A_3175 = arith.index_cast %get3A_3174 : i32 to index
    %get3A_3176 = arith.constant 0 : index
    %get3A_3177 = tpu.vector_load %arg9[%get3A_3175, %get3A_3176] {strides = array<i32>} : memref<80x128xf32, #tpu.memory_space<vmem>>, vector<1x16xf32>,
    %get3A_3178 = vector.shape_cast %get3A_3177 : vector<1x16xf32> to vector<16xf32>
    %mul3A_3179 = arith.mulf %get3A_3148, %get3A_3178 : vector<16xf32>
    %add3A_3180 = arith.addf %get3A_3173, %mul3A_3179 : vector<16xf32>
    %get3A_3181 = arith.constant 76 : i32
    %get3A_3182 = arith.index_cast %get3A_3181 : i32 to index
    %get3A_3183 = arith.constant 0 : index
    %get3A_3184 = tpu.vector_load %arg9[%get3A_3182, %get3A_3183] {strides = array<i32>} : memref<80x128xf32, #tpu.memory_space<vmem>>, vector<1x16xf32>,
    %get3A_3185 = vector.shape_cast %get3A_3184 : vector<1x16xf32> to vector<16xf32>
    %mul3A_3186 = arith.mulf %get3A_3153, %get3A_3185 : vector<16xf32>
    %add3A_3187 = arith.addf %add3A_3180, %mul3A_3186 : vector<16xf32>
    %get3A_3188 = arith.constant 77 : i32
    %get3A_3189 = arith.index_cast %get3A_3188 : i32 to index
    %get3A_3190 = arith.constant 0 : index
    %get3A_3191 = tpu.vector_load %arg9[%get3A_3189, %get3A_3190] {strides = array<i32>} : memref<80x128xf32, #tpu.memory_space<vmem>>, vector<1x16xf32>,
    %get3A_3192 = vector.shape_cast %get3A_3191 : vector<1x16xf32> to vector<16xf32>
    %mul3A_3193 = arith.mulf %get3A_3158, %get3A_3192 : vector<16xf32>
    %add3A_3194 = arith.addf %add3A_3187, %mul3A_3193 : vector<16xf32>
    %get3A_3195 = arith.constant 78 : i32
    %get3A_3196 = arith.index_cast %get3A_3195 : i32 to index
    %get3A_3197 = arith.constant 0 : index
    %get3A_3198 = tpu.vector_load %arg9[%get3A_3196, %get3A_3197] {strides = array<i32>} : memref<80x128xf32, #tpu.memory_space<vmem>>, vector<1x16xf32>,
    %get3A_3199 = vector.shape_cast %get3A_3198 : vector<1x16xf32> to vector<16xf32>
    %mul3A_3200 = arith.mulf %get3A_3163, %get3A_3199 : vector<16xf32>
    %add3A_3201 = arith.addf %add3A_3194, %mul3A_3200 : vector<16xf32>
    %get3A_3202 = arith.constant 79 : i32
    %get3A_3203 = arith.index_cast %get3A_3202 : i32 to index
    %get3A_3204 = arith.constant 0 : index
    %get3A_3205 = tpu.vector_load %arg9[%get3A_3203, %get3A_3204] {strides = array<i32>} : memref<80x128xf32, #tpu.memory_space<vmem>>, vector<1x16xf32>,
    %get3A_3206 = vector.shape_cast %get3A_3205 : vector<1x16xf32> to vector<16xf32>
    %mul3A_3207 = arith.mulf %get3A_3168, %get3A_3206 : vector<16xf32>
    %add3A_3208 = arith.addf %add3A_3201, %mul3A_3207 : vector<16xf32>
    %swap3A_3209 = arith.constant 15 : i32
    %swap3A_3210 = arith.index_cast %swap3A_3209 : i32 to index
    %swap3A_3211 = arith.constant 0 : index
    %swap3A_3212 = tpu.vector_load %arg10[%swap3A_3210, %swap3A_3211] {strides = array<i32>} : memref<16x64xf32, #tpu.memory_space<vmem>>, vector<1x16xf32>,
    %swap3A_3213 = vector.shape_cast %swap3A_3212 : vector<1x16xf32> to vector<16xf32>
    %swap3A_3214 = vector.shape_cast %add3A_3208 : vector<16xf32> to vector<1x16xf32>
    tpu.vector_store %arg10[%swap3A_3210, %swap3A_3211], %swap3A_3214 {strides = array<i32>} : memref<16x64xf32, #tpu.memory_space<vmem>>, vector<1x16xf32>,
    %get3A_3215 = arith.constant 15 : i32
    %get3A_3216 = arith.index_cast %get3A_3215 : i32 to index
    %get3A_3217 = arith.constant 16 : index
    %get3A_3218 = tpu.vector_load %arg10[%get3A_3216, %get3A_3217] {strides = array<i32>} : memref<16x64xf32, #tpu.memory_space<vmem>>, vector<1x16xf32>,
    %get3A_3219 = vector.shape_cast %get3A_3218 : vector<1x16xf32> to vector<16xf32>
    %get3A_3220 = arith.constant 75 : i32
    %get3A_3221 = arith.index_cast %get3A_3220 : i32 to index
    %get3A_3222 = arith.constant 16 : index
    %get3A_3223 = tpu.vector_load %arg9[%get3A_3221, %get3A_3222] {strides = array<i32>} : memref<80x128xf32, #tpu.memory_space<vmem>>, vector<1x16xf32>,
    %get3A_3224 = vector.shape_cast %get3A_3223 : vector<1x16xf32> to vector<16xf32>
    %mul3A_3225 = arith.mulf %get3A_3148, %get3A_3224 : vector<16xf32>
    %add3A_3226 = arith.addf %get3A_3219, %mul3A_3225 : vector<16xf32>
    %get3A_3227 = arith.constant 76 : i32
    %get3A_3228 = arith.index_cast %get3A_3227 : i32 to index
    %get3A_3229 = arith.constant 16 : index
    %get3A_3230 = tpu.vector_load %arg9[%get3A_3228, %get3A_3229] {strides = array<i32>} : memref<80x128xf32, #tpu.memory_space<vmem>>, vector<1x16xf32>,
    %get3A_3231 = vector.shape_cast %get3A_3230 : vector<1x16xf32> to vector<16xf32>
    %mul3A_3232 = arith.mulf %get3A_3153, %get3A_3231 : vector<16xf32>
    %add3A_3233 = arith.addf %add3A_3226, %mul3A_3232 : vector<16xf32>
    %get3A_3234 = arith.constant 77 : i32
    %get3A_3235 = arith.index_cast %get3A_3234 : i32 to index
    %get3A_3236 = arith.constant 16 : index
    %get3A_3237 = tpu.vector_load %arg9[%get3A_3235, %get3A_3236] {strides = array<i32>} : memref<80x128xf32, #tpu.memory_space<vmem>>, vector<1x16xf32>,
    %get3A_3238 = vector.shape_cast %get3A_3237 : vector<1x16xf32> to vector<16xf32>
    %mul3A_3239 = arith.mulf %get3A_3158, %get3A_3238 : vector<16xf32>
    %add3A_3240 = arith.addf %add3A_3233, %mul3A_3239 : vector<16xf32>
    %get3A_3241 = arith.constant 78 : i32
    %get3A_3242 = arith.index_cast %get3A_3241 : i32 to index
    %get3A_3243 = arith.constant 16 : index
    %get3A_3244 = tpu.vector_load %arg9[%get3A_3242, %get3A_3243] {strides = array<i32>} : memref<80x128xf32, #tpu.memory_space<vmem>>, vector<1x16xf32>,
    %get3A_3245 = vector.shape_cast %get3A_3244 : vector<1x16xf32> to vector<16xf32>
    %mul3A_3246 = arith.mulf %get3A_3163, %get3A_3245 : vector<16xf32>
    %add3A_3247 = arith.addf %add3A_3240, %mul3A_3246 : vector<16xf32>
    %get3A_3248 = arith.constant 79 : i32
    %get3A_3249 = arith.index_cast %get3A_3248 : i32 to index
    %get3A_3250 = arith.constant 16 : index
    %get3A_3251 = tpu.vector_load %arg9[%get3A_3249, %get3A_3250] {strides = array<i32>} : memref<80x128xf32, #tpu.memory_space<vmem>>, vector<1x16xf32>,
    %get3A_3252 = vector.shape_cast %get3A_3251 : vector<1x16xf32> to vector<16xf32>
    %mul3A_3253 = arith.mulf %get3A_3168, %get3A_3252 : vector<16xf32>
    %add3A_3254 = arith.addf %add3A_3247, %mul3A_3253 : vector<16xf32>
    %swap3A_3255 = arith.constant 15 : i32
    %swap3A_3256 = arith.index_cast %swap3A_3255 : i32 to index
    %swap3A_3257 = arith.constant 16 : index
    %swap3A_3258 = tpu.vector_load %arg10[%swap3A_3256, %swap3A_3257] {strides = array<i32>} : memref<16x64xf32, #tpu.memory_space<vmem>>, vector<1x16xf32>,
    %swap3A_3259 = vector.shape_cast %swap3A_3258 : vector<1x16xf32> to vector<16xf32>
    %swap3A_3260 = vector.shape_cast %add3A_3254 : vector<16xf32> to vector<1x16xf32>
    tpu.vector_store %arg10[%swap3A_3256, %swap3A_3257], %swap3A_3260 {strides = array<i32>} : memref<16x64xf32, #tpu.memory_space<vmem>>, vector<1x16xf32>,
    %get3A_3261 = arith.constant 15 : i32
    %get3A_3262 = arith.index_cast %get3A_3261 : i32 to index
    %get3A_3263 = arith.constant 32 : index
    %get3A_3264 = tpu.vector_load %arg10[%get3A_3262, %get3A_3263] {strides = array<i32>} : memref<16x64xf32, #tpu.memory_space<vmem>>, vector<1x16xf32>,
    %get3A_3265 = vector.shape_cast %get3A_3264 : vector<1x16xf32> to vector<16xf32>
    %get3A_3266 = arith.constant 75 : i32
    %get3A_3267 = arith.index_cast %get3A_3266 : i32 to index
    %get3A_3268 = arith.constant 32 : index
    %get3A_3269 = tpu.vector_load %arg9[%get3A_3267, %get3A_3268] {strides = array<i32>} : memref<80x128xf32, #tpu.memory_space<vmem>>, vector<1x16xf32>,
    %get3A_3270 = vector.shape_cast %get3A_3269 : vector<1x16xf32> to vector<16xf32>
    %mul3A_3271 = arith.mulf %get3A_3148, %get3A_3270 : vector<16xf32>
    %add3A_3272 = arith.addf %get3A_3265, %mul3A_3271 : vector<16xf32>
    %get3A_3273 = arith.constant 76 : i32
    %get3A_3274 = arith.index_cast %get3A_3273 : i32 to index
    %get3A_3275 = arith.constant 32 : index
    %get3A_3276 = tpu.vector_load %arg9[%get3A_3274, %get3A_3275] {strides = array<i32>} : memref<80x128xf32, #tpu.memory_space<vmem>>, vector<1x16xf32>,
    %get3A_3277 = vector.shape_cast %get3A_3276 : vector<1x16xf32> to vector<16xf32>
    %mul3A_3278 = arith.mulf %get3A_3153, %get3A_3277 : vector<16xf32>
    %add3A_3279 = arith.addf %add3A_3272, %mul3A_3278 : vector<16xf32>
    %get3A_3280 = arith.constant 77 : i32
    %get3A_3281 = arith.index_cast %get3A_3280 : i32 to index
    %get3A_3282 = arith.constant 32 : index
    %get3A_3283 = tpu.vector_load %arg9[%get3A_3281, %get3A_3282] {strides = array<i32>} : memref<80x128xf32, #tpu.memory_space<vmem>>, vector<1x16xf32>,
    %get3A_3284 = vector.shape_cast %get3A_3283 : vector<1x16xf32> to vector<16xf32>
    %mul3A_3285 = arith.mulf %get3A_3158, %get3A_3284 : vector<16xf32>
    %add3A_3286 = arith.addf %add3A_3279, %mul3A_3285 : vector<16xf32>
    %get3A_3287 = arith.constant 78 : i32
    %get3A_3288 = arith.index_cast %get3A_3287 : i32 to index
    %get3A_3289 = arith.constant 32 : index
    %get3A_3290 = tpu.vector_load %arg9[%get3A_3288, %get3A_3289] {strides = array<i32>} : memref<80x128xf32, #tpu.memory_space<vmem>>, vector<1x16xf32>,
    %get3A_3291 = vector.shape_cast %get3A_3290 : vector<1x16xf32> to vector<16xf32>
    %mul3A_3292 = arith.mulf %get3A_3163, %get3A_3291 : vector<16xf32>
    %add3A_3293 = arith.addf %add3A_3286, %mul3A_3292 : vector<16xf32>
    %get3A_3294 = arith.constant 79 : i32
    %get3A_3295 = arith.index_cast %get3A_3294 : i32 to index
    %get3A_3296 = arith.constant 32 : index
    %get3A_3297 = tpu.vector_load %arg9[%get3A_3295, %get3A_3296] {strides = array<i32>} : memref<80x128xf32, #tpu.memory_space<vmem>>, vector<1x16xf32>,
    %get3A_3298 = vector.shape_cast %get3A_3297 : vector<1x16xf32> to vector<16xf32>
    %mul3A_3299 = arith.mulf %get3A_3168, %get3A_3298 : vector<16xf32>
    %add3A_3300 = arith.addf %add3A_3293, %mul3A_3299 : vector<16xf32>
    %swap3A_3301 = arith.constant 15 : i32
    %swap3A_3302 = arith.index_cast %swap3A_3301 : i32 to index
    %swap3A_3303 = arith.constant 32 : index
    %swap3A_3304 = tpu.vector_load %arg10[%swap3A_3302, %swap3A_3303] {strides = array<i32>} : memref<16x64xf32, #tpu.memory_space<vmem>>, vector<1x16xf32>,
    %swap3A_3305 = vector.shape_cast %swap3A_3304 : vector<1x16xf32> to vector<16xf32>
    %swap3A_3306 = vector.shape_cast %add3A_3300 : vector<16xf32> to vector<1x16xf32>
    tpu.vector_store %arg10[%swap3A_3302, %swap3A_3303], %swap3A_3306 {strides = array<i32>} : memref<16x64xf32, #tpu.memory_space<vmem>>, vector<1x16xf32>,
    %get3A_3307 = arith.constant 15 : i32
    %get3A_3308 = arith.index_cast %get3A_3307 : i32 to index
    %get3A_3309 = arith.constant 48 : index
    %get3A_3310 = tpu.vector_load %arg10[%get3A_3308, %get3A_3309] {strides = array<i32>} : memref<16x64xf32, #tpu.memory_space<vmem>>, vector<1x16xf32>,
    %get3A_3311 = vector.shape_cast %get3A_3310 : vector<1x16xf32> to vector<16xf32>
    %get3A_3312 = arith.constant 75 : i32
    %get3A_3313 = arith.index_cast %get3A_3312 : i32 to index
    %get3A_3314 = arith.constant 48 : index
    %get3A_3315 = tpu.vector_load %arg9[%get3A_3313, %get3A_3314] {strides = array<i32>} : memref<80x128xf32, #tpu.memory_space<vmem>>, vector<1x16xf32>,
    %get3A_3316 = vector.shape_cast %get3A_3315 : vector<1x16xf32> to vector<16xf32>
    %mul3A_3317 = arith.mulf %get3A_3148, %get3A_3316 : vector<16xf32>
    %add3A_3318 = arith.addf %get3A_3311, %mul3A_3317 : vector<16xf32>
    %get3A_3319 = arith.constant 76 : i32
    %get3A_3320 = arith.index_cast %get3A_3319 : i32 to index
    %get3A_3321 = arith.constant 48 : index
    %get3A_3322 = tpu.vector_load %arg9[%get3A_3320, %get3A_3321] {strides = array<i32>} : memref<80x128xf32, #tpu.memory_space<vmem>>, vector<1x16xf32>,
    %get3A_3323 = vector.shape_cast %get3A_3322 : vector<1x16xf32> to vector<16xf32>
    %mul3A_3324 = arith.mulf %get3A_3153, %get3A_3323 : vector<16xf32>
    %add3A_3325 = arith.addf %add3A_3318, %mul3A_3324 : vector<16xf32>
    %get3A_3326 = arith.constant 77 : i32
    %get3A_3327 = arith.index_cast %get3A_3326 : i32 to index
    %get3A_3328 = arith.constant 48 : index
    %get3A_3329 = tpu.vector_load %arg9[%get3A_3327, %get3A_3328] {strides = array<i32>} : memref<80x128xf32, #tpu.memory_space<vmem>>, vector<1x16xf32>,
    %get3A_3330 = vector.shape_cast %get3A_3329 : vector<1x16xf32> to vector<16xf32>
    %mul3A_3331 = arith.mulf %get3A_3158, %get3A_3330 : vector<16xf32>
    %add3A_3332 = arith.addf %add3A_3325, %mul3A_3331 : vector<16xf32>
    %get3A_3333 = arith.constant 78 : i32
    %get3A_3334 = arith.index_cast %get3A_3333 : i32 to index
    %get3A_3335 = arith.constant 48 : index
    %get3A_3336 = tpu.vector_load %arg9[%get3A_3334, %get3A_3335] {strides = array<i32>} : memref<80x128xf32, #tpu.memory_space<vmem>>, vector<1x16xf32>,
    %get3A_3337 = vector.shape_cast %get3A_3336 : vector<1x16xf32> to vector<16xf32>
    %mul3A_3338 = arith.mulf %get3A_3163, %get3A_3337 : vector<16xf32>
    %add3A_3339 = arith.addf %add3A_3332, %mul3A_3338 : vector<16xf32>
    %get3A_3340 = arith.constant 79 : i32
    %get3A_3341 = arith.index_cast %get3A_3340 : i32 to index
    %get3A_3342 = arith.constant 48 : index
    %get3A_3343 = tpu.vector_load %arg9[%get3A_3341, %get3A_3342] {strides = array<i32>} : memref<80x128xf32, #tpu.memory_space<vmem>>, vector<1x16xf32>,
    %get3A_3344 = vector.shape_cast %get3A_3343 : vector<1x16xf32> to vector<16xf32>
    %mul3A_3345 = arith.mulf %get3A_3168, %get3A_3344 : vector<16xf32>
    %add3A_3346 = arith.addf %add3A_3339, %mul3A_3345 : vector<16xf32>
    %swap3A_3347 = arith.constant 15 : i32
    %swap3A_3348 = arith.index_cast %swap3A_3347 : i32 to index
    %swap3A_3349 = arith.constant 48 : index
    %swap3A_3350 = tpu.vector_load %arg10[%swap3A_3348, %swap3A_3349] {strides = array<i32>} : memref<16x64xf32, #tpu.memory_space<vmem>>, vector<1x16xf32>,
    %swap3A_3351 = vector.shape_cast %swap3A_3350 : vector<1x16xf32> to vector<16xf32>
    %swap3A_3352 = vector.shape_cast %add3A_3346 : vector<16xf32> to vector<1x16xf32>
    tpu.vector_store %arg10[%swap3A_3348, %swap3A_3349], %swap3A_3352 {strides = array<i32>} : memref<16x64xf32, #tpu.memory_space<vmem>>, vector<1x16xf32>,
    %mul3A_3353 = arith.constant 16 : i32
    %mul3A_3354 = arith.muli %add3A, %mul3A_3353 : i32
    "tpu.region"() ({
      %run_scoped3A = tpu.sem_alloc : memref<!tpu.dma_semaphore, #tpu.memory_space<semaphore_mem>>
      %dma_start3A_3355 = arith.constant 0 : i32
      %dma_start3A_3356 = tpu.memref_slice %arg6[%mul3A_3354, %dma_start3A_3355] : memref<512x64xf32, #tpu.memory_space<hbm>> -> memref<16x64xf32, #tpu.memory_space<hbm>>
      %dma_start3A_3357 = arith.constant 0 : i32
      %dma_start3A_3358 = tpu.memref_slice %arg6[%mul3A_3354, %dma_start3A_3357] : memref<512x64xf32, #tpu.memory_space<hbm>> -> memref<16x64xf32, #tpu.memory_space<hbm>>
      tpu.enqueue_dma source(%arg10 : memref<16x64xf32, #tpu.memory_space<vmem>>) target(%dma_start3A_3358 : memref<16x64xf32, #tpu.memory_space<hbm>>) target_semaphore(%run_scoped3A : memref<!tpu.dma_semaphore, #tpu.memory_space<semaphore_mem>>)
      %dma_wait3A_3359 = arith.constant 0 : i32
      %dma_wait3A_3360 = tpu.memref_slice %arg6[%mul3A_3354, %dma_wait3A_3359] : memref<512x64xf32, #tpu.memory_space<hbm>> -> memref<16x64xf32, #tpu.memory_space<hbm>>
      %dma_wait3A_3361 = arith.constant 0 : i32
      %dma_wait3A_3362 = tpu.memref_slice %arg6[%mul3A_3354, %dma_wait3A_3361] : memref<512x64xf32, #tpu.memory_space<hbm>> -> memref<16x64xf32, #tpu.memory_space<hbm>>
      tpu.wait_dma2 semaphore(%run_scoped3A : memref<!tpu.dma_semaphore, #tpu.memory_space<semaphore_mem>>) src(%arg10 : memref<16x64xf32, #tpu.memory_space<vmem>>) dst(%dma_wait3A_3362 : memref<16x64xf32, #tpu.memory_space<hbm>>)
      tpu.yield
    }) : () -> ()
    return
  }
}

module attributes {stable_mosaic.version = 14 : i64} {
  func.func @_topk_body(%arg0: i32, %arg1: memref<64x512xf32, #tpu.memory_space<vmem>>, %arg2: memref<64x100000xf32, #tpu.memory_space<any>>, %arg3: memref<64x32xf32, #tpu.memory_space<vmem>>, %arg4: memref<8x512xf32, #tpu.memory_space<vmem>>, %arg5: memref<8x512xi32, #tpu.memory_space<vmem>>, %arg6: memref<4096x128xf32, #tpu.memory_space<vmem>>, %arg7: memref<64x512xbf16, #tpu.memory_space<vmem>>, %arg8: memref<8x512xf32, #tpu.memory_space<vmem>>, %arg9: memref<2x64x4096xf32, #tpu.memory_space<vmem>>, %arg10: memref<2x!tpu.dma_semaphore, #tpu.memory_space<semaphore_mem>>) attributes {dimension_semantics = [#tpu.dimension_semantics<arbitrary>], iteration_bounds = array<i64: 25>, scalar_prefetch = 0 : i64, scratch_operands = 4 : i64, tpu.core_type = #tpu.core_type<tc>, window_params = [{pipeline_mode = #tpu.pipeline_mode<synchronous>, transform_indices = @transform_0, window_bounds = array<i64: 64, 512>}, {}, {pipeline_mode = #tpu.pipeline_mode<synchronous>, transform_indices = @transform_2, window_bounds = array<i64: 64, 32>}, {pipeline_mode = #tpu.pipeline_mode<synchronous>, transform_indices = @transform_3, window_bounds = array<i64: 8, 512>}, {pipeline_mode = #tpu.pipeline_mode<synchronous>, transform_indices = @transform_4, window_bounds = array<i64: 8, 512>}, {transform_indices = @transform_5, window_bounds = array<i64: 4096, 128>}]} {
    %eq3A = arith.constant 0 : i32
    %eq3A_0 = arith.cmpi eq, %arg0, %eq3A : i32
    %convert_element_type3A = arith.extui %eq3A_0 : i1 to i32
    %cond3A = arith.constant 0 : i32
    %cond3A_1 = arith.cmpi ne, %convert_element_type3A, %cond3A : i32
    scf.if %cond3A_1 {
      %jit3A_27 = arith.constant true
      %jit3A_28 = arith.constant 0 : i32
      %jit3A_29 = arith.constant 95872 : i32
      %select_n3A_30 = arith.select %jit3A_27, %jit3A_28, %jit3A_29 : i32
      %dma_start3A = arith.constant 0 : i32
      %dma_start3A_31 = arith.constant 0 : i32
      %dma_start3A_32 = tpu.memref_slice %arg10[%dma_start3A_31] : memref<2x!tpu.dma_semaphore, #tpu.memory_space<semaphore_mem>> -> memref<1x!tpu.dma_semaphore, #tpu.memory_space<semaphore_mem>>
      %dma_start3A_33 = tpu.memref_squeeze %dma_start3A_32 : memref<1x!tpu.dma_semaphore, #tpu.memory_space<semaphore_mem>> -> memref<!tpu.dma_semaphore, #tpu.memory_space<semaphore_mem>>
      %dma_start3A_34 = arith.constant 0 : i32
      %dma_start3A_35 = arith.constant 0 : i32
      %dma_start3A_36 = tpu.memref_slice %arg9[%dma_start3A, %dma_start3A_34, %dma_start3A_35] : memref<2x64x4096xf32, #tpu.memory_space<vmem>> -> memref<1x64x4096xf32, #tpu.memory_space<vmem>>
      %dma_start3A_37 = tpu.memref_squeeze %dma_start3A_36 : memref<1x64x4096xf32, #tpu.memory_space<vmem>> -> memref<64x4096xf32, #tpu.memory_space<vmem>>
      %dma_start3A_38 = arith.constant 0 : i32
      %dma_start3A_39 = tpu.memref_slice %arg2[%dma_start3A_38, %select_n3A_30] : memref<64x100000xf32, #tpu.memory_space<any>> -> memref<64x4096xf32, #tpu.memory_space<any>>
      tpu.enqueue_dma source(%dma_start3A_39 : memref<64x4096xf32, #tpu.memory_space<any>>) target(%dma_start3A_37 : memref<64x4096xf32, #tpu.memory_space<vmem>>) target_semaphore(%dma_start3A_33 : memref<!tpu.dma_semaphore, #tpu.memory_space<semaphore_mem>>)
      %jit3A_40 = arith.constant true
      %jit3A_41 = arith.constant 4096 : i32
      %jit3A_42 = arith.constant 95872 : i32
      %select_n3A_43 = arith.select %jit3A_40, %jit3A_41, %jit3A_42 : i32
      %dma_start3A_44 = arith.constant 1 : i32
      %dma_start3A_45 = arith.constant 1 : i32
      %dma_start3A_46 = tpu.memref_slice %arg10[%dma_start3A_45] : memref<2x!tpu.dma_semaphore, #tpu.memory_space<semaphore_mem>> -> memref<1x!tpu.dma_semaphore, #tpu.memory_space<semaphore_mem>>
      %dma_start3A_47 = tpu.memref_squeeze %dma_start3A_46 : memref<1x!tpu.dma_semaphore, #tpu.memory_space<semaphore_mem>> -> memref<!tpu.dma_semaphore, #tpu.memory_space<semaphore_mem>>
      %dma_start3A_48 = arith.constant 0 : i32
      %dma_start3A_49 = arith.constant 0 : i32
      %dma_start3A_50 = tpu.memref_slice %arg9[%dma_start3A_44, %dma_start3A_48, %dma_start3A_49] : memref<2x64x4096xf32, #tpu.memory_space<vmem>> -> memref<1x64x4096xf32, #tpu.memory_space<vmem>>
      %dma_start3A_51 = tpu.memref_squeeze %dma_start3A_50 : memref<1x64x4096xf32, #tpu.memory_space<vmem>> -> memref<64x4096xf32, #tpu.memory_space<vmem>>
      %dma_start3A_52 = arith.constant 0 : i32
      %dma_start3A_53 = tpu.memref_slice %arg2[%dma_start3A_52, %select_n3A_43] : memref<64x100000xf32, #tpu.memory_space<any>> -> memref<64x4096xf32, #tpu.memory_space<any>>
      tpu.enqueue_dma source(%dma_start3A_53 : memref<64x4096xf32, #tpu.memory_space<any>>) target(%dma_start3A_51 : memref<64x4096xf32, #tpu.memory_space<vmem>>) target_semaphore(%dma_start3A_47 : memref<!tpu.dma_semaphore, #tpu.memory_space<semaphore_mem>>)
      %get3A = arith.constant 0 : index
      %get3A_54 = arith.constant 0 : index
      %get3A_55 = vector.load %arg1[%get3A, %get3A_54] : memref<64x512xf32, #tpu.memory_space<vmem>>, vector<64x512xf32>
      %mul3A_56 = arith.mulf %get3A_55, %get3A_55 : vector<64x512xf32>
      %reduce_sum3A = arith.constant dense<0.000000e+00> : vector<512xf32>
      %reduce_sum3A_57 = vector.multi_reduction <add>, %mul3A_56, %reduce_sum3A [0] : vector<64x512xf32> to vector<512xf32>
      %broadcast_in_dim3A = vector.shape_cast %reduce_sum3A_57 : vector<512xf32> to vector<1x512xf32>
      %max3A = arith.constant 1.000000e-24 : f32
      %max3A_58 = vector.broadcast %max3A : f32 to vector<1x512xf32>
      %max3A_59 = arith.maximumf %broadcast_in_dim3A, %max3A_58 : vector<1x512xf32>
      %rsqrt3A = math.rsqrt %max3A_59 : vector<1x512xf32>
      %mul3A_60 = arith.constant 4.096000e+03 : f32
      %mul3A_61 = vector.broadcast %mul3A_60 : f32 to vector<1x512xf32>
      %mul3A_62 = arith.mulf %rsqrt3A, %mul3A_61 : vector<1x512xf32>
      %mul3A_63 = vector.broadcast %mul3A_62 : vector<1x512xf32> to vector<64x512xf32>
      %mul3A_64 = arith.mulf %get3A_55, %mul3A_63 : vector<64x512xf32>
      %convert_element_type3A_65 = arith.truncf %mul3A_64 : vector<64x512xf32> to vector<64x512xbf16>
      %swap3A = arith.constant 0 : index
      %swap3A_66 = arith.constant 0 : index
      %swap3A_67 = vector.load %arg7[%swap3A, %swap3A_66] : memref<64x512xbf16, #tpu.memory_space<vmem>>, vector<64x512xbf16>
      tpu.vector_store %arg7[%swap3A, %swap3A_66], %convert_element_type3A_65 {strides = array<i32>} : memref<64x512xbf16, #tpu.memory_space<vmem>>, vector<64x512xbf16>,
      %broadcast_in_dim3A_68 = arith.constant 0.000000e+00 : f32
      %broadcast_in_dim3A_69 = vector.broadcast %broadcast_in_dim3A_68 : f32 to vector<8x512xf32>
      %swap3A_70 = arith.constant 0 : index
      %swap3A_71 = arith.constant 0 : index
      %swap3A_72 = vector.load %arg8[%swap3A_70, %swap3A_71] : memref<8x512xf32, #tpu.memory_space<vmem>>, vector<8x512xf32>
      tpu.vector_store %arg8[%swap3A_70, %swap3A_71], %broadcast_in_dim3A_69 {strides = array<i32>} : memref<8x512xf32, #tpu.memory_space<vmem>>, vector<8x512xf32>,
    } else {
    }
    %rem3A = arith.constant 2 : i32
    %rem3A_2 = arith.remsi %arg0, %rem3A : i32
    %lt3A = arith.constant 24 : i32
    %lt3A_3 = arith.cmpi slt, %arg0, %lt3A : i32
    %mul3A = arith.constant 4096 : i32
    %mul3A_4 = arith.muli %arg0, %mul3A : i32
    %jit3A = arith.constant 95872 : i32
    %select_n3A = arith.select %lt3A_3, %mul3A_4, %jit3A : i32
    %dma_wait3A = tpu.memref_slice %arg10[%rem3A_2] : memref<2x!tpu.dma_semaphore, #tpu.memory_space<semaphore_mem>> -> memref<1x!tpu.dma_semaphore, #tpu.memory_space<semaphore_mem>>
    %dma_wait3A_5 = tpu.memref_squeeze %dma_wait3A : memref<1x!tpu.dma_semaphore, #tpu.memory_space<semaphore_mem>> -> memref<!tpu.dma_semaphore, #tpu.memory_space<semaphore_mem>>
    %dma_wait3A_6 = arith.constant 0 : i32
    %dma_wait3A_7 = arith.constant 0 : i32
    %dma_wait3A_8 = tpu.memref_slice %arg9[%rem3A_2, %dma_wait3A_6, %dma_wait3A_7] : memref<2x64x4096xf32, #tpu.memory_space<vmem>> -> memref<1x64x4096xf32, #tpu.memory_space<vmem>>
    %dma_wait3A_9 = tpu.memref_squeeze %dma_wait3A_8 : memref<1x64x4096xf32, #tpu.memory_space<vmem>> -> memref<64x4096xf32, #tpu.memory_space<vmem>>
    %dma_wait3A_10 = arith.constant 0 : i32
    %dma_wait3A_11 = tpu.memref_slice %arg2[%dma_wait3A_10, %select_n3A] : memref<64x100000xf32, #tpu.memory_space<any>> -> memref<64x4096xf32, #tpu.memory_space<any>>
    tpu.wait_dma2 semaphore(%dma_wait3A_5 : memref<!tpu.dma_semaphore, #tpu.memory_space<semaphore_mem>>) src(%dma_wait3A_11 : memref<64x4096xf32, #tpu.memory_space<any>>) dst(%dma_wait3A_9 : memref<64x4096xf32, #tpu.memory_space<vmem>>)
    %lt3A_12 = arith.constant 24 : i32
    %lt3A_13 = arith.cmpi slt, %arg0, %lt3A_12 : i32
    %convert_element_type3A_14 = arith.extui %lt3A_13 : i1 to i32
    %cond3A_15 = arith.constant 0 : i32
    %cond3A_16 = arith.cmpi ne, %convert_element_type3A_14, %cond3A_15 : i32
    scf.if %cond3A_16 {
      %get3A = arith.index_cast %rem3A_2 : i32 to index
      %get3A_27 = arith.constant 0 : index
      %get3A_28 = arith.constant 0 : index
      %get3A_29 = vector.load %arg9[%get3A, %get3A_27, %get3A_28] : memref<2x64x4096xf32, #tpu.memory_space<vmem>>, vector<1x64x4096xf32>
      %get3A_30 = vector.shape_cast %get3A_29 : vector<1x64x4096xf32> to vector<64x4096xf32>
      %mul3A_31 = arith.constant 4096 : i32
      %mul3A_32 = arith.muli %arg0, %mul3A_31 : i32
      %mul3A_33 = arith.mulf %get3A_30, %get3A_30 : vector<64x4096xf32>
      %reduce_sum3A = arith.constant dense<0.000000e+00> : vector<4096xf32>
      %reduce_sum3A_34 = vector.multi_reduction <add>, %mul3A_33, %reduce_sum3A [0] : vector<64x4096xf32> to vector<4096xf32>
      %broadcast_in_dim3A = vector.shape_cast %reduce_sum3A_34 : vector<4096xf32> to vector<1x4096xf32>
      %max3A = arith.constant 1.000000e-24 : f32
      %max3A_35 = vector.broadcast %max3A : f32 to vector<1x4096xf32>
      %max3A_36 = arith.maximumf %broadcast_in_dim3A, %max3A_35 : vector<1x4096xf32>
      %rsqrt3A = math.rsqrt %max3A_36 : vector<1x4096xf32>
      %mul3A_37 = vector.broadcast %rsqrt3A : vector<1x4096xf32> to vector<64x4096xf32>
      %mul3A_38 = arith.mulf %get3A_30, %mul3A_37 : vector<64x4096xf32>
      %convert_element_type3A_39 = arith.truncf %mul3A_38 : vector<64x4096xf32> to vector<64x4096xbf16>
      %get3A_40 = arith.constant 0 : index
      %get3A_41 = arith.constant 0 : index
      %get3A_42 = vector.load %arg7[%get3A_40, %get3A_41] : memref<64x512xbf16, #tpu.memory_space<vmem>>, vector<64x512xbf16>
      %dot_general3A = arith.constant dense<0.000000e+00> : vector<4096x512xf32>
      %dot_general3A_43 = tpu.matmul %convert_element_type3A_39, %get3A_42, %dot_general3A {dimension_numbers = #tpu.dot_dimension_numbers<[0], [0], [1], [1], [0, 1, 1, 1], [], []>, transpose_lhs_hint = false} : vector<64x4096xbf16>, vector<64x512xbf16>, vector<4096x512xf32> -> vector<4096x512xf32>
      %iota3A = tpu.iota {dimensions = array<i32: 0>} : vector<4096x512xi32>
      %sub3A = arith.constant 550633471 : i32
      %sub3A_44 = arith.subi %sub3A, %mul3A_32 : i32
      %add3A = arith.constant 0x4B400000 : f32
      %add3A_45 = vector.broadcast %add3A : f32 to vector<4096x512xf32>
      %add3A_46 = arith.addf %dot_general3A_43, %add3A_45 : vector<4096x512xf32>
      %bitcast_convert_type3A = tpu.bitcast %add3A_46 : vector<4096x512xf32> -> vector<4096x512xi32>
      %shift_left3A = arith.constant 17 : i32
      %shift_left3A_47 = vector.broadcast %shift_left3A : i32 to vector<4096x512xi32>
      %shift_left3A_48 = arith.shli %bitcast_convert_type3A, %shift_left3A_47 : vector<4096x512xi32>
      %sub3A_49 = vector.broadcast %sub3A_44 : i32 to vector<4096x512xi32>
      %sub3A_50 = arith.subi %sub3A_49, %iota3A : vector<4096x512xi32>
      %add3A_51 = arith.addi %shift_left3A_48, %sub3A_50 : vector<4096x512xi32>
      %bitcast_convert_type3A_52 = tpu.bitcast %add3A_51 : vector<4096x512xi32> -> vector<4096x512xf32>
      %reshape3A = vector.shape_cast %bitcast_convert_type3A_52 : vector<4096x512xf32> to vector<256x16x512xf32>
      %reduce_max3A = arith.constant dense<0xFF800000> : vector<256x512xf32>
      %reduce_max3A_53 = vector.multi_reduction <maximumf>, %reshape3A, %reduce_max3A [1] : vector<256x16x512xf32> to vector<256x512xf32>
      %get3A_54 = arith.constant 0 : index
      %get3A_55 = arith.constant 0 : index
      %get3A_56 = vector.load %arg8[%get3A_54, %get3A_55] : memref<8x512xf32, #tpu.memory_space<vmem>>, vector<8x512xf32>
      %concatenate3A = tpu.concatenate %get3A_56, %reduce_max3A_53 in 0 : vector<8x512xf32>, vector<256x512xf32> -> vector<264x512xf32>
      %reduce_max3A_57 = arith.constant dense<0xFF800000> : vector<512xf32>
      %reduce_max3A_58 = vector.multi_reduction <maximumf>, %concatenate3A, %reduce_max3A_57 [0] : vector<264x512xf32> to vector<512xf32>
      %broadcast_in_dim3A_59 = vector.shape_cast %reduce_max3A_58 : vector<512xf32> to vector<1x512xf32>
      %eq3A_60 = vector.broadcast %broadcast_in_dim3A_59 : vector<1x512xf32> to vector<264x512xf32>
      %eq3A_61 = arith.cmpf oeq, %concatenate3A, %eq3A_60 : vector<264x512xf32>
      %jit3A_62 = arith.constant 0.000000e+00 : f32
      %broadcast_in_dim3A_63 = vector.broadcast %jit3A_62 : f32 to vector<264x512xf32>
      %select_n3A_64 = arith.select %eq3A_61, %broadcast_in_dim3A_63, %concatenate3A : vector<264x512xi1>, vector<264x512xf32>
      %reduce_max3A_65 = arith.constant dense<0xFF800000> : vector<512xf32>
      %reduce_max3A_66 = vector.multi_reduction <maximumf>, %select_n3A_64, %reduce_max3A_65 [0] : vector<264x512xf32> to vector<512xf32>
      %broadcast_in_dim3A_67 = vector.shape_cast %reduce_max3A_66 : vector<512xf32> to vector<1x512xf32>
      %eq3A_68 = vector.broadcast %broadcast_in_dim3A_67 : vector<1x512xf32> to vector<264x512xf32>
      %eq3A_69 = arith.cmpf oeq, %select_n3A_64, %eq3A_68 : vector<264x512xf32>
      %jit3A_70 = arith.constant 0.000000e+00 : f32
      %broadcast_in_dim3A_71 = vector.broadcast %jit3A_70 : f32 to vector<264x512xf32>
      %select_n3A_72 = arith.select %eq3A_69, %broadcast_in_dim3A_71, %select_n3A_64 : vector<264x512xi1>, vector<264x512xf32>
      %reduce_max3A_73 = arith.constant dense<0xFF800000> : vector<512xf32>
      %reduce_max3A_74 = vector.multi_reduction <maximumf>, %select_n3A_72, %reduce_max3A_73 [0] : vector<264x512xf32> to vector<512xf32>
      %broadcast_in_dim3A_75 = vector.shape_cast %reduce_max3A_74 : vector<512xf32> to vector<1x512xf32>
      %eq3A_76 = vector.broadcast %broadcast_in_dim3A_75 : vector<1x512xf32> to vector<264x512xf32>
      %eq3A_77 = arith.cmpf oeq, %select_n3A_72, %eq3A_76 : vector<264x512xf32>
      %jit3A_78 = arith.constant 0.000000e+00 : f32
      %broadcast_in_dim3A_79 = vector.broadcast %jit3A_78 : f32 to vector<264x512xf32>
      %select_n3A_80 = arith.select %eq3A_77, %broadcast_in_dim3A_79, %select_n3A_72 : vector<264x512xi1>, vector<264x512xf32>
      %reduce_max3A_81 = arith.constant dense<0xFF800000> : vector<512xf32>
      %reduce_max3A_82 = vector.multi_reduction <maximumf>, %select_n3A_80, %reduce_max3A_81 [0] : vector<264x512xf32> to vector<512xf32>
      %broadcast_in_dim3A_83 = vector.shape_cast %reduce_max3A_82 : vector<512xf32> to vector<1x512xf32>
      %eq3A_84 = vector.broadcast %broadcast_in_dim3A_83 : vector<1x512xf32> to vector<264x512xf32>
      %eq3A_85 = arith.cmpf oeq, %select_n3A_80, %eq3A_84 : vector<264x512xf32>
      %jit3A_86 = arith.constant 0.000000e+00 : f32
      %broadcast_in_dim3A_87 = vector.broadcast %jit3A_86 : f32 to vector<264x512xf32>
      %select_n3A_88 = arith.select %eq3A_85, %broadcast_in_dim3A_87, %select_n3A_80 : vector<264x512xi1>, vector<264x512xf32>
      %reduce_max3A_89 = arith.constant dense<0xFF800000> : vector<512xf32>
      %reduce_max3A_90 = vector.multi_reduction <maximumf>, %select_n3A_88, %reduce_max3A_89 [0] : vector<264x512xf32> to vector<512xf32>
      %broadcast_in_dim3A_91 = vector.shape_cast %reduce_max3A_58 : vector<512xf32> to vector<1x512xf32>
      %swap3A = arith.constant 0 : index
      %swap3A_92 = arith.constant 0 : index
      %swap3A_93 = vector.load %arg8[%swap3A, %swap3A_92] : memref<8x512xf32, #tpu.memory_space<vmem>>, vector<1x512xf32>
      tpu.vector_store %arg8[%swap3A, %swap3A_92], %broadcast_in_dim3A_91 {strides = array<i32>} : memref<8x512xf32, #tpu.memory_space<vmem>>, vector<1x512xf32>,
      %broadcast_in_dim3A_94 = vector.shape_cast %reduce_max3A_66 : vector<512xf32> to vector<1x512xf32>
      %swap3A_95 = arith.constant 1 : index
      %swap3A_96 = arith.constant 0 : index
      %swap3A_97 = vector.load %arg8[%swap3A_95, %swap3A_96] : memref<8x512xf32, #tpu.memory_space<vmem>>, vector<1x512xf32>
      tpu.vector_store %arg8[%swap3A_95, %swap3A_96], %broadcast_in_dim3A_94 {strides = array<i32>} : memref<8x512xf32, #tpu.memory_space<vmem>>, vector<1x512xf32>,
      %broadcast_in_dim3A_98 = vector.shape_cast %reduce_max3A_74 : vector<512xf32> to vector<1x512xf32>
      %swap3A_99 = arith.constant 2 : index
      %swap3A_100 = arith.constant 0 : index
      %swap3A_101 = vector.load %arg8[%swap3A_99, %swap3A_100] : memref<8x512xf32, #tpu.memory_space<vmem>>, vector<1x512xf32>
      tpu.vector_store %arg8[%swap3A_99, %swap3A_100], %broadcast_in_dim3A_98 {strides = array<i32>} : memref<8x512xf32, #tpu.memory_space<vmem>>, vector<1x512xf32>,
      %broadcast_in_dim3A_102 = vector.shape_cast %reduce_max3A_82 : vector<512xf32> to vector<1x512xf32>
      %swap3A_103 = arith.constant 3 : index
      %swap3A_104 = arith.constant 0 : index
      %swap3A_105 = vector.load %arg8[%swap3A_103, %swap3A_104] : memref<8x512xf32, #tpu.memory_space<vmem>>, vector<1x512xf32>
      tpu.vector_store %arg8[%swap3A_103, %swap3A_104], %broadcast_in_dim3A_102 {strides = array<i32>} : memref<8x512xf32, #tpu.memory_space<vmem>>, vector<1x512xf32>,
      %broadcast_in_dim3A_106 = vector.shape_cast %reduce_max3A_90 : vector<512xf32> to vector<1x512xf32>
      %swap3A_107 = arith.constant 4 : index
      %swap3A_108 = arith.constant 0 : index
      %swap3A_109 = vector.load %arg8[%swap3A_107, %swap3A_108] : memref<8x512xf32, #tpu.memory_space<vmem>>, vector<1x512xf32>
      tpu.vector_store %arg8[%swap3A_107, %swap3A_108], %broadcast_in_dim3A_106 {strides = array<i32>} : memref<8x512xf32, #tpu.memory_space<vmem>>, vector<1x512xf32>,
      %transpose3A = tpu.transpose %get3A_30, [1, 0] : vector<64x4096xf32> -> vector<4096x64xf32>
      %broadcast_in_dim3A_110 = arith.constant 0.000000e+00 : f32
      %broadcast_in_dim3A_111 = vector.broadcast %broadcast_in_dim3A_110 : f32 to vector<4096x64xf32>
      %concatenate3A_112 = tpu.concatenate %transpose3A, %broadcast_in_dim3A_111 in 1 : vector<4096x64xf32>, vector<4096x64xf32> -> vector<4096x128xf32>
      %swap3A_113 = arith.constant 0 : index
      %swap3A_114 = arith.constant 0 : index
      %swap3A_115 = vector.load %arg6[%swap3A_113, %swap3A_114] : memref<4096x128xf32, #tpu.memory_space<vmem>>, vector<4096x128xf32>
      tpu.vector_store %arg6[%swap3A_113, %swap3A_114], %concatenate3A_112 {strides = array<i32>} : memref<4096x128xf32, #tpu.memory_space<vmem>>, vector<4096x128xf32>,
    } else {
    }
    %eq3A_17 = arith.constant 24 : i32
    %eq3A_18 = arith.cmpi eq, %arg0, %eq3A_17 : i32
    %convert_element_type3A_19 = arith.extui %eq3A_18 : i1 to i32
    %cond3A_20 = arith.constant 0 : i32
    %cond3A_21 = arith.cmpi ne, %convert_element_type3A_19, %cond3A_20 : i32
    scf.if %cond3A_21 {
      %get3A = arith.index_cast %rem3A_2 : i32 to index
      %get3A_27 = arith.constant 0 : index
      %get3A_28 = arith.constant 0 : index
      %get3A_29 = vector.load %arg9[%get3A, %get3A_27, %get3A_28] : memref<2x64x4096xf32, #tpu.memory_space<vmem>>, vector<1x64x4096xf32>
      %get3A_30 = vector.shape_cast %get3A_29 : vector<1x64x4096xf32> to vector<64x4096xf32>
      %mul3A_31 = arith.mulf %get3A_30, %get3A_30 : vector<64x4096xf32>
      %reduce_sum3A = arith.constant dense<0.000000e+00> : vector<4096xf32>
      %reduce_sum3A_32 = vector.multi_reduction <add>, %mul3A_31, %reduce_sum3A [0] : vector<64x4096xf32> to vector<4096xf32>
      %broadcast_in_dim3A = vector.shape_cast %reduce_sum3A_32 : vector<4096xf32> to vector<1x4096xf32>
      %max3A = arith.constant 1.000000e-24 : f32
      %max3A_33 = vector.broadcast %max3A : f32 to vector<1x4096xf32>
      %max3A_34 = arith.maximumf %broadcast_in_dim3A, %max3A_33 : vector<1x4096xf32>
      %rsqrt3A = math.rsqrt %max3A_34 : vector<1x4096xf32>
      %mul3A_35 = vector.broadcast %rsqrt3A : vector<1x4096xf32> to vector<64x4096xf32>
      %mul3A_36 = arith.mulf %get3A_30, %mul3A_35 : vector<64x4096xf32>
      %convert_element_type3A_37 = arith.truncf %mul3A_36 : vector<64x4096xf32> to vector<64x4096xbf16>
      %get3A_38 = arith.constant 0 : index
      %get3A_39 = arith.constant 0 : index
      %get3A_40 = vector.load %arg7[%get3A_38, %get3A_39] : memref<64x512xbf16, #tpu.memory_space<vmem>>, vector<64x512xbf16>
      %dot_general3A = arith.constant dense<0.000000e+00> : vector<4096x512xf32>
      %dot_general3A_41 = tpu.matmul %convert_element_type3A_37, %get3A_40, %dot_general3A {dimension_numbers = #tpu.dot_dimension_numbers<[0], [0], [1], [1], [0, 1, 1, 1], [], []>, transpose_lhs_hint = false} : vector<64x4096xbf16>, vector<64x512xbf16>, vector<4096x512xf32> -> vector<4096x512xf32>
      %iota3A = tpu.iota {dimensions = array<i32: 0>} : vector<4096x512xi32>
      %add3A = arith.constant 0x4B400000 : f32
      %add3A_42 = vector.broadcast %add3A : f32 to vector<4096x512xf32>
      %add3A_43 = arith.addf %dot_general3A_41, %add3A_42 : vector<4096x512xf32>
      %bitcast_convert_type3A = tpu.bitcast %add3A_43 : vector<4096x512xf32> -> vector<4096x512xi32>
      %shift_left3A = arith.constant 17 : i32
      %shift_left3A_44 = vector.broadcast %shift_left3A : i32 to vector<4096x512xi32>
      %shift_left3A_45 = arith.shli %bitcast_convert_type3A, %shift_left3A_44 : vector<4096x512xi32>
      %sub3A = arith.constant 550537599 : i32
      %sub3A_46 = vector.broadcast %sub3A : i32 to vector<4096x512xi32>
      %sub3A_47 = arith.subi %sub3A_46, %iota3A : vector<4096x512xi32>
      %add3A_48 = arith.addi %shift_left3A_45, %sub3A_47 : vector<4096x512xi32>
      %bitcast_convert_type3A_49 = tpu.bitcast %add3A_48 : vector<4096x512xi32> -> vector<4096x512xf32>
      %reshape3A = vector.shape_cast %bitcast_convert_type3A_49 : vector<4096x512xf32> to vector<256x16x512xf32>
      %reduce_max3A = arith.constant dense<0xFF800000> : vector<256x512xf32>
      %reduce_max3A_50 = vector.multi_reduction <maximumf>, %reshape3A, %reduce_max3A [1] : vector<256x16x512xf32> to vector<256x512xf32>
      %get3A_51 = arith.constant 0 : index
      %get3A_52 = arith.constant 0 : index
      %get3A_53 = vector.load %arg8[%get3A_51, %get3A_52] : memref<8x512xf32, #tpu.memory_space<vmem>>, vector<8x512xf32>
      %concatenate3A = tpu.concatenate %get3A_53, %reduce_max3A_50 in 0 : vector<8x512xf32>, vector<256x512xf32> -> vector<264x512xf32>
      %reduce_max3A_54 = arith.constant dense<0xFF800000> : vector<512xf32>
      %reduce_max3A_55 = vector.multi_reduction <maximumf>, %concatenate3A, %reduce_max3A_54 [0] : vector<264x512xf32> to vector<512xf32>
      %broadcast_in_dim3A_56 = vector.shape_cast %reduce_max3A_55 : vector<512xf32> to vector<1x512xf32>
      %eq3A_57 = vector.broadcast %broadcast_in_dim3A_56 : vector<1x512xf32> to vector<264x512xf32>
      %eq3A_58 = arith.cmpf oeq, %concatenate3A, %eq3A_57 : vector<264x512xf32>
      %jit3A_59 = arith.constant 0.000000e+00 : f32
      %broadcast_in_dim3A_60 = vector.broadcast %jit3A_59 : f32 to vector<264x512xf32>
      %select_n3A_61 = arith.select %eq3A_58, %broadcast_in_dim3A_60, %concatenate3A : vector<264x512xi1>, vector<264x512xf32>
      %reduce_max3A_62 = arith.constant dense<0xFF800000> : vector<512xf32>
      %reduce_max3A_63 = vector.multi_reduction <maximumf>, %select_n3A_61, %reduce_max3A_62 [0] : vector<264x512xf32> to vector<512xf32>
      %broadcast_in_dim3A_64 = vector.shape_cast %reduce_max3A_63 : vector<512xf32> to vector<1x512xf32>
      %eq3A_65 = vector.broadcast %broadcast_in_dim3A_64 : vector<1x512xf32> to vector<264x512xf32>
      %eq3A_66 = arith.cmpf oeq, %select_n3A_61, %eq3A_65 : vector<264x512xf32>
      %jit3A_67 = arith.constant 0.000000e+00 : f32
      %broadcast_in_dim3A_68 = vector.broadcast %jit3A_67 : f32 to vector<264x512xf32>
      %select_n3A_69 = arith.select %eq3A_66, %broadcast_in_dim3A_68, %select_n3A_61 : vector<264x512xi1>, vector<264x512xf32>
      %reduce_max3A_70 = arith.constant dense<0xFF800000> : vector<512xf32>
      %reduce_max3A_71 = vector.multi_reduction <maximumf>, %select_n3A_69, %reduce_max3A_70 [0] : vector<264x512xf32> to vector<512xf32>
      %broadcast_in_dim3A_72 = vector.shape_cast %reduce_max3A_71 : vector<512xf32> to vector<1x512xf32>
      %eq3A_73 = vector.broadcast %broadcast_in_dim3A_72 : vector<1x512xf32> to vector<264x512xf32>
      %eq3A_74 = arith.cmpf oeq, %select_n3A_69, %eq3A_73 : vector<264x512xf32>
      %jit3A_75 = arith.constant 0.000000e+00 : f32
      %broadcast_in_dim3A_76 = vector.broadcast %jit3A_75 : f32 to vector<264x512xf32>
      %select_n3A_77 = arith.select %eq3A_74, %broadcast_in_dim3A_76, %select_n3A_69 : vector<264x512xi1>, vector<264x512xf32>
      %reduce_max3A_78 = arith.constant dense<0xFF800000> : vector<512xf32>
      %reduce_max3A_79 = vector.multi_reduction <maximumf>, %select_n3A_77, %reduce_max3A_78 [0] : vector<264x512xf32> to vector<512xf32>
      %broadcast_in_dim3A_80 = vector.shape_cast %reduce_max3A_79 : vector<512xf32> to vector<1x512xf32>
      %eq3A_81 = vector.broadcast %broadcast_in_dim3A_80 : vector<1x512xf32> to vector<264x512xf32>
      %eq3A_82 = arith.cmpf oeq, %select_n3A_77, %eq3A_81 : vector<264x512xf32>
      %jit3A_83 = arith.constant 0.000000e+00 : f32
      %broadcast_in_dim3A_84 = vector.broadcast %jit3A_83 : f32 to vector<264x512xf32>
      %select_n3A_85 = arith.select %eq3A_82, %broadcast_in_dim3A_84, %select_n3A_77 : vector<264x512xi1>, vector<264x512xf32>
      %reduce_max3A_86 = arith.constant dense<0xFF800000> : vector<512xf32>
      %reduce_max3A_87 = vector.multi_reduction <maximumf>, %select_n3A_85, %reduce_max3A_86 [0] : vector<264x512xf32> to vector<512xf32>
      %broadcast_in_dim3A_88 = vector.shape_cast %reduce_max3A_55 : vector<512xf32> to vector<1x512xf32>
      %swap3A = arith.constant 0 : index
      %swap3A_89 = arith.constant 0 : index
      %swap3A_90 = vector.load %arg8[%swap3A, %swap3A_89] : memref<8x512xf32, #tpu.memory_space<vmem>>, vector<1x512xf32>
      tpu.vector_store %arg8[%swap3A, %swap3A_89], %broadcast_in_dim3A_88 {strides = array<i32>} : memref<8x512xf32, #tpu.memory_space<vmem>>, vector<1x512xf32>,
      %broadcast_in_dim3A_91 = vector.shape_cast %reduce_max3A_63 : vector<512xf32> to vector<1x512xf32>
      %swap3A_92 = arith.constant 1 : index
      %swap3A_93 = arith.constant 0 : index
      %swap3A_94 = vector.load %arg8[%swap3A_92, %swap3A_93] : memref<8x512xf32, #tpu.memory_space<vmem>>, vector<1x512xf32>
      tpu.vector_store %arg8[%swap3A_92, %swap3A_93], %broadcast_in_dim3A_91 {strides = array<i32>} : memref<8x512xf32, #tpu.memory_space<vmem>>, vector<1x512xf32>,
      %broadcast_in_dim3A_95 = vector.shape_cast %reduce_max3A_71 : vector<512xf32> to vector<1x512xf32>
      %swap3A_96 = arith.constant 2 : index
      %swap3A_97 = arith.constant 0 : index
      %swap3A_98 = vector.load %arg8[%swap3A_96, %swap3A_97] : memref<8x512xf32, #tpu.memory_space<vmem>>, vector<1x512xf32>
      tpu.vector_store %arg8[%swap3A_96, %swap3A_97], %broadcast_in_dim3A_95 {strides = array<i32>} : memref<8x512xf32, #tpu.memory_space<vmem>>, vector<1x512xf32>,
      %broadcast_in_dim3A_99 = vector.shape_cast %reduce_max3A_79 : vector<512xf32> to vector<1x512xf32>
      %swap3A_100 = arith.constant 3 : index
      %swap3A_101 = arith.constant 0 : index
      %swap3A_102 = vector.load %arg8[%swap3A_100, %swap3A_101] : memref<8x512xf32, #tpu.memory_space<vmem>>, vector<1x512xf32>
      tpu.vector_store %arg8[%swap3A_100, %swap3A_101], %broadcast_in_dim3A_99 {strides = array<i32>} : memref<8x512xf32, #tpu.memory_space<vmem>>, vector<1x512xf32>,
      %broadcast_in_dim3A_103 = vector.shape_cast %reduce_max3A_87 : vector<512xf32> to vector<1x512xf32>
      %swap3A_104 = arith.constant 4 : index
      %swap3A_105 = arith.constant 0 : index
      %swap3A_106 = vector.load %arg8[%swap3A_104, %swap3A_105] : memref<8x512xf32, #tpu.memory_space<vmem>>, vector<1x512xf32>
      tpu.vector_store %arg8[%swap3A_104, %swap3A_105], %broadcast_in_dim3A_103 {strides = array<i32>} : memref<8x512xf32, #tpu.memory_space<vmem>>, vector<1x512xf32>,
      %get3A_107 = arith.constant 0 : index
      %get3A_108 = arith.constant 0 : index
      %get3A_109 = vector.load %arg3[%get3A_107, %get3A_108] : memref<64x32xf32, #tpu.memory_space<vmem>>, vector<64x32xf32>
      %mul3A_110 = arith.mulf %get3A_109, %get3A_109 : vector<64x32xf32>
      %reduce_sum3A_111 = arith.constant dense<0.000000e+00> : vector<32xf32>
      %reduce_sum3A_112 = vector.multi_reduction <add>, %mul3A_110, %reduce_sum3A_111 [0] : vector<64x32xf32> to vector<32xf32>
      %broadcast_in_dim3A_113 = vector.shape_cast %reduce_sum3A_112 : vector<32xf32> to vector<1x32xf32>
      %max3A_114 = arith.constant 1.000000e-24 : f32
      %max3A_115 = vector.broadcast %max3A_114 : f32 to vector<1x32xf32>
      %max3A_116 = arith.maximumf %broadcast_in_dim3A_113, %max3A_115 : vector<1x32xf32>
      %rsqrt3A_117 = math.rsqrt %max3A_116 : vector<1x32xf32>
      %mul3A_118 = vector.broadcast %rsqrt3A_117 : vector<1x32xf32> to vector<64x32xf32>
      %mul3A_119 = arith.mulf %get3A_109, %mul3A_118 : vector<64x32xf32>
      %convert_element_type3A_120 = arith.truncf %mul3A_119 : vector<64x32xf32> to vector<64x32xbf16>
      %get3A_121 = arith.constant 0 : index
      %get3A_122 = arith.constant 0 : index
      %get3A_123 = vector.load %arg7[%get3A_121, %get3A_122] : memref<64x512xbf16, #tpu.memory_space<vmem>>, vector<64x512xbf16>
      %dot_general3A_124 = arith.constant dense<0.000000e+00> : vector<32x512xf32>
      %dot_general3A_125 = tpu.matmul %convert_element_type3A_120, %get3A_123, %dot_general3A_124 {dimension_numbers = #tpu.dot_dimension_numbers<[0], [0], [1], [1], [0, 1, 1, 1], [], []>, transpose_lhs_hint = false} : vector<64x32xbf16>, vector<64x512xbf16>, vector<32x512xf32> -> vector<32x512xf32>
      %iota3A_126 = tpu.iota {dimensions = array<i32: 0>} : vector<32x512xi32>
      %add3A_127 = arith.constant 0x4B400000 : f32
      %add3A_128 = vector.broadcast %add3A_127 : f32 to vector<32x512xf32>
      %add3A_129 = arith.addf %dot_general3A_125, %add3A_128 : vector<32x512xf32>
      %bitcast_convert_type3A_130 = tpu.bitcast %add3A_129 : vector<32x512xf32> -> vector<32x512xi32>
      %shift_left3A_131 = arith.constant 17 : i32
      %shift_left3A_132 = vector.broadcast %shift_left3A_131 : i32 to vector<32x512xi32>
      %shift_left3A_133 = arith.shli %bitcast_convert_type3A_130, %shift_left3A_132 : vector<32x512xi32>
      %sub3A_134 = arith.constant 550533503 : i32
      %sub3A_135 = vector.broadcast %sub3A_134 : i32 to vector<32x512xi32>
      %sub3A_136 = arith.subi %sub3A_135, %iota3A_126 : vector<32x512xi32>
      %add3A_137 = arith.addi %shift_left3A_133, %sub3A_136 : vector<32x512xi32>
      %bitcast_convert_type3A_138 = tpu.bitcast %add3A_137 : vector<32x512xi32> -> vector<32x512xf32>
      %reshape3A_139 = vector.shape_cast %bitcast_convert_type3A_138 : vector<32x512xf32> to vector<2x16x512xf32>
      %reduce_max3A_140 = arith.constant dense<0xFF800000> : vector<2x512xf32>
      %reduce_max3A_141 = vector.multi_reduction <maximumf>, %reshape3A_139, %reduce_max3A_140 [1] : vector<2x16x512xf32> to vector<2x512xf32>
      %get3A_142 = arith.constant 0 : index
      %get3A_143 = arith.constant 0 : index
      %get3A_144 = vector.load %arg8[%get3A_142, %get3A_143] : memref<8x512xf32, #tpu.memory_space<vmem>>, vector<8x512xf32>
      %concatenate3A_145 = tpu.concatenate %get3A_144, %reduce_max3A_141 in 0 : vector<8x512xf32>, vector<2x512xf32> -> vector<10x512xf32>
      %reduce_max3A_146 = arith.constant dense<0xFF800000> : vector<512xf32>
      %reduce_max3A_147 = vector.multi_reduction <maximumf>, %concatenate3A_145, %reduce_max3A_146 [0] : vector<10x512xf32> to vector<512xf32>
      %broadcast_in_dim3A_148 = vector.shape_cast %reduce_max3A_147 : vector<512xf32> to vector<1x512xf32>
      %eq3A_149 = vector.broadcast %broadcast_in_dim3A_148 : vector<1x512xf32> to vector<10x512xf32>
      %eq3A_150 = arith.cmpf oeq, %concatenate3A_145, %eq3A_149 : vector<10x512xf32>
      %jit3A_151 = arith.constant 0.000000e+00 : f32
      %broadcast_in_dim3A_152 = vector.broadcast %jit3A_151 : f32 to vector<10x512xf32>
      %select_n3A_153 = arith.select %eq3A_150, %broadcast_in_dim3A_152, %concatenate3A_145 : vector<10x512xi1>, vector<10x512xf32>
      %reduce_max3A_154 = arith.constant dense<0xFF800000> : vector<512xf32>
      %reduce_max3A_155 = vector.multi_reduction <maximumf>, %select_n3A_153, %reduce_max3A_154 [0] : vector<10x512xf32> to vector<512xf32>
      %broadcast_in_dim3A_156 = vector.shape_cast %reduce_max3A_155 : vector<512xf32> to vector<1x512xf32>
      %eq3A_157 = vector.broadcast %broadcast_in_dim3A_156 : vector<1x512xf32> to vector<10x512xf32>
      %eq3A_158 = arith.cmpf oeq, %select_n3A_153, %eq3A_157 : vector<10x512xf32>
      %jit3A_159 = arith.constant 0.000000e+00 : f32
      %broadcast_in_dim3A_160 = vector.broadcast %jit3A_159 : f32 to vector<10x512xf32>
      %select_n3A_161 = arith.select %eq3A_158, %broadcast_in_dim3A_160, %select_n3A_153 : vector<10x512xi1>, vector<10x512xf32>
      %reduce_max3A_162 = arith.constant dense<0xFF800000> : vector<512xf32>
      %reduce_max3A_163 = vector.multi_reduction <maximumf>, %select_n3A_161, %reduce_max3A_162 [0] : vector<10x512xf32> to vector<512xf32>
      %broadcast_in_dim3A_164 = vector.shape_cast %reduce_max3A_163 : vector<512xf32> to vector<1x512xf32>
      %eq3A_165 = vector.broadcast %broadcast_in_dim3A_164 : vector<1x512xf32> to vector<10x512xf32>
      %eq3A_166 = arith.cmpf oeq, %select_n3A_161, %eq3A_165 : vector<10x512xf32>
      %jit3A_167 = arith.constant 0.000000e+00 : f32
      %broadcast_in_dim3A_168 = vector.broadcast %jit3A_167 : f32 to vector<10x512xf32>
      %select_n3A_169 = arith.select %eq3A_166, %broadcast_in_dim3A_168, %select_n3A_161 : vector<10x512xi1>, vector<10x512xf32>
      %reduce_max3A_170 = arith.constant dense<0xFF800000> : vector<512xf32>
      %reduce_max3A_171 = vector.multi_reduction <maximumf>, %select_n3A_169, %reduce_max3A_170 [0] : vector<10x512xf32> to vector<512xf32>
      %broadcast_in_dim3A_172 = vector.shape_cast %reduce_max3A_171 : vector<512xf32> to vector<1x512xf32>
      %eq3A_173 = vector.broadcast %broadcast_in_dim3A_172 : vector<1x512xf32> to vector<10x512xf32>
      %eq3A_174 = arith.cmpf oeq, %select_n3A_169, %eq3A_173 : vector<10x512xf32>
      %jit3A_175 = arith.constant 0.000000e+00 : f32
      %broadcast_in_dim3A_176 = vector.broadcast %jit3A_175 : f32 to vector<10x512xf32>
      %select_n3A_177 = arith.select %eq3A_174, %broadcast_in_dim3A_176, %select_n3A_169 : vector<10x512xi1>, vector<10x512xf32>
      %reduce_max3A_178 = arith.constant dense<0xFF800000> : vector<512xf32>
      %reduce_max3A_179 = vector.multi_reduction <maximumf>, %select_n3A_177, %reduce_max3A_178 [0] : vector<10x512xf32> to vector<512xf32>
      %broadcast_in_dim3A_180 = vector.shape_cast %reduce_max3A_147 : vector<512xf32> to vector<1x512xf32>
      %swap3A_181 = arith.constant 0 : index
      %swap3A_182 = arith.constant 0 : index
      %swap3A_183 = vector.load %arg8[%swap3A_181, %swap3A_182] : memref<8x512xf32, #tpu.memory_space<vmem>>, vector<1x512xf32>
      tpu.vector_store %arg8[%swap3A_181, %swap3A_182], %broadcast_in_dim3A_180 {strides = array<i32>} : memref<8x512xf32, #tpu.memory_space<vmem>>, vector<1x512xf32>,
      %broadcast_in_dim3A_184 = vector.shape_cast %reduce_max3A_155 : vector<512xf32> to vector<1x512xf32>
      %swap3A_185 = arith.constant 1 : index
      %swap3A_186 = arith.constant 0 : index
      %swap3A_187 = vector.load %arg8[%swap3A_185, %swap3A_186] : memref<8x512xf32, #tpu.memory_space<vmem>>, vector<1x512xf32>
      tpu.vector_store %arg8[%swap3A_185, %swap3A_186], %broadcast_in_dim3A_184 {strides = array<i32>} : memref<8x512xf32, #tpu.memory_space<vmem>>, vector<1x512xf32>,
      %broadcast_in_dim3A_188 = vector.shape_cast %reduce_max3A_163 : vector<512xf32> to vector<1x512xf32>
      %swap3A_189 = arith.constant 2 : index
      %swap3A_190 = arith.constant 0 : index
      %swap3A_191 = vector.load %arg8[%swap3A_189, %swap3A_190] : memref<8x512xf32, #tpu.memory_space<vmem>>, vector<1x512xf32>
      tpu.vector_store %arg8[%swap3A_189, %swap3A_190], %broadcast_in_dim3A_188 {strides = array<i32>} : memref<8x512xf32, #tpu.memory_space<vmem>>, vector<1x512xf32>,
      %broadcast_in_dim3A_192 = vector.shape_cast %reduce_max3A_171 : vector<512xf32> to vector<1x512xf32>
      %swap3A_193 = arith.constant 3 : index
      %swap3A_194 = arith.constant 0 : index
      %swap3A_195 = vector.load %arg8[%swap3A_193, %swap3A_194] : memref<8x512xf32, #tpu.memory_space<vmem>>, vector<1x512xf32>
      tpu.vector_store %arg8[%swap3A_193, %swap3A_194], %broadcast_in_dim3A_192 {strides = array<i32>} : memref<8x512xf32, #tpu.memory_space<vmem>>, vector<1x512xf32>,
      %broadcast_in_dim3A_196 = vector.shape_cast %reduce_max3A_179 : vector<512xf32> to vector<1x512xf32>
      %swap3A_197 = arith.constant 4 : index
      %swap3A_198 = arith.constant 0 : index
      %swap3A_199 = vector.load %arg8[%swap3A_197, %swap3A_198] : memref<8x512xf32, #tpu.memory_space<vmem>>, vector<1x512xf32>
      tpu.vector_store %arg8[%swap3A_197, %swap3A_198], %broadcast_in_dim3A_196 {strides = array<i32>} : memref<8x512xf32, #tpu.memory_space<vmem>>, vector<1x512xf32>,
      %transpose3A = tpu.transpose %get3A_30, [1, 0] : vector<64x4096xf32> -> vector<4096x64xf32>
      %slice3A = vector.extract_strided_slice %transpose3A {offsets = [2432, 0], sizes = [1664, 64], strides = [1, 1]} : vector<4096x64xf32> to vector<1664x64xf32>
      %broadcast_in_dim3A_200 = arith.constant 0.000000e+00 : f32
      %broadcast_in_dim3A_201 = vector.broadcast %broadcast_in_dim3A_200 : f32 to vector<1664x64xf32>
      %concatenate3A_202 = tpu.concatenate %slice3A, %broadcast_in_dim3A_201 in 1 : vector<1664x64xf32>, vector<1664x64xf32> -> vector<1664x128xf32>
      %swap3A_203 = arith.constant 0 : index
      %swap3A_204 = arith.constant 0 : index
      %swap3A_205 = vector.load %arg6[%swap3A_203, %swap3A_204] : memref<4096x128xf32, #tpu.memory_space<vmem>>, vector<1664x128xf32>
      tpu.vector_store %arg6[%swap3A_203, %swap3A_204], %concatenate3A_202 {strides = array<i32>} : memref<4096x128xf32, #tpu.memory_space<vmem>>, vector<1664x128xf32>,
      %transpose3A_206 = tpu.transpose %get3A_109, [1, 0] : vector<64x32xf32> -> vector<32x64xf32>
      %broadcast_in_dim3A_207 = arith.constant 0.000000e+00 : f32
      %broadcast_in_dim3A_208 = vector.broadcast %broadcast_in_dim3A_207 : f32 to vector<32x64xf32>
      %concatenate3A_209 = tpu.concatenate %transpose3A_206, %broadcast_in_dim3A_208 in 1 : vector<32x64xf32>, vector<32x64xf32> -> vector<32x128xf32>
      %swap3A_210 = arith.constant 1664 : index
      %swap3A_211 = arith.constant 0 : index
      %swap3A_212 = vector.load %arg6[%swap3A_210, %swap3A_211] : memref<4096x128xf32, #tpu.memory_space<vmem>>, vector<32x128xf32>
      tpu.vector_store %arg6[%swap3A_210, %swap3A_211], %concatenate3A_209 {strides = array<i32>} : memref<4096x128xf32, #tpu.memory_space<vmem>>, vector<32x128xf32>,
      %bitcast_convert_type3A_213 = tpu.bitcast %reduce_max3A_147 : vector<512xf32> -> vector<512xi32>
      %bitcast_convert_type3A_214 = tpu.bitcast %reduce_max3A_155 : vector<512xf32> -> vector<512xi32>
      %bitcast_convert_type3A_215 = tpu.bitcast %reduce_max3A_163 : vector<512xf32> -> vector<512xi32>
      %bitcast_convert_type3A_216 = tpu.bitcast %reduce_max3A_171 : vector<512xf32> -> vector<512xi32>
      %bitcast_convert_type3A_217 = tpu.bitcast %reduce_max3A_179 : vector<512xf32> -> vector<512xi32>
      %shift_right_arithmetic3A = arith.constant 17 : i32
      %shift_right_arithmetic3A_218 = vector.broadcast %shift_right_arithmetic3A : i32 to vector<512xi32>
      %shift_right_arithmetic3A_219 = arith.shrsi %bitcast_convert_type3A_213, %shift_right_arithmetic3A_218 : vector<512xi32>
      %convert_element_type3A_220 = arith.sitofp %shift_right_arithmetic3A_219 : vector<512xi32> to vector<512xf32>
      %shift_right_arithmetic3A_221 = arith.constant 17 : i32
      %shift_right_arithmetic3A_222 = vector.broadcast %shift_right_arithmetic3A_221 : i32 to vector<512xi32>
      %shift_right_arithmetic3A_223 = arith.shrsi %bitcast_convert_type3A_214, %shift_right_arithmetic3A_222 : vector<512xi32>
      %convert_element_type3A_224 = arith.sitofp %shift_right_arithmetic3A_223 : vector<512xi32> to vector<512xf32>
      %shift_right_arithmetic3A_225 = arith.constant 17 : i32
      %shift_right_arithmetic3A_226 = vector.broadcast %shift_right_arithmetic3A_225 : i32 to vector<512xi32>
      %shift_right_arithmetic3A_227 = arith.shrsi %bitcast_convert_type3A_215, %shift_right_arithmetic3A_226 : vector<512xi32>
      %convert_element_type3A_228 = arith.sitofp %shift_right_arithmetic3A_227 : vector<512xi32> to vector<512xf32>
      %shift_right_arithmetic3A_229 = arith.constant 17 : i32
      %shift_right_arithmetic3A_230 = vector.broadcast %shift_right_arithmetic3A_229 : i32 to vector<512xi32>
      %shift_right_arithmetic3A_231 = arith.shrsi %bitcast_convert_type3A_216, %shift_right_arithmetic3A_230 : vector<512xi32>
      %convert_element_type3A_232 = arith.sitofp %shift_right_arithmetic3A_231 : vector<512xi32> to vector<512xf32>
      %shift_right_arithmetic3A_233 = arith.constant 17 : i32
      %shift_right_arithmetic3A_234 = vector.broadcast %shift_right_arithmetic3A_233 : i32 to vector<512xi32>
      %shift_right_arithmetic3A_235 = arith.shrsi %bitcast_convert_type3A_217, %shift_right_arithmetic3A_234 : vector<512xi32>
      %convert_element_type3A_236 = arith.sitofp %shift_right_arithmetic3A_235 : vector<512xi32> to vector<512xf32>
      %sub3A_237 = arith.subf %convert_element_type3A_220, %convert_element_type3A_220 : vector<512xf32>
      %mul3A_238 = arith.constant 2.44140625E-4 : f32
      %mul3A_239 = vector.broadcast %mul3A_238 : f32 to vector<512xf32>
      %mul3A_240 = arith.mulf %sub3A_237, %mul3A_239 : vector<512xf32>
      %exp3A = math.exp %mul3A_240 : vector<512xf32>
      %sub3A_241 = arith.subf %convert_element_type3A_224, %convert_element_type3A_220 : vector<512xf32>
      %mul3A_242 = arith.constant 2.44140625E-4 : f32
      %mul3A_243 = vector.broadcast %mul3A_242 : f32 to vector<512xf32>
      %mul3A_244 = arith.mulf %sub3A_241, %mul3A_243 : vector<512xf32>
      %exp3A_245 = math.exp %mul3A_244 : vector<512xf32>
      %sub3A_246 = arith.subf %convert_element_type3A_228, %convert_element_type3A_220 : vector<512xf32>
      %mul3A_247 = arith.constant 2.44140625E-4 : f32
      %mul3A_248 = vector.broadcast %mul3A_247 : f32 to vector<512xf32>
      %mul3A_249 = arith.mulf %sub3A_246, %mul3A_248 : vector<512xf32>
      %exp3A_250 = math.exp %mul3A_249 : vector<512xf32>
      %sub3A_251 = arith.subf %convert_element_type3A_232, %convert_element_type3A_220 : vector<512xf32>
      %mul3A_252 = arith.constant 2.44140625E-4 : f32
      %mul3A_253 = vector.broadcast %mul3A_252 : f32 to vector<512xf32>
      %mul3A_254 = arith.mulf %sub3A_251, %mul3A_253 : vector<512xf32>
      %exp3A_255 = math.exp %mul3A_254 : vector<512xf32>
      %sub3A_256 = arith.subf %convert_element_type3A_236, %convert_element_type3A_220 : vector<512xf32>
      %mul3A_257 = arith.constant 2.44140625E-4 : f32
      %mul3A_258 = vector.broadcast %mul3A_257 : f32 to vector<512xf32>
      %mul3A_259 = arith.mulf %sub3A_256, %mul3A_258 : vector<512xf32>
      %exp3A_260 = math.exp %mul3A_259 : vector<512xf32>
      %add3A_261 = arith.addf %exp3A, %exp3A_245 : vector<512xf32>
      %add3A_262 = arith.addf %add3A_261, %exp3A_250 : vector<512xf32>
      %add3A_263 = arith.addf %add3A_262, %exp3A_255 : vector<512xf32>
      %add3A_264 = arith.addf %add3A_263, %exp3A_260 : vector<512xf32>
      %div3A = arith.constant 5.000000e-01 : f32
      %div3A_265 = vector.broadcast %div3A : f32 to vector<512xf32>
      %div3A_266 = arith.divf %div3A_265, %add3A_264 : vector<512xf32>
      %broadcast_in_dim3A_267 = arith.constant 0.000000e+00 : f32
      %broadcast_in_dim3A_268 = vector.broadcast %broadcast_in_dim3A_267 : f32 to vector<1x512xf32>
      %broadcast_in_dim3A_269 = arith.constant 0 : i32
      %broadcast_in_dim3A_270 = vector.broadcast %broadcast_in_dim3A_269 : i32 to vector<1x512xi32>
      %mul3A_271 = arith.mulf %exp3A, %div3A_266 : vector<512xf32>
      %broadcast_in_dim3A_272 = vector.shape_cast %mul3A_271 : vector<512xf32> to vector<1x512xf32>
      %swap3A_273 = arith.constant 0 : index
      %swap3A_274 = arith.constant 0 : index
      %swap3A_275 = vector.load %arg4[%swap3A_273, %swap3A_274] : memref<8x512xf32, #tpu.memory_space<vmem>>, vector<1x512xf32>
      tpu.vector_store %arg4[%swap3A_273, %swap3A_274], %broadcast_in_dim3A_272 {strides = array<i32>} : memref<8x512xf32, #tpu.memory_space<vmem>>, vector<1x512xf32>,
      %and3A = arith.constant 131071 : i32
      %and3A_276 = vector.broadcast %and3A : i32 to vector<512xi32>
      %and3A_277 = arith.andi %bitcast_convert_type3A_213, %and3A_276 : vector<512xi32>
      %sub3A_278 = arith.constant 131071 : i32
      %sub3A_279 = vector.broadcast %sub3A_278 : i32 to vector<512xi32>
      %sub3A_280 = arith.subi %sub3A_279, %and3A_277 : vector<512xi32>
      %broadcast_in_dim3A_281 = vector.shape_cast %sub3A_280 : vector<512xi32> to vector<1x512xi32>
      %swap3A_282 = arith.constant 0 : index
      %swap3A_283 = arith.constant 0 : index
      %swap3A_284 = vector.load %arg5[%swap3A_282, %swap3A_283] : memref<8x512xi32, #tpu.memory_space<vmem>>, vector<1x512xi32>
      tpu.vector_store %arg5[%swap3A_282, %swap3A_283], %broadcast_in_dim3A_281 {strides = array<i32>} : memref<8x512xi32, #tpu.memory_space<vmem>>, vector<1x512xi32>,
      %mul3A_285 = arith.mulf %exp3A_245, %div3A_266 : vector<512xf32>
      %broadcast_in_dim3A_286 = vector.shape_cast %mul3A_285 : vector<512xf32> to vector<1x512xf32>
      %swap3A_287 = arith.constant 1 : index
      %swap3A_288 = arith.constant 0 : index
      %swap3A_289 = vector.load %arg4[%swap3A_287, %swap3A_288] : memref<8x512xf32, #tpu.memory_space<vmem>>, vector<1x512xf32>
      tpu.vector_store %arg4[%swap3A_287, %swap3A_288], %broadcast_in_dim3A_286 {strides = array<i32>} : memref<8x512xf32, #tpu.memory_space<vmem>>, vector<1x512xf32>,
      %and3A_290 = arith.constant 131071 : i32
      %and3A_291 = vector.broadcast %and3A_290 : i32 to vector<512xi32>
      %and3A_292 = arith.andi %bitcast_convert_type3A_214, %and3A_291 : vector<512xi32>
      %sub3A_293 = arith.constant 131071 : i32
      %sub3A_294 = vector.broadcast %sub3A_293 : i32 to vector<512xi32>
      %sub3A_295 = arith.subi %sub3A_294, %and3A_292 : vector<512xi32>
      %broadcast_in_dim3A_296 = vector.shape_cast %sub3A_295 : vector<512xi32> to vector<1x512xi32>
      %swap3A_297 = arith.constant 1 : index
      %swap3A_298 = arith.constant 0 : index
      %swap3A_299 = vector.load %arg5[%swap3A_297, %swap3A_298] : memref<8x512xi32, #tpu.memory_space<vmem>>, vector<1x512xi32>
      tpu.vector_store %arg5[%swap3A_297, %swap3A_298], %broadcast_in_dim3A_296 {strides = array<i32>} : memref<8x512xi32, #tpu.memory_space<vmem>>, vector<1x512xi32>,
      %mul3A_300 = arith.mulf %exp3A_250, %div3A_266 : vector<512xf32>
      %broadcast_in_dim3A_301 = vector.shape_cast %mul3A_300 : vector<512xf32> to vector<1x512xf32>
      %swap3A_302 = arith.constant 2 : index
      %swap3A_303 = arith.constant 0 : index
      %swap3A_304 = vector.load %arg4[%swap3A_302, %swap3A_303] : memref<8x512xf32, #tpu.memory_space<vmem>>, vector<1x512xf32>
      tpu.vector_store %arg4[%swap3A_302, %swap3A_303], %broadcast_in_dim3A_301 {strides = array<i32>} : memref<8x512xf32, #tpu.memory_space<vmem>>, vector<1x512xf32>,
      %and3A_305 = arith.constant 131071 : i32
      %and3A_306 = vector.broadcast %and3A_305 : i32 to vector<512xi32>
      %and3A_307 = arith.andi %bitcast_convert_type3A_215, %and3A_306 : vector<512xi32>
      %sub3A_308 = arith.constant 131071 : i32
      %sub3A_309 = vector.broadcast %sub3A_308 : i32 to vector<512xi32>
      %sub3A_310 = arith.subi %sub3A_309, %and3A_307 : vector<512xi32>
      %broadcast_in_dim3A_311 = vector.shape_cast %sub3A_310 : vector<512xi32> to vector<1x512xi32>
      %swap3A_312 = arith.constant 2 : index
      %swap3A_313 = arith.constant 0 : index
      %swap3A_314 = vector.load %arg5[%swap3A_312, %swap3A_313] : memref<8x512xi32, #tpu.memory_space<vmem>>, vector<1x512xi32>
      tpu.vector_store %arg5[%swap3A_312, %swap3A_313], %broadcast_in_dim3A_311 {strides = array<i32>} : memref<8x512xi32, #tpu.memory_space<vmem>>, vector<1x512xi32>,
      %mul3A_315 = arith.mulf %exp3A_255, %div3A_266 : vector<512xf32>
      %broadcast_in_dim3A_316 = vector.shape_cast %mul3A_315 : vector<512xf32> to vector<1x512xf32>
      %swap3A_317 = arith.constant 3 : index
      %swap3A_318 = arith.constant 0 : index
      %swap3A_319 = vector.load %arg4[%swap3A_317, %swap3A_318] : memref<8x512xf32, #tpu.memory_space<vmem>>, vector<1x512xf32>
      tpu.vector_store %arg4[%swap3A_317, %swap3A_318], %broadcast_in_dim3A_316 {strides = array<i32>} : memref<8x512xf32, #tpu.memory_space<vmem>>, vector<1x512xf32>,
      %and3A_320 = arith.constant 131071 : i32
      %and3A_321 = vector.broadcast %and3A_320 : i32 to vector<512xi32>
      %and3A_322 = arith.andi %bitcast_convert_type3A_216, %and3A_321 : vector<512xi32>
      %sub3A_323 = arith.constant 131071 : i32
      %sub3A_324 = vector.broadcast %sub3A_323 : i32 to vector<512xi32>
      %sub3A_325 = arith.subi %sub3A_324, %and3A_322 : vector<512xi32>
      %broadcast_in_dim3A_326 = vector.shape_cast %sub3A_325 : vector<512xi32> to vector<1x512xi32>
      %swap3A_327 = arith.constant 3 : index
      %swap3A_328 = arith.constant 0 : index
      %swap3A_329 = vector.load %arg5[%swap3A_327, %swap3A_328] : memref<8x512xi32, #tpu.memory_space<vmem>>, vector<1x512xi32>
      tpu.vector_store %arg5[%swap3A_327, %swap3A_328], %broadcast_in_dim3A_326 {strides = array<i32>} : memref<8x512xi32, #tpu.memory_space<vmem>>, vector<1x512xi32>,
      %mul3A_330 = arith.mulf %exp3A_260, %div3A_266 : vector<512xf32>
      %broadcast_in_dim3A_331 = vector.shape_cast %mul3A_330 : vector<512xf32> to vector<1x512xf32>
      %swap3A_332 = arith.constant 4 : index
      %swap3A_333 = arith.constant 0 : index
      %swap3A_334 = vector.load %arg4[%swap3A_332, %swap3A_333] : memref<8x512xf32, #tpu.memory_space<vmem>>, vector<1x512xf32>
      tpu.vector_store %arg4[%swap3A_332, %swap3A_333], %broadcast_in_dim3A_331 {strides = array<i32>} : memref<8x512xf32, #tpu.memory_space<vmem>>, vector<1x512xf32>,
      %and3A_335 = arith.constant 131071 : i32
      %and3A_336 = vector.broadcast %and3A_335 : i32 to vector<512xi32>
      %and3A_337 = arith.andi %bitcast_convert_type3A_217, %and3A_336 : vector<512xi32>
      %sub3A_338 = arith.constant 131071 : i32
      %sub3A_339 = vector.broadcast %sub3A_338 : i32 to vector<512xi32>
      %sub3A_340 = arith.subi %sub3A_339, %and3A_337 : vector<512xi32>
      %broadcast_in_dim3A_341 = vector.shape_cast %sub3A_340 : vector<512xi32> to vector<1x512xi32>
      %swap3A_342 = arith.constant 4 : index
      %swap3A_343 = arith.constant 0 : index
      %swap3A_344 = vector.load %arg5[%swap3A_342, %swap3A_343] : memref<8x512xi32, #tpu.memory_space<vmem>>, vector<1x512xi32>
      tpu.vector_store %arg5[%swap3A_342, %swap3A_343], %broadcast_in_dim3A_341 {strides = array<i32>} : memref<8x512xi32, #tpu.memory_space<vmem>>, vector<1x512xi32>,
      %swap3A_345 = arith.constant 5 : index
      %swap3A_346 = arith.constant 0 : index
      %swap3A_347 = vector.load %arg4[%swap3A_345, %swap3A_346] : memref<8x512xf32, #tpu.memory_space<vmem>>, vector<1x512xf32>
      tpu.vector_store %arg4[%swap3A_345, %swap3A_346], %broadcast_in_dim3A_268 {strides = array<i32>} : memref<8x512xf32, #tpu.memory_space<vmem>>, vector<1x512xf32>,
      %swap3A_348 = arith.constant 5 : index
      %swap3A_349 = arith.constant 0 : index
      %swap3A_350 = vector.load %arg5[%swap3A_348, %swap3A_349] : memref<8x512xi32, #tpu.memory_space<vmem>>, vector<1x512xi32>
      tpu.vector_store %arg5[%swap3A_348, %swap3A_349], %broadcast_in_dim3A_270 {strides = array<i32>} : memref<8x512xi32, #tpu.memory_space<vmem>>, vector<1x512xi32>,
      %swap3A_351 = arith.constant 6 : index
      %swap3A_352 = arith.constant 0 : index
      %swap3A_353 = vector.load %arg4[%swap3A_351, %swap3A_352] : memref<8x512xf32, #tpu.memory_space<vmem>>, vector<1x512xf32>
      tpu.vector_store %arg4[%swap3A_351, %swap3A_352], %broadcast_in_dim3A_268 {strides = array<i32>} : memref<8x512xf32, #tpu.memory_space<vmem>>, vector<1x512xf32>,
      %swap3A_354 = arith.constant 6 : index
      %swap3A_355 = arith.constant 0 : index
      %swap3A_356 = vector.load %arg5[%swap3A_354, %swap3A_355] : memref<8x512xi32, #tpu.memory_space<vmem>>, vector<1x512xi32>
      tpu.vector_store %arg5[%swap3A_354, %swap3A_355], %broadcast_in_dim3A_270 {strides = array<i32>} : memref<8x512xi32, #tpu.memory_space<vmem>>, vector<1x512xi32>,
      %swap3A_357 = arith.constant 7 : index
      %swap3A_358 = arith.constant 0 : index
      %swap3A_359 = vector.load %arg4[%swap3A_357, %swap3A_358] : memref<8x512xf32, #tpu.memory_space<vmem>>, vector<1x512xf32>
      tpu.vector_store %arg4[%swap3A_357, %swap3A_358], %broadcast_in_dim3A_268 {strides = array<i32>} : memref<8x512xf32, #tpu.memory_space<vmem>>, vector<1x512xf32>,
      %swap3A_360 = arith.constant 7 : index
      %swap3A_361 = arith.constant 0 : index
      %swap3A_362 = vector.load %arg5[%swap3A_360, %swap3A_361] : memref<8x512xi32, #tpu.memory_space<vmem>>, vector<1x512xi32>
      tpu.vector_store %arg5[%swap3A_360, %swap3A_361], %broadcast_in_dim3A_270 {strides = array<i32>} : memref<8x512xi32, #tpu.memory_space<vmem>>, vector<1x512xi32>,
    } else {
    }
    %lt3A_22 = arith.constant 23 : i32
    %lt3A_23 = arith.cmpi slt, %arg0, %lt3A_22 : i32
    %convert_element_type3A_24 = arith.extui %lt3A_23 : i1 to i32
    %cond3A_25 = arith.constant 0 : i32
    %cond3A_26 = arith.cmpi ne, %convert_element_type3A_24, %cond3A_25 : i32
    scf.if %cond3A_26 {
      %add3A = arith.constant 2 : i32
      %add3A_27 = arith.addi %arg0, %add3A : i32
      %lt3A_28 = arith.constant 24 : i32
      %lt3A_29 = arith.cmpi slt, %add3A_27, %lt3A_28 : i32
      %mul3A_30 = arith.constant 4096 : i32
      %mul3A_31 = arith.muli %add3A_27, %mul3A_30 : i32
      %jit3A_32 = arith.constant 95872 : i32
      %select_n3A_33 = arith.select %lt3A_29, %mul3A_31, %jit3A_32 : i32
      %dma_start3A = tpu.memref_slice %arg10[%rem3A_2] : memref<2x!tpu.dma_semaphore, #tpu.memory_space<semaphore_mem>> -> memref<1x!tpu.dma_semaphore, #tpu.memory_space<semaphore_mem>>
      %dma_start3A_34 = tpu.memref_squeeze %dma_start3A : memref<1x!tpu.dma_semaphore, #tpu.memory_space<semaphore_mem>> -> memref<!tpu.dma_semaphore, #tpu.memory_space<semaphore_mem>>
      %dma_start3A_35 = arith.constant 0 : i32
      %dma_start3A_36 = arith.constant 0 : i32
      %dma_start3A_37 = tpu.memref_slice %arg9[%rem3A_2, %dma_start3A_35, %dma_start3A_36] : memref<2x64x4096xf32, #tpu.memory_space<vmem>> -> memref<1x64x4096xf32, #tpu.memory_space<vmem>>
      %dma_start3A_38 = tpu.memref_squeeze %dma_start3A_37 : memref<1x64x4096xf32, #tpu.memory_space<vmem>> -> memref<64x4096xf32, #tpu.memory_space<vmem>>
      %dma_start3A_39 = arith.constant 0 : i32
      %dma_start3A_40 = tpu.memref_slice %arg2[%dma_start3A_39, %select_n3A_33] : memref<64x100000xf32, #tpu.memory_space<any>> -> memref<64x4096xf32, #tpu.memory_space<any>>
      tpu.enqueue_dma source(%dma_start3A_40 : memref<64x4096xf32, #tpu.memory_space<any>>) target(%dma_start3A_38 : memref<64x4096xf32, #tpu.memory_space<vmem>>) target_semaphore(%dma_start3A_34 : memref<!tpu.dma_semaphore, #tpu.memory_space<semaphore_mem>>)
    } else {
    }
    return
  }
  func.func @transform_0(%arg0: i32) -> (i32, i32) {
    %c0_i32 = arith.constant 0 : i32
    %c0_i32_0 = arith.constant 0 : i32
    %c0_i32_1 = arith.constant 0 : i32
    return %c0_i32, %c0_i32_0 : i32, i32
  }
  func.func @transform_2(%arg0: i32) -> (i32, i32) {
    %c0_i32 = arith.constant 0 : i32
    %c0_i32_0 = arith.constant 0 : i32
    %c0_i32_1 = arith.constant 0 : i32
    return %c0_i32, %c0_i32_0 : i32, i32
  }
  func.func @transform_3(%arg0: i32) -> (i32, i32) {
    %c0_i32 = arith.constant 0 : i32
    %c0_i32_0 = arith.constant 0 : i32
    %c0_i32_1 = arith.constant 0 : i32
    return %c0_i32, %c0_i32_0 : i32, i32
  }
  func.func @transform_4(%arg0: i32) -> (i32, i32) {
    %c0_i32 = arith.constant 0 : i32
    %c0_i32_0 = arith.constant 0 : i32
    %c0_i32_1 = arith.constant 0 : i32
    return %c0_i32, %c0_i32_0 : i32, i32
  }
  func.func @transform_5(%arg0: i32) -> (i32, i32) {
    %c0_i32 = arith.constant 0 : i32
    %c0_i32_0 = arith.constant 0 : i32
    return %arg0, %c0_i32 : i32, i32
  }
}

</mosaic_0001>

<sc_bundles>
// kernel: kernel.4.cloned.1.call-start
scs
__scs_entry_jumppad:
0x0: {  	(pc) =	sbr.rel $0x88, $3  }
0x1: {  	(tag) =	ssettag $0x0;
	lr =	simm.s32 $0x1  }
0x2: {  	[smem:$0x3F9F] =	sst lr;
	_ =	strace $0xD0000000  }
0x3: {  	_ = 	snop  }
0x4: {  	_ = 	snop  }
0x5: {  	_ = 	snop  }
0x6: {  	_ = 	snop  }
0x7: {  	_ = 	snop  }
__scs_overlays_trampoline_lowered:
0x8: {  	[smem:$0x3FAE] =	sst s0  }
0x9: {  	[smem:$0x3FAF] =	sst s1  }
0xa: {  	[smem:$0x3FB0] =	sst s2  }
0xb: {  	[smem:$0x3FB1] =	sst s3  }
0xc: {  	[smem:$0x3FB2] =	sst s4  }
0xd: {  	[smem:$0x3FB3] =	sst s5  }
0xe: {  	[smem:$0x3FB4] =	sst s6  }
0xf: {  	[smem:$0x3FB5] =	sst s7  }
0x10: {  	[smem:$0x3FB6] =	sst s8  }
0x11: {  	[smem:$0x3FB7] =	sst s9;
	s0 =	simm.s32 @!p0 $0x0  }
0x12: {  	s1 =	sld [smem:$0x3F9D];
	s0 =	simm.s32 @p0 $0x1  }
0x13: {  	[smem:$0x3FB8] =	sst s0;
	s0 =	simm.s32 @!p1 $0x0  }
0x14: {  	s2 =	sld [smem:$0x3F9C];
	s0 =	simm.s32 @p1 $0x1  }
0x15: {  	[smem:$0x3FB9] =	sst s0;
	s0 =	simm.s32 @!p2 $0x0  }
0x16: {  	s3 =	sld [smem:$0x3FDB];
	s0 =	simm.s32 @p2 $0x1  }
0x17: {  	s4 =	simm.s32 $0x1BF5;
	[smem:$0x3FBB] =	sst s0  }
0x18: {  	s0 =	sld [smem:$0x3F9E];
	_ =	swait.ge [sflag:s4], $0x0  }
0x19: {  	s7 =	sld [smem:$0x3F9F]  }
0x1a: {  	s8 =	sadd.s32 $0xFFFFE003, lr  }
0x1b: {  	s9 =	sadd.s32 $0xFFFFFEF7, lr;
	s5 =	simm.s32 $0xFFFFFFFF;
	p2 =	slt.u32 s8, $0xFFFFF086  }
0x1c: {  	p1 =	slt.u32 s9, $0xF7A;
	s5 =	simm.s32 @!p2 $0x0  }
0x1d: {  	s5 =	simm.s32 @p1 $0x1;
	p0 =	seq.s32 s7, s2  }
0x1e: {  	s7 =	smul.u32 @!p0 $0xF7A, s2;
	p2 =	seq.s32 @!p0 s5, $0x0  }
0x1f: {  	s9 =	smul.u32 $0xF7A, s1;
	s8 =	simm.s32 @!p0 $0x1BF5;
	p2 =	por !p2, p0  }
0x20: {  	[sflag:s8] =	ssyncset.s32 @!p0 $0xFFFFF086;
	s6 =	sadd.s32 @!p0 s3, s7;
	s7 =	simm.s32 @!p0 $0x108  }
0x21: {  	s3 =	sadd.s32 s3, s9;
	s6 =	sadd.s32 @!p0 $0x88, s6;
	s7 =	simm.s32 @p2 $0x1082  }
0x22: {  	[simem:s7], [sflag:s8] =	dma.local @!p0 [hbm:s6], $0xF7A  }
0x23: {  	s9 =	sor.u32 $0xD0000000, s2;
	s6 =	simm.s32 $0x108;
	_ =	swait.ge @!p0 [sflag:s8], $0x0  }
0x24: {  	s3 =	sadd.s32 $0x88, s3;
	s6 =	simm.s32 @!p1 $0x1082;
	[sflag:s4] =	ssyncset.s32 $0xFFFFF086  }
0x25: {  	[simem:s6], [sflag:s4] =	dma.local [hbm:s3], $0xF7A  }
0x26: {  	[smem:$0x3F9F] =	sst s1;
	(tag) =	ssettag s2;
	_ =	strace s9  }
0x27: {  	s1 =	sld [smem:$0x3FAF]  }
0x28: {  	s2 =	sld [smem:$0x3FB0]  }
0x29: {  	s4 =	sld [smem:$0x3FB2]  }
0x2a: {  	p0 =	seq.s32 s5, $0x0;
	s5 =	sld [smem:$0x3FB3]  }
0x2b: {  	s6 =	sld [smem:$0x3FB4]  }
0x2c: {  	s7 =	sld [smem:$0x3FB5]  }
0x2d: {  	s3 =	simm.s32 $0x108;
	s8 =	sld [smem:$0x3FB6]  }
0x2e: {  	s3 =	simm.s32 @!p0 $0x1082;
	s9 =	sld [smem:$0x3FB7]  }
0x2f: {  	lr =	sadd.s32 s0, s3;
	s0 =	sld [smem:$0x3FAE]  }
0x30: {  	s3 =	sld [smem:$0x3FB1]  }
0x31: {  	[smem:$0x3FBA] =	sst s10  }
0x32: {  	s10 =	sld [smem:$0x3FB8];
	_ =	sdelay $0x3  }
0x33: {  	p0 =	seq.s32 s10, $0x1;
	s10 =	sld [smem:$0x3FBA];
	_ =	sdelay $0x3  }
0x34: {  	[smem:$0x3FBA] =	sst s10  }
0x35: {  	s10 =	sld [smem:$0x3FB9];
	_ =	sdelay $0x3  }
0x36: {  	p1 =	seq.s32 s10, $0x1;
	s10 =	sld [smem:$0x3FBA];
	_ =	sdelay $0x3  }
0x37: {  	[smem:$0x3FBA] =	sst s10  }
0x38: {  	s10 =	sld [smem:$0x3FBB]  }
0x39: {  	_ = 	snop;
	(pc) =	sbr.ind lr, $3  }
0x3a: {  	_ = 	snop  }
0x3b: {  	_ = 	snop  }
0x3c: {  	p2 =	seq.s32 s10, $0x1;
	s10 =	sld [smem:$0x3FBA]  }
0x3d: {  	_ =	shalt  }
0x3e: {  	_ =	shalt  }
0x3f: {  	_ =	shalt  }
0x40: {  	_ =	shalt  }
0x41: {  	_ =	shalt  }
0x42: {  	_ =	shalt  }
0x43: {  	_ =	shalt  }
0x44: {  	_ =	shalt  }
0x45: {  	_ =	shalt  }
0x46: {  	_ =	shalt  }
0x47: {  	_ =	shalt  }
0x48: {  	_ =	shalt  }
0x49: {  	_ =	shalt  }
0x4a: {  	_ =	shalt  }
0x4b: {  	_ =	shalt  }
0x4c: {  	_ =	shalt  }
0x4d: {  	_ =	shalt  }
0x4e: {  	_ =	shalt  }
0x4f: {  	_ =	shalt  }
0x50: {  	_ =	shalt  }
0x51: {  	_ =	shalt  }
0x52: {  	_ =	shalt  }
0x53: {  	_ =	shalt  }
0x54: {  	_ =	shalt  }
0x55: {  	_ =	shalt  }
0x56: {  	_ =	shalt  }
0x57: {  	_ =	shalt  }
0x58: {  	_ =	shalt  }
0x59: {  	_ =	shalt  }
0x5a: {  	_ =	shalt  }
0x5b: {  	_ =	shalt  }
0x5c: {  	_ =	shalt  }
0x5d: {  	_ =	shalt  }
0x5e: {  	_ =	shalt  }
0x5f: {  	_ =	shalt  }
0x60: {  	_ =	shalt  }
0x61: {  	_ =	shalt  }
0x62: {  	_ =	shalt  }
0x63: {  	_ =	shalt  }
0x64: {  	_ =	shalt  }
0x65: {  	_ =	shalt  }
0x66: {  	_ =	shalt  }
0x67: {  	_ =	shalt  }
0x68: {  	_ =	shalt  }
0x69: {  	_ =	shalt  }
0x6a: {  	_ =	shalt  }
0x6b: {  	_ =	shalt  }
0x6c: {  	_ =	shalt  }
0x6d: {  	_ =	shalt  }
0x6e: {  	_ =	shalt  }
0x6f: {  	_ =	shalt  }
0x70: {  	_ =	shalt  }
0x71: {  	_ =	shalt  }
0x72: {  	_ =	shalt  }
0x73: {  	_ =	shalt  }
0x74: {  	_ =	shalt  }
0x75: {  	_ =	shalt  }
0x76: {  	_ =	shalt  }
0x77: {  	_ =	shalt  }
0x78: {  	_ =	shalt  }
0x79: {  	_ =	shalt  }
0x7a: {  	_ =	shalt  }
0x7b: {  	_ =	shalt  }
0x7c: {  	_ =	shalt  }
0x7d: {  	_ =	shalt  }
0x7e: {  	_ =	shalt  }
0x7f: {  	_ =	shalt  }
0x80: {  	_ =	shalt  }
0x81: {  	_ =	shalt  }
0x82: {  	_ =	shalt  }
0x83: {  	_ =	shalt  }
0x84: {  	_ =	shalt  }
0x85: {  	_ =	shalt  }
0x86: {  	_ =	shalt  }
0x87: {  	_ =	shalt  }
.Lfunc_end0:
.L_simem_size_0:
called_computation_lowered:
.L_overlay_start_0:
0x88: {  	s2 =	sld [smem:$0x3FD9]  }
0x89: {  	s3 =	sld [smem:$0x3FFE];
	_ =	sdelay $0x1  }
0x8a: {  	s1 =	srdreg.scid  }
0x8b: {  	s0 =	sand.u32 $0x1, s1  }
0x8c: {  	s17 =	sshll.u32 s0, $0xA;
	s2 =	sadd.s32 s3, s2  }
0x8d: {  	s2 =	sadd.s32 s2, s17  }
0x8e: {  	[smem:$0x3FC6] =	sst s2  }
0x8f: {  	_ = 	snop  }
0x90: {  	s2 =	sld [smem:$0x3FD0];
	(tm) =	ssettm $0x1  }
0x91: {  	s18 =	sld [smem:$0x3FFB];
	_ =	sdelay $0x3  }
0x92: {  	_ =	strace s18  }
0x93: {  	s3 =	sld [smem:$0x3FFC];
	_ =	sdelay $0x3  }
0x94: {  	_ =	strace s3  }
0x95: {  	s3 =	sld [smem:$0x3FFD];
	_ =	sdelay $0x3  }
0x96: {  	_ =	strace s3  }
0x97: {  	_ =	strace $0x8FFFFFFF  }
0x98: {  	s19 =	sld [smem:$0x3FDB];
	_ =	sdelay $0x1  }
0x99: {  	s4 =	simm.s32 $_scs_section_size  }
0x9a: {  	s5 =	simm.s32 $_size__tile_overlayer_lowered;
	s6 =	simm.s32 $_tile_overlayer_lowered  }
0x9b: {  	s22 =	simm.s32 $0x1BFF;
	s21 =	sshll.u32 s6, $0x1;
	s3 =	sadd.s32 s4, s19  }
0x9c: {  	s7 =	simm.s32 $0x0;
	s20 =	sshll.u32 s5, $0x1;
	s5 =	sadd.s32 s21, s3  }
0x9d: {  	[timem:s7], [sflag:s22] =	dma.local [hbm:s5], s20  }
0x9e: {  	_ =	swait.ge [sflag:s22], s20  }
0x9f: {  	s4 =	ssub.s32 $0x0, s20;
	[sflag:s22] =	ssyncset.done $0x0  }
0xa0: {  	[sflag:s22] =	ssyncadd.s32 s4;
	_ =	sdelay $0x1  }
0xa1: {  	s23 =	simm.s32 $0x1B8B  }
0xa2: {  	_ =	swait.ge [sflag:s23], $0x1  }
0xa3: {  	[sflag:s23] =	ssyncset.done $0x0  }
0xa4: {  	s25 =	simm.s32 $0x1B8E;
	s24 =	sld [smem:$0x3FFE];
	[sflag:s23] =	ssyncadd.s32 $0xFFFFFFFF  }
0xa5: {  	s26 =	simm.s32 $execute0_lowered;
	[smem:$0x3FD2] =	sst s25  }
0xa6: {  	s5 =	sshll.u32 s26, $0x1;
	_ =	strace $0x80000046;
	[dreg:$0x1] =	wrdreg $0xFFFFFFFF  }
0xa7: {  	s28 =	simm.s32 $_size_execute0_lowered;
	s3 =	sadd.s32 s3, s5;
	[dreg:$0x0] =	wrdreg $0x0  }
0xa8: {  	s5 =	sshll.u32 s28, $0x1;
	[dreg:$0x2] =	wrdreg s3  }
0xa9: {  	[dreg:$0x3] =	wrdreg s5  }
0xaa: {  	[dreg:$0x4] =	wrdreg $0xC0  }
0xab: {  	_ =	task [dreg:s7], $0x5FFFF  }
0xac: {  	[dreg:$0x1] =	wrdreg $0xFFFFFFFF  }
0xad: {  	[dreg:$0x0] =	wrdreg $0x60  }
0xae: {  	[dreg:$0x2] =	wrdreg s24  }
0xaf: {  	[dreg:$0x3] =	wrdreg s2  }
0xb0: {  	[dreg:$0x4] =	wrdreg $0x9  }
0xb1: {  	_ =	task.clear_ibuf [dreg:s7], $0x5FFFF;
	_ =	strace $0x90000046  }
0xb2: {  	s29 =	simm.s32 $0x9;
	_ =	strace $0x80000048  }
0xb3: {  	_ =	swait.ge [sflag:s29], $0x1  }
0xb4: {  	[sflag:s29] =	ssyncadd.s32 $0xFFFFFFFF  }
0xb5: {  	_ =	strace $0x90000048  }
0xb6: {  	_ =	sfence  }
0xb7: {  	s30 =	sld [smem:$0x0];
	_ =	sdelay $0x2  }
0xb8: {  	s31 =	sshll.u32 s1, $0xD;
	s1 =	sshrl.u32 s1, $0x2  }
0xb9: {  	s3 =	sand.u32 $0x4000, s31;
	s1 =	sadd.s32 s1, s30  }
0xba: {  	s0 =	sor.u32 s3, s0;
	s1 =	sshll.u32 s1, $0x11  }
0xbb: {  	s0 =	sor.u32 s1, s0  }
0xbc: {  	s0 =	sadd.s32 $0x8F2B, s0  }
0xbd: {  	[sflag:s0] =	ssyncadd.remote.s32 $0x1  }
0xbe: {  	_ =	sfence.sel $0xFFFF  }
0xbf: {  	[dreg:$0x0] =	wrdreg $0xFFFFFFFF;
	(pc) =	sbr.abs _section_cstart, $3  }
0xc0: {  	[dreg:$0x1] =	wrdreg $0xFFFFFFFF  }
0xc1: {  	_ =	task.clear_ibuf [dreg:s7], $0x2FFFF;
	_ =	strace $0x9FFFFFFF  }
0xc2: {  	(tm) =	ssettm $0x7FFFFFFF  }
0xc3: {  	_ =	shalt  }
tec
execute0_lowered:
.L_overlay_start_1:
0x0: {  	(tag) =	ssettag $0x1  }
0x1: {  	s4 =	rddreg [dreg:$0x0]  }
0x2: {  	s1 =	srdreg.scid;
	s0 =	stileid.u32  }
0x3: {  	s5 =	rddreg [dreg:$0x1];
	s2 =	simm.s32 $0x0;
	s11 =	simm.s32 $0x2D50  }
0x4: {  	s12 =	simm.s32 $0x550;
	s6 =	sand.u32 $0x1, s1;
	s3 =	sshll.u32 s0, $0x1  }
0x5: {  	s13 =	simm.s32 $0x1;
	[smem:$0x7FF] =	sst s2;
	s7 =	sor.u32 s6, s3  }
0x6: {  	s1 =	rddreg [dreg:$0x2];
	_ =	strace $0x80000047;
	s8 =	smul.u32 $0xA, s7  }
0x7: {  	s6 =	ssub.s32 $0x2, s6;
	s9 =	sshll.u32 s7, $0x7;
	s7 =	smul.u32 $0xA0, s7  }
0x8: {  	s3 =	sadd.s32 $0x800, s4;
	s10 =	sshrl.u32 s6, $0x1;
	s9 =	sadd.s32 s9, s4  }
0x9: {  	s10 =	ssub.s32 s6, s10;
	s8 =	sadd.s32 s8, s4;
	s5 =	sadd.s32 s5, s7  }
0xa: {  	s6 =	sadd.s32 $0x190A00, s9;
	s7 =	sadd.s32 $0x191A00, s9;
	s9 =	simm.s32 $0x2  }
0xb: {  	s4 =	sadd.s32 $0x190800, s8;
	s8 =	smax.u32 s10, $0x1;
	s10 =	simm.s32 $0x50  }
.LBB2_1:
0xc: {  	[tilespmem:s2], [sflag:$0x2] =	stream.linear.gather [hbm4b:s4+s2], $0x50, $0x38;
	[tilespmem:$0x3150] =	vst v63  }
0xd: {  	_ =	swait.ge [sflag:s9], $0x50  }
0xe: {  	[sflag:s9] =	ssyncset.done $0x0  }
0xf: {  	[sflag:s9] =	ssyncadd.s32 $0xFFFFFFB0  }
0x10: {  	[tilespmem:s10], [sflag:$0x2] =	stream.linear.gather [hbm4b:s5+s2], $0x500, $0x38;
	[tilespmem:$0x3150] =	vst v63  }
0x11: {  	_ =	swait.ge [sflag:s9], $0x500  }
0x12: {  	[sflag:s9] =	ssyncset.done $0x0  }
0x13: {  	[sflag:s9] =	ssyncadd.s32 $0xFFFFFB00  }
0x14: {  	[tilespmem:s11], [sflag:$0x2] =	stream.linear.gather [hbm4b:s6+s2], $0x400, $0x38;
	[tilespmem:$0x3150] =	vst v63  }
0x15: {  	_ =	swait.ge [sflag:s9], $0x400  }
0x16: {  	[sflag:s9] =	ssyncset.done $0x0  }
0x17: {  	[sflag:s9] =	ssyncadd.s32 $0xFFFFFC00  }
0x18: {  	[tilespmem:s12], [sflag:$0x1] =	stream.indirect.gather [hbm4b:s3+s10], $0x80, s2, s10, $0xb8;
	[tilespmem:$0x3150] =	vst v63  }
0x19: {  	_ =	swait.ge [sflag:s13], $0x2800  }
0x1a: {  	[sflag:s13] =	ssyncset.done $0x0  }
0x1b: {  	[sflag:s13] =	ssyncadd.s32 $0xFFFFD800  }
0x1c: {  	v24 =	vld [tilespmem:$0x50]  }
0x1d: {  	v29 =	vld [tilespmem:$0x60]  }
0x1e: {  	v33 =	vld [tilespmem:$0x70]  }
0x1f: {  	v63 =	vld [tilespmem:$0x80]  }
0x20: {  	v17 =	vld [tilespmem:$0x90]  }
0x21: {  	v0 =	vld [tilespmem:$0x2D50]  }
0x22: {  	v1 =	vld [tilespmem:$0x550]  }
0x23: {  	v2 =	vld [tilespmem:$0x5D0]  }
0x24: {  	v3 =	vld [tilespmem:$0x650]  }
0x25: {  	v4 =	vld [tilespmem:$0x6D0]  }
0x26: {  	v5 =	vld [tilespmem:$0x750]  }
0x27: {  	v6 =	vld [tilespmem:$0x2D60]  }
0x28: {  	v7 =	vld [tilespmem:$0x560]  }
0x29: {  	v8 =	vld [tilespmem:$0x5E0]  }
0x2a: {  	v9 =	vld [tilespmem:$0x570]  }
0x2b: {  	v10 =	vld [tilespmem:$0x2D70]  }
0x2c: {  	v11 =	vld [tilespmem:$0x5F0]  }
0x2d: {  	v53 =	vld [tilespmem:$0x660]  }
0x2e: {  	v12 =	vld [tilespmem:$0x670]  }
0x2f: {  	v55 =	vld [tilespmem:$0x6E0]  }
0x30: {  	v57 =	vld [tilespmem:$0x6F0]  }
0x31: {  	v58 =	vld [tilespmem:$0x760]  }
0x32: {  	v60 =	vld [tilespmem:$0x770]  }
0x33: {  	v38 =	vld [tilespmem:$0x580]  }
0x34: {  	v45 =	vld [tilespmem:$0x600]  }
0x35: {  	v49 =	vld [tilespmem:$0x680]  }
0x36: {  	v18 =	vld [tilespmem:$0x780]  }
0x37: {  	v41 =	vld [tilespmem:$0x7D0]  }
0x38: {  	v48 =	vld [tilespmem:$0x850]  }
0x39: {  	v25 =	vld [tilespmem:$0x8D0]  }
0x3a: {  	v16 =	vld [tilespmem:$0x950]  }
0x3b: {  	v19 =	vld [tilespmem:$0x9D0]  }
0x3c: {  	v47 =	vld [tilespmem:$0x2DA0]  }
0x3d: {  	v39 =	vld [tilespmem:$0x7E0]  }
0x3e: {  	v43 =	vld [tilespmem:$0x860]  }
0x3f: {  	v20 =	vld [tilespmem:$0x960]  }
0x40: {  	v21 =	vld [tilespmem:$0x9E0]  }
0x41: {  	v22 =	vld [tilespmem:$0x2DB0]  }
0x42: {  	v23 =	vld [tilespmem:$0x870]  }
0x43: {  	v26 =	vld [tilespmem:$0x8F0]  }
0x44: {  	v27 =	vld [tilespmem:$0x970]  }
0x45: {  	v28 =	vld [tilespmem:$0x9F0]  }
0x46: {  	v30 =	vld [tilespmem:$0x2DC0]  }
0x47: {  	v50 =	vld [tilespmem:$0x800]  }
0x48: {  	v31 =	vld [tilespmem:$0x900]  }
0x49: {  	v32 =	vld [tilespmem:$0x980]  }
0x4a: {  	v34 =	vld [tilespmem:$0xA00]  }
0x4b: {  	v40 =	vld [tilespmem:$0x110]  }
0x4c: {  	v46 =	vld [tilespmem:$0x130];
	[tilespmem:$0x1ED70] =	vst v16  }
0x4d: {  	v35 =	vld [tilespmem:$0x2DD0];
	[tilespmem:$0x1EDC0] =	vst v19  }
0x4e: {  	v36 =	vld [tilespmem:$0xA50];
	[tilespmem:$0x1ED80] =	vst v20  }
0x4f: {  	v37 =	vld [tilespmem:$0xAD0];
	[tilespmem:$0x1EDD0] =	vst v21  }
0x50: {  	v42 =	vld [tilespmem:$0xB50];
	[tilespmem:$0x1ED90] =	vst v22  }
0x51: {  	v44 =	vld [tilespmem:$0xBD0];
	[tilespmem:$0x1EDA0] =	vst v23  }
0x52: {  	v51 =	vld [tilespmem:$0xC50];
	[tilespmem:$0x1EDE0] =	vst v26  }
0x53: {  	v52 =	vmul.f32 v2, v29;
	v2 =	vmul.f32 v53, v33;
	v53 =	vld [tilespmem:$0x2D80];
	[tilespmem:$0x1EE20] =	vst v27  }
0x54: {  	v54 =	vmul.f32 v3, v33;
	v3 =	vmul.f32 v55, v63;
	v55 =	vld [tilespmem:$0x2D90];
	[tilespmem:$0x1EE90] =	vst v28  }
0x55: {  	v61 =	vmul.f32 v12, v33;
	v12 =	vmul.f32 v57, v63;
	v57 =	vld [tilespmem:$0x7F0];
	[tilespmem:$0x1EDB0] =	vst v30  }
0x56: {  	v20 =	vld [tilespmem:$0x880];
	[tilespmem:$0x1EDF0] =	vst v31  }
0x57: {  	v62 =	vmul.f32 v5, v17;
	[tilespmem:$0x1EE40] =	vst v32;
	v5 =	vld [tilespmem:$0xF0]  }
0x58: {  	[tilespmem:$0x1EEA0] =	vst v34;
	v28 =	vld [tilespmem:$0x120]  }
0x59: {  	[tilespmem:$0x1EE10] =	vst v35;
	v23 =	vld [tilespmem:$0xA60]  }
0x5a: {  	v14 =	vmul.f32 v60, v17;
	[tilespmem:$0x1EE00] =	vst v36;
	v60 =	vld [tilespmem:$0xB60]  }
0x5b: {  	v1 =	vmul.f32 v1, v24;
	v56 =	vmul.f32 v8, v29;
	[tilespmem:$0x1EE30] =	vst v37;
	v8 =	vld [tilespmem:$0xA70]  }
0x5c: {  	v7 =	vmul.f32 v7, v24;
	v9 =	vmul.f32 v9, v24;
	[tilespmem:$0x1EE70] =	vst v42;
	v16 =	vld [tilespmem:$0xB80]  }
0x5d: {  	[tilespmem:$0x1EEB0] =	vst v44;
	v19 =	vld [tilespmem:$0xC00];
	v0 =	vadd.f32 v1, v0  }
0x5e: {  	v59 =	vmul.f32 v11, v29;
	[tilespmem:$0x1EF00] =	vst v51;
	v6 =	vadd.f32 v7, v6;
	v9 =	vadd.f32 v9, v10;
	v7 =	vld [tilespmem:$0x2DF0]  }
0x5f: {  	v10 =	vld [tilespmem:$0xB70];
	[tilespmem:$0x1EE80] =	vst v60  }
0x60: {  	v0 =	vadd.f32 v52, v0;
	v9 =	vadd.f32 v59, v9;
	v52 =	vld [tilespmem:$0x2DE0];
	[tilespmem:$0x1EED0] =	vst v8  }
0x61: {  	v59 =	vld [tilespmem:$0xAE0];
	[tilespmem:$0x1EF60] =	vst v16  }
0x62: {  	v6 =	vadd.f32 v56, v6;
	[tilespmem:$0x1EF90] =	vst v19;
	v11 =	vadd.f32 v61, v9;
	v61 =	vld [tilespmem:$0xBE0]  }
0x63: {  	v4 =	vmul.f32 v4, v63;
	v0 =	vadd.f32 v54, v0;
	v9 =	vld [tilespmem:$0xAF0];
	[tilespmem:$0x1EEF0] =	vst v7  }
0x64: {  	v21 =	vld [tilespmem:$0xC80];
	v2 =	vadd.f32 v2, v6;
	[tilespmem:$0x1EF50] =	vst v10  }
0x65: {  	v1 =	vmul.f32 v58, v17;
	v58 =	vld [tilespmem:$0x8E0];
	v0 =	vadd.f32 v4, v0;
	[tilespmem:$0x1EE50] =	vst v52  }
0x66: {  	v56 =	vld [tilespmem:$0x700];
	v2 =	vadd.f32 v3, v2;
	[tilespmem:$0x1EE60] =	vst v59  }
0x67: {  	v13 =	vadd.f32 v12, v11;
	v11 =	vld [tilespmem:$0xBF0];
	v0 =	vadd.f32 v62, v0;
	[tilespmem:$0x1EEC0] =	vst v61  }
0x68: {  	v12 =	vld [tilespmem:$0xC70];
	v1 =	vadd.f32 v1, v2;
	[tilespmem:$0x1EF10] =	vst v9  }
0x69: {  	v15 =	vadd.f32 v14, v13;
	v62 =	vld [tilespmem:$0xC60];
	[tilespmem:$0x2D50] =	vst v0  }
0x6a: {  	v13 =	vld [tilespmem:$0x2E00];
	[tilespmem:$0x2D60] =	vst v1  }
0x6b: {  	v14 =	vld [tilespmem:$0xA80];
	[tilespmem:$0x2D70] =	vst v15  }
0x6c: {  	v15 =	vld [tilespmem:$0xB00];
	[tilespmem:$0x1EF70] =	vst v11  }
0x6d: {  	v54 =	vld [tilespmem:$0xE0];
	[tilespmem:$0x1EFF0] =	vst v12  }
0x6e: {  	v6 =	vld [tilespmem:$0x100];
	[tilespmem:$0x1EF40] =	vst v62  }
0x6f: {  	v3 =	vld [tilespmem:$0xC0];
	[tilespmem:$0x1EF20] =	vst v13  }
0x70: {  	v4 =	vld [tilespmem:$0xD0];
	[tilespmem:$0x1EEE0] =	vst v14  }
0x71: {  	v2 =	vld [tilespmem:$0xB0];
	[tilespmem:$0x1EF30] =	vst v15  }
0x72: {  	v1 =	vld [tilespmem:$0xA0];
	[tilespmem:$0x1F000] =	vst v21  }
0x73: {  	v7 =	vld [tilespmem:$0x140]  }
0x74: {  	v8 =	vld [tilespmem:$0x150]  }
0x75: {  	v42 =	vld [tilespmem:$0x160]  }
0x76: {  	v31 =	vld [tilespmem:$0x170]  }
0x77: {  	v11 =	vld [tilespmem:$0x180]  }
0x78: {  	v0 =	vld [tilespmem:$0x2E10]  }
0x79: {  	v22 =	vld [tilespmem:$0xCD0]  }
0x7a: {  	v26 =	vld [tilespmem:$0xD50]  }
0x7b: {  	v27 =	vld [tilespmem:$0xDD0]  }
0x7c: {  	v30 =	vld [tilespmem:$0xE50]  }
0x7d: {  	v32 =	vld [tilespmem:$0xED0]  }
0x7e: {  	v34 =	vld [tilespmem:$0x2E20]  }
0x7f: {  	v35 =	vld [tilespmem:$0xCE0]  }
0x80: {  	v36 =	vld [tilespmem:$0xD60]  }
0x81: {  	v37 =	vld [tilespmem:$0xDE0]  }
0x82: {  	v44 =	vld [tilespmem:$0xE60]  }
0x83: {  	v51 =	vld [tilespmem:$0xEE0]  }
0x84: {  	v52 =	vld [tilespmem:$0x2E30]  }
0x85: {  	v59 =	vld [tilespmem:$0xCF0]  }
0x86: {  	v60 =	vld [tilespmem:$0xD70]  }
0x87: {  	v61 =	vld [tilespmem:$0xDF0]  }
0x88: {  	v62 =	vld [tilespmem:$0xE70]  }
0x89: {  	v9 =	vld [tilespmem:$0xEF0]  }
0x8a: {  	v10 =	vld [tilespmem:$0x2E40]  }
0x8b: {  	v12 =	vld [tilespmem:$0xD00]  }
0x8c: {  	v13 =	vld [tilespmem:$0xD80]  }
0x8d: {  	v14 =	vld [tilespmem:$0xE00]  }
0x8e: {  	v15 =	vld [tilespmem:$0xE80]  }
0x8f: {  	v16 =	vld [tilespmem:$0xF00]  }
0x90: {  	v19 =	vld [tilespmem:$0x2E50]  }
0x91: {  	v45 =	vmul.f32 v45, v29;
	v21 =	vld [tilespmem:$0xF50]  }
0x92: {  	v41 =	vmul.f32 v41, v1;
	v39 =	vmul.f32 v39, v1;
	v29 =	vld [tilespmem:$0x340]  }
0x93: {  	v57 =	vmul.f32 v57, v1;
	v1 =	vmul.f32 v50, v1;
	v50 =	vld [tilespmem:$0x1EDA0]  }
0x94: {  	v17 =	vmul.f32 v18, v17;
	v18 =	vld [tilespmem:$0x1EF10]  }
0x95: {  	v41 =	vadd.f32 v41, v55;
	v55 =	vld [tilespmem:$0x1CD0]  }
0x96: {  	v39 =	vadd.f32 v39, v47;
	v47 =	vld [tilespmem:$0x1DD0];
	[tilespmem:$0x1EFB0] =	vst v0  }
0x97: {  	[tilespmem:$0x1F140] =	vst v9;
	v9 =	vld [tilespmem:$0x190]  }
0x98: {  	[tilespmem:$0x1F080] =	vst v10;
	v10 =	vld [tilespmem:$0x1A0]  }
0x99: {  	[tilespmem:$0x1F040] =	vst v12;
	v12 =	vld [tilespmem:$0x1B0]  }
0x9a: {  	[tilespmem:$0x1F0C0] =	vst v14;
	v14 =	vld [tilespmem:$0x1C0]  }
0x9b: {  	[tilespmem:$0x1F160] =	vst v16;
	v16 =	vld [tilespmem:$0x1D0]  }
0x9c: {  	[tilespmem:$0x1EF80] =	vst v22;
	v22 =	vld [tilespmem:$0xFD0]  }
0x9d: {  	[tilespmem:$0x1EFC0] =	vst v26;
	v26 =	vld [tilespmem:$0x1050]  }
0x9e: {  	[tilespmem:$0x1F010] =	vst v27;
	v27 =	vld [tilespmem:$0x10D0]  }
0x9f: {  	[tilespmem:$0x1F060] =	vst v30;
	v30 =	vld [tilespmem:$0x1150]  }
0xa0: {  	[tilespmem:$0x1F0D0] =	vst v32;
	v32 =	vld [tilespmem:$0x2E60]  }
0xa1: {  	[tilespmem:$0x1EFD0] =	vst v34;
	v34 =	vld [tilespmem:$0xF60]  }
0xa2: {  	[tilespmem:$0x1EFA0] =	vst v35;
	v35 =	vld [tilespmem:$0xFE0]  }
0xa3: {  	[tilespmem:$0x1EFE0] =	vst v36;
	v36 =	vld [tilespmem:$0x1060]  }
0xa4: {  	[tilespmem:$0x1F020] =	vst v37;
	v37 =	vld [tilespmem:$0x10E0]  }
0xa5: {  	[tilespmem:$0x1F0A0] =	vst v44;
	v44 =	vld [tilespmem:$0x1160]  }
0xa6: {  	[tilespmem:$0x1F0E0] =	vst v51;
	v51 =	vld [tilespmem:$0x2E70]  }
0xa7: {  	[tilespmem:$0x1F050] =	vst v52;
	v52 =	vld [tilespmem:$0xF70]  }
0xa8: {  	[tilespmem:$0x1F030] =	vst v59;
	v59 =	vld [tilespmem:$0xFF0]  }
0xa9: {  	[tilespmem:$0x1F070] =	vst v60;
	v60 =	vld [tilespmem:$0x1070]  }
0xaa: {  	[tilespmem:$0x1F0B0] =	vst v61;
	v61 =	vld [tilespmem:$0x10F0]  }
0xab: {  	[tilespmem:$0x1F0F0] =	vst v62;
	v0 =	vld [tilespmem:$0x2F50]  }
0xac: {  	[tilespmem:$0x1F090] =	vst v13;
	v62 =	vld [tilespmem:$0x1170]  }
0xad: {  	[tilespmem:$0x1F100] =	vst v15;
	v13 =	vld [tilespmem:$0x2E80]  }
0xae: {  	[tilespmem:$0x1F130] =	vst v19;
	v15 =	vld [tilespmem:$0xF80]  }
0xaf: {  	[tilespmem:$0x1F110] =	vst v21;
	v19 =	vld [tilespmem:$0x1000]  }
0xb0: {  	[tilespmem:$0x1F710] =	vst v0;
	v0 =	vld [tilespmem:$0x1950]  }
0xb1: {  	v21 =	vld [tilespmem:$0x1080];
	[tilespmem:$0x1F910] =	vst v55  }
0xb2: {  	v55 =	vld [tilespmem:$0x1ED70];
	[tilespmem:$0x1F150] =	vst v22  }
0xb3: {  	[tilespmem:$0x1F190] =	vst v26;
	v22 =	vld [tilespmem:$0x1100]  }
0xb4: {  	[tilespmem:$0x1F1B0] =	vst v27;
	v26 =	vld [tilespmem:$0x1180]  }
0xb5: {  	[tilespmem:$0x1F6F0] =	vst v0;
	v0 =	vld [tilespmem:$0x19D0]  }
0xb6: {  	[tilespmem:$0x1F210] =	vst v13;
	v13 =	vld [tilespmem:$0x1E0]  }
0xb7: {  	[tilespmem:$0x1F1D0] =	vst v15;
	v15 =	vld [tilespmem:$0x1F0]  }
0xb8: {  	[tilespmem:$0x1F310] =	vst v62;
	v62 =	vld [tilespmem:$0x200]  }
0xb9: {  	[tilespmem:$0x1F250] =	vst v60;
	v60 =	vld [tilespmem:$0x210]  }
0xba: {  	[tilespmem:$0x1F730] =	vst v0;
	v0 =	vld [tilespmem:$0x1A50]  }
0xbb: {  	[tilespmem:$0x1F230] =	vst v30;
	v27 =	vld [tilespmem:$0x2E90]  }
0xbc: {  	[tilespmem:$0x1F170] =	vst v32;
	v30 =	vld [tilespmem:$0x11D0]  }
0xbd: {  	[tilespmem:$0x1F120] =	vst v34;
	v32 =	vld [tilespmem:$0x1250]  }
0xbe: {  	[tilespmem:$0x1F180] =	vst v35;
	v34 =	vld [tilespmem:$0x12D0]  }
0xbf: {  	[tilespmem:$0x1F770] =	vst v0;
	v0 =	vld [tilespmem:$0x1AD0]  }
0xc0: {  	[tilespmem:$0x1F1A0] =	vst v36;
	v35 =	vld [tilespmem:$0x1350]  }
0xc1: {  	[tilespmem:$0x1F1E0] =	vst v37;
	v36 =	vld [tilespmem:$0x13D0]  }
0xc2: {  	[tilespmem:$0x1F240] =	vst v44;
	v37 =	vld [tilespmem:$0x2EA0]  }
0xc3: {  	[tilespmem:$0x1F1F0] =	vst v51;
	v44 =	vld [tilespmem:$0x11E0]  }
0xc4: {  	[tilespmem:$0x1F7B0] =	vst v0;
	v0 =	vld [tilespmem:$0x1B50]  }
0xc5: {  	[tilespmem:$0x1F1C0] =	vst v52;
	v51 =	vld [tilespmem:$0x1260]  }
0xc6: {  	[tilespmem:$0x1F200] =	vst v59;
	v52 =	vld [tilespmem:$0x12E0]  }
0xc7: {  	[tilespmem:$0x1F2A0] =	vst v61;
	v59 =	vld [tilespmem:$0x1360]  }
0xc8: {  	[tilespmem:$0x1F220] =	vst v19;
	v61 =	vld [tilespmem:$0x13E0]  }
0xc9: {  	[tilespmem:$0x1F800] =	vst v0;
	v0 =	vld [tilespmem:$0x2F60]  }
0xca: {  	[tilespmem:$0x1F260] =	vst v21;
	v19 =	vld [tilespmem:$0x2EB0]  }
0xcb: {  	v21 =	vld [tilespmem:$0x11F0];
	[tilespmem:$0x1F2C0] =	vst v22  }
0xcc: {  	[tilespmem:$0x1F320] =	vst v26;
	v22 =	vld [tilespmem:$0x220]  }
0xcd: {  	[tilespmem:$0x1F290] =	vst v27;
	v26 =	vld [tilespmem:$0x1270]  }
0xce: {  	[tilespmem:$0x1F750] =	vst v0;
	v0 =	vld [tilespmem:$0x1960]  }
0xcf: {  	[tilespmem:$0x1F270] =	vst v30;
	v27 =	vld [tilespmem:$0x12F0]  }
0xd0: {  	[tilespmem:$0x1F2B0] =	vst v32;
	v30 =	vld [tilespmem:$0x1370]  }
0xd1: {  	[tilespmem:$0x1F2F0] =	vst v34;
	v32 =	vld [tilespmem:$0x13F0]  }
0xd2: {  	[tilespmem:$0x1F330] =	vst v35;
	v34 =	vld [tilespmem:$0x2EC0]  }
0xd3: {  	[tilespmem:$0x1F700] =	vst v0;
	v0 =	vld [tilespmem:$0x19E0]  }
0xd4: {  	[tilespmem:$0x1F380] =	vst v36;
	v35 =	vld [tilespmem:$0x1200]  }
0xd5: {  	[tilespmem:$0x1F2D0] =	vst v37;
	v36 =	vld [tilespmem:$0x1280]  }
0xd6: {  	[tilespmem:$0x1F280] =	vst v44;
	v37 =	vld [tilespmem:$0x1300]  }
0xd7: {  	[tilespmem:$0x1F2E0] =	vst v51;
	v44 =	vld [tilespmem:$0x1380]  }
0xd8: {  	[tilespmem:$0x1F760] =	vst v0;
	v0 =	vld [tilespmem:$0x1A60]  }
0xd9: {  	[tilespmem:$0x1F300] =	vst v52;
	v51 =	vld [tilespmem:$0x1400]  }
0xda: {  	[tilespmem:$0x1F370] =	vst v19;
	v19 =	vld [tilespmem:$0x230]  }
0xdb: {  	[tilespmem:$0x1F350] =	vst v21;
	v21 =	vld [tilespmem:$0x240]  }
0xdc: {  	[tilespmem:$0x1F3C0] =	vst v61;
	v61 =	vld [tilespmem:$0x250]  }
0xdd: {  	[tilespmem:$0x1F780] =	vst v0;
	v0 =	vld [tilespmem:$0x1AE0]  }
0xde: {  	[tilespmem:$0x1F340] =	vst v59;
	v59 =	vld [tilespmem:$0x260]  }
0xdf: {  	v52 =	vld [tilespmem:$0x2ED0];
	[tilespmem:$0x1F390] =	vst v26  }
0xe0: {  	[tilespmem:$0x1F480] =	vst v51;
	v51 =	vld [tilespmem:$0x270]  }
0xe1: {  	[tilespmem:$0x1F3D0] =	vst v27;
	v26 =	vld [tilespmem:$0x1450]  }
0xe2: {  	[tilespmem:$0x1F7C0] =	vst v0;
	v0 =	vld [tilespmem:$0x1B60]  }
0xe3: {  	[tilespmem:$0x1F3F0] =	vst v30;
	v27 =	vld [tilespmem:$0x14D0]  }
0xe4: {  	[tilespmem:$0x1F470] =	vst v32;
	v30 =	vld [tilespmem:$0x1550]  }
0xe5: {  	[tilespmem:$0x1F3A0] =	vst v34;
	v32 =	vld [tilespmem:$0x15D0]  }
0xe6: {  	[tilespmem:$0x1F360] =	vst v35;
	v34 =	vld [tilespmem:$0x1650]  }
0xe7: {  	[tilespmem:$0x1F840] =	vst v0;
	v0 =	vld [tilespmem:$0x2F70]  }
0xe8: {  	[tilespmem:$0x1F3B0] =	vst v36;
	v35 =	vld [tilespmem:$0x2EE0]  }
0xe9: {  	[tilespmem:$0x1F3E0] =	vst v37;
	v36 =	vld [tilespmem:$0x1460]  }
0xea: {  	[tilespmem:$0x1F410] =	vst v44;
	v37 =	vld [tilespmem:$0x14E0]  }
0xeb: {  	[tilespmem:$0x1F430] =	vst v52;
	v44 =	vld [tilespmem:$0x1560]  }
0xec: {  	[tilespmem:$0x1F7F0] =	vst v0;
	v0 =	vld [tilespmem:$0x1970]  }
0xed: {  	v52 =	vld [tilespmem:$0x15E0];
	[tilespmem:$0x1F400] =	vst v26  }
0xee: {  	[tilespmem:$0x1F440] =	vst v27;
	v26 =	vld [tilespmem:$0x1660]  }
0xef: {  	[tilespmem:$0x1F490] =	vst v30;
	v27 =	vld [tilespmem:$0x2EF0]  }
0xf0: {  	[tilespmem:$0x1F4E0] =	vst v32;
	v30 =	vld [tilespmem:$0x1470]  }
0xf1: {  	[tilespmem:$0x1F7D0] =	vst v0;
	v0 =	vld [tilespmem:$0x19F0]  }
0xf2: {  	[tilespmem:$0x1F550] =	vst v34;
	v32 =	vld [tilespmem:$0x14F0]  }
0xf3: {  	[tilespmem:$0x1F450] =	vst v35;
	v34 =	vld [tilespmem:$0x1570]  }
0xf4: {  	[tilespmem:$0x1F420] =	vst v36;
	v35 =	vld [tilespmem:$0x15F0]  }
0xf5: {  	[tilespmem:$0x1F460] =	vst v37;
	v36 =	vld [tilespmem:$0x1670]  }
0xf6: {  	[tilespmem:$0x1F810] =	vst v0;
	v0 =	vld [tilespmem:$0x1A70]  }
0xf7: {  	[tilespmem:$0x1F4A0] =	vst v44;
	v37 =	vld [tilespmem:$0x2F00]  }
0xf8: {  	[tilespmem:$0x1F520] =	vst v52;
	v44 =	vld [tilespmem:$0x1480]  }
0xf9: {  	v52 =	vld [tilespmem:$0x1500];
	[tilespmem:$0x1F560] =	vst v26  }
0xfa: {  	[tilespmem:$0x1F4D0] =	vst v27;
	v26 =	vld [tilespmem:$0x1580]  }
0xfb: {  	[tilespmem:$0x1F850] =	vst v0;
	v0 =	vld [tilespmem:$0x1AF0]  }
0xfc: {  	[tilespmem:$0x1F4B0] =	vst v30;
	v27 =	vld [tilespmem:$0x1600]  }
0xfd: {  	[tilespmem:$0x1F4F0] =	vst v32;
	v30 =	vld [tilespmem:$0x1680]  }
0xfe: {  	[tilespmem:$0x1F510] =	vst v52;
	v52 =	vld [tilespmem:$0x290]  }
0xff: {  	[tilespmem:$0x1F4C0] =	vst v44;
	v44 =	vld [tilespmem:$0x2A0]  }
0x100: {  	[tilespmem:$0x1F870] =	vst v0;
	v0 =	vld [tilespmem:$0x1B70]  }
0x101: {  	[tilespmem:$0x1F530] =	vst v34;
	v34 =	vld [tilespmem:$0x2C0]  }
0x102: {  	[tilespmem:$0x1F570] =	vst v35;
	v32 =	vld [tilespmem:$0x2F10]  }
0x103: {  	[tilespmem:$0x1F5C0] =	vst v36;
	v35 =	vld [tilespmem:$0x16D0]  }
0x104: {  	[tilespmem:$0x1F500] =	vst v37;
	v36 =	vld [tilespmem:$0x1750]  }
0x105: {  	[tilespmem:$0x1F8F0] =	vst v0;
	v0 =	vld [tilespmem:$0x2F80]  }
0x106: {  	v37 =	vld [tilespmem:$0x17D0];
	[tilespmem:$0x1F540] =	vst v26  }
0x107: {  	[tilespmem:$0x1F580] =	vst v27;
	v26 =	vld [tilespmem:$0x280]  }
0x108: {  	[tilespmem:$0x1F5E0] =	vst v30;
	v30 =	vld [tilespmem:$0x2B0]  }
0x109: {  	[tilespmem:$0x1F5B0] =	vst v32;
	v27 =	vld [tilespmem:$0x1850]  }
0x10a: {  	[tilespmem:$0x1F820] =	vst v0;
	v0 =	vld [tilespmem:$0x1980]  }
0x10b: {  	[tilespmem:$0x1F590] =	vst v35;
	v32 =	vld [tilespmem:$0x18D0]  }
0x10c: {  	[tilespmem:$0x1F5D0] =	vst v36;
	v35 =	vld [tilespmem:$0x2F20]  }
0x10d: {  	[tilespmem:$0x1F610] =	vst v37;
	v36 =	vld [tilespmem:$0x16E0]  }
0x10e: {  	v37 =	vld [tilespmem:$0x1760];
	[tilespmem:$0x1F630] =	vst v27  }
0x10f: {  	[tilespmem:$0x1F7E0] =	vst v0;
	v0 =	vld [tilespmem:$0x1A00]  }
0x110: {  	[tilespmem:$0x1F6B0] =	vst v32;
	v27 =	vld [tilespmem:$0x17E0]  }
0x111: {  	[tilespmem:$0x1F5F0] =	vst v35;
	v32 =	vld [tilespmem:$0x1860]  }
0x112: {  	[tilespmem:$0x1F5A0] =	vst v36;
	v35 =	vld [tilespmem:$0x18E0]  }
0x113: {  	[tilespmem:$0x1F600] =	vst v37;
	v36 =	vld [tilespmem:$0x2F30]  }
0x114: {  	[tilespmem:$0x1F830] =	vst v0;
	v0 =	vld [tilespmem:$0x1A80]  }
0x115: {  	v37 =	vld [tilespmem:$0x16F0];
	[tilespmem:$0x1F620] =	vst v27  }
0x116: {  	[tilespmem:$0x1F660] =	vst v32;
	v27 =	vld [tilespmem:$0x1770]  }
0x117: {  	[tilespmem:$0x1F6C0] =	vst v35;
	v32 =	vld [tilespmem:$0x17F0]  }
0x118: {  	[tilespmem:$0x1F670] =	vst v36;
	v35 =	vld [tilespmem:$0x1870]  }
0x119: {  	[tilespmem:$0x1F860] =	vst v0;
	v0 =	vld [tilespmem:$0x1B00]  }
0x11a: {  	[tilespmem:$0x1F640] =	vst v37;
	v36 =	vld [tilespmem:$0x18F0]  }
0x11b: {  	v37 =	vld [tilespmem:$0x2F40];
	[tilespmem:$0x1F680] =	vst v27  }
0x11c: {  	[tilespmem:$0x1F6D0] =	vst v32;
	v27 =	vld [tilespmem:$0x1700]  }
0x11d: {  	[tilespmem:$0x1F720] =	vst v35;
	v32 =	vld [tilespmem:$0x1780]  }
0x11e: {  	[tilespmem:$0x1F890] =	vst v0;
	v0 =	vld [tilespmem:$0x1B80]  }
0x11f: {  	[tilespmem:$0x1F790] =	vst v36;
	v35 =	vld [tilespmem:$0x1800]  }
0x120: {  	[tilespmem:$0x1F690] =	vst v37;
	v36 =	vld [tilespmem:$0x1880]  }
0x121: {  	v37 =	vld [tilespmem:$0x1900];
	[tilespmem:$0x1F650] =	vst v27  }
0x122: {  	[tilespmem:$0x1F6A0] =	vst v32;
	v27 =	vld [tilespmem:$0x2D0]  }
0x123: {  	v32 =	vld [tilespmem:$0x2E0];
	[tilespmem:$0x1F900] =	vst v0;
	v0 =	vmul.f32 v38, v24  }
0x124: {  	[tilespmem:$0x1F6E0] =	vst v35;
	v35 =	vld [tilespmem:$0x2F0]  }
0x125: {  	[tilespmem:$0x1F740] =	vst v36;
	v36 =	vld [tilespmem:$0x300];
	v0 =	vadd.f32 v0, v53  }
0x126: {  	[tilespmem:$0x1F7A0] =	vst v37;
	v37 =	vld [tilespmem:$0x310]  }
0x127: {  	v24 =	vld [tilespmem:$0x320];
	v0 =	vadd.f32 v45, v0;
	v45 =	vmul.f32 v49, v33  }
0x128: {  	v38 =	vld [tilespmem:$0x330]  }
0x129: {  	v0 =	vadd.f32 v45, v0;
	v45 =	vmul.f32 v56, v63;
	v63 =	vld [tilespmem:$0x1BD0]  }
0x12a: {  	v56 =	vld [tilespmem:$0x1C50]  }
0x12b: {  	v53 =	vld [tilespmem:$0x350]  }
0x12c: {  	v33 =	vld [tilespmem:$0x360]  }
0x12d: {  	v49 =	vld [tilespmem:$0x2F90];
	v0 =	vadd.f32 v45, v0  }
0x12e: {  	v43 =	vmul.f32 v43, v2;
	v45 =	vld [tilespmem:$0x1ED90];
	[tilespmem:$0x1F880] =	vst v63;
	v63 =	vmul.f32 v48, v2  }
0x12f: {  	v0 =	vadd.f32 v17, v0;
	[tilespmem:$0x1F8C0] =	vst v56;
	v48 =	vld [tilespmem:$0x1D50];
	v56 =	vmul.f32 v25, v3  }
0x130: {  	v25 =	vmul.f32 v58, v3;
	v58 =	vld [tilespmem:$0x1BE0];
	v41 =	vadd.f32 v63, v41;
	v63 =	vadd.f32 v43, v39  }
0x131: {  	v43 =	vld [tilespmem:$0x2FA0]  }
0x132: {  	[tilespmem:$0x1FC30] =	vst v0;
	v0 =	vadd.f32 v25, v63;
	v63 =	vld [tilespmem:$0x1ED80]  }
0x133: {  	v25 =	vld [tilespmem:$0x1C60]  }
0x134: {  	[tilespmem:$0x1F8B0] =	vst v49;
	v49 =	vadd.f32 v56, v41;
	v56 =	vmul.f32 v55, v4;
	v55 =	vmul.f32 v50, v2;
	v50 =	vld [tilespmem:$0x1EDF0]  }
0x135: {  	v41 =	vld [tilespmem:$0x1C70]  }
0x136: {  	v2 =	vmul.f32 v20, v2;
	v20 =	vld [tilespmem:$0x1E00]  }
0x137: {  	[tilespmem:$0x1F8A0] =	vst v58;
	v58 =	vld [tilespmem:$0x1D60]  }
0x138: {  	v39 =	vadd.f32 v56, v49;
	v56 =	vld [tilespmem:$0x1CE0]  }
0x139: {  	v49 =	vadd.f32 v57, v45;
	v57 =	vld [tilespmem:$0x1EDB0]  }
0x13a: {  	[tilespmem:$0x1F8D0] =	vst v43;
	v43 =	vld [tilespmem:$0x1EDD0]  }
0x13b: {  	v17 =	vmul.f32 v63, v4;
	v63 =	vld [tilespmem:$0x1EDC0]  }
0x13c: {  	[tilespmem:$0x1F960] =	vst v41;
	v41 =	vld [tilespmem:$0x1D00]  }
0x13d: {  	[tilespmem:$0x1FA20] =	vst v20;
	v20 =	vld [tilespmem:$0x1EFA0]  }
0x13e: {  	[tilespmem:$0x1F990] =	vst v58;
	v58 =	vld [tilespmem:$0x1EE00]  }
0x13f: {  	v1 =	vadd.f32 v1, v57;
	v57 =	vld [tilespmem:$0x1DE0]  }
0x140: {  	v0 =	vadd.f32 v17, v0;
	v17 =	vadd.f32 v55, v49;
	v49 =	vld [tilespmem:$0x1EDE0]  }
0x141: {  	v55 =	vld [tilespmem:$0x2FB0]  }
0x142: {  	v45 =	vmul.f32 v43, v54;
	v43 =	vld [tilespmem:$0x1EE10]  }
0x143: {  	[tilespmem:$0x1F8E0] =	vst v25;
	v25 =	vmul.f32 v63, v54;
	v63 =	vld [tilespmem:$0x1BF0]  }
0x144: {  	v0 =	vadd.f32 v45, v0;
	v45 =	vld [tilespmem:$0x1EE20]  }
0x145: {  	[tilespmem:$0x1F920] =	vst v56;
	v1 =	vadd.f32 v2, v1;
	v2 =	vmul.f32 v49, v3;
	v49 =	vld [tilespmem:$0x1EE30]  }
0x146: {  	[tilespmem:$0x1F950] =	vst v55;
	v55 =	vld [tilespmem:$0x1CF0]  }
0x147: {  	v56 =	vadd.f32 v25, v39;
	[tilespmem:$0x1FC70] =	vst v0;
	v0 =	vmul.f32 v58, v5;
	v58 =	vld [tilespmem:$0x1EE50]  }
0x148: {  	v39 =	vld [tilespmem:$0x1EF40]  }
0x149: {  	[tilespmem:$0x1FC50] =	vst v56;
	v56 =	vld [tilespmem:$0x1EE40]  }
0x14a: {  	v0 =	vadd.f32 v0, v43;
	v43 =	vld [tilespmem:$0x1EE70]  }
0x14b: {  	v3 =	vmul.f32 v50, v3;
	v25 =	vmul.f32 v23, v5;
	[tilespmem:$0x1F930] =	vst v63;
	v63 =	vld [tilespmem:$0x1EE60]  }
0x14c: {  	v2 =	vadd.f32 v2, v17;
	v17 =	vmul.f32 v45, v4;
	v45 =	vld [tilespmem:$0x1DF0]  }
0x14d: {  	v1 =	vadd.f32 v3, v1;
	v3 =	vadd.f32 v25, v58;
	v25 =	vld [tilespmem:$0x1D70]  }
0x14e: {  	v50 =	vmul.f32 v49, v6;
	v49 =	vld [tilespmem:$0x1EE80]  }
0x14f: {  	[tilespmem:$0x1F9A0] =	vst v55;
	v55 =	vld [tilespmem:$0x1EE90]  }
0x150: {  	v58 =	vld [tilespmem:$0x1EEA0]  }
0x151: {  	v0 =	vadd.f32 v50, v0;
	v50 =	vld [tilespmem:$0x2FC0]  }
0x152: {  	v2 =	vadd.f32 v17, v2;
	v17 =	vmul.f32 v43, v40;
	v43 =	vld [tilespmem:$0x1EEC0];
	v23 =	vmul.f32 v63, v6  }
0x153: {  	[tilespmem:$0x1FA00] =	vst v45;
	v45 =	vld [tilespmem:$0x1C80]  }
0x154: {  	v4 =	vmul.f32 v56, v4;
	v3 =	vadd.f32 v23, v3;
	v23 =	vld [tilespmem:$0x1C00]  }
0x155: {  	[tilespmem:$0x1F9B0] =	vst v25;
	v25 =	vld [tilespmem:$0x1EEB0]  }
0x156: {  	v1 =	vadd.f32 v4, v1;
	v4 =	vmul.f32 v49, v40;
	v49 =	vld [tilespmem:$0x1EED0]  }
0x157: {  	v63 =	vmul.f32 v58, v54;
	v58 =	vld [tilespmem:$0x1D80]  }
0x158: {  	v56 =	vmul.f32 v55, v54;
	v54 =	vld [tilespmem:$0x390]  }
0x159: {  	v55 =	vld [tilespmem:$0x1F000]  }
0x15a: {  	v0 =	vadd.f32 v17, v0;
	v2 =	vadd.f32 v56, v2;
	v56 =	vld [tilespmem:$0x1EEE0]  }
0x15b: {  	v3 =	vadd.f32 v4, v3;
	v17 =	vmul.f32 v43, v28;
	v1 =	vadd.f32 v63, v1;
	v63 =	vld [tilespmem:$0x1EEF0]  }
0x15c: {  	v43 =	vmul.f32 v39, v46;
	v39 =	vld [tilespmem:$0x2FD0]  }
0x15d: {  	[tilespmem:$0x1F970] =	vst v50;
	v50 =	vadd.f32 v17, v3;
	v17 =	vld [tilespmem:$0x1EF00]  }
0x15e: {  	[tilespmem:$0x1F940] =	vst v23;
	v23 =	vld [tilespmem:$0x1EF20]  }
0x15f: {  	v4 =	vmul.f32 v25, v28;
	v25 =	vld [tilespmem:$0x1EF30]  }
0x160: {  	[tilespmem:$0x1FCC0] =	vst v1;
	v1 =	vmul.f32 v49, v5;
	v49 =	vld [tilespmem:$0x1EF50]  }
0x161: {  	[tilespmem:$0x1F9C0] =	vst v58;
	v58 =	vld [tilespmem:$0x1EF60]  }
0x162: {  	[tilespmem:$0x1FC90] =	vst v2;
	v2 =	vadd.f32 v43, v50;
	v43 =	vld [tilespmem:$0x1EFD0]  }
0x163: {  	v3 =	vmul.f32 v56, v5;
	v56 =	vld [tilespmem:$0x370]  }
0x164: {  	v1 =	vadd.f32 v1, v63;
	v63 =	vld [tilespmem:$0x380]  }
0x165: {  	v5 =	vmul.f32 v18, v6;
	v18 =	vld [tilespmem:$0x1EF90]  }
0x166: {  	v0 =	vadd.f32 v4, v0;
	v4 =	vmul.f32 v17, v46;
	v17 =	vld [tilespmem:$0x1EF80]  }
0x167: {  	[tilespmem:$0x1F980] =	vst v45;
	v45 =	vadd.f32 v5, v1;
	v5 =	vmul.f32 v20, v7;
	v20 =	vld [tilespmem:$0x1F010]  }
0x168: {  	v3 =	vadd.f32 v3, v23;
	v23 =	vld [tilespmem:$0x1EFB0]  }
0x169: {  	v6 =	vmul.f32 v25, v6;
	v25 =	vld [tilespmem:$0x1EFC0]  }
0x16a: {  	v1 =	vmul.f32 v49, v40;
	v49 =	vld [tilespmem:$0x1E50]  }
0x16b: {  	v50 =	vadd.f32 v6, v3;
	v6 =	vld [tilespmem:$0x1EF70]  }
0x16c: {  	v0 =	vadd.f32 v4, v0;
	v3 =	vmul.f32 v58, v40;
	v40 =	vld [tilespmem:$0x3A0]  }
0x16d: {  	v58 =	vmul.f32 v55, v46;
	v55 =	vld [tilespmem:$0x1F050]  }
0x16e: {  	[tilespmem:$0x1FCE0] =	vst v0;
	v0 =	vadd.f32 v1, v45;
	v45 =	vld [tilespmem:$0x1EFE0]  }
0x16f: {  	[tilespmem:$0x1FD10] =	vst v2;
	v2 =	vadd.f32 v3, v50;
	v50 =	vld [tilespmem:$0x1EFF0]  }
0x170: {  	v3 =	vmul.f32 v18, v28;
	v18 =	vld [tilespmem:$0x1ED0]  }
0x171: {  	v4 =	vmul.f32 v17, v7;
	v17 =	vld [tilespmem:$0x1F070]  }
0x172: {  	[tilespmem:$0x1F9D0] =	vst v49;
	v49 =	vld [tilespmem:$0x1F040]  }
0x173: {  	v2 =	vadd.f32 v3, v2;
	v3 =	vadd.f32 v5, v43;
	v43 =	vld [tilespmem:$0x1F030]  }
0x174: {  	v1 =	vmul.f32 v6, v28;
	v28 =	vld [tilespmem:$0x3B0]  }
0x175: {  	v5 =	vmul.f32 v45, v8;
	v45 =	vld [tilespmem:$0x1FD0]  }
0x176: {  	[tilespmem:$0x1F9F0] =	vst v39;
	v39 =	vadd.f32 v58, v2;
	v58 =	vld [tilespmem:$0x1F060]  }
0x177: {  	v0 =	vadd.f32 v1, v0;
	v1 =	vadd.f32 v4, v23;
	v23 =	vld [tilespmem:$0x1F020]  }
0x178: {  	v4 =	vmul.f32 v25, v8;
	v25 =	vld [tilespmem:$0x1F50]  }
0x179: {  	v6 =	vmul.f32 v50, v46;
	v50 =	vld [tilespmem:$0x2050]  }
0x17a: {  	[tilespmem:$0x1FA10] =	vst v18;
	v18 =	vld [tilespmem:$0x2FE0]  }
0x17b: {  	[tilespmem:$0x1FD50] =	vst v39;
	v39 =	vld [tilespmem:$0x1E60];
	v0 =	vadd.f32 v6, v0  }
0x17c: {  	v1 =	vadd.f32 v4, v1;
	v4 =	vmul.f32 v20, v42;
	v20 =	vld [tilespmem:$0x1F080]  }
0x17d: {  	[tilespmem:$0x1FD30] =	vst v0;
	v0 =	vmul.f32 v43, v7;
	v43 =	vld [tilespmem:$0x1F0B0]  }
0x17e: {  	[tilespmem:$0x1FA70] =	vst v45;
	v45 =	vld [tilespmem:$0x1EE0]  }
0x17f: {  	v1 =	vadd.f32 v4, v1;
	v4 =	vmul.f32 v58, v31;
	v58 =	vld [tilespmem:$0x1FE0]  }
0x180: {  	v3 =	vadd.f32 v5, v3;
	v5 =	vmul.f32 v23, v42;
	v23 =	vld [tilespmem:$0x1F090]  }
0x181: {  	[tilespmem:$0x1FA50] =	vst v25;
	v25 =	vld [tilespmem:$0x1F0A0]  }
0x182: {  	[tilespmem:$0x1FAF0] =	vst v50;
	v50 =	vld [tilespmem:$0x1F0D0]  }
0x183: {  	[tilespmem:$0x1FA30] =	vst v18;
	v18 =	vld [tilespmem:$0x1F100]  }
0x184: {  	v0 =	vadd.f32 v0, v55;
	v55 =	vld [tilespmem:$0x1F0E0]  }
0x185: {  	v46 =	vadd.f32 v5, v3;
	v3 =	vmul.f32 v49, v7;
	v49 =	vld [tilespmem:$0x1F60]  }
0x186: {  	v5 =	vmul.f32 v17, v8;
	v17 =	vld [tilespmem:$0x1F0F0]  }
0x187: {  	v3 =	vadd.f32 v3, v20;
	v20 =	vld [tilespmem:$0x2060]  }
0x188: {  	v1 =	vadd.f32 v4, v1;
	v4 =	vmul.f32 v43, v42;
	v43 =	vld [tilespmem:$0x1E70]  }
0x189: {  	[tilespmem:$0x1FA40] =	vst v45;
	v45 =	vld [tilespmem:$0x1F130]  }
0x18a: {  	v0 =	vadd.f32 v5, v0;
	[tilespmem:$0x1FAA0] =	vst v58;
	v58 =	vld [tilespmem:$0x1F170]  }
0x18b: {  	v7 =	vmul.f32 v25, v31;
	v25 =	vld [tilespmem:$0x1F110]  }
0x18c: {  	v6 =	vmul.f32 v23, v8;
	v0 =	vadd.f32 v4, v0;
	v4 =	vmul.f32 v50, v11;
	v50 =	vld [tilespmem:$0x1EF0]  }
0x18d: {  	v2 =	vadd.f32 v7, v46;
	v46 =	vld [tilespmem:$0x1F0C0]  }
0x18e: {  	v3 =	vadd.f32 v6, v3;
	[tilespmem:$0x1FA60] =	vst v49;
	v6 =	vmul.f32 v55, v11;
	v49 =	vld [tilespmem:$0x1F150]  }
0x18f: {  	v55 =	vld [tilespmem:$0x1F160]  }
0x190: {  	[tilespmem:$0x1FB00] =	vst v20;
	v23 =	vadd.f32 v6, v2;
	v20 =	vld [tilespmem:$0x1F190]  }
0x191: {  	[tilespmem:$0x1FA80] =	vst v43;
	v43 =	vld [tilespmem:$0x1F1C0]  }
0x192: {  	v1 =	vadd.f32 v4, v1;
	[tilespmem:$0x1FDA0] =	vst v23;
	v23 =	vld [tilespmem:$0x1FF0]  }
0x193: {  	[tilespmem:$0x1FAC0] =	vst v50;
	v50 =	vld [tilespmem:$0x1E80]  }
0x194: {  	[tilespmem:$0x1FD60] =	vst v1;
	v1 =	vmul.f32 v25, v9;
	v5 =	vmul.f32 v46, v42;
	v42 =	vld [tilespmem:$0x1F120]  }
0x195: {  	v46 =	vld [tilespmem:$0x1F140]  }
0x196: {  	v1 =	vadd.f32 v1, v45;
	v45 =	vld [tilespmem:$0x3000]  }
0x197: {  	v7 =	vmul.f32 v18, v31;
	v3 =	vadd.f32 v5, v3;
	v5 =	vmul.f32 v17, v31;
	v31 =	vld [tilespmem:$0x2FF0]  }
0x198: {  	[tilespmem:$0x1F9E0] =	vst v39;
	v17 =	vld [tilespmem:$0x1F70]  }
0x199: {  	v6 =	vmul.f32 v55, v11;
	v55 =	vld [tilespmem:$0x1F1F0];
	v39 =	vadd.f32 v7, v3;
	[tilespmem:$0x1FB40] =	vst v23  }
0x19a: {  	v0 =	vadd.f32 v5, v0;
	v5 =	vmul.f32 v49, v10;
	v49 =	vld [tilespmem:$0x1F1E0];
	[tilespmem:$0x1FA90] =	vst v50  }
0x19b: {  	v4 =	vmul.f32 v46, v11;
	[tilespmem:$0x1FAD0] =	vst v45;
	v2 =	vadd.f32 v6, v39;
	v39 =	vld [tilespmem:$0x2070]  }
0x19c: {  	v11 =	vld [tilespmem:$0x1F180];
	[tilespmem:$0x1FAB0] =	vst v31  }
0x19d: {  	v3 =	vmul.f32 v42, v9;
	v42 =	vld [tilespmem:$0x1F1B0];
	[tilespmem:$0x1FB10] =	vst v17;
	v0 =	vadd.f32 v4, v0  }
0x19e: {  	v46 =	vld [tilespmem:$0x1F1D0];
	[tilespmem:$0x1FDE0] =	vst v2  }
0x19f: {  	v31 =	vld [tilespmem:$0x1F1A0];
	[tilespmem:$0x1FDC0] =	vst v0  }
0x1a0: {  	v3 =	vadd.f32 v3, v58;
	v58 =	vld [tilespmem:$0x1F200];
	[tilespmem:$0x1FB90] =	vst v39  }
0x1a1: {  	v6 =	vld [tilespmem:$0x1F00]  }
0x1a2: {  	v8 =	vld [tilespmem:$0x1F210]  }
0x1a3: {  	v18 =	vadd.f32 v5, v1;
	v1 =	vmul.f32 v20, v12;
	v7 =	vmul.f32 v11, v10;
	v11 =	vld [tilespmem:$0x1F80]  }
0x1a4: {  	v17 =	vld [tilespmem:$0x1F230]  }
0x1a5: {  	v0 =	vadd.f32 v1, v18;
	v18 =	vld [tilespmem:$0x1F240]  }
0x1a6: {  	v20 =	vld [tilespmem:$0x2000]  }
0x1a7: {  	v23 =	vld [tilespmem:$0x1F250]  }
0x1a8: {  	v25 =	vadd.f32 v7, v3;
	v3 =	vmul.f32 v31, v12;
	v31 =	vld [tilespmem:$0x2080]  }
0x1a9: {  	v1 =	vmul.f32 v42, v14;
	v42 =	vld [tilespmem:$0x1F270]  }
0x1aa: {  	v4 =	vmul.f32 v43, v9;
	v45 =	vld [tilespmem:$0x1F280]  }
0x1ab: {  	v5 =	vmul.f32 v49, v14;
	v49 =	vld [tilespmem:$0x1F290]  }
0x1ac: {  	v0 =	vadd.f32 v1, v0;
	v1 =	vadd.f32 v4, v55;
	v55 =	vld [tilespmem:$0x1F2A0]  }
0x1ad: {  	v4 =	vmul.f32 v58, v10;
	v2 =	vadd.f32 v3, v25;
	v3 =	vmul.f32 v46, v9;
	v9 =	vld [tilespmem:$0x1F220]  }
0x1ae: {  	v25 =	vld [tilespmem:$0x1F260]  }
0x1af: {  	v1 =	vadd.f32 v4, v1;
	v4 =	vmul.f32 v17, v16;
	v17 =	vld [tilespmem:$0x3C0]  }
0x1b0: {  	[tilespmem:$0x1FAE0] =	vst v6;
	v6 =	vmul.f32 v18, v16;
	v18 =	vld [tilespmem:$0x3D0]  }
0x1b1: {  	[tilespmem:$0x1FB20] =	vst v11;
	v11 =	vld [tilespmem:$0x1F2B0]  }
0x1b2: {  	[tilespmem:$0x1FB60] =	vst v20;
	v20 =	vld [tilespmem:$0x3E0]  }
0x1b3: {  	v43 =	vmul.f32 v42, v13;
	v58 =	vmul.f32 v55, v14;
	v55 =	vld [tilespmem:$0x1F300]  }
0x1b4: {  	v2 =	vadd.f32 v5, v2;
	v7 =	vmul.f32 v25, v12;
	v25 =	vld [tilespmem:$0x1F2C0]  }
0x1b5: {  	v50 =	vadd.f32 v43, v49;
	v43 =	vld [tilespmem:$0x1F2E0]  }
0x1b6: {  	v5 =	vmul.f32 v9, v10;
	v39 =	vadd.f32 v6, v2;
	v10 =	vld [tilespmem:$0x1F6F0]  }
0x1b7: {  	v3 =	vadd.f32 v3, v8;
	v2 =	vmul.f32 v41, v29;
	v41 =	vld [tilespmem:$0x2650]  }
0x1b8: {  	v0 =	vadd.f32 v4, v0;
	[tilespmem:$0x1FE20] =	vst v39;
	v39 =	vld [tilespmem:$0x1F2D0]  }
0x1b9: {  	v3 =	vadd.f32 v5, v3;
	v5 =	vmul.f32 v23, v12;
	v23 =	vld [tilespmem:$0x3F0]  }
0x1ba: {  	[tilespmem:$0x1FDF0] =	vst v0;
	v0 =	vld [tilespmem:$0x2160]  }
0x1bb: {  	v12 =	vmul.f32 v11, v15;
	v11 =	vld [tilespmem:$0x1F4A0]  }
0x1bc: {  	v4 =	vadd.f32 v5, v1;
	v5 =	vadd.f32 v7, v3;
	v3 =	vld [tilespmem:$0x3010]  }
0x1bd: {  	v1 =	vld [tilespmem:$0x21E0]  }
0x1be: {  	[tilespmem:$0x1FBA0] =	vst v31;
	v46 =	vmul.f32 v45, v13;
	v31 =	vmul.f32 v25, v14;
	v25 =	vld [tilespmem:$0x400]  }
0x1bf: {  	v7 =	vadd.f32 v58, v4;
	v4 =	vld [tilespmem:$0x2150]  }
0x1c0: {  	v42 =	vadd.f32 v46, v39;
	v46 =	vld [tilespmem:$0x1F2F0]  }
0x1c1: {  	v45 =	vmul.f32 v43, v15;
	v5 =	vadd.f32 v31, v5;
	v31 =	vld [tilespmem:$0x1F310]  }
0x1c2: {  	v58 =	vmul.f32 v55, v62;
	v55 =	vld [tilespmem:$0x1F340]  }
0x1c3: {  	v6 =	vadd.f32 v12, v50;
	v50 =	vadd.f32 v45, v42;
	v42 =	vld [tilespmem:$0x1F320]  }
0x1c4: {  	v45 =	vld [tilespmem:$0x20D0]  }
0x1c5: {  	[tilespmem:$0x1FB50] =	vst v4;
	v4 =	vld [tilespmem:$0x2250]  }
0x1c6: {  	v49 =	vmul.f32 v46, v62;
	v39 =	vmul.f32 v31, v16;
	v31 =	vld [tilespmem:$0x1F350]  }
0x1c7: {  	v46 =	vadd.f32 v58, v50;
	v58 =	vmul.f32 v55, v60;
	v55 =	vld [tilespmem:$0x1F390]  }
0x1c8: {  	v6 =	vadd.f32 v49, v6;
	v49 =	vld [tilespmem:$0x1F330]  }
0x1c9: {  	v43 =	vmul.f32 v42, v16;
	v42 =	vld [tilespmem:$0x21D0]  }
0x1ca: {  	v14 =	vadd.f32 v39, v7;
	v7 =	vadd.f32 v58, v46;
	v46 =	vld [tilespmem:$0x1F370]  }
0x1cb: {  	v16 =	vadd.f32 v43, v5;
	v43 =	vld [tilespmem:$0x1F360]  }
0x1cc: {  	[tilespmem:$0x1FE40] =	vst v14;
	v14 =	vld [tilespmem:$0x1F3E0]  }
0x1cd: {  	v39 =	vmul.f32 v31, v13;
	v31 =	vld [tilespmem:$0x1F3A0]  }
0x1ce: {  	[tilespmem:$0x1FE50] =	vst v16;
	v16 =	vld [tilespmem:$0x22D0]  }
0x1cf: {  	v50 =	vmul.f32 v49, v60;
	v49 =	vld [tilespmem:$0x1F380]  }
0x1d0: {  	v5 =	vadd.f32 v39, v46;
	v39 =	vld [tilespmem:$0x1F3B0]  }
0x1d1: {  	v46 =	vld [tilespmem:$0x3020]  }
0x1d2: {  	v58 =	vmul.f32 v55, v15;
	v55 =	vld [tilespmem:$0x1F3D0]  }
0x1d3: {  	[tilespmem:$0x1FB30] =	vst v45;
	v45 =	vmul.f32 v43, v13;
	v43 =	vld [tilespmem:$0x1F3C0]  }
0x1d4: {  	[tilespmem:$0x1FBD0] =	vst v16;
	v16 =	vld [tilespmem:$0x1F3F0]  }
0x1d5: {  	[tilespmem:$0x1FB80] =	vst v42;
	v42 =	vmul.f32 v39, v15;
	v39 =	vld [tilespmem:$0x1F400]  }
0x1d6: {  	v6 =	vadd.f32 v50, v6;
	v50 =	vmul.f32 v49, v22;
	[tilespmem:$0x1FB70] =	vst v46;
	v46 =	vld [tilespmem:$0x1F420]  }
0x1d7: {  	v8 =	vadd.f32 v45, v31;
	v15 =	vmul.f32 v14, v62;
	v14 =	vmul.f32 v11, v61;
	v11 =	vld [tilespmem:$0x1F910]  }
0x1d8: {  	v49 =	vadd.f32 v50, v6;
	v50 =	vadd.f32 v58, v5;
	v58 =	vmul.f32 v55, v62;
	v5 =	vld [tilespmem:$0x20E0]  }
0x1d9: {  	v45 =	vmul.f32 v43, v22;
	v43 =	vld [tilespmem:$0x1F410]  }
0x1da: {  	v13 =	vadd.f32 v42, v8;
	v6 =	vadd.f32 v58, v50;
	v50 =	vld [tilespmem:$0x1F430]  }
0x1db: {  	v58 =	vld [tilespmem:$0x1F440]  }
0x1dc: {  	v12 =	vadd.f32 v45, v7;
	v7 =	vadd.f32 v15, v13;
	v15 =	vld [tilespmem:$0x22E0]  }
0x1dd: {  	v31 =	vmul.f32 v16, v60;
	v16 =	vld [tilespmem:$0x1F450]  }
0x1de: {  	v13 =	vld [tilespmem:$0x450]  }
0x1df: {  	v42 =	vmul.f32 v39, v19;
	v39 =	vld [tilespmem:$0x1F460]  }
0x1e0: {  	[tilespmem:$0x1FE80] =	vst v12;
	v12 =	vld [tilespmem:$0x1F680]  }
0x1e1: {  	v45 =	vmul.f32 v43, v60;
	v60 =	vld [tilespmem:$0x2260]  }
0x1e2: {  	[tilespmem:$0x1FE60] =	vst v49;
	v49 =	vmul.f32 v46, v19;
	v43 =	vld [tilespmem:$0x3030]  }
0x1e3: {  	v7 =	vadd.f32 v45, v7;
	v45 =	vld [tilespmem:$0x1F470]  }
0x1e4: {  	v6 =	vadd.f32 v31, v6;
	v31 =	vadd.f32 v49, v16;
	v49 =	vld [tilespmem:$0x1F480]  }
0x1e5: {  	v55 =	vadd.f32 v42, v50;
	v62 =	vmul.f32 v58, v21;
	v58 =	vld [tilespmem:$0x1F490]  }
0x1e6: {  	[tilespmem:$0x1FC10] =	vst v15;
	v15 =	vld [tilespmem:$0x2170];
	v42 =	vmul.f32 v39, v21  }
0x1e7: {  	v9 =	vadd.f32 v62, v55;
	v55 =	vld [tilespmem:$0x20F0]  }
0x1e8: {  	v8 =	vadd.f32 v42, v31;
	v31 =	vld [tilespmem:$0x1F4B0]  }
0x1e9: {  	v42 =	vld [tilespmem:$0x21F0]  }
0x1ea: {  	v62 =	vmul.f32 v58, v61;
	v58 =	vld [tilespmem:$0x1F4E0]  }
0x1eb: {  	[tilespmem:$0x1FBE0] =	vst v15;
	v15 =	vld [tilespmem:$0x1F4F0]  }
0x1ec: {  	v46 =	vmul.f32 v45, v22;
	v45 =	vld [tilespmem:$0x1F520]  }
0x1ed: {  	v50 =	vmul.f32 v49, v22;
	v8 =	vadd.f32 v14, v8;
	v14 =	vld [tilespmem:$0x2180]  }
0x1ee: {  	v16 =	vadd.f32 v46, v6;
	v46 =	vld [tilespmem:$0x1F4C0]  }
0x1ef: {  	v22 =	vadd.f32 v50, v7;
	v50 =	vld [tilespmem:$0x2270]  }
0x1f0: {  	[tilespmem:$0x1FBB0] =	vst v55;
	v55 =	vld [tilespmem:$0x1F4D0]  }
0x1f1: {  	v39 =	vmul.f32 v31, v19;
	v31 =	vld [tilespmem:$0x1F510]  }
0x1f2: {  	[tilespmem:$0x1FEB0] =	vst v22;
	v22 =	vld [tilespmem:$0x1F500]  }
0x1f3: {  	[tilespmem:$0x1FBC0] =	vst v43;
	v43 =	vadd.f32 v62, v9;
	v62 =	vmul.f32 v58, v59;
	v58 =	vld [tilespmem:$0x1F540]  }
0x1f4: {  	[tilespmem:$0x1FEA0] =	vst v16;
	v16 =	vmul.f32 v15, v21;
	v15 =	vld [tilespmem:$0x1F550]  }
0x1f5: {  	v49 =	vmul.f32 v46, v19;
	v19 =	vld [tilespmem:$0x22F0]  }
0x1f6: {  	[tilespmem:$0x1FC60] =	vst v50;
	v50 =	vld [tilespmem:$0x1F530]  }
0x1f7: {  	v7 =	vadd.f32 v62, v43;
	v43 =	vld [tilespmem:$0x1F580]  }
0x1f8: {  	v6 =	vadd.f32 v39, v55;
	v39 =	vmul.f32 v31, v21;
	v31 =	vld [tilespmem:$0x1F570]  }
0x1f9: {  	v46 =	vmul.f32 v45, v59;
	v9 =	vadd.f32 v49, v22;
	v49 =	vld [tilespmem:$0x3040]  }
0x1fa: {  	v22 =	vld [tilespmem:$0x2200]  }
0x1fb: {  	v8 =	vadd.f32 v46, v8;
	v46 =	vld [tilespmem:$0x2280]  }
0x1fc: {  	v6 =	vadd.f32 v16, v6;
	v16 =	vmul.f32 v15, v51;
	v15 =	vld [tilespmem:$0x1F5B0]  }
0x1fd: {  	[tilespmem:$0x1FCF0] =	vst v19;
	v19 =	vld [tilespmem:$0x1F560]  }
0x1fe: {  	v62 =	vmul.f32 v58, v61;
	v55 =	vmul.f32 v50, v61;
	v61 =	vld [tilespmem:$0x1F5A0]  }
0x1ff: {  	v9 =	vadd.f32 v39, v9;
	v45 =	vmul.f32 v43, v59;
	v39 =	vmul.f32 v31, v59;
	v59 =	vld [tilespmem:$0x2300]  }
0x200: {  	v6 =	vadd.f32 v55, v6;
	v55 =	vld [tilespmem:$0x1F590]  }
0x201: {  	[tilespmem:$0x1FBF0] =	vst v49;
	v49 =	vadd.f32 v16, v7;
	v16 =	vld [tilespmem:$0x1F5C0]  }
0x202: {  	[tilespmem:$0x1FC40] =	vst v22;
	v22 =	vld [tilespmem:$0x1F5D0]  }
0x203: {  	v9 =	vadd.f32 v62, v9;
	[tilespmem:$0x1FC80] =	vst v46;
	v46 =	vld [tilespmem:$0x1F600];
	v21 =	vmul.f32 v19, v51  }
0x204: {  	v6 =	vadd.f32 v39, v6;
	v39 =	vld [tilespmem:$0x1F5E0]  }
0x205: {  	v50 =	vadd.f32 v21, v8;
	v8 =	vadd.f32 v45, v9;
	v45 =	vld [tilespmem:$0x1F5F0]  }
0x206: {  	v21 =	vmul.f32 v16, v51;
	v16 =	vld [tilespmem:$0x1F620]  }
0x207: {  	v58 =	vmul.f32 v55, v26;
	v31 =	vmul.f32 v22, v52;
	v22 =	vld [tilespmem:$0x1F630]  }
0x208: {  	[tilespmem:$0x1FEC0] =	vst v49;
	v49 =	vmul.f32 v46, v52;
	v46 =	vld [tilespmem:$0x3050]  }
0x209: {  	v7 =	vadd.f32 v58, v15;
	v58 =	vld [tilespmem:$0x1F610]  }
0x20a: {  	v62 =	vmul.f32 v61, v26;
	v43 =	vmul.f32 v39, v51;
	v39 =	vld [tilespmem:$0x1F640]  }
0x20b: {  	v51 =	vadd.f32 v21, v6;
	v21 =	vmul.f32 v16, v44;
	v16 =	vld [tilespmem:$0x23D0]  }
0x20c: {  	v55 =	vadd.f32 v31, v7;
	v9 =	vadd.f32 v62, v45;
	v31 =	vmul.f32 v22, v30;
	v22 =	vld [tilespmem:$0x1F6A0]  }
0x20d: {  	[tilespmem:$0x1FCA0] =	vst v46;
	v46 =	vld [tilespmem:$0x1F6C0]  }
0x20e: {  	[tilespmem:$0x1FD00] =	vst v59;
	v59 =	vmul.f32 v58, v44;
	v62 =	vadd.f32 v49, v9;
	v49 =	vld [tilespmem:$0x1F650]  }
0x20f: {  	v61 =	vadd.f32 v43, v8;
	v43 =	vmul.f32 v39, v26;
	v39 =	vld [tilespmem:$0x1F6B0]  }
0x210: {  	v6 =	vadd.f32 v59, v55;
	v55 =	vld [tilespmem:$0x1F660]  }
0x211: {  	v8 =	vadd.f32 v21, v62;
	v21 =	vld [tilespmem:$0x1F690]  }
0x212: {  	v59 =	vld [tilespmem:$0x1F670]  }
0x213: {  	[tilespmem:$0x1FCB0] =	vst v16;
	v16 =	vld [tilespmem:$0x3060]  }
0x214: {  	[tilespmem:$0x1FEE0] =	vst v51;
	v6 =	vadd.f32 v31, v6;
	v31 =	vld [tilespmem:$0x2450];
	v51 =	vmul.f32 v49, v26  }
0x215: {  	[tilespmem:$0x1FC00] =	vst v14;
	v14 =	vmul.f32 v12, v52;
	v26 =	vmul.f32 v22, v52;
	v52 =	vld [tilespmem:$0x1F6D0]  }
0x216: {  	v58 =	vmul.f32 v55, v30;
	v9 =	vadd.f32 v51, v21;
	v51 =	vld [tilespmem:$0x24D0]  }
0x217: {  	v62 =	vadd.f32 v43, v59;
	v21 =	vld [tilespmem:$0x1F700]  }
0x218: {  	v8 =	vadd.f32 v58, v8;
	v58 =	vld [tilespmem:$0x1F6E0]  }
0x219: {  	v7 =	vadd.f32 v14, v62;
	v62 =	vld [tilespmem:$0x2550]  }
0x21a: {  	v9 =	vadd.f32 v26, v9;
	v26 =	vld [tilespmem:$0x1F710]  }
0x21b: {  	[tilespmem:$0x1FD20] =	vst v31;
	v31 =	vld [tilespmem:$0x1F720]  }
0x21c: {  	v14 =	vld [tilespmem:$0x1F760]  }
0x21d: {  	v22 =	vmul.f32 v21, v27;
	v21 =	vld [tilespmem:$0x1F770]  }
0x21e: {  	v43 =	vmul.f32 v39, v34;
	[tilespmem:$0x1FD80] =	vst v51;
	v51 =	vld [tilespmem:$0x1F7A0]  }
0x21f: {  	v55 =	vmul.f32 v52, v44;
	v59 =	vmul.f32 v58, v44;
	v44 =	vld [tilespmem:$0x1F730]  }
0x220: {  	v12 =	vmul.f32 v10, v27;
	v6 =	vadd.f32 v43, v6;
	v58 =	vld [tilespmem:$0x1F740]  }
0x221: {  	v49 =	vmul.f32 v46, v34;
	[tilespmem:$0x1FE00] =	vst v62;
	v62 =	vld [tilespmem:$0x1F750]  }
0x222: {  	[tilespmem:$0x1FF00] =	vst v6;
	v6 =	vadd.f32 v12, v26;
	v26 =	vld [tilespmem:$0x24E0]  }
0x223: {  	[tilespmem:$0x1FCD0] =	vst v16;
	v8 =	vadd.f32 v49, v8;
	v16 =	vmul.f32 v14, v32;
	v14 =	vld [tilespmem:$0x1F810]  }
0x224: {  	v7 =	vadd.f32 v55, v7;
	v12 =	vld [tilespmem:$0x1F860]  }
0x225: {  	[tilespmem:$0x1FF20] =	vst v8;
	v39 =	vmul.f32 v31, v30;
	v8 =	vadd.f32 v59, v9;
	v59 =	vmul.f32 v58, v30;
	v30 =	vld [tilespmem:$0x1F780]  }
0x226: {  	v46 =	vmul.f32 v44, v32;
	v44 =	vld [tilespmem:$0x1F790]  }
0x227: {  	v7 =	vadd.f32 v39, v7;
	v39 =	vld [tilespmem:$0x2560]  }
0x228: {  	v9 =	vadd.f32 v22, v62;
	v22 =	vmul.f32 v21, v35;
	v58 =	vld [tilespmem:$0x3070];
	v6 =	vadd.f32 v46, v6  }
0x229: {  	v8 =	vadd.f32 v59, v8;
	v59 =	vld [tilespmem:$0x1F7B0]  }
0x22a: {  	v9 =	vadd.f32 v16, v9;
	v6 =	vadd.f32 v22, v6;
	v22 =	vld [tilespmem:$0x2370];
	v31 =	vmul.f32 v30, v35  }
0x22b: {  	v16 =	vld [tilespmem:$0x1F7C0];
	v46 =	vmul.f32 v44, v34  }
0x22c: {  	v9 =	vadd.f32 v31, v9;
	v31 =	vld [tilespmem:$0x1F7D0]  }
0x22d: {  	[tilespmem:$0x1FDB0] =	vst v26;
	v26 =	vadd.f32 v46, v7;
	v46 =	vld [tilespmem:$0x1F7E0]  }
0x22e: {  	v62 =	vmul.f32 v59, v36;
	v59 =	vld [tilespmem:$0x1F800]  }
0x22f: {  	[tilespmem:$0x1FD40] =	vst v22;
	v22 =	vld [tilespmem:$0x1F820]  }
0x230: {  	v52 =	vmul.f32 v51, v34;
	[tilespmem:$0x1FF30] =	vst v26;
	v26 =	vld [tilespmem:$0x1F830]  }
0x231: {  	[tilespmem:$0x1FD70] =	vst v58;
	v58 =	vld [tilespmem:$0x1F7F0]  }
0x232: {  	[tilespmem:$0x1FE10] =	vst v39;
	v39 =	vld [tilespmem:$0x23F0];
	v30 =	vadd.f32 v52, v8;
	v21 =	vmul.f32 v16, v36  }
0x233: {  	v52 =	vld [tilespmem:$0x2470];
	v51 =	vmul.f32 v46, v27  }
0x234: {  	[tilespmem:$0x1FF40] =	vst v30;
	v30 =	vld [tilespmem:$0x1F840];
	v6 =	vadd.f32 v62, v6;
	v44 =	vadd.f32 v21, v9;
	v34 =	vmul.f32 v31, v27  }
0x235: {  	v21 =	vld [tilespmem:$0x24F0];
	v62 =	vmul.f32 v59, v37;
	v9 =	vadd.f32 v51, v22;
	v27 =	vmul.f32 v26, v32  }
0x236: {  	v16 =	vmul.f32 v14, v32;
	v7 =	vadd.f32 v34, v58;
	v32 =	vld [tilespmem:$0x2570]  }
0x237: {  	v34 =	vadd.f32 v62, v6;
	v62 =	vadd.f32 v27, v9;
	v27 =	vld [tilespmem:$0x1F890]  }
0x238: {  	[tilespmem:$0x1FD90] =	vst v39;
	v39 =	vadd.f32 v16, v7;
	v16 =	vld [tilespmem:$0x1F870]  }
0x239: {  	v31 =	vmul.f32 v30, v37;
	v51 =	vld [tilespmem:$0x1F850]  }
0x23a: {  	v14 =	vmul.f32 v12, v35;
	v22 =	vld [tilespmem:$0x1F880]  }
0x23b: {  	v59 =	vadd.f32 v31, v44;
	v31 =	vld [tilespmem:$0x1F8A0]  }
0x23c: {  	[tilespmem:$0x1FF50] =	vst v34;
	v34 =	vld [tilespmem:$0x1F8B0];
	v8 =	vadd.f32 v14, v62;
	v30 =	vmul.f32 v27, v36  }
0x23d: {  	[tilespmem:$0x1FE30] =	vst v21;
	v21 =	vmul.f32 v16, v36;
	v36 =	vld [tilespmem:$0x1F8C0]  }
0x23e: {  	v8 =	vadd.f32 v30, v8;
	v30 =	vld [tilespmem:$0x1F8F0]  }
0x23f: {  	[tilespmem:$0x1FDD0] =	vst v52;
	v52 =	vmul.f32 v51, v35;
	v16 =	vld [tilespmem:$0x1F8D0]  }
0x240: {  	v26 =	vmul.f32 v22, v24;
	v22 =	vld [tilespmem:$0x1F8E0]  }
0x241: {  	v44 =	vld [tilespmem:$0x1F900];
	v6 =	vadd.f32 v52, v39  }
0x242: {  	[tilespmem:$0x1FE70] =	vst v32;
	v32 =	vmul.f32 v31, v24;
	v35 =	vadd.f32 v26, v34;
	v27 =	vld [tilespmem:$0x2580];
	v39 =	vmul.f32 v36, v38  }
0x243: {  	v6 =	vadd.f32 v21, v6;
	v31 =	vmul.f32 v30, v37;
	v30 =	vld [tilespmem:$0x1F930]  }
0x244: {  	v14 =	vld [tilespmem:$0x1F960];
	v21 =	vadd.f32 v32, v16;
	v16 =	vmul.f32 v11, v29;
	v7 =	vadd.f32 v39, v35  }
0x245: {  	v26 =	vmul.f32 v22, v38;
	v39 =	vld [tilespmem:$0x1F950]  }
0x246: {  	v51 =	vmul.f32 v44, v37;
	v44 =	vmul.f32 v48, v53;
	v32 =	vld [tilespmem:$0x1F940];
	v7 =	vadd.f32 v16, v7  }
0x247: {  	v9 =	vadd.f32 v26, v21;
	v21 =	vld [tilespmem:$0x1F920];
	v26 =	vadd.f32 v31, v6  }
0x248: {  	[tilespmem:$0x1FE90] =	vst v27;
	v7 =	vadd.f32 v44, v7;
	v44 =	vld [tilespmem:$0x1F9A0];
	v31 =	vmul.f32 v30, v24  }
0x249: {  	v27 =	vadd.f32 v51, v8;
	[tilespmem:$0x1FF70] =	vst v26;
	v26 =	vld [tilespmem:$0x1F970]  }
0x24a: {  	v6 =	vadd.f32 v31, v39;
	v31 =	vld [tilespmem:$0x1F990]  }
0x24b: {  	[tilespmem:$0x1FF80] =	vst v27;
	v27 =	vld [tilespmem:$0x1F980]  }
0x24c: {  	[tilespmem:$0x1FC20] =	vst v42;
	v42 =	vld [tilespmem:$0x2100];
	v36 =	vmul.f32 v32, v24  }
0x24d: {  	v22 =	vmul.f32 v21, v29;
	v48 =	vmul.f32 v44, v29;
	v29 =	vld [tilespmem:$0x1F9C0]  }
0x24e: {  	v19 =	vld [tilespmem:$0x410];
	v16 =	vmul.f32 v14, v38  }
0x24f: {  	v8 =	vadd.f32 v22, v9;
	v9 =	vadd.f32 v36, v26;
	v26 =	vld [tilespmem:$0x1F9B0];
	v32 =	vmul.f32 v31, v53  }
0x250: {  	v30 =	vmul.f32 v27, v38;
	v22 =	vmul.f32 v57, v33;
	v36 =	vld [tilespmem:$0x1F9D0]  }
0x251: {  	v6 =	vadd.f32 v16, v6;
	v16 =	vmul.f32 v47, v33;
	v47 =	vld [tilespmem:$0x1F9E0];
	v8 =	vadd.f32 v32, v8  }
0x252: {  	v9 =	vadd.f32 v30, v9;
	v30 =	vmul.f32 v29, v53;
	v29 =	vld [tilespmem:$0x1FA10]  }
0x253: {  	v32 =	vadd.f32 v22, v8;
	v22 =	vld [tilespmem:$0x1F9F0]  }
0x254: {  	[tilespmem:$0x1FED0] =	vst v50;
	v50 =	vld [tilespmem:$0x420]  }
0x255: {  	v38 =	vmul.f32 v36, v56;
	v36 =	vld [tilespmem:$0x1FA30]  }
0x256: {  	v15 =	vld [tilespmem:$0x440];
	v9 =	vadd.f32 v2, v9  }
0x257: {  	v31 =	vadd.f32 v16, v7;
	v27 =	vmul.f32 v26, v53;
	v53 =	vmul.f32 v47, v56;
	v26 =	vld [tilespmem:$0x1FA00]  }
0x258: {  	v45 =	vld [tilespmem:$0x430];
	v8 =	vadd.f32 v30, v9;
	v30 =	vmul.f32 v29, v63;
	v7 =	vadd.f32 v38, v22  }
0x259: {  	v6 =	vadd.f32 v48, v6;
	[tilespmem:$0x1FFA0] =	vst v32;
	v32 =	vld [tilespmem:$0x1FA20]  }
0x25a: {  	v10 =	vadd.f32 v53, v36;
	v53 =	vadd.f32 v30, v7;
	v7 =	vld [tilespmem:$0x1FA50]  }
0x25b: {  	[tilespmem:$0x1FEF0] =	vst v61;
	v61 =	vld [tilespmem:$0x2350]  }
0x25c: {  	v43 =	vld [tilespmem:$0x2360];
	v6 =	vadd.f32 v27, v6;
	v27 =	vmul.f32 v26, v33  }
0x25d: {  	v49 =	vld [tilespmem:$0x23E0]  }
0x25e: {  	v47 =	vadd.f32 v27, v6;
	v27 =	vld [tilespmem:$0x1FA70];
	v33 =	vmul.f32 v32, v33  }
0x25f: {  	v55 =	vld [tilespmem:$0x2460];
	v12 =	vmul.f32 v7, v54  }
0x260: {  	v14 =	vadd.f32 v33, v8;
	v33 =	vld [tilespmem:$0x1FA80]  }
0x261: {  	v6 =	vadd.f32 v12, v53;
	v53 =	vld [tilespmem:$0x1FA90]  }
0x262: {  	v46 =	vld [tilespmem:$0x2380]  }
0x263: {  	v44 =	vld [tilespmem:$0x27D0];
	v29 =	vmul.f32 v27, v40  }
0x264: {  	v38 =	vld [tilespmem:$0x1FA40]  }
0x265: {  	v6 =	vadd.f32 v29, v6;
	v29 =	vld [tilespmem:$0x1FAB0]  }
0x266: {  	v36 =	vmul.f32 v33, v56;
	v56 =	vmul.f32 v53, v56;
	v53 =	vld [tilespmem:$0x1FAD0]  }
0x267: {  	v22 =	vld [tilespmem:$0x1FA60]  }
0x268: {  	v58 =	vld [tilespmem:$0x3080];
	[tilespmem:$0x1FF60] =	vst v59  }
0x269: {  	v59 =	vld [tilespmem:$0x2480];
	[tilespmem:$0x1FF10] =	vst v44;
	v44 =	vmul.f32 v38, v63  }
0x26a: {  	v33 =	vadd.f32 v36, v29;
	v36 =	vld [tilespmem:$0x1FAC0]  }
0x26b: {  	v16 =	vadd.f32 v44, v10;
	v10 =	vadd.f32 v56, v53;
	v56 =	vld [tilespmem:$0x1FAE0]  }
0x26c: {  	v62 =	vld [tilespmem:$0x2500];
	v26 =	vmul.f32 v22, v54  }
0x26d: {  	v52 =	vld [tilespmem:$0x2400]  }
0x26e: {  	v8 =	vadd.f32 v26, v16;
	v16 =	vld [tilespmem:$0x1FAA0]  }
0x26f: {  	[tilespmem:$0x1FFC0] =	vst v14;
	v14 =	vld [tilespmem:$0x1FB00]  }
0x270: {  	v12 =	vld [tilespmem:$0x1FAF0];
	v44 =	vmul.f32 v36, v63;
	v63 =	vmul.f32 v56, v63  }
0x271: {  	v34 =	vld [tilespmem:$0x460]  }
0x272: {  	v10 =	vadd.f32 v63, v10;
	v63 =	vld [tilespmem:$0x1FB20]  }
0x273: {  	v51 =	vld [tilespmem:$0x3090];
	v22 =	vmul.f32 v16, v40  }
0x274: {  	v11 =	vld [tilespmem:$0x2660]  }
0x275: {  	v37 =	vld [tilespmem:$0x470];
	v16 =	vmul.f32 v12, v28;
	v8 =	vadd.f32 v22, v8;
	v22 =	vmul.f32 v14, v28  }
0x276: {  	v35 =	vld [tilespmem:$0x480]  }
0x277: {  	v14 =	vadd.f32 v16, v6;
	v16 =	vadd.f32 v22, v8;
	v53 =	vld [tilespmem:$0x1FB10];
	v12 =	vmul.f32 v63, v54  }
0x278: {  	v22 =	vld [tilespmem:$0x1FB30]  }
0x279: {  	[tilespmem:$0x1FFE0] =	vst v16;
	v16 =	vadd.f32 v12, v10;
	v10 =	vld [tilespmem:$0x1FB40]  }
0x27a: {  	v24 =	vld [tilespmem:$0x490]  }
0x27b: {  	v21 =	vld [tilespmem:$0x4A0]  }
0x27c: {  	v39 =	vld [tilespmem:$0x25D0];
	v7 =	vadd.f32 v44, v33;
	v56 =	vmul.f32 v53, v54  }
0x27d: {  	v57 =	vld [tilespmem:$0x2750]  }
0x27e: {  	v48 =	vld [tilespmem:$0x26D0];
	v33 =	vmul.f32 v22, v17;
	v8 =	vadd.f32 v56, v7;
	v26 =	vmul.f32 v10, v40  }
0x27f: {  	v54 =	vmul.f32 v5, v17;
	v5 =	vld [tilespmem:$0x1FB70]  }
0x280: {  	v6 =	vadd.f32 v33, v3;
	v3 =	vadd.f32 v26, v8;
	v8 =	vld [tilespmem:$0x1FB80]  }
0x281: {  	[tilespmem:$0x1FF90] =	vst v31;
	v31 =	vld [tilespmem:$0x30A0]  }
0x282: {  	v27 =	vld [tilespmem:$0x25F0]  }
0x283: {  	v56 =	vld [tilespmem:$0x1FB60]  }
0x284: {  	v53 =	vadd.f32 v54, v5;
	v5 =	vld [tilespmem:$0x1FB90]  }
0x285: {  	v26 =	vmul.f32 v8, v20;
	v8 =	vld [tilespmem:$0x1FBA0]  }
0x286: {  	[tilespmem:$0x1FFD0] =	vst v14;
	v14 =	vld [tilespmem:$0x1FB50]  }
0x287: {  	v32 =	vld [tilespmem:$0x30B0]  }
0x288: {  	v9 =	vld [tilespmem:$0x25E0]  }
0x289: {  	v30 =	vld [tilespmem:$0x26E0];
	v27 =	vmul.f32 v27, v34;
	v40 =	vmul.f32 v56, v40  }
0x28a: {  	v56 =	vmul.f32 v5, v28;
	v28 =	vmul.f32 v8, v28;
	v8 =	vld [tilespmem:$0x1FBB0]  }
0x28b: {  	[tilespmem:$0x1FFB0] =	vst v47;
	v47 =	vld [tilespmem:$0x27E0];
	v22 =	vmul.f32 v14, v18;
	v14 =	vmul.f32 v0, v18  }
0x28c: {  	v38 =	vld [tilespmem:$0x2760];
	v27 =	vadd.f32 v27, v32;
	v33 =	vadd.f32 v40, v16  }
0x28d: {  	v32 =	vld [tilespmem:$0x500];
	v6 =	vadd.f32 v22, v6;
	v40 =	vadd.f32 v14, v53  }
0x28e: {  	v14 =	vmul.f32 v1, v20;
	v53 =	vadd.f32 v56, v3;
	v56 =	vadd.f32 v28, v33;
	v33 =	vld [tilespmem:$0x1FBD0]  }
0x28f: {  	v3 =	vmul.f32 v8, v17;
	v8 =	vld [tilespmem:$0x1FBF0]  }
0x290: {  	v29 =	vld [tilespmem:$0x2670];
	v2 =	vadd.f32 v14, v40;
	v14 =	vmul.f32 v4, v23;
	v6 =	vadd.f32 v26, v6  }
0x291: {  	v36 =	vld [tilespmem:$0x26F0]  }
0x292: {  	v54 =	vld [tilespmem:$0x1FBE0];
	v40 =	vmul.f32 v60, v23;
	v6 =	vadd.f32 v14, v6;
	v14 =	vmul.f32 v42, v17  }
0x293: {  	v44 =	vld [tilespmem:$0x2770]  }
0x294: {  	v4 =	vadd.f32 v40, v2;
	v40 =	vmul.f32 v33, v25;
	v33 =	vadd.f32 v14, v8;
	v14 =	vld [tilespmem:$0x1FC00]  }
0x295: {  	v7 =	vld [tilespmem:$0x2680]  }
0x296: {  	v22 =	vld [tilespmem:$0x2700]  }
0x297: {  	v5 =	vmul.f32 v54, v18;
	v54 =	vld [tilespmem:$0x1FC30]  }
0x298: {  	v63 =	vld [tilespmem:$0x27F0]  }
0x299: {  	v1 =	vmul.f32 v14, v18;
	v18 =	vld [tilespmem:$0x1FC10]  }
0x29a: {  	v12 =	vld [tilespmem:$0x30C0]  }
0x29b: {  	v10 =	vld [tilespmem:$0x2600]  }
0x29c: {  	[tilespmem:$0x2D80] =	vst v54;
	v54 =	vld [tilespmem:$0x1FC70]  }
0x29d: {  	v28 =	vld [tilespmem:$0x1FBC0]  }
0x29e: {  	v0 =	vmul.f32 v18, v25;
	v18 =	vadd.f32 v40, v6;
	v40 =	vld [tilespmem:$0x1FC20]  }
0x29f: {  	v6 =	vld [tilespmem:$0x1FC40]  }
0x2a0: {  	v16 =	vld [tilespmem:$0x2780]  }
0x2a1: {  	v60 =	vld [tilespmem:$0x4B0]  }
0x2a2: {  	v26 =	vld [tilespmem:$0x2800]  }
0x2a3: {  	v42 =	vld [tilespmem:$0x4D0];
	v2 =	vadd.f32 v3, v28;
	v3 =	vmul.f32 v40, v20  }
0x2a4: {  	[tilespmem:$0x2DA0] =	vst v54;
	v54 =	vld [tilespmem:$0x1FCC0];
	v40 =	vadd.f32 v0, v4;
	v0 =	vadd.f32 v1, v33;
	v17 =	vmul.f32 v6, v20  }
0x2a5: {  	[tilespmem:$0x1FFF0] =	vst v56;
	v56 =	vld [tilespmem:$0x4C0]  }
0x2a6: {  	v0 =	vadd.f32 v17, v0;
	v17 =	vld [tilespmem:$0x1FC90]  }
0x2a7: {  	[tilespmem:$0x2FF0] =	vst v53;
	v53 =	vld [tilespmem:$0x1FFF0]  }
0x2a8: {  	v33 =	vld [tilespmem:$0x1FC60]  }
0x2a9: {  	v6 =	vld [tilespmem:$0x1FC80]  }
0x2aa: {  	[tilespmem:$0x2DC0] =	vst v54;
	v54 =	vld [tilespmem:$0x1FCE0]  }
0x2ab: {  	[tilespmem:$0x2DB0] =	vst v17;
	v17 =	vld [tilespmem:$0x1FCD0]  }
0x2ac: {  	v20 =	vld [tilespmem:$0x1FC50]  }
0x2ad: {  	v28 =	vld [tilespmem:$0x4E0];
	v33 =	vmul.f32 v33, v23  }
0x2ae: {  	v2 =	vadd.f32 v5, v2;
	v5 =	vld [tilespmem:$0x2850];
	v4 =	vmul.f32 v6, v23;
	v23 =	vmul.f32 v43, v19  }
0x2af: {  	v8 =	vld [tilespmem:$0x4F0]  }
0x2b0: {  	[tilespmem:$0x2DD0] =	vst v54;
	v23 =	vadd.f32 v23, v17;
	v17 =	vld [tilespmem:$0x1FCF0]  }
0x2b1: {  	v54 =	vld [tilespmem:$0x1FD00];
	[tilespmem:$0x2D90] =	vst v20;
	v20 =	vadd.f32 v3, v2  }
0x2b2: {  	v49 =	vmul.f32 v49, v50;
	v43 =	vld [tilespmem:$0x1FCB0]  }
0x2b3: {  	v20 =	vadd.f32 v33, v20;
	v33 =	vld [tilespmem:$0x1FCA0]  }
0x2b4: {  	v23 =	vadd.f32 v49, v23;
	v49 =	vld [tilespmem:$0x1FD20]  }
0x2b5: {  	v61 =	vmul.f32 v61, v19;
	v1 =	vadd.f32 v4, v0;
	v0 =	vmul.f32 v17, v25;
	v17 =	vld [tilespmem:$0x1FD10]  }
0x2b6: {  	v55 =	vmul.f32 v55, v45;
	v25 =	vmul.f32 v54, v25;
	v54 =	vld [tilespmem:$0x1FD30]  }
0x2b7: {  	v14 =	vld [tilespmem:$0x30D0]  }
0x2b8: {  	v43 =	vmul.f32 v43, v50;
	v33 =	vadd.f32 v61, v33;
	v23 =	vadd.f32 v55, v23;
	v55 =	vld [tilespmem:$0x1FD60]  }
0x2b9: {  	v3 =	vld [tilespmem:$0x28D0]  }
0x2ba: {  	v33 =	vadd.f32 v43, v33;
	v49 =	vmul.f32 v49, v45;
	[tilespmem:$0x2DE0] =	vst v17;
	v17 =	vadd.f32 v25, v1;
	v25 =	vld [tilespmem:$0x1FD40]  }
0x2bb: {  	[tilespmem:$0x2DF0] =	vst v54;
	v54 =	vld [tilespmem:$0x1FD50]  }
0x2bc: {  	v33 =	vadd.f32 v49, v33;
	v49 =	vld [tilespmem:$0x1FD70]  }
0x2bd: {  	[tilespmem:$0x2E10] =	vst v55;
	v55 =	vld [tilespmem:$0x1FD90]  }
0x2be: {  	v6 =	vld [tilespmem:$0x2950]  }
0x2bf: {  	v2 =	vld [tilespmem:$0x2860]  }
0x2c0: {  	v20 =	vadd.f32 v0, v20;
	v0 =	vmul.f32 v25, v19;
	[tilespmem:$0x2E00] =	vst v54;
	v54 =	vld [tilespmem:$0x1FD80]  }
0x2c1: {  	v43 =	vld [tilespmem:$0x30E0]  }
0x2c2: {  	v4 =	vld [tilespmem:$0x2A50];
	v55 =	vmul.f32 v55, v50;
	v0 =	vadd.f32 v0, v49  }
0x2c3: {  	v61 =	vld [tilespmem:$0x29D0]  }
0x2c4: {  	v2 =	vmul.f32 v2, v60;
	v19 =	vmul.f32 v46, v19;
	v0 =	vadd.f32 v55, v0;
	v55 =	vld [tilespmem:$0x1FDD0]  }
0x2c5: {  	v49 =	vmul.f32 v54, v15;
	v54 =	vld [tilespmem:$0x1FDA0]  }
0x2c6: {  	v2 =	vadd.f32 v2, v43;
	v43 =	vld [tilespmem:$0x1FF70];
	v50 =	vmul.f32 v52, v50;
	v58 =	vadd.f32 v19, v58  }
0x2c7: {  	v1 =	vld [tilespmem:$0x29E0]  }
0x2c8: {  	v25 =	vld [tilespmem:$0x28E0];
	v50 =	vadd.f32 v50, v58  }
0x2c9: {  	v33 =	vadd.f32 v49, v33;
	v49 =	vmul.f32 v55, v45;
	v45 =	vmul.f32 v59, v45;
	v59 =	vld [tilespmem:$0x1FDF0]  }
0x2ca: {  	[tilespmem:$0x2E20] =	vst v54;
	v54 =	vld [tilespmem:$0x1FDB0]  }
0x2cb: {  	v62 =	vmul.f32 v62, v15;
	v46 =	vld [tilespmem:$0x2960];
	v45 =	vadd.f32 v45, v50  }
0x2cc: {  	v58 =	vld [tilespmem:$0x1FE00]  }
0x2cd: {  	v45 =	vadd.f32 v62, v45;
	v62 =	vld [tilespmem:$0x1FE60]  }
0x2ce: {  	[tilespmem:$0x2E50] =	vst v59;
	v59 =	vld [tilespmem:$0x1FE10]  }
0x2cf: {  	v52 =	vmul.f32 v54, v15;
	v54 =	vld [tilespmem:$0x1FDC0]  }
0x2d0: {  	v19 =	vld [tilespmem:$0x2A60]  }
0x2d1: {  	v55 =	vld [tilespmem:$0x30F0]  }
0x2d2: {  	v23 =	vadd.f32 v52, v23;
	v52 =	vld [tilespmem:$0x2870]  }
0x2d3: {  	v49 =	vadd.f32 v49, v0;
	v0 =	vmul.f32 v58, v13;
	[tilespmem:$0x2E90] =	vst v62;
	v62 =	vld [tilespmem:$0x1FE80];
	v58 =	vmul.f32 v59, v13  }
0x2d4: {  	[tilespmem:$0x2E30] =	vst v54;
	v54 =	vld [tilespmem:$0x1FDE0]  }
0x2d5: {  	v33 =	vadd.f32 v0, v33;
	v0 =	vadd.f32 v58, v23;
	v23 =	vmul.f32 v39, v34;
	v58 =	vld [tilespmem:$0x1FE50]  }
0x2d6: {  	v59 =	vld [tilespmem:$0x28F0]  }
0x2d7: {  	v41 =	vmul.f32 v41, v37;
	v39 =	vld [tilespmem:$0x29F0];
	v23 =	vadd.f32 v23, v51  }
0x2d8: {  	[tilespmem:$0x2EA0] =	vst v62;
	v62 =	vld [tilespmem:$0x1FE90]  }
0x2d9: {  	[tilespmem:$0x2E40] =	vst v54;
	v54 =	vld [tilespmem:$0x1FE20];
	v23 =	vadd.f32 v41, v23;
	v41 =	vmul.f32 v48, v35  }
0x2da: {  	[tilespmem:$0x2E80] =	vst v58;
	v58 =	vld [tilespmem:$0x1FE70]  }
0x2db: {  	v48 =	vld [tilespmem:$0x2900];
	v23 =	vadd.f32 v41, v23;
	v41 =	vmul.f32 v57, v24  }
0x2dc: {  	v57 =	vld [tilespmem:$0x1FED0]  }
0x2dd: {  	v23 =	vadd.f32 v41, v23;
	v41 =	vld [tilespmem:$0x1FF00]  }
0x2de: {  	[tilespmem:$0x2E60] =	vst v54;
	v54 =	vld [tilespmem:$0x1FE30]  }
0x2df: {  	v51 =	vmul.f32 v58, v13;
	v58 =	vld [tilespmem:$0x3100]  }
0x2e0: {  	v13 =	vmul.f32 v62, v13;
	v62 =	vld [tilespmem:$0x2880]  }
0x2e1: {  	[tilespmem:$0x2EE0] =	vst v57;
	v57 =	vld [tilespmem:$0x1FEF0]  }
0x2e2: {  	v13 =	vadd.f32 v13, v45;
	v45 =	vld [tilespmem:$0x2980]  }
0x2e3: {  	[tilespmem:$0x2F10] =	vst v41;
	v41 =	vld [tilespmem:$0x1FF30]  }
0x2e4: {  	v50 =	vmul.f32 v54, v15;
	v15 =	vld [tilespmem:$0x2970]  }
0x2e5: {  	v54 =	vld [tilespmem:$0x1FE40]  }
0x2e6: {  	v49 =	vadd.f32 v50, v49;
	v50 =	vmul.f32 v9, v34;
	v9 =	vld [tilespmem:$0x2A70]  }
0x2e7: {  	v10 =	vmul.f32 v10, v34;
	v34 =	vld [tilespmem:$0x2A80]  }
0x2e8: {  	[tilespmem:$0x2F00] =	vst v57;
	v57 =	vld [tilespmem:$0x1FF20]  }
0x2e9: {  	v31 =	vadd.f32 v50, v31;
	v50 =	vmul.f32 v11, v37;
	v11 =	vadd.f32 v51, v49;
	v49 =	vld [tilespmem:$0x2A00]  }
0x2ea: {  	[tilespmem:$0x2F30] =	vst v41;
	v41 =	vmul.f32 v25, v56;
	v25 =	vld [tilespmem:$0x2B50]  }
0x2eb: {  	v51 =	vmul.f32 v38, v24;
	v38 =	vld [tilespmem:$0x3140]  }
0x2ec: {  	[tilespmem:$0x2E70] =	vst v54;
	v54 =	vld [tilespmem:$0x1FEA0]  }
0x2ed: {  	v31 =	vadd.f32 v50, v31;
	v50 =	vld [tilespmem:$0x1FF10]  }
0x2ee: {  	v30 =	vmul.f32 v30, v35;
	v2 =	vadd.f32 v41, v2;
	v41 =	vld [tilespmem:$0x1FFC0]  }
0x2ef: {  	[tilespmem:$0x2F20] =	vst v57;
	v57 =	vld [tilespmem:$0x1FF60]  }
0x2f0: {  	v30 =	vadd.f32 v30, v31;
	v31 =	vadd.f32 v10, v12;
	v12 =	vld [tilespmem:$0x510]  }
0x2f1: {  	v7 =	vmul.f32 v7, v37;
	[tilespmem:$0x2F70] =	vst v43;
	v46 =	vmul.f32 v46, v42;
	v10 =	vld [tilespmem:$0x520]  }
0x2f2: {  	v1 =	vmul.f32 v1, v28;
	v43 =	vmul.f32 v62, v60;
	[tilespmem:$0x2EB0] =	vst v54;
	v54 =	vld [tilespmem:$0x1FEB0]  }
0x2f3: {  	v2 =	vadd.f32 v46, v2;
	v46 =	vmul.f32 v59, v56;
	v59 =	vmul.f32 v49, v28;
	v49 =	vld [tilespmem:$0x2C70]  }
0x2f4: {  	v30 =	vadd.f32 v51, v30;
	v31 =	vadd.f32 v7, v31;
	v7 =	vld [tilespmem:$0x530];
	v51 =	vmul.f32 v50, v21  }
0x2f5: {  	v1 =	vadd.f32 v1, v2;
	v2 =	vadd.f32 v43, v58;
	v58 =	vld [tilespmem:$0x2AF0]  }
0x2f6: {  	v23 =	vadd.f32 v51, v23;
	v51 =	vld [tilespmem:$0x1FF50]  }
0x2f7: {  	[tilespmem:$0x2EC0] =	vst v54;
	v54 =	vld [tilespmem:$0x1FEC0]  }
0x2f8: {  	v22 =	vmul.f32 v22, v35;
	v50 =	vld [tilespmem:$0x1FF40]  }
0x2f9: {  	[tilespmem:$0x2FC0] =	vst v41;
	v41 =	vld [tilespmem:$0x2C60]  }
0x2fa: {  	v22 =	vadd.f32 v22, v31;
	v31 =	vld [tilespmem:$0x3110]  }
0x2fb: {  	[tilespmem:$0x2F50] =	vst v51;
	v51 =	vld [tilespmem:$0x1FFA0]  }
0x2fc: {  	v16 =	vmul.f32 v16, v24;
	[tilespmem:$0x2ED0] =	vst v54;
	v54 =	vld [tilespmem:$0x1FEE0]  }
0x2fd: {  	[tilespmem:$0x2F60] =	vst v57;
	v57 =	vld [tilespmem:$0x1FFB0]  }
0x2fe: {  	v29 =	vmul.f32 v29, v37;
	v16 =	vadd.f32 v16, v22;
	v22 =	vld [tilespmem:$0x3120]  }
0x2ff: {  	v3 =	vmul.f32 v3, v56;
	[tilespmem:$0x2F40] =	vst v50;
	v50 =	vmul.f32 v63, v21;
	v63 =	vld [tilespmem:$0x2AE0]  }
0x300: {  	[tilespmem:$0x2FA0] =	vst v51;
	v51 =	vmul.f32 v48, v56;
	v56 =	vmul.f32 v39, v28;
	v39 =	vld [tilespmem:$0x2B80]  }
0x301: {  	[tilespmem:$0x2EF0] =	vst v54;
	v54 =	vmul.f32 v47, v21;
	v47 =	vmul.f32 v5, v60;
	v5 =	vld [tilespmem:$0x540]  }
0x302: {  	v27 =	vadd.f32 v29, v27;
	v36 =	vmul.f32 v36, v35;
	v21 =	vmul.f32 v26, v21;
	v26 =	vld [tilespmem:$0x2B60]  }
0x303: {  	v29 =	vadd.f32 v54, v30;
	v30 =	vld [tilespmem:$0x2AD0]  }
0x304: {  	v27 =	vadd.f32 v36, v27;
	v54 =	vmul.f32 v44, v24;
	v44 =	vld [tilespmem:$0x1FF80]  }
0x305: {  	[tilespmem:$0x3000] =	vst v53;
	v6 =	vmul.f32 v6, v42;
	v4 =	vmul.f32 v4, v8;
	v14 =	vadd.f32 v47, v14;
	v24 =	vld [tilespmem:$0x2C50]  }
0x306: {  	[tilespmem:$0x3010] =	vst v18;
	v19 =	vmul.f32 v19, v8;
	v15 =	vmul.f32 v15, v42;
	v47 =	vld [tilespmem:$0x1FF90];
	v27 =	vadd.f32 v54, v27  }
0x307: {  	[tilespmem:$0x3020] =	vst v40;
	v3 =	vadd.f32 v3, v14;
	v14 =	vld [tilespmem:$0x2BD0];
	v54 =	vmul.f32 v61, v28;
	v61 =	vmul.f32 v52, v60  }
0x308: {  	[tilespmem:$0x3030] =	vst v20;
	v1 =	vadd.f32 v19, v1;
	v60 =	vmul.f32 v63, v32;
	v63 =	vmul.f32 v25, v12;
	v25 =	vld [tilespmem:$0x2B00]  }
0x309: {  	[tilespmem:$0x3040] =	vst v17;
	v9 =	vmul.f32 v9, v8;
	v2 =	vadd.f32 v51, v2;
	v3 =	vadd.f32 v6, v3;
	v6 =	vld [tilespmem:$0x2CD0]  }
0x30a: {  	[tilespmem:$0x3050] =	vst v33;
	v8 =	vmul.f32 v34, v8;
	v16 =	vadd.f32 v21, v16;
	v27 =	vadd.f32 v50, v27;
	v50 =	vld [tilespmem:$0x1FFE0]  }
0x30b: {  	v53 =	vmul.f32 v41, v7;
	[tilespmem:$0x2FB0] =	vst v57;
	v21 =	vadd.f32 v61, v55;
	v61 =	vld [tilespmem:$0x2B70];
	v28 =	vadd.f32 v60, v22  }
0x30c: {  	[tilespmem:$0x2F80] =	vst v44;
	v44 =	vld [tilespmem:$0x1FFD0];
	v57 =	vmul.f32 v30, v32;
	v3 =	vadd.f32 v54, v3;
	v54 =	vmul.f32 v45, v42  }
0x30d: {  	[tilespmem:$0x3060] =	vst v0;
	v55 =	vld [tilespmem:$0x3130];
	v52 =	vadd.f32 v46, v21;
	v45 =	vmul.f32 v58, v32;
	v58 =	vmul.f32 v49, v7  }
0x30e: {  	[tilespmem:$0x2F90] =	vst v47;
	v47 =	vld [tilespmem:$0x2BE0];
	v62 =	vadd.f32 v57, v31;
	v31 =	vmul.f32 v26, v12;
	v3 =	vadd.f32 v4, v3  }
0x30f: {  	[tilespmem:$0x3080] =	vst v13;
	v21 =	vld [tilespmem:$0x2CE0];
	v48 =	vmul.f32 v25, v32;
	v4 =	vadd.f32 v15, v52;
	v2 =	vadd.f32 v54, v2  }
0x310: {  	[tilespmem:$0x3070] =	vst v11;
	v46 =	vld [tilespmem:$0x2C00];
	v40 =	vmul.f32 v14, v10;
	v15 =	vadd.f32 v63, v62;
	v42 =	vadd.f32 v31, v28  }
0x311: {  	v51 =	vmul.f32 v61, v12;
	v13 =	vadd.f32 v48, v38;
	v12 =	vmul.f32 v39, v12;
	[tilespmem:$0x2FD0] =	vst v44;
	v44 =	vld [tilespmem:$0x2BF0]  }
0x312: {  	v52 =	vld [tilespmem:$0x2C80];
	[tilespmem:$0x2FE0] =	vst v50;
	v50 =	vmul.f32 v24, v7;
	v4 =	vadd.f32 v56, v4;
	v2 =	vadd.f32 v59, v2  }
0x313: {  	[tilespmem:$0x30E0] =	vst v1;
	v54 =	vld [tilespmem:$0x2CF0];
	v6 =	vmul.f32 v6, v5;
	v0 =	vadd.f32 v40, v15;
	v12 =	vadd.f32 v12, v13  }
0x314: {  	[tilespmem:$0x3090] =	vst v23;
	v43 =	vmul.f32 v47, v10;
	v56 =	vld [tilespmem:$0x2D00];
	v2 =	vadd.f32 v8, v2;
	v8 =	vadd.f32 v45, v55  }
0x315: {  	[tilespmem:$0x30A0] =	vst v29;
	v60 =	vmul.f32 v21, v5;
	v4 =	vadd.f32 v9, v4;
	v9 =	vmul.f32 v46, v10  }
0x316: {  	[tilespmem:$0x30C0] =	vst v16;
	v47 =	vadd.f32 v43, v42;
	v8 =	vadd.f32 v51, v8;
	v55 =	vmul.f32 v44, v10  }
0x317: {  	[tilespmem:$0x30B0] =	vst v27;
	v0 =	vadd.f32 v50, v0;
	v7 =	vmul.f32 v52, v7;
	v59 =	vadd.f32 v9, v12  }
0x318: {  	[tilespmem:$0x30D0] =	vst v3;
	v61 =	vmul.f32 v54, v5;
	v11 =	vadd.f32 v53, v47;
	v57 =	vadd.f32 v55, v8  }
0x319: {  	[tilespmem:$0x30F0] =	vst v4;
	v0 =	vadd.f32 v6, v0;
	v5 =	vmul.f32 v56, v5;
	v1 =	vadd.f32 v7, v59  }
0x31a: {  	[tilespmem:$0x3100] =	vst v2;
	v62 =	vadd.f32 v60, v11;
	v3 =	vadd.f32 v58, v57  }
0x31b: {  	[tilespmem:$0x3110] =	vst v0;
	v1 =	vadd.f32 v5, v1  }
0x31c: {  	[tilespmem:$0x3120] =	vst v62;
	v63 =	vadd.f32 v61, v3  }
0x31d: {  	p0 =	sne.s32 s8, $0x1;
	[tilespmem:$0x3140] =	vst v1  }
.Ltmp0:
0x31e: {  	[tilespmem:$0x3130] =	vst v63;
	(pc) =	sbr.rel @p0 .LBB2_1-.Ltmp0, $4  }
0x31f: {  	[hbm4b:s7+s2] =	stream.linear.scatter [tilespmem:s11], [sflag:$0x2], $0x400, $0x38;
	[tilespmem:$0x3150] =	vst v63  }
0x320: {  	_ =	swait.ge [sflag:s9], $0x400  }
0x321: {  	[sflag:s9] =	ssyncset.done $0x0  }
0x322: {  	s8 =	sadd.s32 $0xFFFFFFFF, s8;
	[sflag:s9] =	ssyncadd.s32 $0xFFFFFC00  }
0x323: {  	_ =	sfence.sel $0x180000  }
0x324: {  	[bflag:$0x0] =	sbarrier.arrive $0xFFFF  }
0x325: {  	p0 =	sne.s32 s0, $0x0;
	_ =	strace $0x90000047  }
0x326: {  	s0 =	sadd.s32 @!p0 $0x100000, s1;
	[bflag:$0x2] =	sbarrier.arrive $0xFFFF  }
0x327: {  	[sflag:s0] =	ssyncadd.tile.s32 @!p0 $0x1;
	_ =	shalt  }
.Lfunc_end2:
_tile_overlayer_lowered:
.L_overlay_start_2:
0x328: {  	(tag) =	ssettag $0x2  }
0x329: {  	s0 =	rddreg [dreg:$0x0];
	s2 =	stileid.u32  }
0x32a: {  	s1 =	rddreg [dreg:$0x1];
	p0 =	sne.s32 s2, $0x0  }
0x32b: {  	s3 =	rddreg [dreg:$0x2];
	[bflag:$0x3] =	sbarrier.arrive $0xFFFF;
	s2 =	simm.s32 @!p0 $0x1C02  }
0x32c: {  	[timem:s3], [sflag:s2] =	dma.local @!p0 [hbm:s0], s1  }
0x32d: {  	s0 =	simm.s32 @!p0 $0x2  }
0x32e: {  	_ =	swait.ge @!p0 [sflag:s0], s1  }
0x32f: {  	s1 =	ssub.s32 @!p0 $0x0, s1;
	[sflag:s0] =	ssyncset.done @!p0 $0x0  }
0x330: {  	[sflag:s0] =	ssyncadd.s32 @!p0 s1  }
0x331: {  	[bflag:$0x3] =	sbarrier.arrive $0xFFFF  }
0x332: {  	_ =	shalt  }

</sc_bundles>
